<compile_context>
chip_gen: v7x
topology: tpu7x:2x2x1
jax: 0.10.2.dev20260603
libtpu: 0.0.44.dev20260713+nightly
codegen_flags: <defaults>
</compile_context>

<pallas_src>
import functools

import jax
import jax.numpy as jnp
from jax import lax
from jax.experimental import pallas as pl
from jax.experimental.pallas import tpu as pltpu
from jax.experimental.pallas import tpu_sc as plsc

N_DB = 100000
D = 128
KNN_K = 64
NUM_CLASSES = 1000

TC_BLOCK = 16384
NBLK = 7
N_PAD = NBLK * TC_BLOCK
NS = 16
SHARD = N_PAD // NS
NVREG = SHARD // 16
BUF_CAP = 80
INF = float("inf")


def _dist_body(x_ref, e_ref, o_ref):
    g = pl.program_id(0)
    dif = e_ref[...] - x_ref[...]
    d2 = jnp.sum(dif * dif, axis=1)
    row = g * TC_BLOCK + lax.broadcasted_iota(jnp.int32, (TC_BLOCK,), 0)
    o_ref[...] = jnp.where(row < N_DB, d2, INF).reshape(1, 8, TC_BLOCK // 8)


def _tc_distances(x, emb):
    return pl.pallas_call(
        _dist_body,
        grid=(NBLK,),
        in_specs=[
            pl.BlockSpec((1, D), lambda g: (0, 0)),
            pl.BlockSpec((TC_BLOCK, D), lambda g: (g, 0)),
        ],
        out_specs=pl.BlockSpec((1, 8, TC_BLOCK // 8), lambda g: (g, 0, 0)),
        out_shape=jax.ShapeDtypeStruct((NBLK, 8, TC_BLOCK // 8), jnp.float32),
    )(x.reshape(1, D), emb)


def _rev(x):
    return lax.rev(x, dimensions=(0,))


def _vsort(d, i):
    return plsc.sort_key_val(d, i)


def _cswap(ad, ai, bd, bi):
    m = ad <= bd
    return (jnp.where(m, ad, bd), jnp.where(m, ai, bi),
            jnp.where(m, bd, ad), jnp.where(m, bi, ai))


def _sort64(ds, is_):
    ds = list(ds)
    is_ = list(is_)
    for j in range(4):
        ds[j], is_[j] = _vsort(ds[j], is_[j])
    for a, b in ((0, 1), (2, 3)):
        lod, loi, hid, hii = _cswap(ds[a], is_[a], _rev(ds[b]), _rev(is_[b]))
        ds[a], is_[a] = _vsort(lod, loi)
        ds[b], is_[b] = _vsort(hid, hii)
    l0d, l0i, h1d, h1i = _cswap(ds[0], is_[0], _rev(ds[3]), _rev(is_[3]))
    l1d, l1i, h0d, h0i = _cswap(ds[1], is_[1], _rev(ds[2]), _rev(is_[2]))
    a0d, a0i, a1d, a1i = _cswap(l0d, l0i, l1d, l1i)
    b0d, b0i, b1d, b1i = _cswap(h0d, h0i, h1d, h1i)
    od = [None] * 4
    oi = [None] * 4
    od[0], oi[0] = _vsort(a0d, a0i)
    od[1], oi[1] = _vsort(a1d, a1i)
    od[2], oi[2] = _vsort(b0d, b0i)
    od[3], oi[3] = _vsort(b1d, b1i)
    return od, oi


def _merge_min64(pd, pi, qd, qi):
    rqd = [_rev(qd[3]), _rev(qd[2]), _rev(qd[1]), _rev(qd[0])]
    rqi = [_rev(qi[3]), _rev(qi[2]), _rev(qi[1]), _rev(qi[0])]
    cd, ci = [], []
    for j in range(4):
        m = pd[j] <= rqd[j]
        cd.append(jnp.where(m, pd[j], rqd[j]))
        ci.append(jnp.where(m, pi[j], rqi[j]))
    l0d, l0i, h0d, h0i = _cswap(cd[0], ci[0], cd[2], ci[2])
    l1d, l1i, h1d, h1i = _cswap(cd[1], ci[1], cd[3], ci[3])
    a0d, a0i, a1d, a1i = _cswap(l0d, l0i, l1d, l1i)
    b0d, b0i, b1d, b1i = _cswap(h0d, h0i, h1d, h1i)
    od = [None] * 4
    oi = [None] * 4
    od[0], oi[0] = _vsort(a0d, a0i)
    od[1], oi[1] = _vsort(a1d, a1i)
    od[2], oi[2] = _vsort(b0d, b0i)
    od[3], oi[3] = _vsort(b1d, b1i)
    return od, oi


def _sc_body(d2_hbm, lab_hbm, out_hbm,
             d_loc, buf_d, buf_i, pool_d, pool_i, tmp_d, tmp_i,
             lab_v, lab_loc, out_v, sp_d, sp_i, tau_smem, counts_smem,
             cnt_smem, dma_sem):
    wid = lax.axis_index("s")
    base = pl.multiple_of(wid * SHARD, SHARD)
    lstart = jnp.minimum(base, N_DB - SHARD)
    lane = lax.broadcasted_iota(jnp.int32, (16,), 0)

    lab_dma = pltpu.async_copy(lab_hbm.at[pl.ds(lstart, SHARD)], lab_loc,
                               dma_sem)
    pltpu.sync_copy(d2_hbm.at[pl.ds(base, SHARD)], d_loc)

    def load_pool():
        pd = [pool_d[pl.ds(16 * j, 16)] for j in range(4)]
        pi = [pool_i[pl.ds(16 * j, 16)] for j in range(4)]
        return pd, pi

    def store_pool(pd, pi):
        for j in range(4):
            pool_d[pl.ds(16 * j, 16)] = pd[j]
            pool_i[pl.ds(16 * j, 16)] = pi[j]

    def load_buf64(limit):
        bd, bi = [], []
        for j in range(4):
            valid = (lane + 16 * j) < limit
            bd.append(jnp.where(valid, buf_d[pl.ds(16 * j, 16)], INF))
            bi.append(buf_i[pl.ds(16 * j, 16)])
        return bd, bi

    def merge_buf(limit):
        bd, bi = load_buf64(limit)
        sd, si = _sort64(bd, bi)
        pd, pi = load_pool()
        nd, ni = _merge_min64(pd, pi, sd, si)
        store_pool(nd, ni)
        tau_smem[0] = jnp.max(nd[3])

    d0 = [d_loc[pl.ds(16 * j, 16)] for j in range(4)]
    i0 = [base + 16 * j + lane for j in range(4)]
    pd, pi = _sort64(d0, i0)
    store_pool(pd, pi)
    d1 = [d_loc[pl.ds(64 + 16 * j, 16)] for j in range(4)]
    i1 = [base + 64 + 16 * j + lane for j in range(4)]
    sd, si = _sort64(d1, i1)
    nd, ni = _merge_min64(pd, pi, sd, si)
    store_pool(nd, ni)
    tau_smem[0] = jnp.max(nd[3])
    cnt_smem[0] = jnp.int32(0)

    UNROLL = 8
    def scan_body(t, carry):
        off = t * (16 * UNROLL)
        vs = [d_loc[pl.ds(off + 16 * j, 16)] for j in range(UNROLL)]
        mn = vs[0]
        for j in range(1, UNROLL):
            mn = jnp.minimum(mn, vs[j])

        @pl.when(jnp.min(mn) < tau_smem[0])
        def _():
            cnt = cnt_smem[0]
            for j in range(UNROLL):
                v = vs[j]
                m = v < tau_smem[0]
                s = jnp.sum(m.astype(jnp.int32))

                @pl.when(s > 0)
                def _(v=v, m=m, cnt=cnt, j=j):
                    plsc.store_compressed(buf_d.at[pl.ds(cnt, 16)], v,
                                          mask=m)
                    plsc.store_compressed(buf_i.at[pl.ds(cnt, 16)],
                                          base + off + j * 16 + lane,
                                          mask=m)

                cnt = cnt + s

                @pl.when(cnt >= 64)
                def _(cnt=cnt):
                    merge_buf(cnt)
                    buf_d[pl.ds(0, 16)] = buf_d[pl.ds(64, 16)]
                    buf_i[pl.ds(0, 16)] = buf_i[pl.ds(64, 16)]

                cnt = jnp.where(cnt >= 64, cnt - 64, cnt)
            cnt_smem[0] = cnt

        return carry

    lax.fori_loop(1, NVREG // UNROLL, scan_body, jnp.int32(0))

    cnt_end = cnt_smem[0]

    @pl.when(cnt_end > 0)
    def _():
        merge_buf(cnt_end)

    lab_dma.wait()
    pd, pi = load_pool()
    for j in range(4):
        lv = plsc.load_gather(lab_loc, [pi[j] - lstart])
        pool_i[pl.ds(16 * j, 16)] = pi[j] * 1024 + lv

    pltpu.sync_copy(pool_d, sp_d.at[pl.ds(pl.multiple_of(wid * 64, 64), 64)])
    pltpu.sync_copy(pool_i, sp_i.at[pl.ds(pl.multiple_of(wid * 64, 64), 64)])
    plsc.subcore_barrier()

    @pl.when(wid == 0)
    def _():
        def merge_body(w, carry):
            off = pl.multiple_of(w * 64, 64)
            pltpu.sync_copy(sp_d.at[pl.ds(off, 64)], tmp_d)
            pltpu.sync_copy(sp_i.at[pl.ds(off, 64)], tmp_i)
            qd = [tmp_d[pl.ds(16 * j, 16)] for j in range(4)]
            qi = [tmp_i[pl.ds(16 * j, 16)] for j in range(4)]
            pd, pi = load_pool()
            nd, ni = _merge_min64(pd, pi, qd, qi)
            store_pool(nd, ni)
            return carry

        lax.fori_loop(1, NS, merge_body, jnp.int32(0))

        pd, pi = load_pool()
        for j in range(4):
            lab_v[pl.ds(16 * j, 16)] = lax.rem(pi[j], 1024)

        def zbody(j, carry):
            counts_smem[lab_v[pl.ds(j, 16)][0]] = jnp.int32(0)
            return carry

        lax.fori_loop(0, KNN_K, zbody, jnp.int32(0))

        def bbody(j, best):
            bc, bl = best
            l = lab_v[pl.ds(j, 16)][0]
            c = counts_smem[l] + 1
            counts_smem[l] = c
            upd = (c > bc) | ((c == bc) & (l < bl))
            return (jnp.where(upd, c, bc), jnp.where(upd, l, bl))

        _, mode = lax.fori_loop(0, KNN_K, bbody,
                                (jnp.int32(0), jnp.int32(NUM_CLASSES)))
        out_v[...] = jnp.zeros((16,), jnp.int32) + mode
        pltpu.sync_copy(out_v, out_hbm)


def _sc_select(d2_flat, labels):
    mesh = plsc.VectorSubcoreMesh(
        core_axis_name="c", subcore_axis_name="s",
        num_cores=1, num_subcores=NS)
    kern = pl.kernel(
        _sc_body,
        out_type=jax.ShapeDtypeStruct((16,), jnp.int32),
        mesh=mesh,
        compiler_params=pltpu.CompilerParams(needs_layout_passes=False),
        scratch_types=[
            pltpu.VMEM((SHARD,), jnp.float32),
            pltpu.VMEM((BUF_CAP,), jnp.float32),
            pltpu.VMEM((BUF_CAP,), jnp.int32),
            pltpu.VMEM((64,), jnp.float32),
            pltpu.VMEM((64,), jnp.int32),
            pltpu.VMEM((64,), jnp.float32),
            pltpu.VMEM((64,), jnp.int32),
            pltpu.VMEM((80,), jnp.int32),
            pltpu.VMEM((SHARD,), jnp.int32),
            pltpu.VMEM((16,), jnp.int32),
            pltpu.VMEM_SHARED((NS * 64,), jnp.float32),
            pltpu.VMEM_SHARED((NS * 64,), jnp.int32),
            pltpu.SMEM((1,), jnp.float32),
            pltpu.SMEM((NUM_CLASSES,), jnp.int32),
            pltpu.SMEM((1,), jnp.int32),
            pltpu.SemaphoreType.DMA,
        ],
    )
    return kern(d2_flat, labels)


def kernel(input, embeddings, labels):
    d2 = _tc_distances(input, embeddings)
    res = _sc_select(d2.reshape(N_PAD), labels)
    return res[0]

# --- scband reference (transcript-rebuilt; emitter-appended) ---
"""Pipeline reference for scband-knn-42571715838433 (READ-ONLY COPY).

The authoritative reference and input builder live on the scoring server;
editing this copy changes nothing except your own understanding.
"""

import jax, jax.numpy as jnp
import numpy as np

N_DB = 100000
D = 128
KNN_K = 64
NUM_CLASSES = 1000


def setup_inputs(seed: int = 0) -> dict:
    key = jax.random.key(seed)
    k1, k2, k3 = jax.random.split(key, 3)
    embeddings = jax.random.normal(k1, (N_DB, D), dtype=jnp.float32)
    labels = jax.random.randint(k2, (N_DB,), 0, NUM_CLASSES, dtype=jnp.int32)
    inp = jax.random.normal(k3, (D,), dtype=jnp.float32)
    return {"input": inp, "embeddings": embeddings, "labels": labels}


def reference(input, embeddings, labels):
    # diffs = self.embeddings - input  (broadcast [N, D] - [D])
    diffs = embeddings - input
    # dists = ||diffs||_2 along dim=1
    dists = jnp.linalg.norm(diffs, ord=2, axis=1)
    # torch.topk(dists, k, largest=False) -> smallest-k via top_k on negated dists
    _, topk_ind = jax.lax.top_k(-dists, KNN_K)
    topk_labels = labels[topk_ind]
    # torch.mode: most frequent value; ties broken by smallest value.
    # bincount + argmax reproduces this (argmax returns first/lowest index on ties).
    counts = jnp.bincount(topk_labels, length=NUM_CLASSES)
    mode = jnp.argmax(counts)
    return mode.astype(labels.dtype)

if __name__ == "__main__":
    import jax
    _d = setup_inputs()
    print(jax.jit(kernel)(*tuple(_d.values())))

</pallas_src>

<mosaic_0001>
#map = affine_map<(d0, d1) -> (0)>
module attributes {stable_mosaic.version = 14 : i64} {
  func.func @_sc_body(%arg0: i32, %arg1: i32, %arg2: memref<114688xf32, #tpu.memory_space<hbm>>, %arg3: memref<100000xi32, #tpu.memory_space<hbm>>, %arg4: memref<16xi32, #tpu.memory_space<hbm>>, %arg5: memref<7168xf32, #tpu.memory_space<vmem>>, %arg6: memref<80xf32, #tpu.memory_space<vmem>>, %arg7: memref<80xi32, #tpu.memory_space<vmem>>, %arg8: memref<64xf32, #tpu.memory_space<vmem>>, %arg9: memref<64xi32, #tpu.memory_space<vmem>>, %arg10: memref<64xf32, #tpu.memory_space<vmem>>, %arg11: memref<64xi32, #tpu.memory_space<vmem>>, %arg12: memref<80xi32, #tpu.memory_space<vmem>>, %arg13: memref<7168xi32, #tpu.memory_space<vmem>>, %arg14: memref<16xi32, #tpu.memory_space<vmem>>, %arg15: memref<1024xf32, #tpu.memory_space<vmem_shared>>, %arg16: memref<1024xi32, #tpu.memory_space<vmem_shared>>, %arg17: memref<1xf32, #tpu.memory_space<smem>>, %arg18: memref<1000xi32, #tpu.memory_space<smem>>, %arg19: memref<1xi32, #tpu.memory_space<smem>>, %arg20: memref<!tpu.dma_semaphore, #tpu.memory_space<semaphore_mem>>) attributes {dimension_semantics = [#tpu.dimension_semantics<core_parallel>, #tpu.dimension_semantics<subcore_parallel>], iteration_bounds = array<i64: 1, 16>, scalar_prefetch = 0 : i64, scratch_operands = 16 : i64, tpu.core_type = #tpu.core_type<sc_vector_subcore>, window_params = [{transform_indices = #map}, {transform_indices = #map}, {transform_indices = #map}]} {
    %mul3A = arith.constant 7168 : i32
    %mul3A_0 = arith.muli %arg1, %mul3A : i32
    %multiple_of3A = tpu.assume_multiple %mul3A_0, 7168 : i32
    %min3A = arith.constant 92832 : i32
    %min3A_1 = arith.minsi %multiple_of3A, %min3A : i32
    %iota3A = tpu.iota {dimensions = array<i32: 0>} : vector<16xi32>
    %dma_start3A = tpu.memref_slice %arg3[%min3A_1] : memref<100000xi32, #tpu.memory_space<hbm>> -> memref<7168xi32, #tpu.memory_space<hbm>>
    %dma_start3A_2 = tpu.memref_slice %arg3[%min3A_1] : memref<100000xi32, #tpu.memory_space<hbm>> -> memref<7168xi32, #tpu.memory_space<hbm>>
    tpu.enqueue_dma source(%dma_start3A_2 : memref<7168xi32, #tpu.memory_space<hbm>>) target(%arg13 : memref<7168xi32, #tpu.memory_space<vmem>>) target_semaphore(%arg20 : memref<!tpu.dma_semaphore, #tpu.memory_space<semaphore_mem>>)
    "tpu.region"() ({
      %run_scoped3A = tpu.sem_alloc : memref<!tpu.dma_semaphore, #tpu.memory_space<semaphore_mem>>
      %dma_start3A_489 = tpu.memref_slice %arg2[%multiple_of3A] : memref<114688xf32, #tpu.memory_space<hbm>> -> memref<7168xf32, #tpu.memory_space<hbm>>
      %dma_start3A_490 = tpu.memref_slice %arg2[%multiple_of3A] : memref<114688xf32, #tpu.memory_space<hbm>> -> memref<7168xf32, #tpu.memory_space<hbm>>
      tpu.enqueue_dma source(%dma_start3A_490 : memref<7168xf32, #tpu.memory_space<hbm>>) target(%arg5 : memref<7168xf32, #tpu.memory_space<vmem>>) target_semaphore(%run_scoped3A : memref<!tpu.dma_semaphore, #tpu.memory_space<semaphore_mem>>)
      %dma_wait3A_491 = tpu.memref_slice %arg2[%multiple_of3A] : memref<114688xf32, #tpu.memory_space<hbm>> -> memref<7168xf32, #tpu.memory_space<hbm>>
      %dma_wait3A_492 = tpu.memref_slice %arg2[%multiple_of3A] : memref<114688xf32, #tpu.memory_space<hbm>> -> memref<7168xf32, #tpu.memory_space<hbm>>
      tpu.wait_dma2 semaphore(%run_scoped3A : memref<!tpu.dma_semaphore, #tpu.memory_space<semaphore_mem>>) src(%dma_wait3A_492 : memref<7168xf32, #tpu.memory_space<hbm>>) dst(%arg5 : memref<7168xf32, #tpu.memory_space<vmem>>)
      tpu.yield
    }) : () -> ()
    %get3A = arith.constant 0 : index
    %get3A_3 = tpu.vector_load %arg5[%get3A] {strides = array<i32>} : memref<7168xf32, #tpu.memory_space<vmem>>, vector<16xf32>,
    %get3A_4 = arith.constant 16 : index
    %get3A_5 = tpu.vector_load %arg5[%get3A_4] {strides = array<i32>} : memref<7168xf32, #tpu.memory_space<vmem>>, vector<16xf32>,
    %get3A_6 = arith.constant 32 : index
    %get3A_7 = tpu.vector_load %arg5[%get3A_6] {strides = array<i32>} : memref<7168xf32, #tpu.memory_space<vmem>>, vector<16xf32>,
    %get3A_8 = arith.constant 48 : index
    %get3A_9 = tpu.vector_load %arg5[%get3A_8] {strides = array<i32>} : memref<7168xf32, #tpu.memory_space<vmem>>, vector<16xf32>,
    %add3A = arith.constant 0 : i32
    %add3A_10 = arith.addi %multiple_of3A, %add3A : i32
    %add3A_11 = vector.broadcast %add3A_10 : i32 to vector<16xi32>
    %add3A_12 = arith.addi %add3A_11, %iota3A : vector<16xi32>
    %add3A_13 = arith.constant 16 : i32
    %add3A_14 = arith.addi %multiple_of3A, %add3A_13 : i32
    %add3A_15 = vector.broadcast %add3A_14 : i32 to vector<16xi32>
    %add3A_16 = arith.addi %add3A_15, %iota3A : vector<16xi32>
    %add3A_17 = arith.constant 32 : i32
    %add3A_18 = arith.addi %multiple_of3A, %add3A_17 : i32
    %add3A_19 = vector.broadcast %add3A_18 : i32 to vector<16xi32>
    %add3A_20 = arith.addi %add3A_19, %iota3A : vector<16xi32>
    %add3A_21 = arith.constant 48 : i32
    %add3A_22 = arith.addi %multiple_of3A, %add3A_21 : i32
    %add3A_23 = vector.broadcast %add3A_22 : i32 to vector<16xi32>
    %add3A_24 = arith.addi %add3A_23, %iota3A : vector<16xi32>
    %masked_sort3A = arith.constant dense<true> : vector<16xi1>
    %masked_sort3A_25, %masked_sort3A_26, %masked_sort3A_27 = tpu.sort %get3A_3, %add3A_12 masked %masked_sort3A : (vector<16xf32>, vector<16xi32>, vector<16xi1>) -> (vector<16xi1>, vector<16xf32>, vector<16xi32>)
    %masked_sort3A_28 = arith.constant dense<true> : vector<16xi1>
    %masked_sort3A_29, %masked_sort3A_30, %masked_sort3A_31 = tpu.sort %get3A_5, %add3A_16 masked %masked_sort3A_28 : (vector<16xf32>, vector<16xi32>, vector<16xi1>) -> (vector<16xi1>, vector<16xf32>, vector<16xi32>)
    %masked_sort3A_32 = arith.constant dense<true> : vector<16xi1>
    %masked_sort3A_33, %masked_sort3A_34, %masked_sort3A_35 = tpu.sort %get3A_7, %add3A_20 masked %masked_sort3A_32 : (vector<16xf32>, vector<16xi32>, vector<16xi1>) -> (vector<16xi1>, vector<16xf32>, vector<16xi32>)
    %masked_sort3A_36 = arith.constant dense<true> : vector<16xi1>
    %masked_sort3A_37, %masked_sort3A_38, %masked_sort3A_39 = tpu.sort %get3A_9, %add3A_24 masked %masked_sort3A_36 : (vector<16xf32>, vector<16xi32>, vector<16xi1>) -> (vector<16xi1>, vector<16xf32>, vector<16xi32>)
    %rev3A = arith.constant 15 : i32
    %rev3A_40 = vector.broadcast %rev3A : i32 to vector<16xi32>
    %rev3A_41 = tpu.iota {dimensions = array<i32: 0>} : vector<16xi32>
    %rev3A_42 = arith.subi %rev3A_40, %rev3A_41 : vector<16xi32>
    %rev3A_43 = tpu.dynamic_gather %masked_sort3A_30[%rev3A_42] in [0] : vector<16xf32>, vector<16xi32> -> vector<16xf32>
    %rev3A_44 = arith.constant 15 : i32
    %rev3A_45 = vector.broadcast %rev3A_44 : i32 to vector<16xi32>
    %rev3A_46 = tpu.iota {dimensions = array<i32: 0>} : vector<16xi32>
    %rev3A_47 = arith.subi %rev3A_45, %rev3A_46 : vector<16xi32>
    %rev3A_48 = tpu.dynamic_gather %masked_sort3A_31[%rev3A_47] in [0] : vector<16xi32>, vector<16xi32> -> vector<16xi32>
    %le3A = arith.cmpf ole, %masked_sort3A_26, %rev3A_43 : vector<16xf32>
    %select_n3A = arith.select %le3A, %masked_sort3A_26, %rev3A_43 : vector<16xi1>, vector<16xf32>
    %select_n3A_49 = arith.select %le3A, %masked_sort3A_27, %rev3A_48 : vector<16xi1>, vector<16xi32>
    %select_n3A_50 = arith.select %le3A, %rev3A_43, %masked_sort3A_26 : vector<16xi1>, vector<16xf32>
    %select_n3A_51 = arith.select %le3A, %rev3A_48, %masked_sort3A_27 : vector<16xi1>, vector<16xi32>
    %masked_sort3A_52 = arith.constant dense<true> : vector<16xi1>
    %masked_sort3A_53, %masked_sort3A_54, %masked_sort3A_55 = tpu.sort %select_n3A, %select_n3A_49 masked %masked_sort3A_52 : (vector<16xf32>, vector<16xi32>, vector<16xi1>) -> (vector<16xi1>, vector<16xf32>, vector<16xi32>)
    %masked_sort3A_56 = arith.constant dense<true> : vector<16xi1>
    %masked_sort3A_57, %masked_sort3A_58, %masked_sort3A_59 = tpu.sort %select_n3A_50, %select_n3A_51 masked %masked_sort3A_56 : (vector<16xf32>, vector<16xi32>, vector<16xi1>) -> (vector<16xi1>, vector<16xf32>, vector<16xi32>)
    %rev3A_60 = arith.constant 15 : i32
    %rev3A_61 = vector.broadcast %rev3A_60 : i32 to vector<16xi32>
    %rev3A_62 = tpu.iota {dimensions = array<i32: 0>} : vector<16xi32>
    %rev3A_63 = arith.subi %rev3A_61, %rev3A_62 : vector<16xi32>
    %rev3A_64 = tpu.dynamic_gather %masked_sort3A_38[%rev3A_63] in [0] : vector<16xf32>, vector<16xi32> -> vector<16xf32>
    %rev3A_65 = arith.constant 15 : i32
    %rev3A_66 = vector.broadcast %rev3A_65 : i32 to vector<16xi32>
    %rev3A_67 = tpu.iota {dimensions = array<i32: 0>} : vector<16xi32>
    %rev3A_68 = arith.subi %rev3A_66, %rev3A_67 : vector<16xi32>
    %rev3A_69 = tpu.dynamic_gather %masked_sort3A_39[%rev3A_68] in [0] : vector<16xi32>, vector<16xi32> -> vector<16xi32>
    %le3A_70 = arith.cmpf ole, %masked_sort3A_34, %rev3A_64 : vector<16xf32>
    %select_n3A_71 = arith.select %le3A_70, %masked_sort3A_34, %rev3A_64 : vector<16xi1>, vector<16xf32>
    %select_n3A_72 = arith.select %le3A_70, %masked_sort3A_35, %rev3A_69 : vector<16xi1>, vector<16xi32>
    %select_n3A_73 = arith.select %le3A_70, %rev3A_64, %masked_sort3A_34 : vector<16xi1>, vector<16xf32>
    %select_n3A_74 = arith.select %le3A_70, %rev3A_69, %masked_sort3A_35 : vector<16xi1>, vector<16xi32>
    %masked_sort3A_75 = arith.constant dense<true> : vector<16xi1>
    %masked_sort3A_76, %masked_sort3A_77, %masked_sort3A_78 = tpu.sort %select_n3A_71, %select_n3A_72 masked %masked_sort3A_75 : (vector<16xf32>, vector<16xi32>, vector<16xi1>) -> (vector<16xi1>, vector<16xf32>, vector<16xi32>)
    %masked_sort3A_79 = arith.constant dense<true> : vector<16xi1>
    %masked_sort3A_80, %masked_sort3A_81, %masked_sort3A_82 = tpu.sort %select_n3A_73, %select_n3A_74 masked %masked_sort3A_79 : (vector<16xf32>, vector<16xi32>, vector<16xi1>) -> (vector<16xi1>, vector<16xf32>, vector<16xi32>)
    %rev3A_83 = arith.constant 15 : i32
    %rev3A_84 = vector.broadcast %rev3A_83 : i32 to vector<16xi32>
    %rev3A_85 = tpu.iota {dimensions = array<i32: 0>} : vector<16xi32>
    %rev3A_86 = arith.subi %rev3A_84, %rev3A_85 : vector<16xi32>
    %rev3A_87 = tpu.dynamic_gather %masked_sort3A_81[%rev3A_86] in [0] : vector<16xf32>, vector<16xi32> -> vector<16xf32>
    %rev3A_88 = arith.constant 15 : i32
    %rev3A_89 = vector.broadcast %rev3A_88 : i32 to vector<16xi32>
    %rev3A_90 = tpu.iota {dimensions = array<i32: 0>} : vector<16xi32>
    %rev3A_91 = arith.subi %rev3A_89, %rev3A_90 : vector<16xi32>
    %rev3A_92 = tpu.dynamic_gather %masked_sort3A_82[%rev3A_91] in [0] : vector<16xi32>, vector<16xi32> -> vector<16xi32>
    %le3A_93 = arith.cmpf ole, %masked_sort3A_54, %rev3A_87 : vector<16xf32>
    %select_n3A_94 = arith.select %le3A_93, %masked_sort3A_54, %rev3A_87 : vector<16xi1>, vector<16xf32>
    %select_n3A_95 = arith.select %le3A_93, %masked_sort3A_55, %rev3A_92 : vector<16xi1>, vector<16xi32>
    %select_n3A_96 = arith.select %le3A_93, %rev3A_87, %masked_sort3A_54 : vector<16xi1>, vector<16xf32>
    %select_n3A_97 = arith.select %le3A_93, %rev3A_92, %masked_sort3A_55 : vector<16xi1>, vector<16xi32>
    %rev3A_98 = arith.constant 15 : i32
    %rev3A_99 = vector.broadcast %rev3A_98 : i32 to vector<16xi32>
    %rev3A_100 = tpu.iota {dimensions = array<i32: 0>} : vector<16xi32>
    %rev3A_101 = arith.subi %rev3A_99, %rev3A_100 : vector<16xi32>
    %rev3A_102 = tpu.dynamic_gather %masked_sort3A_77[%rev3A_101] in [0] : vector<16xf32>, vector<16xi32> -> vector<16xf32>
    %rev3A_103 = arith.constant 15 : i32
    %rev3A_104 = vector.broadcast %rev3A_103 : i32 to vector<16xi32>
    %rev3A_105 = tpu.iota {dimensions = array<i32: 0>} : vector<16xi32>
    %rev3A_106 = arith.subi %rev3A_104, %rev3A_105 : vector<16xi32>
    %rev3A_107 = tpu.dynamic_gather %masked_sort3A_78[%rev3A_106] in [0] : vector<16xi32>, vector<16xi32> -> vector<16xi32>
    %le3A_108 = arith.cmpf ole, %masked_sort3A_58, %rev3A_102 : vector<16xf32>
    %select_n3A_109 = arith.select %le3A_108, %masked_sort3A_58, %rev3A_102 : vector<16xi1>, vector<16xf32>
    %select_n3A_110 = arith.select %le3A_108, %masked_sort3A_59, %rev3A_107 : vector<16xi1>, vector<16xi32>
    %select_n3A_111 = arith.select %le3A_108, %rev3A_102, %masked_sort3A_58 : vector<16xi1>, vector<16xf32>
    %select_n3A_112 = arith.select %le3A_108, %rev3A_107, %masked_sort3A_59 : vector<16xi1>, vector<16xi32>
    %le3A_113 = arith.cmpf ole, %select_n3A_94, %select_n3A_109 : vector<16xf32>
    %select_n3A_114 = arith.select %le3A_113, %select_n3A_94, %select_n3A_109 : vector<16xi1>, vector<16xf32>
    %select_n3A_115 = arith.select %le3A_113, %select_n3A_95, %select_n3A_110 : vector<16xi1>, vector<16xi32>
    %select_n3A_116 = arith.select %le3A_113, %select_n3A_109, %select_n3A_94 : vector<16xi1>, vector<16xf32>
    %select_n3A_117 = arith.select %le3A_113, %select_n3A_110, %select_n3A_95 : vector<16xi1>, vector<16xi32>
    %le3A_118 = arith.cmpf ole, %select_n3A_111, %select_n3A_96 : vector<16xf32>
    %select_n3A_119 = arith.select %le3A_118, %select_n3A_111, %select_n3A_96 : vector<16xi1>, vector<16xf32>
    %select_n3A_120 = arith.select %le3A_118, %select_n3A_112, %select_n3A_97 : vector<16xi1>, vector<16xi32>
    %select_n3A_121 = arith.select %le3A_118, %select_n3A_96, %select_n3A_111 : vector<16xi1>, vector<16xf32>
    %select_n3A_122 = arith.select %le3A_118, %select_n3A_97, %select_n3A_112 : vector<16xi1>, vector<16xi32>
    %masked_sort3A_123 = arith.constant dense<true> : vector<16xi1>
    %masked_sort3A_124, %masked_sort3A_125, %masked_sort3A_126 = tpu.sort %select_n3A_114, %select_n3A_115 masked %masked_sort3A_123 : (vector<16xf32>, vector<16xi32>, vector<16xi1>) -> (vector<16xi1>, vector<16xf32>, vector<16xi32>)
    %masked_sort3A_127 = arith.constant dense<true> : vector<16xi1>
    %masked_sort3A_128, %masked_sort3A_129, %masked_sort3A_130 = tpu.sort %select_n3A_116, %select_n3A_117 masked %masked_sort3A_127 : (vector<16xf32>, vector<16xi32>, vector<16xi1>) -> (vector<16xi1>, vector<16xf32>, vector<16xi32>)
    %masked_sort3A_131 = arith.constant dense<true> : vector<16xi1>
    %masked_sort3A_132, %masked_sort3A_133, %masked_sort3A_134 = tpu.sort %select_n3A_119, %select_n3A_120 masked %masked_sort3A_131 : (vector<16xf32>, vector<16xi32>, vector<16xi1>) -> (vector<16xi1>, vector<16xf32>, vector<16xi32>)
    %masked_sort3A_135 = arith.constant dense<true> : vector<16xi1>
    %masked_sort3A_136, %masked_sort3A_137, %masked_sort3A_138 = tpu.sort %select_n3A_121, %select_n3A_122 masked %masked_sort3A_135 : (vector<16xf32>, vector<16xi32>, vector<16xi1>) -> (vector<16xi1>, vector<16xf32>, vector<16xi32>)
    %swap3A = arith.constant 0 : index
    %swap3A_139 = tpu.vector_load %arg8[%swap3A] {strides = array<i32>} : memref<64xf32, #tpu.memory_space<vmem>>, vector<16xf32>,
    tpu.vector_store %arg8[%swap3A], %masked_sort3A_125 {strides = array<i32>} : memref<64xf32, #tpu.memory_space<vmem>>, vector<16xf32>,
    %swap3A_140 = arith.constant 0 : index
    %swap3A_141 = tpu.vector_load %arg9[%swap3A_140] {strides = array<i32>} : memref<64xi32, #tpu.memory_space<vmem>>, vector<16xi32>,
    tpu.vector_store %arg9[%swap3A_140], %masked_sort3A_126 {strides = array<i32>} : memref<64xi32, #tpu.memory_space<vmem>>, vector<16xi32>,
    %swap3A_142 = arith.constant 16 : index
    %swap3A_143 = tpu.vector_load %arg8[%swap3A_142] {strides = array<i32>} : memref<64xf32, #tpu.memory_space<vmem>>, vector<16xf32>,
    tpu.vector_store %arg8[%swap3A_142], %masked_sort3A_129 {strides = array<i32>} : memref<64xf32, #tpu.memory_space<vmem>>, vector<16xf32>,
    %swap3A_144 = arith.constant 16 : index
    %swap3A_145 = tpu.vector_load %arg9[%swap3A_144] {strides = array<i32>} : memref<64xi32, #tpu.memory_space<vmem>>, vector<16xi32>,
    tpu.vector_store %arg9[%swap3A_144], %masked_sort3A_130 {strides = array<i32>} : memref<64xi32, #tpu.memory_space<vmem>>, vector<16xi32>,
    %swap3A_146 = arith.constant 32 : index
    %swap3A_147 = tpu.vector_load %arg8[%swap3A_146] {strides = array<i32>} : memref<64xf32, #tpu.memory_space<vmem>>, vector<16xf32>,
    tpu.vector_store %arg8[%swap3A_146], %masked_sort3A_133 {strides = array<i32>} : memref<64xf32, #tpu.memory_space<vmem>>, vector<16xf32>,
    %swap3A_148 = arith.constant 32 : index
    %swap3A_149 = tpu.vector_load %arg9[%swap3A_148] {strides = array<i32>} : memref<64xi32, #tpu.memory_space<vmem>>, vector<16xi32>,
    tpu.vector_store %arg9[%swap3A_148], %masked_sort3A_134 {strides = array<i32>} : memref<64xi32, #tpu.memory_space<vmem>>, vector<16xi32>,
    %swap3A_150 = arith.constant 48 : index
    %swap3A_151 = tpu.vector_load %arg8[%swap3A_150] {strides = array<i32>} : memref<64xf32, #tpu.memory_space<vmem>>, vector<16xf32>,
    tpu.vector_store %arg8[%swap3A_150], %masked_sort3A_137 {strides = array<i32>} : memref<64xf32, #tpu.memory_space<vmem>>, vector<16xf32>,
    %swap3A_152 = arith.constant 48 : index
    %swap3A_153 = tpu.vector_load %arg9[%swap3A_152] {strides = array<i32>} : memref<64xi32, #tpu.memory_space<vmem>>, vector<16xi32>,
    tpu.vector_store %arg9[%swap3A_152], %masked_sort3A_138 {strides = array<i32>} : memref<64xi32, #tpu.memory_space<vmem>>, vector<16xi32>,
    %get3A_154 = arith.constant 64 : index
    %get3A_155 = tpu.vector_load %arg5[%get3A_154] {strides = array<i32>} : memref<7168xf32, #tpu.memory_space<vmem>>, vector<16xf32>,
    %get3A_156 = arith.constant 80 : index
    %get3A_157 = tpu.vector_load %arg5[%get3A_156] {strides = array<i32>} : memref<7168xf32, #tpu.memory_space<vmem>>, vector<16xf32>,
    %get3A_158 = arith.constant 96 : index
    %get3A_159 = tpu.vector_load %arg5[%get3A_158] {strides = array<i32>} : memref<7168xf32, #tpu.memory_space<vmem>>, vector<16xf32>,
    %get3A_160 = arith.constant 112 : index
    %get3A_161 = tpu.vector_load %arg5[%get3A_160] {strides = array<i32>} : memref<7168xf32, #tpu.memory_space<vmem>>, vector<16xf32>,
    %add3A_162 = arith.constant 64 : i32
    %add3A_163 = arith.addi %multiple_of3A, %add3A_162 : i32
    %add3A_164 = arith.constant 0 : i32
    %add3A_165 = arith.addi %add3A_163, %add3A_164 : i32
    %add3A_166 = vector.broadcast %add3A_165 : i32 to vector<16xi32>
    %add3A_167 = arith.addi %add3A_166, %iota3A : vector<16xi32>
    %add3A_168 = arith.constant 64 : i32
    %add3A_169 = arith.addi %multiple_of3A, %add3A_168 : i32
    %add3A_170 = arith.constant 16 : i32
    %add3A_171 = arith.addi %add3A_169, %add3A_170 : i32
    %add3A_172 = vector.broadcast %add3A_171 : i32 to vector<16xi32>
    %add3A_173 = arith.addi %add3A_172, %iota3A : vector<16xi32>
    %add3A_174 = arith.constant 64 : i32
    %add3A_175 = arith.addi %multiple_of3A, %add3A_174 : i32
    %add3A_176 = arith.constant 32 : i32
    %add3A_177 = arith.addi %add3A_175, %add3A_176 : i32
    %add3A_178 = vector.broadcast %add3A_177 : i32 to vector<16xi32>
    %add3A_179 = arith.addi %add3A_178, %iota3A : vector<16xi32>
    %add3A_180 = arith.constant 64 : i32
    %add3A_181 = arith.addi %multiple_of3A, %add3A_180 : i32
    %add3A_182 = arith.constant 48 : i32
    %add3A_183 = arith.addi %add3A_181, %add3A_182 : i32
    %add3A_184 = vector.broadcast %add3A_183 : i32 to vector<16xi32>
    %add3A_185 = arith.addi %add3A_184, %iota3A : vector<16xi32>
    %masked_sort3A_186 = arith.constant dense<true> : vector<16xi1>
    %masked_sort3A_187, %masked_sort3A_188, %masked_sort3A_189 = tpu.sort %get3A_155, %add3A_167 masked %masked_sort3A_186 : (vector<16xf32>, vector<16xi32>, vector<16xi1>) -> (vector<16xi1>, vector<16xf32>, vector<16xi32>)
    %masked_sort3A_190 = arith.constant dense<true> : vector<16xi1>
    %masked_sort3A_191, %masked_sort3A_192, %masked_sort3A_193 = tpu.sort %get3A_157, %add3A_173 masked %masked_sort3A_190 : (vector<16xf32>, vector<16xi32>, vector<16xi1>) -> (vector<16xi1>, vector<16xf32>, vector<16xi32>)
    %masked_sort3A_194 = arith.constant dense<true> : vector<16xi1>
    %masked_sort3A_195, %masked_sort3A_196, %masked_sort3A_197 = tpu.sort %get3A_159, %add3A_179 masked %masked_sort3A_194 : (vector<16xf32>, vector<16xi32>, vector<16xi1>) -> (vector<16xi1>, vector<16xf32>, vector<16xi32>)
    %masked_sort3A_198 = arith.constant dense<true> : vector<16xi1>
    %masked_sort3A_199, %masked_sort3A_200, %masked_sort3A_201 = tpu.sort %get3A_161, %add3A_185 masked %masked_sort3A_198 : (vector<16xf32>, vector<16xi32>, vector<16xi1>) -> (vector<16xi1>, vector<16xf32>, vector<16xi32>)
    %rev3A_202 = arith.constant 15 : i32
    %rev3A_203 = vector.broadcast %rev3A_202 : i32 to vector<16xi32>
    %rev3A_204 = tpu.iota {dimensions = array<i32: 0>} : vector<16xi32>
    %rev3A_205 = arith.subi %rev3A_203, %rev3A_204 : vector<16xi32>
    %rev3A_206 = tpu.dynamic_gather %masked_sort3A_192[%rev3A_205] in [0] : vector<16xf32>, vector<16xi32> -> vector<16xf32>
    %rev3A_207 = arith.constant 15 : i32
    %rev3A_208 = vector.broadcast %rev3A_207 : i32 to vector<16xi32>
    %rev3A_209 = tpu.iota {dimensions = array<i32: 0>} : vector<16xi32>
    %rev3A_210 = arith.subi %rev3A_208, %rev3A_209 : vector<16xi32>
    %rev3A_211 = tpu.dynamic_gather %masked_sort3A_193[%rev3A_210] in [0] : vector<16xi32>, vector<16xi32> -> vector<16xi32>
    %le3A_212 = arith.cmpf ole, %masked_sort3A_188, %rev3A_206 : vector<16xf32>
    %select_n3A_213 = arith.select %le3A_212, %masked_sort3A_188, %rev3A_206 : vector<16xi1>, vector<16xf32>
    %select_n3A_214 = arith.select %le3A_212, %masked_sort3A_189, %rev3A_211 : vector<16xi1>, vector<16xi32>
    %select_n3A_215 = arith.select %le3A_212, %rev3A_206, %masked_sort3A_188 : vector<16xi1>, vector<16xf32>
    %select_n3A_216 = arith.select %le3A_212, %rev3A_211, %masked_sort3A_189 : vector<16xi1>, vector<16xi32>
    %masked_sort3A_217 = arith.constant dense<true> : vector<16xi1>
    %masked_sort3A_218, %masked_sort3A_219, %masked_sort3A_220 = tpu.sort %select_n3A_213, %select_n3A_214 masked %masked_sort3A_217 : (vector<16xf32>, vector<16xi32>, vector<16xi1>) -> (vector<16xi1>, vector<16xf32>, vector<16xi32>)
    %masked_sort3A_221 = arith.constant dense<true> : vector<16xi1>
    %masked_sort3A_222, %masked_sort3A_223, %masked_sort3A_224 = tpu.sort %select_n3A_215, %select_n3A_216 masked %masked_sort3A_221 : (vector<16xf32>, vector<16xi32>, vector<16xi1>) -> (vector<16xi1>, vector<16xf32>, vector<16xi32>)
    %rev3A_225 = arith.constant 15 : i32
    %rev3A_226 = vector.broadcast %rev3A_225 : i32 to vector<16xi32>
    %rev3A_227 = tpu.iota {dimensions = array<i32: 0>} : vector<16xi32>
    %rev3A_228 = arith.subi %rev3A_226, %rev3A_227 : vector<16xi32>
    %rev3A_229 = tpu.dynamic_gather %masked_sort3A_200[%rev3A_228] in [0] : vector<16xf32>, vector<16xi32> -> vector<16xf32>
    %rev3A_230 = arith.constant 15 : i32
    %rev3A_231 = vector.broadcast %rev3A_230 : i32 to vector<16xi32>
    %rev3A_232 = tpu.iota {dimensions = array<i32: 0>} : vector<16xi32>
    %rev3A_233 = arith.subi %rev3A_231, %rev3A_232 : vector<16xi32>
    %rev3A_234 = tpu.dynamic_gather %masked_sort3A_201[%rev3A_233] in [0] : vector<16xi32>, vector<16xi32> -> vector<16xi32>
    %le3A_235 = arith.cmpf ole, %masked_sort3A_196, %rev3A_229 : vector<16xf32>
    %select_n3A_236 = arith.select %le3A_235, %masked_sort3A_196, %rev3A_229 : vector<16xi1>, vector<16xf32>
    %select_n3A_237 = arith.select %le3A_235, %masked_sort3A_197, %rev3A_234 : vector<16xi1>, vector<16xi32>
    %select_n3A_238 = arith.select %le3A_235, %rev3A_229, %masked_sort3A_196 : vector<16xi1>, vector<16xf32>
    %select_n3A_239 = arith.select %le3A_235, %rev3A_234, %masked_sort3A_197 : vector<16xi1>, vector<16xi32>
    %masked_sort3A_240 = arith.constant dense<true> : vector<16xi1>
    %masked_sort3A_241, %masked_sort3A_242, %masked_sort3A_243 = tpu.sort %select_n3A_236, %select_n3A_237 masked %masked_sort3A_240 : (vector<16xf32>, vector<16xi32>, vector<16xi1>) -> (vector<16xi1>, vector<16xf32>, vector<16xi32>)
    %masked_sort3A_244 = arith.constant dense<true> : vector<16xi1>
    %masked_sort3A_245, %masked_sort3A_246, %masked_sort3A_247 = tpu.sort %select_n3A_238, %select_n3A_239 masked %masked_sort3A_244 : (vector<16xf32>, vector<16xi32>, vector<16xi1>) -> (vector<16xi1>, vector<16xf32>, vector<16xi32>)
    %rev3A_248 = arith.constant 15 : i32
    %rev3A_249 = vector.broadcast %rev3A_248 : i32 to vector<16xi32>
    %rev3A_250 = tpu.iota {dimensions = array<i32: 0>} : vector<16xi32>
    %rev3A_251 = arith.subi %rev3A_249, %rev3A_250 : vector<16xi32>
    %rev3A_252 = tpu.dynamic_gather %masked_sort3A_246[%rev3A_251] in [0] : vector<16xf32>, vector<16xi32> -> vector<16xf32>
    %rev3A_253 = arith.constant 15 : i32
    %rev3A_254 = vector.broadcast %rev3A_253 : i32 to vector<16xi32>
    %rev3A_255 = tpu.iota {dimensions = array<i32: 0>} : vector<16xi32>
    %rev3A_256 = arith.subi %rev3A_254, %rev3A_255 : vector<16xi32>
    %rev3A_257 = tpu.dynamic_gather %masked_sort3A_247[%rev3A_256] in [0] : vector<16xi32>, vector<16xi32> -> vector<16xi32>
    %le3A_258 = arith.cmpf ole, %masked_sort3A_219, %rev3A_252 : vector<16xf32>
    %select_n3A_259 = arith.select %le3A_258, %masked_sort3A_219, %rev3A_252 : vector<16xi1>, vector<16xf32>
    %select_n3A_260 = arith.select %le3A_258, %masked_sort3A_220, %rev3A_257 : vector<16xi1>, vector<16xi32>
    %select_n3A_261 = arith.select %le3A_258, %rev3A_252, %masked_sort3A_219 : vector<16xi1>, vector<16xf32>
    %select_n3A_262 = arith.select %le3A_258, %rev3A_257, %masked_sort3A_220 : vector<16xi1>, vector<16xi32>
    %rev3A_263 = arith.constant 15 : i32
    %rev3A_264 = vector.broadcast %rev3A_263 : i32 to vector<16xi32>
    %rev3A_265 = tpu.iota {dimensions = array<i32: 0>} : vector<16xi32>
    %rev3A_266 = arith.subi %rev3A_264, %rev3A_265 : vector<16xi32>
    %rev3A_267 = tpu.dynamic_gather %masked_sort3A_242[%rev3A_266] in [0] : vector<16xf32>, vector<16xi32> -> vector<16xf32>
    %rev3A_268 = arith.constant 15 : i32
    %rev3A_269 = vector.broadcast %rev3A_268 : i32 to vector<16xi32>
    %rev3A_270 = tpu.iota {dimensions = array<i32: 0>} : vector<16xi32>
    %rev3A_271 = arith.subi %rev3A_269, %rev3A_270 : vector<16xi32>
    %rev3A_272 = tpu.dynamic_gather %masked_sort3A_243[%rev3A_271] in [0] : vector<16xi32>, vector<16xi32> -> vector<16xi32>
    %le3A_273 = arith.cmpf ole, %masked_sort3A_223, %rev3A_267 : vector<16xf32>
    %select_n3A_274 = arith.select %le3A_273, %masked_sort3A_223, %rev3A_267 : vector<16xi1>, vector<16xf32>
    %select_n3A_275 = arith.select %le3A_273, %masked_sort3A_224, %rev3A_272 : vector<16xi1>, vector<16xi32>
    %select_n3A_276 = arith.select %le3A_273, %rev3A_267, %masked_sort3A_223 : vector<16xi1>, vector<16xf32>
    %select_n3A_277 = arith.select %le3A_273, %rev3A_272, %masked_sort3A_224 : vector<16xi1>, vector<16xi32>
    %le3A_278 = arith.cmpf ole, %select_n3A_259, %select_n3A_274 : vector<16xf32>
    %select_n3A_279 = arith.select %le3A_278, %select_n3A_259, %select_n3A_274 : vector<16xi1>, vector<16xf32>
    %select_n3A_280 = arith.select %le3A_278, %select_n3A_260, %select_n3A_275 : vector<16xi1>, vector<16xi32>
    %select_n3A_281 = arith.select %le3A_278, %select_n3A_274, %select_n3A_259 : vector<16xi1>, vector<16xf32>
    %select_n3A_282 = arith.select %le3A_278, %select_n3A_275, %select_n3A_260 : vector<16xi1>, vector<16xi32>
    %le3A_283 = arith.cmpf ole, %select_n3A_276, %select_n3A_261 : vector<16xf32>
    %select_n3A_284 = arith.select %le3A_283, %select_n3A_276, %select_n3A_261 : vector<16xi1>, vector<16xf32>
    %select_n3A_285 = arith.select %le3A_283, %select_n3A_277, %select_n3A_262 : vector<16xi1>, vector<16xi32>
    %select_n3A_286 = arith.select %le3A_283, %select_n3A_261, %select_n3A_276 : vector<16xi1>, vector<16xf32>
    %select_n3A_287 = arith.select %le3A_283, %select_n3A_262, %select_n3A_277 : vector<16xi1>, vector<16xi32>
    %masked_sort3A_288 = arith.constant dense<true> : vector<16xi1>
    %masked_sort3A_289, %masked_sort3A_290, %masked_sort3A_291 = tpu.sort %select_n3A_279, %select_n3A_280 masked %masked_sort3A_288 : (vector<16xf32>, vector<16xi32>, vector<16xi1>) -> (vector<16xi1>, vector<16xf32>, vector<16xi32>)
    %masked_sort3A_292 = arith.constant dense<true> : vector<16xi1>
    %masked_sort3A_293, %masked_sort3A_294, %masked_sort3A_295 = tpu.sort %select_n3A_281, %select_n3A_282 masked %masked_sort3A_292 : (vector<16xf32>, vector<16xi32>, vector<16xi1>) -> (vector<16xi1>, vector<16xf32>, vector<16xi32>)
    %masked_sort3A_296 = arith.constant dense<true> : vector<16xi1>
    %masked_sort3A_297, %masked_sort3A_298, %masked_sort3A_299 = tpu.sort %select_n3A_284, %select_n3A_285 masked %masked_sort3A_296 : (vector<16xf32>, vector<16xi32>, vector<16xi1>) -> (vector<16xi1>, vector<16xf32>, vector<16xi32>)
    %masked_sort3A_300 = arith.constant dense<true> : vector<16xi1>
    %masked_sort3A_301, %masked_sort3A_302, %masked_sort3A_303 = tpu.sort %select_n3A_286, %select_n3A_287 masked %masked_sort3A_300 : (vector<16xf32>, vector<16xi32>, vector<16xi1>) -> (vector<16xi1>, vector<16xf32>, vector<16xi32>)
    %rev3A_304 = arith.constant 15 : i32
    %rev3A_305 = vector.broadcast %rev3A_304 : i32 to vector<16xi32>
    %rev3A_306 = tpu.iota {dimensions = array<i32: 0>} : vector<16xi32>
    %rev3A_307 = arith.subi %rev3A_305, %rev3A_306 : vector<16xi32>
    %rev3A_308 = tpu.dynamic_gather %masked_sort3A_302[%rev3A_307] in [0] : vector<16xf32>, vector<16xi32> -> vector<16xf32>
    %rev3A_309 = arith.constant 15 : i32
    %rev3A_310 = vector.broadcast %rev3A_309 : i32 to vector<16xi32>
    %rev3A_311 = tpu.iota {dimensions = array<i32: 0>} : vector<16xi32>
    %rev3A_312 = arith.subi %rev3A_310, %rev3A_311 : vector<16xi32>
    %rev3A_313 = tpu.dynamic_gather %masked_sort3A_298[%rev3A_312] in [0] : vector<16xf32>, vector<16xi32> -> vector<16xf32>
    %rev3A_314 = arith.constant 15 : i32
    %rev3A_315 = vector.broadcast %rev3A_314 : i32 to vector<16xi32>
    %rev3A_316 = tpu.iota {dimensions = array<i32: 0>} : vector<16xi32>
    %rev3A_317 = arith.subi %rev3A_315, %rev3A_316 : vector<16xi32>
    %rev3A_318 = tpu.dynamic_gather %masked_sort3A_294[%rev3A_317] in [0] : vector<16xf32>, vector<16xi32> -> vector<16xf32>
    %rev3A_319 = arith.constant 15 : i32
    %rev3A_320 = vector.broadcast %rev3A_319 : i32 to vector<16xi32>
    %rev3A_321 = tpu.iota {dimensions = array<i32: 0>} : vector<16xi32>
    %rev3A_322 = arith.subi %rev3A_320, %rev3A_321 : vector<16xi32>
    %rev3A_323 = tpu.dynamic_gather %masked_sort3A_290[%rev3A_322] in [0] : vector<16xf32>, vector<16xi32> -> vector<16xf32>
    %rev3A_324 = arith.constant 15 : i32
    %rev3A_325 = vector.broadcast %rev3A_324 : i32 to vector<16xi32>
    %rev3A_326 = tpu.iota {dimensions = array<i32: 0>} : vector<16xi32>
    %rev3A_327 = arith.subi %rev3A_325, %rev3A_326 : vector<16xi32>
    %rev3A_328 = tpu.dynamic_gather %masked_sort3A_303[%rev3A_327] in [0] : vector<16xi32>, vector<16xi32> -> vector<16xi32>
    %rev3A_329 = arith.constant 15 : i32
    %rev3A_330 = vector.broadcast %rev3A_329 : i32 to vector<16xi32>
    %rev3A_331 = tpu.iota {dimensions = array<i32: 0>} : vector<16xi32>
    %rev3A_332 = arith.subi %rev3A_330, %rev3A_331 : vector<16xi32>
    %rev3A_333 = tpu.dynamic_gather %masked_sort3A_299[%rev3A_332] in [0] : vector<16xi32>, vector<16xi32> -> vector<16xi32>
    %rev3A_334 = arith.constant 15 : i32
    %rev3A_335 = vector.broadcast %rev3A_334 : i32 to vector<16xi32>
    %rev3A_336 = tpu.iota {dimensions = array<i32: 0>} : vector<16xi32>
    %rev3A_337 = arith.subi %rev3A_335, %rev3A_336 : vector<16xi32>
    %rev3A_338 = tpu.dynamic_gather %masked_sort3A_295[%rev3A_337] in [0] : vector<16xi32>, vector<16xi32> -> vector<16xi32>
    %rev3A_339 = arith.constant 15 : i32
    %rev3A_340 = vector.broadcast %rev3A_339 : i32 to vector<16xi32>
    %rev3A_341 = tpu.iota {dimensions = array<i32: 0>} : vector<16xi32>
    %rev3A_342 = arith.subi %rev3A_340, %rev3A_341 : vector<16xi32>
    %rev3A_343 = tpu.dynamic_gather %masked_sort3A_291[%rev3A_342] in [0] : vector<16xi32>, vector<16xi32> -> vector<16xi32>
    %le3A_344 = arith.cmpf ole, %masked_sort3A_125, %rev3A_308 : vector<16xf32>
    %select_n3A_345 = arith.select %le3A_344, %masked_sort3A_125, %rev3A_308 : vector<16xi1>, vector<16xf32>
    %select_n3A_346 = arith.select %le3A_344, %masked_sort3A_126, %rev3A_328 : vector<16xi1>, vector<16xi32>
    %le3A_347 = arith.cmpf ole, %masked_sort3A_129, %rev3A_313 : vector<16xf32>
    %select_n3A_348 = arith.select %le3A_347, %masked_sort3A_129, %rev3A_313 : vector<16xi1>, vector<16xf32>
    %select_n3A_349 = arith.select %le3A_347, %masked_sort3A_130, %rev3A_333 : vector<16xi1>, vector<16xi32>
    %le3A_350 = arith.cmpf ole, %masked_sort3A_133, %rev3A_318 : vector<16xf32>
    %select_n3A_351 = arith.select %le3A_350, %masked_sort3A_133, %rev3A_318 : vector<16xi1>, vector<16xf32>
    %select_n3A_352 = arith.select %le3A_350, %masked_sort3A_134, %rev3A_338 : vector<16xi1>, vector<16xi32>
    %le3A_353 = arith.cmpf ole, %masked_sort3A_137, %rev3A_323 : vector<16xf32>
    %select_n3A_354 = arith.select %le3A_353, %masked_sort3A_137, %rev3A_323 : vector<16xi1>, vector<16xf32>
    %select_n3A_355 = arith.select %le3A_353, %masked_sort3A_138, %rev3A_343 : vector<16xi1>, vector<16xi32>
    %le3A_356 = arith.cmpf ole, %select_n3A_345, %select_n3A_351 : vector<16xf32>
    %select_n3A_357 = arith.select %le3A_356, %select_n3A_345, %select_n3A_351 : vector<16xi1>, vector<16xf32>
    %select_n3A_358 = arith.select %le3A_356, %select_n3A_346, %select_n3A_352 : vector<16xi1>, vector<16xi32>
    %select_n3A_359 = arith.select %le3A_356, %select_n3A_351, %select_n3A_345 : vector<16xi1>, vector<16xf32>
    %select_n3A_360 = arith.select %le3A_356, %select_n3A_352, %select_n3A_346 : vector<16xi1>, vector<16xi32>
    %le3A_361 = arith.cmpf ole, %select_n3A_348, %select_n3A_354 : vector<16xf32>
    %select_n3A_362 = arith.select %le3A_361, %select_n3A_348, %select_n3A_354 : vector<16xi1>, vector<16xf32>
    %select_n3A_363 = arith.select %le3A_361, %select_n3A_349, %select_n3A_355 : vector<16xi1>, vector<16xi32>
    %select_n3A_364 = arith.select %le3A_361, %select_n3A_354, %select_n3A_348 : vector<16xi1>, vector<16xf32>
    %select_n3A_365 = arith.select %le3A_361, %select_n3A_355, %select_n3A_349 : vector<16xi1>, vector<16xi32>
    %le3A_366 = arith.cmpf ole, %select_n3A_357, %select_n3A_362 : vector<16xf32>
    %select_n3A_367 = arith.select %le3A_366, %select_n3A_357, %select_n3A_362 : vector<16xi1>, vector<16xf32>
    %select_n3A_368 = arith.select %le3A_366, %select_n3A_358, %select_n3A_363 : vector<16xi1>, vector<16xi32>
    %select_n3A_369 = arith.select %le3A_366, %select_n3A_362, %select_n3A_357 : vector<16xi1>, vector<16xf32>
    %select_n3A_370 = arith.select %le3A_366, %select_n3A_363, %select_n3A_358 : vector<16xi1>, vector<16xi32>
    %le3A_371 = arith.cmpf ole, %select_n3A_359, %select_n3A_364 : vector<16xf32>
    %select_n3A_372 = arith.select %le3A_371, %select_n3A_359, %select_n3A_364 : vector<16xi1>, vector<16xf32>
    %select_n3A_373 = arith.select %le3A_371, %select_n3A_360, %select_n3A_365 : vector<16xi1>, vector<16xi32>
    %select_n3A_374 = arith.select %le3A_371, %select_n3A_364, %select_n3A_359 : vector<16xi1>, vector<16xf32>
    %select_n3A_375 = arith.select %le3A_371, %select_n3A_365, %select_n3A_360 : vector<16xi1>, vector<16xi32>
    %masked_sort3A_376 = arith.constant dense<true> : vector<16xi1>
    %masked_sort3A_377, %masked_sort3A_378, %masked_sort3A_379 = tpu.sort %select_n3A_367, %select_n3A_368 masked %masked_sort3A_376 : (vector<16xf32>, vector<16xi32>, vector<16xi1>) -> (vector<16xi1>, vector<16xf32>, vector<16xi32>)
    %masked_sort3A_380 = arith.constant dense<true> : vector<16xi1>
    %masked_sort3A_381, %masked_sort3A_382, %masked_sort3A_383 = tpu.sort %select_n3A_369, %select_n3A_370 masked %masked_sort3A_380 : (vector<16xf32>, vector<16xi32>, vector<16xi1>) -> (vector<16xi1>, vector<16xf32>, vector<16xi32>)
    %masked_sort3A_384 = arith.constant dense<true> : vector<16xi1>
    %masked_sort3A_385, %masked_sort3A_386, %masked_sort3A_387 = tpu.sort %select_n3A_372, %select_n3A_373 masked %masked_sort3A_384 : (vector<16xf32>, vector<16xi32>, vector<16xi1>) -> (vector<16xi1>, vector<16xf32>, vector<16xi32>)
    %masked_sort3A_388 = arith.constant dense<true> : vector<16xi1>
    %masked_sort3A_389, %masked_sort3A_390, %masked_sort3A_391 = tpu.sort %select_n3A_374, %select_n3A_375 masked %masked_sort3A_388 : (vector<16xf32>, vector<16xi32>, vector<16xi1>) -> (vector<16xi1>, vector<16xf32>, vector<16xi32>)
    %swap3A_392 = arith.constant 0 : index
    %swap3A_393 = tpu.vector_load %arg8[%swap3A_392] {strides = array<i32>} : memref<64xf32, #tpu.memory_space<vmem>>, vector<16xf32>,
    tpu.vector_store %arg8[%swap3A_392], %masked_sort3A_378 {strides = array<i32>} : memref<64xf32, #tpu.memory_space<vmem>>, vector<16xf32>,
    %swap3A_394 = arith.constant 0 : index
    %swap3A_395 = tpu.vector_load %arg9[%swap3A_394] {strides = array<i32>} : memref<64xi32, #tpu.memory_space<vmem>>, vector<16xi32>,
    tpu.vector_store %arg9[%swap3A_394], %masked_sort3A_379 {strides = array<i32>} : memref<64xi32, #tpu.memory_space<vmem>>, vector<16xi32>,
    %swap3A_396 = arith.constant 16 : index
    %swap3A_397 = tpu.vector_load %arg8[%swap3A_396] {strides = array<i32>} : memref<64xf32, #tpu.memory_space<vmem>>, vector<16xf32>,
    tpu.vector_store %arg8[%swap3A_396], %masked_sort3A_382 {strides = array<i32>} : memref<64xf32, #tpu.memory_space<vmem>>, vector<16xf32>,
    %swap3A_398 = arith.constant 16 : index
    %swap3A_399 = tpu.vector_load %arg9[%swap3A_398] {strides = array<i32>} : memref<64xi32, #tpu.memory_space<vmem>>, vector<16xi32>,
    tpu.vector_store %arg9[%swap3A_398], %masked_sort3A_383 {strides = array<i32>} : memref<64xi32, #tpu.memory_space<vmem>>, vector<16xi32>,
    %swap3A_400 = arith.constant 32 : index
    %swap3A_401 = tpu.vector_load %arg8[%swap3A_400] {strides = array<i32>} : memref<64xf32, #tpu.memory_space<vmem>>, vector<16xf32>,
    tpu.vector_store %arg8[%swap3A_400], %masked_sort3A_386 {strides = array<i32>} : memref<64xf32, #tpu.memory_space<vmem>>, vector<16xf32>,
    %swap3A_402 = arith.constant 32 : index
    %swap3A_403 = tpu.vector_load %arg9[%swap3A_402] {strides = array<i32>} : memref<64xi32, #tpu.memory_space<vmem>>, vector<16xi32>,
    tpu.vector_store %arg9[%swap3A_402], %masked_sort3A_387 {strides = array<i32>} : memref<64xi32, #tpu.memory_space<vmem>>, vector<16xi32>,
    %swap3A_404 = arith.constant 48 : index
    %swap3A_405 = tpu.vector_load %arg8[%swap3A_404] {strides = array<i32>} : memref<64xf32, #tpu.memory_space<vmem>>, vector<16xf32>,
    tpu.vector_store %arg8[%swap3A_404], %masked_sort3A_390 {strides = array<i32>} : memref<64xf32, #tpu.memory_space<vmem>>, vector<16xf32>,
    %swap3A_406 = arith.constant 48 : index
    %swap3A_407 = tpu.vector_load %arg9[%swap3A_406] {strides = array<i32>} : memref<64xi32, #tpu.memory_space<vmem>>, vector<16xi32>,
    tpu.vector_store %arg9[%swap3A_406], %masked_sort3A_391 {strides = array<i32>} : memref<64xi32, #tpu.memory_space<vmem>>, vector<16xi32>,
    %reduce_max3A = arith.constant true
    %reduce_max3A_408 = vector.broadcast %reduce_max3A : i1 to vector<16xi1>
    %reduce_max3A_409 = tpu.scan <max>, %masked_sort3A_390 masked %reduce_max3A_408 : vector<16xf32>, vector<16xi1> -> vector<16xf32>
    %reduce_max3A_410 = vector.extract %reduce_max3A_409[15] : f32 from vector<16xf32>
    %swap3A_411 = arith.constant 0 : i32
    %swap3A_412 = arith.index_cast %swap3A_411 : i32 to index
    %swap3A_413 = memref.load %arg17[%swap3A_412] : memref<1xf32, #tpu.memory_space<smem>>
    memref.store %reduce_max3A_410, %arg17[%swap3A_412] : memref<1xf32, #tpu.memory_space<smem>>
    %swap3A_414 = arith.constant 0 : i32
    %swap3A_415 = arith.constant 0 : i32
    %swap3A_416 = arith.index_cast %swap3A_415 : i32 to index
    %swap3A_417 = memref.load %arg19[%swap3A_416] : memref<1xi32, #tpu.memory_space<smem>>
    memref.store %swap3A_414, %arg19[%swap3A_416] : memref<1xi32, #tpu.memory_space<smem>>
    %scan3A = arith.constant 0 : i32
    %scan3A_418 = arith.constant 1 : i32
    %scan3A_419 = arith.constant 55 : i32
    %scan3A_420 = arith.addi %scan3A_418, %scan3A_419 : i32
    %scan3A_421 = arith.constant 1 : i32
    scf.for %scan3A_489 = %scan3A_418 to %scan3A_420 step %scan3A_421  : i32 {
      %mul3A_490 = arith.constant 128 : i32
      %mul3A_491 = arith.muli %scan3A_489, %mul3A_490 : i32
      %add3A_492 = arith.constant 0 : i32
      %add3A_493 = arith.addi %mul3A_491, %add3A_492 : i32
      %get3A_494 = arith.index_cast %add3A_493 : i32 to index
      %get3A_495 = tpu.vector_load %arg5[%get3A_494] {strides = array<i32>} : memref<7168xf32, #tpu.memory_space<vmem>>, vector<16xf32>,
      %add3A_496 = arith.constant 16 : i32
      %add3A_497 = arith.addi %mul3A_491, %add3A_496 : i32
      %get3A_498 = arith.index_cast %add3A_497 : i32 to index
      %get3A_499 = tpu.vector_load %arg5[%get3A_498] {strides = array<i32>} : memref<7168xf32, #tpu.memory_space<vmem>>, vector<16xf32>,
      %add3A_500 = arith.constant 32 : i32
      %add3A_501 = arith.addi %mul3A_491, %add3A_500 : i32
      %get3A_502 = arith.index_cast %add3A_501 : i32 to index
      %get3A_503 = tpu.vector_load %arg5[%get3A_502] {strides = array<i32>} : memref<7168xf32, #tpu.memory_space<vmem>>, vector<16xf32>,
      %add3A_504 = arith.constant 48 : i32
      %add3A_505 = arith.addi %mul3A_491, %add3A_504 : i32
      %get3A_506 = arith.index_cast %add3A_505 : i32 to index
      %get3A_507 = tpu.vector_load %arg5[%get3A_506] {strides = array<i32>} : memref<7168xf32, #tpu.memory_space<vmem>>, vector<16xf32>,
      %add3A_508 = arith.constant 64 : i32
      %add3A_509 = arith.addi %mul3A_491, %add3A_508 : i32
      %get3A_510 = arith.index_cast %add3A_509 : i32 to index
      %get3A_511 = tpu.vector_load %arg5[%get3A_510] {strides = array<i32>} : memref<7168xf32, #tpu.memory_space<vmem>>, vector<16xf32>,
      %add3A_512 = arith.constant 80 : i32
      %add3A_513 = arith.addi %mul3A_491, %add3A_512 : i32
      %get3A_514 = arith.index_cast %add3A_513 : i32 to index
      %get3A_515 = tpu.vector_load %arg5[%get3A_514] {strides = array<i32>} : memref<7168xf32, #tpu.memory_space<vmem>>, vector<16xf32>,
      %add3A_516 = arith.constant 96 : i32
      %add3A_517 = arith.addi %mul3A_491, %add3A_516 : i32
      %get3A_518 = arith.index_cast %add3A_517 : i32 to index
      %get3A_519 = tpu.vector_load %arg5[%get3A_518] {strides = array<i32>} : memref<7168xf32, #tpu.memory_space<vmem>>, vector<16xf32>,
      %add3A_520 = arith.constant 112 : i32
      %add3A_521 = arith.addi %mul3A_491, %add3A_520 : i32
      %get3A_522 = arith.index_cast %add3A_521 : i32 to index
      %get3A_523 = tpu.vector_load %arg5[%get3A_522] {strides = array<i32>} : memref<7168xf32, #tpu.memory_space<vmem>>, vector<16xf32>,
      %min3A_524 = arith.minimumf %get3A_495, %get3A_499 : vector<16xf32>
      %min3A_525 = arith.minimumf %min3A_524, %get3A_503 : vector<16xf32>
      %min3A_526 = arith.minimumf %min3A_525, %get3A_507 : vector<16xf32>
      %min3A_527 = arith.minimumf %min3A_526, %get3A_511 : vector<16xf32>
      %min3A_528 = arith.minimumf %min3A_527, %get3A_515 : vector<16xf32>
      %min3A_529 = arith.minimumf %min3A_528, %get3A_519 : vector<16xf32>
      %min3A_530 = arith.minimumf %min3A_529, %get3A_523 : vector<16xf32>
      %reduce_min3A = arith.constant true
      %reduce_min3A_531 = vector.broadcast %reduce_min3A : i1 to vector<16xi1>
      %reduce_min3A_532 = tpu.scan <min>, %min3A_530 masked %reduce_min3A_531 : vector<16xf32>, vector<16xi1> -> vector<16xf32>
      %reduce_min3A_533 = vector.extract %reduce_min3A_532[15] : f32 from vector<16xf32>
      %get3A_534 = arith.constant 0 : i32
      %get3A_535 = arith.index_cast %get3A_534 : i32 to index
      %get3A_536 = memref.load %arg17[%get3A_535] : memref<1xf32, #tpu.memory_space<smem>>
      %lt3A = arith.cmpf olt, %reduce_min3A_533, %get3A_536 : f32
      %convert_element_type3A_537 = arith.extui %lt3A : i1 to i32
      %cond3A_538 = arith.constant 0 : i32
      %cond3A_539 = arith.cmpi ne, %convert_element_type3A_537, %cond3A_538 : i32
      scf.if %cond3A_539 {
        %get3A_540 = arith.constant 0 : i32
        %get3A_541 = arith.index_cast %get3A_540 : i32 to index
        %get3A_542 = memref.load %arg19[%get3A_541] : memref<1xi32, #tpu.memory_space<smem>>
        %get3A_543 = arith.constant 0 : i32
        %get3A_544 = arith.index_cast %get3A_543 : i32 to index
        %get3A_545 = memref.load %arg17[%get3A_544] : memref<1xf32, #tpu.memory_space<smem>>
        %lt3A_546 = vector.broadcast %get3A_545 : f32 to vector<16xf32>
        %lt3A_547 = arith.cmpf olt, %get3A_495, %lt3A_546 : vector<16xf32>
        %convert_element_type3A_548 = arith.extui %lt3A_547 : vector<16xi1> to vector<16xi32>
        %reduce_sum3A = arith.constant true
        %reduce_sum3A_549 = vector.broadcast %reduce_sum3A : i1 to vector<16xi1>
        %reduce_sum3A_550 = tpu.scan <sum>, %convert_element_type3A_548 masked %reduce_sum3A_549 : vector<16xi32>, vector<16xi1> -> vector<16xi32>
        %reduce_sum3A_551 = vector.extract %reduce_sum3A_550[15] : i32 from vector<16xi32>
        %gt3A_552 = arith.constant 0 : i32
        %gt3A_553 = arith.cmpi sgt, %reduce_sum3A_551, %gt3A_552 : i32
        %convert_element_type3A_554 = arith.extui %gt3A_553 : i1 to i32
        %cond3A_555 = arith.constant 0 : i32
        %cond3A_556 = arith.cmpi ne, %convert_element_type3A_554, %cond3A_555 : i32
        scf.if %cond3A_556 {
          %swap3A_752 = arith.index_cast %get3A_542 : i32 to index
          %swap3A_753 = tpu.vector_load %arg6[%swap3A_752] masked %lt3A_547 {strides = array<i32>} : memref<80xf32, #tpu.memory_space<vmem>>, vector<16xf32>, vector<16xi1>
          tpu.vector_store %arg6[%swap3A_752], %get3A_495 masked %lt3A_547 {strides = array<i32>} : memref<80xf32, #tpu.memory_space<vmem>>, vector<16xf32>, vector<16xi1>
          %add3A_754 = arith.addi %multiple_of3A, %mul3A_491 : i32
          %add3A_755 = arith.constant 0 : i32
          %add3A_756 = arith.addi %add3A_754, %add3A_755 : i32
          %add3A_757 = vector.broadcast %add3A_756 : i32 to vector<16xi32>
          %add3A_758 = arith.addi %add3A_757, %iota3A : vector<16xi32>
          %swap3A_759 = arith.index_cast %get3A_542 : i32 to index
          %swap3A_760 = tpu.vector_load %arg7[%swap3A_759] masked %lt3A_547 {strides = array<i32>} : memref<80xi32, #tpu.memory_space<vmem>>, vector<16xi32>, vector<16xi1>
          tpu.vector_store %arg7[%swap3A_759], %add3A_758 masked %lt3A_547 {strides = array<i32>} : memref<80xi32, #tpu.memory_space<vmem>>, vector<16xi32>, vector<16xi1>
        } else {
        }
        %add3A_557 = arith.addi %get3A_542, %reduce_sum3A_551 : i32
        %ge3A = arith.constant 64 : i32
        %ge3A_558 = arith.cmpi sge, %add3A_557, %ge3A : i32
        %convert_element_type3A_559 = arith.extui %ge3A_558 : i1 to i32
        %cond3A_560 = arith.constant 0 : i32
        %cond3A_561 = arith.cmpi ne, %convert_element_type3A_559, %cond3A_560 : i32
        scf.if %cond3A_561 {
          %add3A_752 = arith.constant 0 : i32
          %add3A_753 = vector.broadcast %add3A_752 : i32 to vector<16xi32>
          %add3A_754 = arith.addi %iota3A, %add3A_753 : vector<16xi32>
          %lt3A_755 = vector.broadcast %add3A_557 : i32 to vector<16xi32>
          %lt3A_756 = arith.cmpi slt, %add3A_754, %lt3A_755 : vector<16xi32>
          %get3A_757 = arith.constant 0 : index
          %get3A_758 = tpu.vector_load %arg6[%get3A_757] {strides = array<i32>} : memref<80xf32, #tpu.memory_space<vmem>>, vector<16xf32>,
          %jit3A = arith.constant 0x7F800000 : f32
          %broadcast_in_dim3A = vector.broadcast %jit3A : f32 to vector<16xf32>
          %select_n3A_759 = arith.select %lt3A_756, %get3A_758, %broadcast_in_dim3A : vector<16xi1>, vector<16xf32>
          %get3A_760 = arith.constant 0 : index
          %get3A_761 = tpu.vector_load %arg7[%get3A_760] {strides = array<i32>} : memref<80xi32, #tpu.memory_space<vmem>>, vector<16xi32>,
          %add3A_762 = arith.constant 16 : i32
          %add3A_763 = vector.broadcast %add3A_762 : i32 to vector<16xi32>
          %add3A_764 = arith.addi %iota3A, %add3A_763 : vector<16xi32>
          %lt3A_765 = vector.broadcast %add3A_557 : i32 to vector<16xi32>
          %lt3A_766 = arith.cmpi slt, %add3A_764, %lt3A_765 : vector<16xi32>
          %get3A_767 = arith.constant 16 : index
          %get3A_768 = tpu.vector_load %arg6[%get3A_767] {strides = array<i32>} : memref<80xf32, #tpu.memory_space<vmem>>, vector<16xf32>,
          %jit3A_769 = arith.constant 0x7F800000 : f32
          %broadcast_in_dim3A_770 = vector.broadcast %jit3A_769 : f32 to vector<16xf32>
          %select_n3A_771 = arith.select %lt3A_766, %get3A_768, %broadcast_in_dim3A_770 : vector<16xi1>, vector<16xf32>
          %get3A_772 = arith.constant 16 : index
          %get3A_773 = tpu.vector_load %arg7[%get3A_772] {strides = array<i32>} : memref<80xi32, #tpu.memory_space<vmem>>, vector<16xi32>,
          %add3A_774 = arith.constant 32 : i32
          %add3A_775 = vector.broadcast %add3A_774 : i32 to vector<16xi32>
          %add3A_776 = arith.addi %iota3A, %add3A_775 : vector<16xi32>
          %lt3A_777 = vector.broadcast %add3A_557 : i32 to vector<16xi32>
          %lt3A_778 = arith.cmpi slt, %add3A_776, %lt3A_777 : vector<16xi32>
          %get3A_779 = arith.constant 32 : index
          %get3A_780 = tpu.vector_load %arg6[%get3A_779] {strides = array<i32>} : memref<80xf32, #tpu.memory_space<vmem>>, vector<16xf32>,
          %jit3A_781 = arith.constant 0x7F800000 : f32
          %broadcast_in_dim3A_782 = vector.broadcast %jit3A_781 : f32 to vector<16xf32>
          %select_n3A_783 = arith.select %lt3A_778, %get3A_780, %broadcast_in_dim3A_782 : vector<16xi1>, vector<16xf32>
          %get3A_784 = arith.constant 32 : index
          %get3A_785 = tpu.vector_load %arg7[%get3A_784] {strides = array<i32>} : memref<80xi32, #tpu.memory_space<vmem>>, vector<16xi32>,
          %add3A_786 = arith.constant 48 : i32
          %add3A_787 = vector.broadcast %add3A_786 : i32 to vector<16xi32>
          %add3A_788 = arith.addi %iota3A, %add3A_787 : vector<16xi32>
          %lt3A_789 = vector.broadcast %add3A_557 : i32 to vector<16xi32>
          %lt3A_790 = arith.cmpi slt, %add3A_788, %lt3A_789 : vector<16xi32>
          %get3A_791 = arith.constant 48 : index
          %get3A_792 = tpu.vector_load %arg6[%get3A_791] {strides = array<i32>} : memref<80xf32, #tpu.memory_space<vmem>>, vector<16xf32>,
          %jit3A_793 = arith.constant 0x7F800000 : f32
          %broadcast_in_dim3A_794 = vector.broadcast %jit3A_793 : f32 to vector<16xf32>
          %select_n3A_795 = arith.select %lt3A_790, %get3A_792, %broadcast_in_dim3A_794 : vector<16xi1>, vector<16xf32>
          %get3A_796 = arith.constant 48 : index
          %get3A_797 = tpu.vector_load %arg7[%get3A_796] {strides = array<i32>} : memref<80xi32, #tpu.memory_space<vmem>>, vector<16xi32>,
          %masked_sort3A_798 = arith.constant dense<true> : vector<16xi1>
          %masked_sort3A_799, %masked_sort3A_800, %masked_sort3A_801 = tpu.sort %select_n3A_759, %get3A_761 masked %masked_sort3A_798 : (vector<16xf32>, vector<16xi32>, vector<16xi1>) -> (vector<16xi1>, vector<16xf32>, vector<16xi32>)
          %masked_sort3A_802 = arith.constant dense<true> : vector<16xi1>
          %masked_sort3A_803, %masked_sort3A_804, %masked_sort3A_805 = tpu.sort %select_n3A_771, %get3A_773 masked %masked_sort3A_802 : (vector<16xf32>, vector<16xi32>, vector<16xi1>) -> (vector<16xi1>, vector<16xf32>, vector<16xi32>)
          %masked_sort3A_806 = arith.constant dense<true> : vector<16xi1>
          %masked_sort3A_807, %masked_sort3A_808, %masked_sort3A_809 = tpu.sort %select_n3A_783, %get3A_785 masked %masked_sort3A_806 : (vector<16xf32>, vector<16xi32>, vector<16xi1>) -> (vector<16xi1>, vector<16xf32>, vector<16xi32>)
          %masked_sort3A_810 = arith.constant dense<true> : vector<16xi1>
          %masked_sort3A_811, %masked_sort3A_812, %masked_sort3A_813 = tpu.sort %select_n3A_795, %get3A_797 masked %masked_sort3A_810 : (vector<16xf32>, vector<16xi32>, vector<16xi1>) -> (vector<16xi1>, vector<16xf32>, vector<16xi32>)
          %rev3A_814 = arith.constant 15 : i32
          %rev3A_815 = vector.broadcast %rev3A_814 : i32 to vector<16xi32>
          %rev3A_816 = tpu.iota {dimensions = array<i32: 0>} : vector<16xi32>
          %rev3A_817 = arith.subi %rev3A_815, %rev3A_816 : vector<16xi32>
          %rev3A_818 = tpu.dynamic_gather %masked_sort3A_804[%rev3A_817] in [0] : vector<16xf32>, vector<16xi32> -> vector<16xf32>
          %rev3A_819 = arith.constant 15 : i32
          %rev3A_820 = vector.broadcast %rev3A_819 : i32 to vector<16xi32>
          %rev3A_821 = tpu.iota {dimensions = array<i32: 0>} : vector<16xi32>
          %rev3A_822 = arith.subi %rev3A_820, %rev3A_821 : vector<16xi32>
          %rev3A_823 = tpu.dynamic_gather %masked_sort3A_805[%rev3A_822] in [0] : vector<16xi32>, vector<16xi32> -> vector<16xi32>
          %le3A_824 = arith.cmpf ole, %masked_sort3A_800, %rev3A_818 : vector<16xf32>
          %select_n3A_825 = arith.select %le3A_824, %masked_sort3A_800, %rev3A_818 : vector<16xi1>, vector<16xf32>
          %select_n3A_826 = arith.select %le3A_824, %masked_sort3A_801, %rev3A_823 : vector<16xi1>, vector<16xi32>
          %select_n3A_827 = arith.select %le3A_824, %rev3A_818, %masked_sort3A_800 : vector<16xi1>, vector<16xf32>
          %select_n3A_828 = arith.select %le3A_824, %rev3A_823, %masked_sort3A_801 : vector<16xi1>, vector<16xi32>
          %masked_sort3A_829 = arith.constant dense<true> : vector<16xi1>
          %masked_sort3A_830, %masked_sort3A_831, %masked_sort3A_832 = tpu.sort %select_n3A_825, %select_n3A_826 masked %masked_sort3A_829 : (vector<16xf32>, vector<16xi32>, vector<16xi1>) -> (vector<16xi1>, vector<16xf32>, vector<16xi32>)
          %masked_sort3A_833 = arith.constant dense<true> : vector<16xi1>
          %masked_sort3A_834, %masked_sort3A_835, %masked_sort3A_836 = tpu.sort %select_n3A_827, %select_n3A_828 masked %masked_sort3A_833 : (vector<16xf32>, vector<16xi32>, vector<16xi1>) -> (vector<16xi1>, vector<16xf32>, vector<16xi32>)
          %rev3A_837 = arith.constant 15 : i32
          %rev3A_838 = vector.broadcast %rev3A_837 : i32 to vector<16xi32>
          %rev3A_839 = tpu.iota {dimensions = array<i32: 0>} : vector<16xi32>
          %rev3A_840 = arith.subi %rev3A_838, %rev3A_839 : vector<16xi32>
          %rev3A_841 = tpu.dynamic_gather %masked_sort3A_812[%rev3A_840] in [0] : vector<16xf32>, vector<16xi32> -> vector<16xf32>
          %rev3A_842 = arith.constant 15 : i32
          %rev3A_843 = vector.broadcast %rev3A_842 : i32 to vector<16xi32>
          %rev3A_844 = tpu.iota {dimensions = array<i32: 0>} : vector<16xi32>
          %rev3A_845 = arith.subi %rev3A_843, %rev3A_844 : vector<16xi32>
          %rev3A_846 = tpu.dynamic_gather %masked_sort3A_813[%rev3A_845] in [0] : vector<16xi32>, vector<16xi32> -> vector<16xi32>
          %le3A_847 = arith.cmpf ole, %masked_sort3A_808, %rev3A_841 : vector<16xf32>
          %select_n3A_848 = arith.select %le3A_847, %masked_sort3A_808, %rev3A_841 : vector<16xi1>, vector<16xf32>
          %select_n3A_849 = arith.select %le3A_847, %masked_sort3A_809, %rev3A_846 : vector<16xi1>, vector<16xi32>
          %select_n3A_850 = arith.select %le3A_847, %rev3A_841, %masked_sort3A_808 : vector<16xi1>, vector<16xf32>
          %select_n3A_851 = arith.select %le3A_847, %rev3A_846, %masked_sort3A_809 : vector<16xi1>, vector<16xi32>
          %masked_sort3A_852 = arith.constant dense<true> : vector<16xi1>
          %masked_sort3A_853, %masked_sort3A_854, %masked_sort3A_855 = tpu.sort %select_n3A_848, %select_n3A_849 masked %masked_sort3A_852 : (vector<16xf32>, vector<16xi32>, vector<16xi1>) -> (vector<16xi1>, vector<16xf32>, vector<16xi32>)
          %masked_sort3A_856 = arith.constant dense<true> : vector<16xi1>
          %masked_sort3A_857, %masked_sort3A_858, %masked_sort3A_859 = tpu.sort %select_n3A_850, %select_n3A_851 masked %masked_sort3A_856 : (vector<16xf32>, vector<16xi32>, vector<16xi1>) -> (vector<16xi1>, vector<16xf32>, vector<16xi32>)
          %rev3A_860 = arith.constant 15 : i32
          %rev3A_861 = vector.broadcast %rev3A_860 : i32 to vector<16xi32>
          %rev3A_862 = tpu.iota {dimensions = array<i32: 0>} : vector<16xi32>
          %rev3A_863 = arith.subi %rev3A_861, %rev3A_862 : vector<16xi32>
          %rev3A_864 = tpu.dynamic_gather %masked_sort3A_858[%rev3A_863] in [0] : vector<16xf32>, vector<16xi32> -> vector<16xf32>
          %rev3A_865 = arith.constant 15 : i32
          %rev3A_866 = vector.broadcast %rev3A_865 : i32 to vector<16xi32>
          %rev3A_867 = tpu.iota {dimensions = array<i32: 0>} : vector<16xi32>
          %rev3A_868 = arith.subi %rev3A_866, %rev3A_867 : vector<16xi32>
          %rev3A_869 = tpu.dynamic_gather %masked_sort3A_859[%rev3A_868] in [0] : vector<16xi32>, vector<16xi32> -> vector<16xi32>
          %le3A_870 = arith.cmpf ole, %masked_sort3A_831, %rev3A_864 : vector<16xf32>
          %select_n3A_871 = arith.select %le3A_870, %masked_sort3A_831, %rev3A_864 : vector<16xi1>, vector<16xf32>
          %select_n3A_872 = arith.select %le3A_870, %masked_sort3A_832, %rev3A_869 : vector<16xi1>, vector<16xi32>
          %select_n3A_873 = arith.select %le3A_870, %rev3A_864, %masked_sort3A_831 : vector<16xi1>, vector<16xf32>
          %select_n3A_874 = arith.select %le3A_870, %rev3A_869, %masked_sort3A_832 : vector<16xi1>, vector<16xi32>
          %rev3A_875 = arith.constant 15 : i32
          %rev3A_876 = vector.broadcast %rev3A_875 : i32 to vector<16xi32>
          %rev3A_877 = tpu.iota {dimensions = array<i32: 0>} : vector<16xi32>
          %rev3A_878 = arith.subi %rev3A_876, %rev3A_877 : vector<16xi32>
          %rev3A_879 = tpu.dynamic_gather %masked_sort3A_854[%rev3A_878] in [0] : vector<16xf32>, vector<16xi32> -> vector<16xf32>
          %rev3A_880 = arith.constant 15 : i32
          %rev3A_881 = vector.broadcast %rev3A_880 : i32 to vector<16xi32>
          %rev3A_882 = tpu.iota {dimensions = array<i32: 0>} : vector<16xi32>
          %rev3A_883 = arith.subi %rev3A_881, %rev3A_882 : vector<16xi32>
          %rev3A_884 = tpu.dynamic_gather %masked_sort3A_855[%rev3A_883] in [0] : vector<16xi32>, vector<16xi32> -> vector<16xi32>
          %le3A_885 = arith.cmpf ole, %masked_sort3A_835, %rev3A_879 : vector<16xf32>
          %select_n3A_886 = arith.select %le3A_885, %masked_sort3A_835, %rev3A_879 : vector<16xi1>, vector<16xf32>
          %select_n3A_887 = arith.select %le3A_885, %masked_sort3A_836, %rev3A_884 : vector<16xi1>, vector<16xi32>
          %select_n3A_888 = arith.select %le3A_885, %rev3A_879, %masked_sort3A_835 : vector<16xi1>, vector<16xf32>
          %select_n3A_889 = arith.select %le3A_885, %rev3A_884, %masked_sort3A_836 : vector<16xi1>, vector<16xi32>
          %le3A_890 = arith.cmpf ole, %select_n3A_871, %select_n3A_886 : vector<16xf32>
          %select_n3A_891 = arith.select %le3A_890, %select_n3A_871, %select_n3A_886 : vector<16xi1>, vector<16xf32>
          %select_n3A_892 = arith.select %le3A_890, %select_n3A_872, %select_n3A_887 : vector<16xi1>, vector<16xi32>
          %select_n3A_893 = arith.select %le3A_890, %select_n3A_886, %select_n3A_871 : vector<16xi1>, vector<16xf32>
          %select_n3A_894 = arith.select %le3A_890, %select_n3A_887, %select_n3A_872 : vector<16xi1>, vector<16xi32>
          %le3A_895 = arith.cmpf ole, %select_n3A_888, %select_n3A_873 : vector<16xf32>
          %select_n3A_896 = arith.select %le3A_895, %select_n3A_888, %select_n3A_873 : vector<16xi1>, vector<16xf32>
          %select_n3A_897 = arith.select %le3A_895, %select_n3A_889, %select_n3A_874 : vector<16xi1>, vector<16xi32>
          %select_n3A_898 = arith.select %le3A_895, %select_n3A_873, %select_n3A_888 : vector<16xi1>, vector<16xf32>
          %select_n3A_899 = arith.select %le3A_895, %select_n3A_874, %select_n3A_889 : vector<16xi1>, vector<16xi32>
          %masked_sort3A_900 = arith.constant dense<true> : vector<16xi1>
          %masked_sort3A_901, %masked_sort3A_902, %masked_sort3A_903 = tpu.sort %select_n3A_891, %select_n3A_892 masked %masked_sort3A_900 : (vector<16xf32>, vector<16xi32>, vector<16xi1>) -> (vector<16xi1>, vector<16xf32>, vector<16xi32>)
          %masked_sort3A_904 = arith.constant dense<true> : vector<16xi1>
          %masked_sort3A_905, %masked_sort3A_906, %masked_sort3A_907 = tpu.sort %select_n3A_893, %select_n3A_894 masked %masked_sort3A_904 : (vector<16xf32>, vector<16xi32>, vector<16xi1>) -> (vector<16xi1>, vector<16xf32>, vector<16xi32>)
          %masked_sort3A_908 = arith.constant dense<true> : vector<16xi1>
          %masked_sort3A_909, %masked_sort3A_910, %masked_sort3A_911 = tpu.sort %select_n3A_896, %select_n3A_897 masked %masked_sort3A_908 : (vector<16xf32>, vector<16xi32>, vector<16xi1>) -> (vector<16xi1>, vector<16xf32>, vector<16xi32>)
          %masked_sort3A_912 = arith.constant dense<true> : vector<16xi1>
          %masked_sort3A_913, %masked_sort3A_914, %masked_sort3A_915 = tpu.sort %select_n3A_898, %select_n3A_899 masked %masked_sort3A_912 : (vector<16xf32>, vector<16xi32>, vector<16xi1>) -> (vector<16xi1>, vector<16xf32>, vector<16xi32>)
          %get3A_916 = arith.constant 0 : index
          %get3A_917 = tpu.vector_load %arg8[%get3A_916] {strides = array<i32>} : memref<64xf32, #tpu.memory_space<vmem>>, vector<16xf32>,
          %get3A_918 = arith.constant 16 : index
          %get3A_919 = tpu.vector_load %arg8[%get3A_918] {strides = array<i32>} : memref<64xf32, #tpu.memory_space<vmem>>, vector<16xf32>,
          %get3A_920 = arith.constant 32 : index
          %get3A_921 = tpu.vector_load %arg8[%get3A_920] {strides = array<i32>} : memref<64xf32, #tpu.memory_space<vmem>>, vector<16xf32>,
          %get3A_922 = arith.constant 48 : index
          %get3A_923 = tpu.vector_load %arg8[%get3A_922] {strides = array<i32>} : memref<64xf32, #tpu.memory_space<vmem>>, vector<16xf32>,
          %get3A_924 = arith.constant 0 : index
          %get3A_925 = tpu.vector_load %arg9[%get3A_924] {strides = array<i32>} : memref<64xi32, #tpu.memory_space<vmem>>, vector<16xi32>,
          %get3A_926 = arith.constant 16 : index
          %get3A_927 = tpu.vector_load %arg9[%get3A_926] {strides = array<i32>} : memref<64xi32, #tpu.memory_space<vmem>>, vector<16xi32>,
          %get3A_928 = arith.constant 32 : index
          %get3A_929 = tpu.vector_load %arg9[%get3A_928] {strides = array<i32>} : memref<64xi32, #tpu.memory_space<vmem>>, vector<16xi32>,
          %get3A_930 = arith.constant 48 : index
          %get3A_931 = tpu.vector_load %arg9[%get3A_930] {strides = array<i32>} : memref<64xi32, #tpu.memory_space<vmem>>, vector<16xi32>,
          %rev3A_932 = arith.constant 15 : i32
          %rev3A_933 = vector.broadcast %rev3A_932 : i32 to vector<16xi32>
          %rev3A_934 = tpu.iota {dimensions = array<i32: 0>} : vector<16xi32>
          %rev3A_935 = arith.subi %rev3A_933, %rev3A_934 : vector<16xi32>
          %rev3A_936 = tpu.dynamic_gather %masked_sort3A_914[%rev3A_935] in [0] : vector<16xf32>, vector<16xi32> -> vector<16xf32>
          %rev3A_937 = arith.constant 15 : i32
          %rev3A_938 = vector.broadcast %rev3A_937 : i32 to vector<16xi32>
          %rev3A_939 = tpu.iota {dimensions = array<i32: 0>} : vector<16xi32>
          %rev3A_940 = arith.subi %rev3A_938, %rev3A_939 : vector<16xi32>
          %rev3A_941 = tpu.dynamic_gather %masked_sort3A_910[%rev3A_940] in [0] : vector<16xf32>, vector<16xi32> -> vector<16xf32>
          %rev3A_942 = arith.constant 15 : i32
          %rev3A_943 = vector.broadcast %rev3A_942 : i32 to vector<16xi32>
          %rev3A_944 = tpu.iota {dimensions = array<i32: 0>} : vector<16xi32>
          %rev3A_945 = arith.subi %rev3A_943, %rev3A_944 : vector<16xi32>
          %rev3A_946 = tpu.dynamic_gather %masked_sort3A_906[%rev3A_945] in [0] : vector<16xf32>, vector<16xi32> -> vector<16xf32>
          %rev3A_947 = arith.constant 15 : i32
          %rev3A_948 = vector.broadcast %rev3A_947 : i32 to vector<16xi32>
          %rev3A_949 = tpu.iota {dimensions = array<i32: 0>} : vector<16xi32>
          %rev3A_950 = arith.subi %rev3A_948, %rev3A_949 : vector<16xi32>
          %rev3A_951 = tpu.dynamic_gather %masked_sort3A_902[%rev3A_950] in [0] : vector<16xf32>, vector<16xi32> -> vector<16xf32>
          %rev3A_952 = arith.constant 15 : i32
          %rev3A_953 = vector.broadcast %rev3A_952 : i32 to vector<16xi32>
          %rev3A_954 = tpu.iota {dimensions = array<i32: 0>} : vector<16xi32>
          %rev3A_955 = arith.subi %rev3A_953, %rev3A_954 : vector<16xi32>
          %rev3A_956 = tpu.dynamic_gather %masked_sort3A_915[%rev3A_955] in [0] : vector<16xi32>, vector<16xi32> -> vector<16xi32>
          %rev3A_957 = arith.constant 15 : i32
          %rev3A_958 = vector.broadcast %rev3A_957 : i32 to vector<16xi32>
          %rev3A_959 = tpu.iota {dimensions = array<i32: 0>} : vector<16xi32>
          %rev3A_960 = arith.subi %rev3A_958, %rev3A_959 : vector<16xi32>
          %rev3A_961 = tpu.dynamic_gather %masked_sort3A_911[%rev3A_960] in [0] : vector<16xi32>, vector<16xi32> -> vector<16xi32>
          %rev3A_962 = arith.constant 15 : i32
          %rev3A_963 = vector.broadcast %rev3A_962 : i32 to vector<16xi32>
          %rev3A_964 = tpu.iota {dimensions = array<i32: 0>} : vector<16xi32>
          %rev3A_965 = arith.subi %rev3A_963, %rev3A_964 : vector<16xi32>
          %rev3A_966 = tpu.dynamic_gather %masked_sort3A_907[%rev3A_965] in [0] : vector<16xi32>, vector<16xi32> -> vector<16xi32>
          %rev3A_967 = arith.constant 15 : i32
          %rev3A_968 = vector.broadcast %rev3A_967 : i32 to vector<16xi32>
          %rev3A_969 = tpu.iota {dimensions = array<i32: 0>} : vector<16xi32>
          %rev3A_970 = arith.subi %rev3A_968, %rev3A_969 : vector<16xi32>
          %rev3A_971 = tpu.dynamic_gather %masked_sort3A_903[%rev3A_970] in [0] : vector<16xi32>, vector<16xi32> -> vector<16xi32>
          %le3A_972 = arith.cmpf ole, %get3A_917, %rev3A_936 : vector<16xf32>
          %select_n3A_973 = arith.select %le3A_972, %get3A_917, %rev3A_936 : vector<16xi1>, vector<16xf32>
          %select_n3A_974 = arith.select %le3A_972, %get3A_925, %rev3A_956 : vector<16xi1>, vector<16xi32>
          %le3A_975 = arith.cmpf ole, %get3A_919, %rev3A_941 : vector<16xf32>
          %select_n3A_976 = arith.select %le3A_975, %get3A_919, %rev3A_941 : vector<16xi1>, vector<16xf32>
          %select_n3A_977 = arith.select %le3A_975, %get3A_927, %rev3A_961 : vector<16xi1>, vector<16xi32>
          %le3A_978 = arith.cmpf ole, %get3A_921, %rev3A_946 : vector<16xf32>
          %select_n3A_979 = arith.select %le3A_978, %get3A_921, %rev3A_946 : vector<16xi1>, vector<16xf32>
          %select_n3A_980 = arith.select %le3A_978, %get3A_929, %rev3A_966 : vector<16xi1>, vector<16xi32>
          %le3A_981 = arith.cmpf ole, %get3A_923, %rev3A_951 : vector<16xf32>
          %select_n3A_982 = arith.select %le3A_981, %get3A_923, %rev3A_951 : vector<16xi1>, vector<16xf32>
          %select_n3A_983 = arith.select %le3A_981, %get3A_931, %rev3A_971 : vector<16xi1>, vector<16xi32>
          %le3A_984 = arith.cmpf ole, %select_n3A_973, %select_n3A_979 : vector<16xf32>
          %select_n3A_985 = arith.select %le3A_984, %select_n3A_973, %select_n3A_979 : vector<16xi1>, vector<16xf32>
          %select_n3A_986 = arith.select %le3A_984, %select_n3A_974, %select_n3A_980 : vector<16xi1>, vector<16xi32>
          %select_n3A_987 = arith.select %le3A_984, %select_n3A_979, %select_n3A_973 : vector<16xi1>, vector<16xf32>
          %select_n3A_988 = arith.select %le3A_984, %select_n3A_980, %select_n3A_974 : vector<16xi1>, vector<16xi32>
          %le3A_989 = arith.cmpf ole, %select_n3A_976, %select_n3A_982 : vector<16xf32>
          %select_n3A_990 = arith.select %le3A_989, %select_n3A_976, %select_n3A_982 : vector<16xi1>, vector<16xf32>
          %select_n3A_991 = arith.select %le3A_989, %select_n3A_977, %select_n3A_983 : vector<16xi1>, vector<16xi32>
          %select_n3A_992 = arith.select %le3A_989, %select_n3A_982, %select_n3A_976 : vector<16xi1>, vector<16xf32>
          %select_n3A_993 = arith.select %le3A_989, %select_n3A_983, %select_n3A_977 : vector<16xi1>, vector<16xi32>
          %le3A_994 = arith.cmpf ole, %select_n3A_985, %select_n3A_990 : vector<16xf32>
          %select_n3A_995 = arith.select %le3A_994, %select_n3A_985, %select_n3A_990 : vector<16xi1>, vector<16xf32>
          %select_n3A_996 = arith.select %le3A_994, %select_n3A_986, %select_n3A_991 : vector<16xi1>, vector<16xi32>
          %select_n3A_997 = arith.select %le3A_994, %select_n3A_990, %select_n3A_985 : vector<16xi1>, vector<16xf32>
          %select_n3A_998 = arith.select %le3A_994, %select_n3A_991, %select_n3A_986 : vector<16xi1>, vector<16xi32>
          %le3A_999 = arith.cmpf ole, %select_n3A_987, %select_n3A_992 : vector<16xf32>
          %select_n3A_1000 = arith.select %le3A_999, %select_n3A_987, %select_n3A_992 : vector<16xi1>, vector<16xf32>
          %select_n3A_1001 = arith.select %le3A_999, %select_n3A_988, %select_n3A_993 : vector<16xi1>, vector<16xi32>
          %select_n3A_1002 = arith.select %le3A_999, %select_n3A_992, %select_n3A_987 : vector<16xi1>, vector<16xf32>
          %select_n3A_1003 = arith.select %le3A_999, %select_n3A_993, %select_n3A_988 : vector<16xi1>, vector<16xi32>
          %masked_sort3A_1004 = arith.constant dense<true> : vector<16xi1>
          %masked_sort3A_1005, %masked_sort3A_1006, %masked_sort3A_1007 = tpu.sort %select_n3A_995, %select_n3A_996 masked %masked_sort3A_1004 : (vector<16xf32>, vector<16xi32>, vector<16xi1>) -> (vector<16xi1>, vector<16xf32>, vector<16xi32>)
          %masked_sort3A_1008 = arith.constant dense<true> : vector<16xi1>
          %masked_sort3A_1009, %masked_sort3A_1010, %masked_sort3A_1011 = tpu.sort %select_n3A_997, %select_n3A_998 masked %masked_sort3A_1008 : (vector<16xf32>, vector<16xi32>, vector<16xi1>) -> (vector<16xi1>, vector<16xf32>, vector<16xi32>)
          %masked_sort3A_1012 = arith.constant dense<true> : vector<16xi1>
          %masked_sort3A_1013, %masked_sort3A_1014, %masked_sort3A_1015 = tpu.sort %select_n3A_1000, %select_n3A_1001 masked %masked_sort3A_1012 : (vector<16xf32>, vector<16xi32>, vector<16xi1>) -> (vector<16xi1>, vector<16xf32>, vector<16xi32>)
          %masked_sort3A_1016 = arith.constant dense<true> : vector<16xi1>
          %masked_sort3A_1017, %masked_sort3A_1018, %masked_sort3A_1019 = tpu.sort %select_n3A_1002, %select_n3A_1003 masked %masked_sort3A_1016 : (vector<16xf32>, vector<16xi32>, vector<16xi1>) -> (vector<16xi1>, vector<16xf32>, vector<16xi32>)
          %swap3A_1020 = arith.constant 0 : index
          %swap3A_1021 = tpu.vector_load %arg8[%swap3A_1020] {strides = array<i32>} : memref<64xf32, #tpu.memory_space<vmem>>, vector<16xf32>,
          tpu.vector_store %arg8[%swap3A_1020], %masked_sort3A_1006 {strides = array<i32>} : memref<64xf32, #tpu.memory_space<vmem>>, vector<16xf32>,
          %swap3A_1022 = arith.constant 0 : index
          %swap3A_1023 = tpu.vector_load %arg9[%swap3A_1022] {strides = array<i32>} : memref<64xi32, #tpu.memory_space<vmem>>, vector<16xi32>,
          tpu.vector_store %arg9[%swap3A_1022], %masked_sort3A_1007 {strides = array<i32>} : memref<64xi32, #tpu.memory_space<vmem>>, vector<16xi32>,
          %swap3A_1024 = arith.constant 16 : index
          %swap3A_1025 = tpu.vector_load %arg8[%swap3A_1024] {strides = array<i32>} : memref<64xf32, #tpu.memory_space<vmem>>, vector<16xf32>,
          tpu.vector_store %arg8[%swap3A_1024], %masked_sort3A_1010 {strides = array<i32>} : memref<64xf32, #tpu.memory_space<vmem>>, vector<16xf32>,
          %swap3A_1026 = arith.constant 16 : index
          %swap3A_1027 = tpu.vector_load %arg9[%swap3A_1026] {strides = array<i32>} : memref<64xi32, #tpu.memory_space<vmem>>, vector<16xi32>,
          tpu.vector_store %arg9[%swap3A_1026], %masked_sort3A_1011 {strides = array<i32>} : memref<64xi32, #tpu.memory_space<vmem>>, vector<16xi32>,
          %swap3A_1028 = arith.constant 32 : index
          %swap3A_1029 = tpu.vector_load %arg8[%swap3A_1028] {strides = array<i32>} : memref<64xf32, #tpu.memory_space<vmem>>, vector<16xf32>,
          tpu.vector_store %arg8[%swap3A_1028], %masked_sort3A_1014 {strides = array<i32>} : memref<64xf32, #tpu.memory_space<vmem>>, vector<16xf32>,
          %swap3A_1030 = arith.constant 32 : index
          %swap3A_1031 = tpu.vector_load %arg9[%swap3A_1030] {strides = array<i32>} : memref<64xi32, #tpu.memory_space<vmem>>, vector<16xi32>,
          tpu.vector_store %arg9[%swap3A_1030], %masked_sort3A_1015 {strides = array<i32>} : memref<64xi32, #tpu.memory_space<vmem>>, vector<16xi32>,
          %swap3A_1032 = arith.constant 48 : index
          %swap3A_1033 = tpu.vector_load %arg8[%swap3A_1032] {strides = array<i32>} : memref<64xf32, #tpu.memory_space<vmem>>, vector<16xf32>,
          tpu.vector_store %arg8[%swap3A_1032], %masked_sort3A_1018 {strides = array<i32>} : memref<64xf32, #tpu.memory_space<vmem>>, vector<16xf32>,
          %swap3A_1034 = arith.constant 48 : index
          %swap3A_1035 = tpu.vector_load %arg9[%swap3A_1034] {strides = array<i32>} : memref<64xi32, #tpu.memory_space<vmem>>, vector<16xi32>,
          tpu.vector_store %arg9[%swap3A_1034], %masked_sort3A_1019 {strides = array<i32>} : memref<64xi32, #tpu.memory_space<vmem>>, vector<16xi32>,
          %reduce_max3A_1036 = arith.constant true
          %reduce_max3A_1037 = vector.broadcast %reduce_max3A_1036 : i1 to vector<16xi1>
          %reduce_max3A_1038 = tpu.scan <max>, %masked_sort3A_1018 masked %reduce_max3A_1037 : vector<16xf32>, vector<16xi1> -> vector<16xf32>
          %reduce_max3A_1039 = vector.extract %reduce_max3A_1038[15] : f32 from vector<16xf32>
          %swap3A_1040 = arith.constant 0 : i32
          %swap3A_1041 = arith.index_cast %swap3A_1040 : i32 to index
          %swap3A_1042 = memref.load %arg17[%swap3A_1041] : memref<1xf32, #tpu.memory_space<smem>>
          memref.store %reduce_max3A_1039, %arg17[%swap3A_1041] : memref<1xf32, #tpu.memory_space<smem>>
          %get3A_1043 = arith.constant 64 : index
          %get3A_1044 = tpu.vector_load %arg6[%get3A_1043] {strides = array<i32>} : memref<80xf32, #tpu.memory_space<vmem>>, vector<16xf32>,
          %swap3A_1045 = arith.constant 0 : index
          %swap3A_1046 = tpu.vector_load %arg6[%swap3A_1045] {strides = array<i32>} : memref<80xf32, #tpu.memory_space<vmem>>, vector<16xf32>,
          tpu.vector_store %arg6[%swap3A_1045], %get3A_1044 {strides = array<i32>} : memref<80xf32, #tpu.memory_space<vmem>>, vector<16xf32>,
          %get3A_1047 = arith.constant 64 : index
          %get3A_1048 = tpu.vector_load %arg7[%get3A_1047] {strides = array<i32>} : memref<80xi32, #tpu.memory_space<vmem>>, vector<16xi32>,
          %swap3A_1049 = arith.constant 0 : index
          %swap3A_1050 = tpu.vector_load %arg7[%swap3A_1049] {strides = array<i32>} : memref<80xi32, #tpu.memory_space<vmem>>, vector<16xi32>,
          tpu.vector_store %arg7[%swap3A_1049], %get3A_1048 {strides = array<i32>} : memref<80xi32, #tpu.memory_space<vmem>>, vector<16xi32>,
        } else {
        }
        %ge3A_562 = arith.constant 64 : i32
        %ge3A_563 = arith.cmpi sge, %add3A_557, %ge3A_562 : i32
        %sub3A_564 = arith.constant 64 : i32
        %sub3A_565 = arith.subi %add3A_557, %sub3A_564 : i32
        %select_n3A_566 = arith.select %ge3A_563, %sub3A_565, %add3A_557 : i32
        %get3A_567 = arith.constant 0 : i32
        %get3A_568 = arith.index_cast %get3A_567 : i32 to index
        %get3A_569 = memref.load %arg17[%get3A_568] : memref<1xf32, #tpu.memory_space<smem>>
        %lt3A_570 = vector.broadcast %get3A_569 : f32 to vector<16xf32>
        %lt3A_571 = arith.cmpf olt, %get3A_499, %lt3A_570 : vector<16xf32>
        %convert_element_type3A_572 = arith.extui %lt3A_571 : vector<16xi1> to vector<16xi32>
        %reduce_sum3A_573 = arith.constant true
        %reduce_sum3A_574 = vector.broadcast %reduce_sum3A_573 : i1 to vector<16xi1>
        %reduce_sum3A_575 = tpu.scan <sum>, %convert_element_type3A_572 masked %reduce_sum3A_574 : vector<16xi32>, vector<16xi1> -> vector<16xi32>
        %reduce_sum3A_576 = vector.extract %reduce_sum3A_575[15] : i32 from vector<16xi32>
        %gt3A_577 = arith.constant 0 : i32
        %gt3A_578 = arith.cmpi sgt, %reduce_sum3A_576, %gt3A_577 : i32
        %convert_element_type3A_579 = arith.extui %gt3A_578 : i1 to i32
        %cond3A_580 = arith.constant 0 : i32
        %cond3A_581 = arith.cmpi ne, %convert_element_type3A_579, %cond3A_580 : i32
        scf.if %cond3A_581 {
          %swap3A_752 = arith.index_cast %select_n3A_566 : i32 to index
          %swap3A_753 = tpu.vector_load %arg6[%swap3A_752] masked %lt3A_571 {strides = array<i32>} : memref<80xf32, #tpu.memory_space<vmem>>, vector<16xf32>, vector<16xi1>
          tpu.vector_store %arg6[%swap3A_752], %get3A_499 masked %lt3A_571 {strides = array<i32>} : memref<80xf32, #tpu.memory_space<vmem>>, vector<16xf32>, vector<16xi1>
          %add3A_754 = arith.addi %multiple_of3A, %mul3A_491 : i32
          %add3A_755 = arith.constant 16 : i32
          %add3A_756 = arith.addi %add3A_754, %add3A_755 : i32
          %add3A_757 = vector.broadcast %add3A_756 : i32 to vector<16xi32>
          %add3A_758 = arith.addi %add3A_757, %iota3A : vector<16xi32>
          %swap3A_759 = arith.index_cast %select_n3A_566 : i32 to index
          %swap3A_760 = tpu.vector_load %arg7[%swap3A_759] masked %lt3A_571 {strides = array<i32>} : memref<80xi32, #tpu.memory_space<vmem>>, vector<16xi32>, vector<16xi1>
          tpu.vector_store %arg7[%swap3A_759], %add3A_758 masked %lt3A_571 {strides = array<i32>} : memref<80xi32, #tpu.memory_space<vmem>>, vector<16xi32>, vector<16xi1>
        } else {
        }
        %add3A_582 = arith.addi %select_n3A_566, %reduce_sum3A_576 : i32
        %ge3A_583 = arith.constant 64 : i32
        %ge3A_584 = arith.cmpi sge, %add3A_582, %ge3A_583 : i32
        %convert_element_type3A_585 = arith.extui %ge3A_584 : i1 to i32
        %cond3A_586 = arith.constant 0 : i32
        %cond3A_587 = arith.cmpi ne, %convert_element_type3A_585, %cond3A_586 : i32
        scf.if %cond3A_587 {
          %add3A_752 = arith.constant 0 : i32
          %add3A_753 = vector.broadcast %add3A_752 : i32 to vector<16xi32>
          %add3A_754 = arith.addi %iota3A, %add3A_753 : vector<16xi32>
          %lt3A_755 = vector.broadcast %add3A_582 : i32 to vector<16xi32>
          %lt3A_756 = arith.cmpi slt, %add3A_754, %lt3A_755 : vector<16xi32>
          %get3A_757 = arith.constant 0 : index
          %get3A_758 = tpu.vector_load %arg6[%get3A_757] {strides = array<i32>} : memref<80xf32, #tpu.memory_space<vmem>>, vector<16xf32>,
          %jit3A = arith.constant 0x7F800000 : f32
          %broadcast_in_dim3A = vector.broadcast %jit3A : f32 to vector<16xf32>
          %select_n3A_759 = arith.select %lt3A_756, %get3A_758, %broadcast_in_dim3A : vector<16xi1>, vector<16xf32>
          %get3A_760 = arith.constant 0 : index
          %get3A_761 = tpu.vector_load %arg7[%get3A_760] {strides = array<i32>} : memref<80xi32, #tpu.memory_space<vmem>>, vector<16xi32>,
          %add3A_762 = arith.constant 16 : i32
          %add3A_763 = vector.broadcast %add3A_762 : i32 to vector<16xi32>
          %add3A_764 = arith.addi %iota3A, %add3A_763 : vector<16xi32>
          %lt3A_765 = vector.broadcast %add3A_582 : i32 to vector<16xi32>
          %lt3A_766 = arith.cmpi slt, %add3A_764, %lt3A_765 : vector<16xi32>
          %get3A_767 = arith.constant 16 : index
          %get3A_768 = tpu.vector_load %arg6[%get3A_767] {strides = array<i32>} : memref<80xf32, #tpu.memory_space<vmem>>, vector<16xf32>,
          %jit3A_769 = arith.constant 0x7F800000 : f32
          %broadcast_in_dim3A_770 = vector.broadcast %jit3A_769 : f32 to vector<16xf32>
          %select_n3A_771 = arith.select %lt3A_766, %get3A_768, %broadcast_in_dim3A_770 : vector<16xi1>, vector<16xf32>
          %get3A_772 = arith.constant 16 : index
          %get3A_773 = tpu.vector_load %arg7[%get3A_772] {strides = array<i32>} : memref<80xi32, #tpu.memory_space<vmem>>, vector<16xi32>,
          %add3A_774 = arith.constant 32 : i32
          %add3A_775 = vector.broadcast %add3A_774 : i32 to vector<16xi32>
          %add3A_776 = arith.addi %iota3A, %add3A_775 : vector<16xi32>
          %lt3A_777 = vector.broadcast %add3A_582 : i32 to vector<16xi32>
          %lt3A_778 = arith.cmpi slt, %add3A_776, %lt3A_777 : vector<16xi32>
          %get3A_779 = arith.constant 32 : index
          %get3A_780 = tpu.vector_load %arg6[%get3A_779] {strides = array<i32>} : memref<80xf32, #tpu.memory_space<vmem>>, vector<16xf32>,
          %jit3A_781 = arith.constant 0x7F800000 : f32
          %broadcast_in_dim3A_782 = vector.broadcast %jit3A_781 : f32 to vector<16xf32>
          %select_n3A_783 = arith.select %lt3A_778, %get3A_780, %broadcast_in_dim3A_782 : vector<16xi1>, vector<16xf32>
          %get3A_784 = arith.constant 32 : index
          %get3A_785 = tpu.vector_load %arg7[%get3A_784] {strides = array<i32>} : memref<80xi32, #tpu.memory_space<vmem>>, vector<16xi32>,
          %add3A_786 = arith.constant 48 : i32
          %add3A_787 = vector.broadcast %add3A_786 : i32 to vector<16xi32>
          %add3A_788 = arith.addi %iota3A, %add3A_787 : vector<16xi32>
          %lt3A_789 = vector.broadcast %add3A_582 : i32 to vector<16xi32>
          %lt3A_790 = arith.cmpi slt, %add3A_788, %lt3A_789 : vector<16xi32>
          %get3A_791 = arith.constant 48 : index
          %get3A_792 = tpu.vector_load %arg6[%get3A_791] {strides = array<i32>} : memref<80xf32, #tpu.memory_space<vmem>>, vector<16xf32>,
          %jit3A_793 = arith.constant 0x7F800000 : f32
          %broadcast_in_dim3A_794 = vector.broadcast %jit3A_793 : f32 to vector<16xf32>
          %select_n3A_795 = arith.select %lt3A_790, %get3A_792, %broadcast_in_dim3A_794 : vector<16xi1>, vector<16xf32>
          %get3A_796 = arith.constant 48 : index
          %get3A_797 = tpu.vector_load %arg7[%get3A_796] {strides = array<i32>} : memref<80xi32, #tpu.memory_space<vmem>>, vector<16xi32>,
          %masked_sort3A_798 = arith.constant dense<true> : vector<16xi1>
          %masked_sort3A_799, %masked_sort3A_800, %masked_sort3A_801 = tpu.sort %select_n3A_759, %get3A_761 masked %masked_sort3A_798 : (vector<16xf32>, vector<16xi32>, vector<16xi1>) -> (vector<16xi1>, vector<16xf32>, vector<16xi32>)
          %masked_sort3A_802 = arith.constant dense<true> : vector<16xi1>
          %masked_sort3A_803, %masked_sort3A_804, %masked_sort3A_805 = tpu.sort %select_n3A_771, %get3A_773 masked %masked_sort3A_802 : (vector<16xf32>, vector<16xi32>, vector<16xi1>) -> (vector<16xi1>, vector<16xf32>, vector<16xi32>)
          %masked_sort3A_806 = arith.constant dense<true> : vector<16xi1>
          %masked_sort3A_807, %masked_sort3A_808, %masked_sort3A_809 = tpu.sort %select_n3A_783, %get3A_785 masked %masked_sort3A_806 : (vector<16xf32>, vector<16xi32>, vector<16xi1>) -> (vector<16xi1>, vector<16xf32>, vector<16xi32>)
          %masked_sort3A_810 = arith.constant dense<true> : vector<16xi1>
          %masked_sort3A_811, %masked_sort3A_812, %masked_sort3A_813 = tpu.sort %select_n3A_795, %get3A_797 masked %masked_sort3A_810 : (vector<16xf32>, vector<16xi32>, vector<16xi1>) -> (vector<16xi1>, vector<16xf32>, vector<16xi32>)
          %rev3A_814 = arith.constant 15 : i32
          %rev3A_815 = vector.broadcast %rev3A_814 : i32 to vector<16xi32>
          %rev3A_816 = tpu.iota {dimensions = array<i32: 0>} : vector<16xi32>
          %rev3A_817 = arith.subi %rev3A_815, %rev3A_816 : vector<16xi32>
          %rev3A_818 = tpu.dynamic_gather %masked_sort3A_804[%rev3A_817] in [0] : vector<16xf32>, vector<16xi32> -> vector<16xf32>
          %rev3A_819 = arith.constant 15 : i32
          %rev3A_820 = vector.broadcast %rev3A_819 : i32 to vector<16xi32>
          %rev3A_821 = tpu.iota {dimensions = array<i32: 0>} : vector<16xi32>
          %rev3A_822 = arith.subi %rev3A_820, %rev3A_821 : vector<16xi32>
          %rev3A_823 = tpu.dynamic_gather %masked_sort3A_805[%rev3A_822] in [0] : vector<16xi32>, vector<16xi32> -> vector<16xi32>
          %le3A_824 = arith.cmpf ole, %masked_sort3A_800, %rev3A_818 : vector<16xf32>
          %select_n3A_825 = arith.select %le3A_824, %masked_sort3A_800, %rev3A_818 : vector<16xi1>, vector<16xf32>
          %select_n3A_826 = arith.select %le3A_824, %masked_sort3A_801, %rev3A_823 : vector<16xi1>, vector<16xi32>
          %select_n3A_827 = arith.select %le3A_824, %rev3A_818, %masked_sort3A_800 : vector<16xi1>, vector<16xf32>
          %select_n3A_828 = arith.select %le3A_824, %rev3A_823, %masked_sort3A_801 : vector<16xi1>, vector<16xi32>
          %masked_sort3A_829 = arith.constant dense<true> : vector<16xi1>
          %masked_sort3A_830, %masked_sort3A_831, %masked_sort3A_832 = tpu.sort %select_n3A_825, %select_n3A_826 masked %masked_sort3A_829 : (vector<16xf32>, vector<16xi32>, vector<16xi1>) -> (vector<16xi1>, vector<16xf32>, vector<16xi32>)
          %masked_sort3A_833 = arith.constant dense<true> : vector<16xi1>
          %masked_sort3A_834, %masked_sort3A_835, %masked_sort3A_836 = tpu.sort %select_n3A_827, %select_n3A_828 masked %masked_sort3A_833 : (vector<16xf32>, vector<16xi32>, vector<16xi1>) -> (vector<16xi1>, vector<16xf32>, vector<16xi32>)
          %rev3A_837 = arith.constant 15 : i32
          %rev3A_838 = vector.broadcast %rev3A_837 : i32 to vector<16xi32>
          %rev3A_839 = tpu.iota {dimensions = array<i32: 0>} : vector<16xi32>
          %rev3A_840 = arith.subi %rev3A_838, %rev3A_839 : vector<16xi32>
          %rev3A_841 = tpu.dynamic_gather %masked_sort3A_812[%rev3A_840] in [0] : vector<16xf32>, vector<16xi32> -> vector<16xf32>
          %rev3A_842 = arith.constant 15 : i32
          %rev3A_843 = vector.broadcast %rev3A_842 : i32 to vector<16xi32>
          %rev3A_844 = tpu.iota {dimensions = array<i32: 0>} : vector<16xi32>
          %rev3A_845 = arith.subi %rev3A_843, %rev3A_844 : vector<16xi32>
          %rev3A_846 = tpu.dynamic_gather %masked_sort3A_813[%rev3A_845] in [0] : vector<16xi32>, vector<16xi32> -> vector<16xi32>
          %le3A_847 = arith.cmpf ole, %masked_sort3A_808, %rev3A_841 : vector<16xf32>
          %select_n3A_848 = arith.select %le3A_847, %masked_sort3A_808, %rev3A_841 : vector<16xi1>, vector<16xf32>
          %select_n3A_849 = arith.select %le3A_847, %masked_sort3A_809, %rev3A_846 : vector<16xi1>, vector<16xi32>
          %select_n3A_850 = arith.select %le3A_847, %rev3A_841, %masked_sort3A_808 : vector<16xi1>, vector<16xf32>
          %select_n3A_851 = arith.select %le3A_847, %rev3A_846, %masked_sort3A_809 : vector<16xi1>, vector<16xi32>
          %masked_sort3A_852 = arith.constant dense<true> : vector<16xi1>
          %masked_sort3A_853, %masked_sort3A_854, %masked_sort3A_855 = tpu.sort %select_n3A_848, %select_n3A_849 masked %masked_sort3A_852 : (vector<16xf32>, vector<16xi32>, vector<16xi1>) -> (vector<16xi1>, vector<16xf32>, vector<16xi32>)
          %masked_sort3A_856 = arith.constant dense<true> : vector<16xi1>
          %masked_sort3A_857, %masked_sort3A_858, %masked_sort3A_859 = tpu.sort %select_n3A_850, %select_n3A_851 masked %masked_sort3A_856 : (vector<16xf32>, vector<16xi32>, vector<16xi1>) -> (vector<16xi1>, vector<16xf32>, vector<16xi32>)
          %rev3A_860 = arith.constant 15 : i32
          %rev3A_861 = vector.broadcast %rev3A_860 : i32 to vector<16xi32>
          %rev3A_862 = tpu.iota {dimensions = array<i32: 0>} : vector<16xi32>
          %rev3A_863 = arith.subi %rev3A_861, %rev3A_862 : vector<16xi32>
          %rev3A_864 = tpu.dynamic_gather %masked_sort3A_858[%rev3A_863] in [0] : vector<16xf32>, vector<16xi32> -> vector<16xf32>
          %rev3A_865 = arith.constant 15 : i32
          %rev3A_866 = vector.broadcast %rev3A_865 : i32 to vector<16xi32>
          %rev3A_867 = tpu.iota {dimensions = array<i32: 0>} : vector<16xi32>
          %rev3A_868 = arith.subi %rev3A_866, %rev3A_867 : vector<16xi32>
          %rev3A_869 = tpu.dynamic_gather %masked_sort3A_859[%rev3A_868] in [0] : vector<16xi32>, vector<16xi32> -> vector<16xi32>
          %le3A_870 = arith.cmpf ole, %masked_sort3A_831, %rev3A_864 : vector<16xf32>
          %select_n3A_871 = arith.select %le3A_870, %masked_sort3A_831, %rev3A_864 : vector<16xi1>, vector<16xf32>
          %select_n3A_872 = arith.select %le3A_870, %masked_sort3A_832, %rev3A_869 : vector<16xi1>, vector<16xi32>
          %select_n3A_873 = arith.select %le3A_870, %rev3A_864, %masked_sort3A_831 : vector<16xi1>, vector<16xf32>
          %select_n3A_874 = arith.select %le3A_870, %rev3A_869, %masked_sort3A_832 : vector<16xi1>, vector<16xi32>
          %rev3A_875 = arith.constant 15 : i32
          %rev3A_876 = vector.broadcast %rev3A_875 : i32 to vector<16xi32>
          %rev3A_877 = tpu.iota {dimensions = array<i32: 0>} : vector<16xi32>
          %rev3A_878 = arith.subi %rev3A_876, %rev3A_877 : vector<16xi32>
          %rev3A_879 = tpu.dynamic_gather %masked_sort3A_854[%rev3A_878] in [0] : vector<16xf32>, vector<16xi32> -> vector<16xf32>
          %rev3A_880 = arith.constant 15 : i32
          %rev3A_881 = vector.broadcast %rev3A_880 : i32 to vector<16xi32>
          %rev3A_882 = tpu.iota {dimensions = array<i32: 0>} : vector<16xi32>
          %rev3A_883 = arith.subi %rev3A_881, %rev3A_882 : vector<16xi32>
          %rev3A_884 = tpu.dynamic_gather %masked_sort3A_855[%rev3A_883] in [0] : vector<16xi32>, vector<16xi32> -> vector<16xi32>
          %le3A_885 = arith.cmpf ole, %masked_sort3A_835, %rev3A_879 : vector<16xf32>
          %select_n3A_886 = arith.select %le3A_885, %masked_sort3A_835, %rev3A_879 : vector<16xi1>, vector<16xf32>
          %select_n3A_887 = arith.select %le3A_885, %masked_sort3A_836, %rev3A_884 : vector<16xi1>, vector<16xi32>
          %select_n3A_888 = arith.select %le3A_885, %rev3A_879, %masked_sort3A_835 : vector<16xi1>, vector<16xf32>
          %select_n3A_889 = arith.select %le3A_885, %rev3A_884, %masked_sort3A_836 : vector<16xi1>, vector<16xi32>
          %le3A_890 = arith.cmpf ole, %select_n3A_871, %select_n3A_886 : vector<16xf32>
          %select_n3A_891 = arith.select %le3A_890, %select_n3A_871, %select_n3A_886 : vector<16xi1>, vector<16xf32>
          %select_n3A_892 = arith.select %le3A_890, %select_n3A_872, %select_n3A_887 : vector<16xi1>, vector<16xi32>
          %select_n3A_893 = arith.select %le3A_890, %select_n3A_886, %select_n3A_871 : vector<16xi1>, vector<16xf32>
          %select_n3A_894 = arith.select %le3A_890, %select_n3A_887, %select_n3A_872 : vector<16xi1>, vector<16xi32>
          %le3A_895 = arith.cmpf ole, %select_n3A_888, %select_n3A_873 : vector<16xf32>
          %select_n3A_896 = arith.select %le3A_895, %select_n3A_888, %select_n3A_873 : vector<16xi1>, vector<16xf32>
          %select_n3A_897 = arith.select %le3A_895, %select_n3A_889, %select_n3A_874 : vector<16xi1>, vector<16xi32>
          %select_n3A_898 = arith.select %le3A_895, %select_n3A_873, %select_n3A_888 : vector<16xi1>, vector<16xf32>
          %select_n3A_899 = arith.select %le3A_895, %select_n3A_874, %select_n3A_889 : vector<16xi1>, vector<16xi32>
          %masked_sort3A_900 = arith.constant dense<true> : vector<16xi1>
          %masked_sort3A_901, %masked_sort3A_902, %masked_sort3A_903 = tpu.sort %select_n3A_891, %select_n3A_892 masked %masked_sort3A_900 : (vector<16xf32>, vector<16xi32>, vector<16xi1>) -> (vector<16xi1>, vector<16xf32>, vector<16xi32>)
          %masked_sort3A_904 = arith.constant dense<true> : vector<16xi1>
          %masked_sort3A_905, %masked_sort3A_906, %masked_sort3A_907 = tpu.sort %select_n3A_893, %select_n3A_894 masked %masked_sort3A_904 : (vector<16xf32>, vector<16xi32>, vector<16xi1>) -> (vector<16xi1>, vector<16xf32>, vector<16xi32>)
          %masked_sort3A_908 = arith.constant dense<true> : vector<16xi1>
          %masked_sort3A_909, %masked_sort3A_910, %masked_sort3A_911 = tpu.sort %select_n3A_896, %select_n3A_897 masked %masked_sort3A_908 : (vector<16xf32>, vector<16xi32>, vector<16xi1>) -> (vector<16xi1>, vector<16xf32>, vector<16xi32>)
          %masked_sort3A_912 = arith.constant dense<true> : vector<16xi1>
          %masked_sort3A_913, %masked_sort3A_914, %masked_sort3A_915 = tpu.sort %select_n3A_898, %select_n3A_899 masked %masked_sort3A_912 : (vector<16xf32>, vector<16xi32>, vector<16xi1>) -> (vector<16xi1>, vector<16xf32>, vector<16xi32>)
          %get3A_916 = arith.constant 0 : index
          %get3A_917 = tpu.vector_load %arg8[%get3A_916] {strides = array<i32>} : memref<64xf32, #tpu.memory_space<vmem>>, vector<16xf32>,
          %get3A_918 = arith.constant 16 : index
          %get3A_919 = tpu.vector_load %arg8[%get3A_918] {strides = array<i32>} : memref<64xf32, #tpu.memory_space<vmem>>, vector<16xf32>,
          %get3A_920 = arith.constant 32 : index
          %get3A_921 = tpu.vector_load %arg8[%get3A_920] {strides = array<i32>} : memref<64xf32, #tpu.memory_space<vmem>>, vector<16xf32>,
          %get3A_922 = arith.constant 48 : index
          %get3A_923 = tpu.vector_load %arg8[%get3A_922] {strides = array<i32>} : memref<64xf32, #tpu.memory_space<vmem>>, vector<16xf32>,
          %get3A_924 = arith.constant 0 : index
          %get3A_925 = tpu.vector_load %arg9[%get3A_924] {strides = array<i32>} : memref<64xi32, #tpu.memory_space<vmem>>, vector<16xi32>,
          %get3A_926 = arith.constant 16 : index
          %get3A_927 = tpu.vector_load %arg9[%get3A_926] {strides = array<i32>} : memref<64xi32, #tpu.memory_space<vmem>>, vector<16xi32>,
          %get3A_928 = arith.constant 32 : index
          %get3A_929 = tpu.vector_load %arg9[%get3A_928] {strides = array<i32>} : memref<64xi32, #tpu.memory_space<vmem>>, vector<16xi32>,
          %get3A_930 = arith.constant 48 : index
          %get3A_931 = tpu.vector_load %arg9[%get3A_930] {strides = array<i32>} : memref<64xi32, #tpu.memory_space<vmem>>, vector<16xi32>,
          %rev3A_932 = arith.constant 15 : i32
          %rev3A_933 = vector.broadcast %rev3A_932 : i32 to vector<16xi32>
          %rev3A_934 = tpu.iota {dimensions = array<i32: 0>} : vector<16xi32>
          %rev3A_935 = arith.subi %rev3A_933, %rev3A_934 : vector<16xi32>
          %rev3A_936 = tpu.dynamic_gather %masked_sort3A_914[%rev3A_935] in [0] : vector<16xf32>, vector<16xi32> -> vector<16xf32>
          %rev3A_937 = arith.constant 15 : i32
          %rev3A_938 = vector.broadcast %rev3A_937 : i32 to vector<16xi32>
          %rev3A_939 = tpu.iota {dimensions = array<i32: 0>} : vector<16xi32>
          %rev3A_940 = arith.subi %rev3A_938, %rev3A_939 : vector<16xi32>
          %rev3A_941 = tpu.dynamic_gather %masked_sort3A_910[%rev3A_940] in [0] : vector<16xf32>, vector<16xi32> -> vector<16xf32>
          %rev3A_942 = arith.constant 15 : i32
          %rev3A_943 = vector.broadcast %rev3A_942 : i32 to vector<16xi32>
          %rev3A_944 = tpu.iota {dimensions = array<i32: 0>} : vector<16xi32>
          %rev3A_945 = arith.subi %rev3A_943, %rev3A_944 : vector<16xi32>
          %rev3A_946 = tpu.dynamic_gather %masked_sort3A_906[%rev3A_945] in [0] : vector<16xf32>, vector<16xi32> -> vector<16xf32>
          %rev3A_947 = arith.constant 15 : i32
          %rev3A_948 = vector.broadcast %rev3A_947 : i32 to vector<16xi32>
          %rev3A_949 = tpu.iota {dimensions = array<i32: 0>} : vector<16xi32>
          %rev3A_950 = arith.subi %rev3A_948, %rev3A_949 : vector<16xi32>
          %rev3A_951 = tpu.dynamic_gather %masked_sort3A_902[%rev3A_950] in [0] : vector<16xf32>, vector<16xi32> -> vector<16xf32>
          %rev3A_952 = arith.constant 15 : i32
          %rev3A_953 = vector.broadcast %rev3A_952 : i32 to vector<16xi32>
          %rev3A_954 = tpu.iota {dimensions = array<i32: 0>} : vector<16xi32>
          %rev3A_955 = arith.subi %rev3A_953, %rev3A_954 : vector<16xi32>
          %rev3A_956 = tpu.dynamic_gather %masked_sort3A_915[%rev3A_955] in [0] : vector<16xi32>, vector<16xi32> -> vector<16xi32>
          %rev3A_957 = arith.constant 15 : i32
          %rev3A_958 = vector.broadcast %rev3A_957 : i32 to vector<16xi32>
          %rev3A_959 = tpu.iota {dimensions = array<i32: 0>} : vector<16xi32>
          %rev3A_960 = arith.subi %rev3A_958, %rev3A_959 : vector<16xi32>
          %rev3A_961 = tpu.dynamic_gather %masked_sort3A_911[%rev3A_960] in [0] : vector<16xi32>, vector<16xi32> -> vector<16xi32>
          %rev3A_962 = arith.constant 15 : i32
          %rev3A_963 = vector.broadcast %rev3A_962 : i32 to vector<16xi32>
          %rev3A_964 = tpu.iota {dimensions = array<i32: 0>} : vector<16xi32>
          %rev3A_965 = arith.subi %rev3A_963, %rev3A_964 : vector<16xi32>
          %rev3A_966 = tpu.dynamic_gather %masked_sort3A_907[%rev3A_965] in [0] : vector<16xi32>, vector<16xi32> -> vector<16xi32>
          %rev3A_967 = arith.constant 15 : i32
          %rev3A_968 = vector.broadcast %rev3A_967 : i32 to vector<16xi32>
          %rev3A_969 = tpu.iota {dimensions = array<i32: 0>} : vector<16xi32>
          %rev3A_970 = arith.subi %rev3A_968, %rev3A_969 : vector<16xi32>
          %rev3A_971 = tpu.dynamic_gather %masked_sort3A_903[%rev3A_970] in [0] : vector<16xi32>, vector<16xi32> -> vector<16xi32>
          %le3A_972 = arith.cmpf ole, %get3A_917, %rev3A_936 : vector<16xf32>
          %select_n3A_973 = arith.select %le3A_972, %get3A_917, %rev3A_936 : vector<16xi1>, vector<16xf32>
          %select_n3A_974 = arith.select %le3A_972, %get3A_925, %rev3A_956 : vector<16xi1>, vector<16xi32>
          %le3A_975 = arith.cmpf ole, %get3A_919, %rev3A_941 : vector<16xf32>
          %select_n3A_976 = arith.select %le3A_975, %get3A_919, %rev3A_941 : vector<16xi1>, vector<16xf32>
          %select_n3A_977 = arith.select %le3A_975, %get3A_927, %rev3A_961 : vector<16xi1>, vector<16xi32>
          %le3A_978 = arith.cmpf ole, %get3A_921, %rev3A_946 : vector<16xf32>
          %select_n3A_979 = arith.select %le3A_978, %get3A_921, %rev3A_946 : vector<16xi1>, vector<16xf32>
          %select_n3A_980 = arith.select %le3A_978, %get3A_929, %rev3A_966 : vector<16xi1>, vector<16xi32>
          %le3A_981 = arith.cmpf ole, %get3A_923, %rev3A_951 : vector<16xf32>
          %select_n3A_982 = arith.select %le3A_981, %get3A_923, %rev3A_951 : vector<16xi1>, vector<16xf32>
          %select_n3A_983 = arith.select %le3A_981, %get3A_931, %rev3A_971 : vector<16xi1>, vector<16xi32>
          %le3A_984 = arith.cmpf ole, %select_n3A_973, %select_n3A_979 : vector<16xf32>
          %select_n3A_985 = arith.select %le3A_984, %select_n3A_973, %select_n3A_979 : vector<16xi1>, vector<16xf32>
          %select_n3A_986 = arith.select %le3A_984, %select_n3A_974, %select_n3A_980 : vector<16xi1>, vector<16xi32>
          %select_n3A_987 = arith.select %le3A_984, %select_n3A_979, %select_n3A_973 : vector<16xi1>, vector<16xf32>
          %select_n3A_988 = arith.select %le3A_984, %select_n3A_980, %select_n3A_974 : vector<16xi1>, vector<16xi32>
          %le3A_989 = arith.cmpf ole, %select_n3A_976, %select_n3A_982 : vector<16xf32>
          %select_n3A_990 = arith.select %le3A_989, %select_n3A_976, %select_n3A_982 : vector<16xi1>, vector<16xf32>
          %select_n3A_991 = arith.select %le3A_989, %select_n3A_977, %select_n3A_983 : vector<16xi1>, vector<16xi32>
          %select_n3A_992 = arith.select %le3A_989, %select_n3A_982, %select_n3A_976 : vector<16xi1>, vector<16xf32>
          %select_n3A_993 = arith.select %le3A_989, %select_n3A_983, %select_n3A_977 : vector<16xi1>, vector<16xi32>
          %le3A_994 = arith.cmpf ole, %select_n3A_985, %select_n3A_990 : vector<16xf32>
          %select_n3A_995 = arith.select %le3A_994, %select_n3A_985, %select_n3A_990 : vector<16xi1>, vector<16xf32>
          %select_n3A_996 = arith.select %le3A_994, %select_n3A_986, %select_n3A_991 : vector<16xi1>, vector<16xi32>
          %select_n3A_997 = arith.select %le3A_994, %select_n3A_990, %select_n3A_985 : vector<16xi1>, vector<16xf32>
          %select_n3A_998 = arith.select %le3A_994, %select_n3A_991, %select_n3A_986 : vector<16xi1>, vector<16xi32>
          %le3A_999 = arith.cmpf ole, %select_n3A_987, %select_n3A_992 : vector<16xf32>
          %select_n3A_1000 = arith.select %le3A_999, %select_n3A_987, %select_n3A_992 : vector<16xi1>, vector<16xf32>
          %select_n3A_1001 = arith.select %le3A_999, %select_n3A_988, %select_n3A_993 : vector<16xi1>, vector<16xi32>
          %select_n3A_1002 = arith.select %le3A_999, %select_n3A_992, %select_n3A_987 : vector<16xi1>, vector<16xf32>
          %select_n3A_1003 = arith.select %le3A_999, %select_n3A_993, %select_n3A_988 : vector<16xi1>, vector<16xi32>
          %masked_sort3A_1004 = arith.constant dense<true> : vector<16xi1>
          %masked_sort3A_1005, %masked_sort3A_1006, %masked_sort3A_1007 = tpu.sort %select_n3A_995, %select_n3A_996 masked %masked_sort3A_1004 : (vector<16xf32>, vector<16xi32>, vector<16xi1>) -> (vector<16xi1>, vector<16xf32>, vector<16xi32>)
          %masked_sort3A_1008 = arith.constant dense<true> : vector<16xi1>
          %masked_sort3A_1009, %masked_sort3A_1010, %masked_sort3A_1011 = tpu.sort %select_n3A_997, %select_n3A_998 masked %masked_sort3A_1008 : (vector<16xf32>, vector<16xi32>, vector<16xi1>) -> (vector<16xi1>, vector<16xf32>, vector<16xi32>)
          %masked_sort3A_1012 = arith.constant dense<true> : vector<16xi1>
          %masked_sort3A_1013, %masked_sort3A_1014, %masked_sort3A_1015 = tpu.sort %select_n3A_1000, %select_n3A_1001 masked %masked_sort3A_1012 : (vector<16xf32>, vector<16xi32>, vector<16xi1>) -> (vector<16xi1>, vector<16xf32>, vector<16xi32>)
          %masked_sort3A_1016 = arith.constant dense<true> : vector<16xi1>
          %masked_sort3A_1017, %masked_sort3A_1018, %masked_sort3A_1019 = tpu.sort %select_n3A_1002, %select_n3A_1003 masked %masked_sort3A_1016 : (vector<16xf32>, vector<16xi32>, vector<16xi1>) -> (vector<16xi1>, vector<16xf32>, vector<16xi32>)
          %swap3A_1020 = arith.constant 0 : index
          %swap3A_1021 = tpu.vector_load %arg8[%swap3A_1020] {strides = array<i32>} : memref<64xf32, #tpu.memory_space<vmem>>, vector<16xf32>,
          tpu.vector_store %arg8[%swap3A_1020], %masked_sort3A_1006 {strides = array<i32>} : memref<64xf32, #tpu.memory_space<vmem>>, vector<16xf32>,
          %swap3A_1022 = arith.constant 0 : index
          %swap3A_1023 = tpu.vector_load %arg9[%swap3A_1022] {strides = array<i32>} : memref<64xi32, #tpu.memory_space<vmem>>, vector<16xi32>,
          tpu.vector_store %arg9[%swap3A_1022], %masked_sort3A_1007 {strides = array<i32>} : memref<64xi32, #tpu.memory_space<vmem>>, vector<16xi32>,
          %swap3A_1024 = arith.constant 16 : index
          %swap3A_1025 = tpu.vector_load %arg8[%swap3A_1024] {strides = array<i32>} : memref<64xf32, #tpu.memory_space<vmem>>, vector<16xf32>,
          tpu.vector_store %arg8[%swap3A_1024], %masked_sort3A_1010 {strides = array<i32>} : memref<64xf32, #tpu.memory_space<vmem>>, vector<16xf32>,
          %swap3A_1026 = arith.constant 16 : index
          %swap3A_1027 = tpu.vector_load %arg9[%swap3A_1026] {strides = array<i32>} : memref<64xi32, #tpu.memory_space<vmem>>, vector<16xi32>,
          tpu.vector_store %arg9[%swap3A_1026], %masked_sort3A_1011 {strides = array<i32>} : memref<64xi32, #tpu.memory_space<vmem>>, vector<16xi32>,
          %swap3A_1028 = arith.constant 32 : index
          %swap3A_1029 = tpu.vector_load %arg8[%swap3A_1028] {strides = array<i32>} : memref<64xf32, #tpu.memory_space<vmem>>, vector<16xf32>,
          tpu.vector_store %arg8[%swap3A_1028], %masked_sort3A_1014 {strides = array<i32>} : memref<64xf32, #tpu.memory_space<vmem>>, vector<16xf32>,
          %swap3A_1030 = arith.constant 32 : index
          %swap3A_1031 = tpu.vector_load %arg9[%swap3A_1030] {strides = array<i32>} : memref<64xi32, #tpu.memory_space<vmem>>, vector<16xi32>,
          tpu.vector_store %arg9[%swap3A_1030], %masked_sort3A_1015 {strides = array<i32>} : memref<64xi32, #tpu.memory_space<vmem>>, vector<16xi32>,
          %swap3A_1032 = arith.constant 48 : index
          %swap3A_1033 = tpu.vector_load %arg8[%swap3A_1032] {strides = array<i32>} : memref<64xf32, #tpu.memory_space<vmem>>, vector<16xf32>,
          tpu.vector_store %arg8[%swap3A_1032], %masked_sort3A_1018 {strides = array<i32>} : memref<64xf32, #tpu.memory_space<vmem>>, vector<16xf32>,
          %swap3A_1034 = arith.constant 48 : index
          %swap3A_1035 = tpu.vector_load %arg9[%swap3A_1034] {strides = array<i32>} : memref<64xi32, #tpu.memory_space<vmem>>, vector<16xi32>,
          tpu.vector_store %arg9[%swap3A_1034], %masked_sort3A_1019 {strides = array<i32>} : memref<64xi32, #tpu.memory_space<vmem>>, vector<16xi32>,
          %reduce_max3A_1036 = arith.constant true
          %reduce_max3A_1037 = vector.broadcast %reduce_max3A_1036 : i1 to vector<16xi1>
          %reduce_max3A_1038 = tpu.scan <max>, %masked_sort3A_1018 masked %reduce_max3A_1037 : vector<16xf32>, vector<16xi1> -> vector<16xf32>
          %reduce_max3A_1039 = vector.extract %reduce_max3A_1038[15] : f32 from vector<16xf32>
          %swap3A_1040 = arith.constant 0 : i32
          %swap3A_1041 = arith.index_cast %swap3A_1040 : i32 to index
          %swap3A_1042 = memref.load %arg17[%swap3A_1041] : memref<1xf32, #tpu.memory_space<smem>>
          memref.store %reduce_max3A_1039, %arg17[%swap3A_1041] : memref<1xf32, #tpu.memory_space<smem>>
          %get3A_1043 = arith.constant 64 : index
          %get3A_1044 = tpu.vector_load %arg6[%get3A_1043] {strides = array<i32>} : memref<80xf32, #tpu.memory_space<vmem>>, vector<16xf32>,
          %swap3A_1045 = arith.constant 0 : index
          %swap3A_1046 = tpu.vector_load %arg6[%swap3A_1045] {strides = array<i32>} : memref<80xf32, #tpu.memory_space<vmem>>, vector<16xf32>,
          tpu.vector_store %arg6[%swap3A_1045], %get3A_1044 {strides = array<i32>} : memref<80xf32, #tpu.memory_space<vmem>>, vector<16xf32>,
          %get3A_1047 = arith.constant 64 : index
          %get3A_1048 = tpu.vector_load %arg7[%get3A_1047] {strides = array<i32>} : memref<80xi32, #tpu.memory_space<vmem>>, vector<16xi32>,
          %swap3A_1049 = arith.constant 0 : index
          %swap3A_1050 = tpu.vector_load %arg7[%swap3A_1049] {strides = array<i32>} : memref<80xi32, #tpu.memory_space<vmem>>, vector<16xi32>,
          tpu.vector_store %arg7[%swap3A_1049], %get3A_1048 {strides = array<i32>} : memref<80xi32, #tpu.memory_space<vmem>>, vector<16xi32>,
        } else {
        }
        %ge3A_588 = arith.constant 64 : i32
        %ge3A_589 = arith.cmpi sge, %add3A_582, %ge3A_588 : i32
        %sub3A_590 = arith.constant 64 : i32
        %sub3A_591 = arith.subi %add3A_582, %sub3A_590 : i32
        %select_n3A_592 = arith.select %ge3A_589, %sub3A_591, %add3A_582 : i32
        %get3A_593 = arith.constant 0 : i32
        %get3A_594 = arith.index_cast %get3A_593 : i32 to index
        %get3A_595 = memref.load %arg17[%get3A_594] : memref<1xf32, #tpu.memory_space<smem>>
        %lt3A_596 = vector.broadcast %get3A_595 : f32 to vector<16xf32>
        %lt3A_597 = arith.cmpf olt, %get3A_503, %lt3A_596 : vector<16xf32>
        %convert_element_type3A_598 = arith.extui %lt3A_597 : vector<16xi1> to vector<16xi32>
        %reduce_sum3A_599 = arith.constant true
        %reduce_sum3A_600 = vector.broadcast %reduce_sum3A_599 : i1 to vector<16xi1>
        %reduce_sum3A_601 = tpu.scan <sum>, %convert_element_type3A_598 masked %reduce_sum3A_600 : vector<16xi32>, vector<16xi1> -> vector<16xi32>
        %reduce_sum3A_602 = vector.extract %reduce_sum3A_601[15] : i32 from vector<16xi32>
        %gt3A_603 = arith.constant 0 : i32
        %gt3A_604 = arith.cmpi sgt, %reduce_sum3A_602, %gt3A_603 : i32
        %convert_element_type3A_605 = arith.extui %gt3A_604 : i1 to i32
        %cond3A_606 = arith.constant 0 : i32
        %cond3A_607 = arith.cmpi ne, %convert_element_type3A_605, %cond3A_606 : i32
        scf.if %cond3A_607 {
          %swap3A_752 = arith.index_cast %select_n3A_592 : i32 to index
          %swap3A_753 = tpu.vector_load %arg6[%swap3A_752] masked %lt3A_597 {strides = array<i32>} : memref<80xf32, #tpu.memory_space<vmem>>, vector<16xf32>, vector<16xi1>
          tpu.vector_store %arg6[%swap3A_752], %get3A_503 masked %lt3A_597 {strides = array<i32>} : memref<80xf32, #tpu.memory_space<vmem>>, vector<16xf32>, vector<16xi1>
          %add3A_754 = arith.addi %multiple_of3A, %mul3A_491 : i32
          %add3A_755 = arith.constant 32 : i32
          %add3A_756 = arith.addi %add3A_754, %add3A_755 : i32
          %add3A_757 = vector.broadcast %add3A_756 : i32 to vector<16xi32>
          %add3A_758 = arith.addi %add3A_757, %iota3A : vector<16xi32>
          %swap3A_759 = arith.index_cast %select_n3A_592 : i32 to index
          %swap3A_760 = tpu.vector_load %arg7[%swap3A_759] masked %lt3A_597 {strides = array<i32>} : memref<80xi32, #tpu.memory_space<vmem>>, vector<16xi32>, vector<16xi1>
          tpu.vector_store %arg7[%swap3A_759], %add3A_758 masked %lt3A_597 {strides = array<i32>} : memref<80xi32, #tpu.memory_space<vmem>>, vector<16xi32>, vector<16xi1>
        } else {
        }
        %add3A_608 = arith.addi %select_n3A_592, %reduce_sum3A_602 : i32
        %ge3A_609 = arith.constant 64 : i32
        %ge3A_610 = arith.cmpi sge, %add3A_608, %ge3A_609 : i32
        %convert_element_type3A_611 = arith.extui %ge3A_610 : i1 to i32
        %cond3A_612 = arith.constant 0 : i32
        %cond3A_613 = arith.cmpi ne, %convert_element_type3A_611, %cond3A_612 : i32
        scf.if %cond3A_613 {
          %add3A_752 = arith.constant 0 : i32
          %add3A_753 = vector.broadcast %add3A_752 : i32 to vector<16xi32>
          %add3A_754 = arith.addi %iota3A, %add3A_753 : vector<16xi32>
          %lt3A_755 = vector.broadcast %add3A_608 : i32 to vector<16xi32>
          %lt3A_756 = arith.cmpi slt, %add3A_754, %lt3A_755 : vector<16xi32>
          %get3A_757 = arith.constant 0 : index
          %get3A_758 = tpu.vector_load %arg6[%get3A_757] {strides = array<i32>} : memref<80xf32, #tpu.memory_space<vmem>>, vector<16xf32>,
          %jit3A = arith.constant 0x7F800000 : f32
          %broadcast_in_dim3A = vector.broadcast %jit3A : f32 to vector<16xf32>
          %select_n3A_759 = arith.select %lt3A_756, %get3A_758, %broadcast_in_dim3A : vector<16xi1>, vector<16xf32>
          %get3A_760 = arith.constant 0 : index
          %get3A_761 = tpu.vector_load %arg7[%get3A_760] {strides = array<i32>} : memref<80xi32, #tpu.memory_space<vmem>>, vector<16xi32>,
          %add3A_762 = arith.constant 16 : i32
          %add3A_763 = vector.broadcast %add3A_762 : i32 to vector<16xi32>
          %add3A_764 = arith.addi %iota3A, %add3A_763 : vector<16xi32>
          %lt3A_765 = vector.broadcast %add3A_608 : i32 to vector<16xi32>
          %lt3A_766 = arith.cmpi slt, %add3A_764, %lt3A_765 : vector<16xi32>
          %get3A_767 = arith.constant 16 : index
          %get3A_768 = tpu.vector_load %arg6[%get3A_767] {strides = array<i32>} : memref<80xf32, #tpu.memory_space<vmem>>, vector<16xf32>,
          %jit3A_769 = arith.constant 0x7F800000 : f32
          %broadcast_in_dim3A_770 = vector.broadcast %jit3A_769 : f32 to vector<16xf32>
          %select_n3A_771 = arith.select %lt3A_766, %get3A_768, %broadcast_in_dim3A_770 : vector<16xi1>, vector<16xf32>
          %get3A_772 = arith.constant 16 : index
          %get3A_773 = tpu.vector_load %arg7[%get3A_772] {strides = array<i32>} : memref<80xi32, #tpu.memory_space<vmem>>, vector<16xi32>,
          %add3A_774 = arith.constant 32 : i32
          %add3A_775 = vector.broadcast %add3A_774 : i32 to vector<16xi32>
          %add3A_776 = arith.addi %iota3A, %add3A_775 : vector<16xi32>
          %lt3A_777 = vector.broadcast %add3A_608 : i32 to vector<16xi32>
          %lt3A_778 = arith.cmpi slt, %add3A_776, %lt3A_777 : vector<16xi32>
          %get3A_779 = arith.constant 32 : index
          %get3A_780 = tpu.vector_load %arg6[%get3A_779] {strides = array<i32>} : memref<80xf32, #tpu.memory_space<vmem>>, vector<16xf32>,
          %jit3A_781 = arith.constant 0x7F800000 : f32
          %broadcast_in_dim3A_782 = vector.broadcast %jit3A_781 : f32 to vector<16xf32>
          %select_n3A_783 = arith.select %lt3A_778, %get3A_780, %broadcast_in_dim3A_782 : vector<16xi1>, vector<16xf32>
          %get3A_784 = arith.constant 32 : index
          %get3A_785 = tpu.vector_load %arg7[%get3A_784] {strides = array<i32>} : memref<80xi32, #tpu.memory_space<vmem>>, vector<16xi32>,
          %add3A_786 = arith.constant 48 : i32
          %add3A_787 = vector.broadcast %add3A_786 : i32 to vector<16xi32>
          %add3A_788 = arith.addi %iota3A, %add3A_787 : vector<16xi32>
          %lt3A_789 = vector.broadcast %add3A_608 : i32 to vector<16xi32>
          %lt3A_790 = arith.cmpi slt, %add3A_788, %lt3A_789 : vector<16xi32>
          %get3A_791 = arith.constant 48 : index
          %get3A_792 = tpu.vector_load %arg6[%get3A_791] {strides = array<i32>} : memref<80xf32, #tpu.memory_space<vmem>>, vector<16xf32>,
          %jit3A_793 = arith.constant 0x7F800000 : f32
          %broadcast_in_dim3A_794 = vector.broadcast %jit3A_793 : f32 to vector<16xf32>
          %select_n3A_795 = arith.select %lt3A_790, %get3A_792, %broadcast_in_dim3A_794 : vector<16xi1>, vector<16xf32>
          %get3A_796 = arith.constant 48 : index
          %get3A_797 = tpu.vector_load %arg7[%get3A_796] {strides = array<i32>} : memref<80xi32, #tpu.memory_space<vmem>>, vector<16xi32>,
          %masked_sort3A_798 = arith.constant dense<true> : vector<16xi1>
          %masked_sort3A_799, %masked_sort3A_800, %masked_sort3A_801 = tpu.sort %select_n3A_759, %get3A_761 masked %masked_sort3A_798 : (vector<16xf32>, vector<16xi32>, vector<16xi1>) -> (vector<16xi1>, vector<16xf32>, vector<16xi32>)
          %masked_sort3A_802 = arith.constant dense<true> : vector<16xi1>
          %masked_sort3A_803, %masked_sort3A_804, %masked_sort3A_805 = tpu.sort %select_n3A_771, %get3A_773 masked %masked_sort3A_802 : (vector<16xf32>, vector<16xi32>, vector<16xi1>) -> (vector<16xi1>, vector<16xf32>, vector<16xi32>)
          %masked_sort3A_806 = arith.constant dense<true> : vector<16xi1>
          %masked_sort3A_807, %masked_sort3A_808, %masked_sort3A_809 = tpu.sort %select_n3A_783, %get3A_785 masked %masked_sort3A_806 : (vector<16xf32>, vector<16xi32>, vector<16xi1>) -> (vector<16xi1>, vector<16xf32>, vector<16xi32>)
          %masked_sort3A_810 = arith.constant dense<true> : vector<16xi1>
          %masked_sort3A_811, %masked_sort3A_812, %masked_sort3A_813 = tpu.sort %select_n3A_795, %get3A_797 masked %masked_sort3A_810 : (vector<16xf32>, vector<16xi32>, vector<16xi1>) -> (vector<16xi1>, vector<16xf32>, vector<16xi32>)
          %rev3A_814 = arith.constant 15 : i32
          %rev3A_815 = vector.broadcast %rev3A_814 : i32 to vector<16xi32>
          %rev3A_816 = tpu.iota {dimensions = array<i32: 0>} : vector<16xi32>
          %rev3A_817 = arith.subi %rev3A_815, %rev3A_816 : vector<16xi32>
          %rev3A_818 = tpu.dynamic_gather %masked_sort3A_804[%rev3A_817] in [0] : vector<16xf32>, vector<16xi32> -> vector<16xf32>
          %rev3A_819 = arith.constant 15 : i32
          %rev3A_820 = vector.broadcast %rev3A_819 : i32 to vector<16xi32>
          %rev3A_821 = tpu.iota {dimensions = array<i32: 0>} : vector<16xi32>
          %rev3A_822 = arith.subi %rev3A_820, %rev3A_821 : vector<16xi32>
          %rev3A_823 = tpu.dynamic_gather %masked_sort3A_805[%rev3A_822] in [0] : vector<16xi32>, vector<16xi32> -> vector<16xi32>
          %le3A_824 = arith.cmpf ole, %masked_sort3A_800, %rev3A_818 : vector<16xf32>
          %select_n3A_825 = arith.select %le3A_824, %masked_sort3A_800, %rev3A_818 : vector<16xi1>, vector<16xf32>
          %select_n3A_826 = arith.select %le3A_824, %masked_sort3A_801, %rev3A_823 : vector<16xi1>, vector<16xi32>
          %select_n3A_827 = arith.select %le3A_824, %rev3A_818, %masked_sort3A_800 : vector<16xi1>, vector<16xf32>
          %select_n3A_828 = arith.select %le3A_824, %rev3A_823, %masked_sort3A_801 : vector<16xi1>, vector<16xi32>
          %masked_sort3A_829 = arith.constant dense<true> : vector<16xi1>
          %masked_sort3A_830, %masked_sort3A_831, %masked_sort3A_832 = tpu.sort %select_n3A_825, %select_n3A_826 masked %masked_sort3A_829 : (vector<16xf32>, vector<16xi32>, vector<16xi1>) -> (vector<16xi1>, vector<16xf32>, vector<16xi32>)
          %masked_sort3A_833 = arith.constant dense<true> : vector<16xi1>
          %masked_sort3A_834, %masked_sort3A_835, %masked_sort3A_836 = tpu.sort %select_n3A_827, %select_n3A_828 masked %masked_sort3A_833 : (vector<16xf32>, vector<16xi32>, vector<16xi1>) -> (vector<16xi1>, vector<16xf32>, vector<16xi32>)
          %rev3A_837 = arith.constant 15 : i32
          %rev3A_838 = vector.broadcast %rev3A_837 : i32 to vector<16xi32>
          %rev3A_839 = tpu.iota {dimensions = array<i32: 0>} : vector<16xi32>
          %rev3A_840 = arith.subi %rev3A_838, %rev3A_839 : vector<16xi32>
          %rev3A_841 = tpu.dynamic_gather %masked_sort3A_812[%rev3A_840] in [0] : vector<16xf32>, vector<16xi32> -> vector<16xf32>
          %rev3A_842 = arith.constant 15 : i32
          %rev3A_843 = vector.broadcast %rev3A_842 : i32 to vector<16xi32>
          %rev3A_844 = tpu.iota {dimensions = array<i32: 0>} : vector<16xi32>
          %rev3A_845 = arith.subi %rev3A_843, %rev3A_844 : vector<16xi32>
          %rev3A_846 = tpu.dynamic_gather %masked_sort3A_813[%rev3A_845] in [0] : vector<16xi32>, vector<16xi32> -> vector<16xi32>
          %le3A_847 = arith.cmpf ole, %masked_sort3A_808, %rev3A_841 : vector<16xf32>
          %select_n3A_848 = arith.select %le3A_847, %masked_sort3A_808, %rev3A_841 : vector<16xi1>, vector<16xf32>
          %select_n3A_849 = arith.select %le3A_847, %masked_sort3A_809, %rev3A_846 : vector<16xi1>, vector<16xi32>
          %select_n3A_850 = arith.select %le3A_847, %rev3A_841, %masked_sort3A_808 : vector<16xi1>, vector<16xf32>
          %select_n3A_851 = arith.select %le3A_847, %rev3A_846, %masked_sort3A_809 : vector<16xi1>, vector<16xi32>
          %masked_sort3A_852 = arith.constant dense<true> : vector<16xi1>
          %masked_sort3A_853, %masked_sort3A_854, %masked_sort3A_855 = tpu.sort %select_n3A_848, %select_n3A_849 masked %masked_sort3A_852 : (vector<16xf32>, vector<16xi32>, vector<16xi1>) -> (vector<16xi1>, vector<16xf32>, vector<16xi32>)
          %masked_sort3A_856 = arith.constant dense<true> : vector<16xi1>
          %masked_sort3A_857, %masked_sort3A_858, %masked_sort3A_859 = tpu.sort %select_n3A_850, %select_n3A_851 masked %masked_sort3A_856 : (vector<16xf32>, vector<16xi32>, vector<16xi1>) -> (vector<16xi1>, vector<16xf32>, vector<16xi32>)
          %rev3A_860 = arith.constant 15 : i32
          %rev3A_861 = vector.broadcast %rev3A_860 : i32 to vector<16xi32>
          %rev3A_862 = tpu.iota {dimensions = array<i32: 0>} : vector<16xi32>
          %rev3A_863 = arith.subi %rev3A_861, %rev3A_862 : vector<16xi32>
          %rev3A_864 = tpu.dynamic_gather %masked_sort3A_858[%rev3A_863] in [0] : vector<16xf32>, vector<16xi32> -> vector<16xf32>
          %rev3A_865 = arith.constant 15 : i32
          %rev3A_866 = vector.broadcast %rev3A_865 : i32 to vector<16xi32>
          %rev3A_867 = tpu.iota {dimensions = array<i32: 0>} : vector<16xi32>
          %rev3A_868 = arith.subi %rev3A_866, %rev3A_867 : vector<16xi32>
          %rev3A_869 = tpu.dynamic_gather %masked_sort3A_859[%rev3A_868] in [0] : vector<16xi32>, vector<16xi32> -> vector<16xi32>
          %le3A_870 = arith.cmpf ole, %masked_sort3A_831, %rev3A_864 : vector<16xf32>
          %select_n3A_871 = arith.select %le3A_870, %masked_sort3A_831, %rev3A_864 : vector<16xi1>, vector<16xf32>
          %select_n3A_872 = arith.select %le3A_870, %masked_sort3A_832, %rev3A_869 : vector<16xi1>, vector<16xi32>
          %select_n3A_873 = arith.select %le3A_870, %rev3A_864, %masked_sort3A_831 : vector<16xi1>, vector<16xf32>
          %select_n3A_874 = arith.select %le3A_870, %rev3A_869, %masked_sort3A_832 : vector<16xi1>, vector<16xi32>
          %rev3A_875 = arith.constant 15 : i32
          %rev3A_876 = vector.broadcast %rev3A_875 : i32 to vector<16xi32>
          %rev3A_877 = tpu.iota {dimensions = array<i32: 0>} : vector<16xi32>
          %rev3A_878 = arith.subi %rev3A_876, %rev3A_877 : vector<16xi32>
          %rev3A_879 = tpu.dynamic_gather %masked_sort3A_854[%rev3A_878] in [0] : vector<16xf32>, vector<16xi32> -> vector<16xf32>
          %rev3A_880 = arith.constant 15 : i32
          %rev3A_881 = vector.broadcast %rev3A_880 : i32 to vector<16xi32>
          %rev3A_882 = tpu.iota {dimensions = array<i32: 0>} : vector<16xi32>
          %rev3A_883 = arith.subi %rev3A_881, %rev3A_882 : vector<16xi32>
          %rev3A_884 = tpu.dynamic_gather %masked_sort3A_855[%rev3A_883] in [0] : vector<16xi32>, vector<16xi32> -> vector<16xi32>
          %le3A_885 = arith.cmpf ole, %masked_sort3A_835, %rev3A_879 : vector<16xf32>
          %select_n3A_886 = arith.select %le3A_885, %masked_sort3A_835, %rev3A_879 : vector<16xi1>, vector<16xf32>
          %select_n3A_887 = arith.select %le3A_885, %masked_sort3A_836, %rev3A_884 : vector<16xi1>, vector<16xi32>
          %select_n3A_888 = arith.select %le3A_885, %rev3A_879, %masked_sort3A_835 : vector<16xi1>, vector<16xf32>
          %select_n3A_889 = arith.select %le3A_885, %rev3A_884, %masked_sort3A_836 : vector<16xi1>, vector<16xi32>
          %le3A_890 = arith.cmpf ole, %select_n3A_871, %select_n3A_886 : vector<16xf32>
          %select_n3A_891 = arith.select %le3A_890, %select_n3A_871, %select_n3A_886 : vector<16xi1>, vector<16xf32>
          %select_n3A_892 = arith.select %le3A_890, %select_n3A_872, %select_n3A_887 : vector<16xi1>, vector<16xi32>
          %select_n3A_893 = arith.select %le3A_890, %select_n3A_886, %select_n3A_871 : vector<16xi1>, vector<16xf32>
          %select_n3A_894 = arith.select %le3A_890, %select_n3A_887, %select_n3A_872 : vector<16xi1>, vector<16xi32>
          %le3A_895 = arith.cmpf ole, %select_n3A_888, %select_n3A_873 : vector<16xf32>
          %select_n3A_896 = arith.select %le3A_895, %select_n3A_888, %select_n3A_873 : vector<16xi1>, vector<16xf32>
          %select_n3A_897 = arith.select %le3A_895, %select_n3A_889, %select_n3A_874 : vector<16xi1>, vector<16xi32>
          %select_n3A_898 = arith.select %le3A_895, %select_n3A_873, %select_n3A_888 : vector<16xi1>, vector<16xf32>
          %select_n3A_899 = arith.select %le3A_895, %select_n3A_874, %select_n3A_889 : vector<16xi1>, vector<16xi32>
          %masked_sort3A_900 = arith.constant dense<true> : vector<16xi1>
          %masked_sort3A_901, %masked_sort3A_902, %masked_sort3A_903 = tpu.sort %select_n3A_891, %select_n3A_892 masked %masked_sort3A_900 : (vector<16xf32>, vector<16xi32>, vector<16xi1>) -> (vector<16xi1>, vector<16xf32>, vector<16xi32>)
          %masked_sort3A_904 = arith.constant dense<true> : vector<16xi1>
          %masked_sort3A_905, %masked_sort3A_906, %masked_sort3A_907 = tpu.sort %select_n3A_893, %select_n3A_894 masked %masked_sort3A_904 : (vector<16xf32>, vector<16xi32>, vector<16xi1>) -> (vector<16xi1>, vector<16xf32>, vector<16xi32>)
          %masked_sort3A_908 = arith.constant dense<true> : vector<16xi1>
          %masked_sort3A_909, %masked_sort3A_910, %masked_sort3A_911 = tpu.sort %select_n3A_896, %select_n3A_897 masked %masked_sort3A_908 : (vector<16xf32>, vector<16xi32>, vector<16xi1>) -> (vector<16xi1>, vector<16xf32>, vector<16xi32>)
          %masked_sort3A_912 = arith.constant dense<true> : vector<16xi1>
          %masked_sort3A_913, %masked_sort3A_914, %masked_sort3A_915 = tpu.sort %select_n3A_898, %select_n3A_899 masked %masked_sort3A_912 : (vector<16xf32>, vector<16xi32>, vector<16xi1>) -> (vector<16xi1>, vector<16xf32>, vector<16xi32>)
          %get3A_916 = arith.constant 0 : index
          %get3A_917 = tpu.vector_load %arg8[%get3A_916] {strides = array<i32>} : memref<64xf32, #tpu.memory_space<vmem>>, vector<16xf32>,
          %get3A_918 = arith.constant 16 : index
          %get3A_919 = tpu.vector_load %arg8[%get3A_918] {strides = array<i32>} : memref<64xf32, #tpu.memory_space<vmem>>, vector<16xf32>,
          %get3A_920 = arith.constant 32 : index
          %get3A_921 = tpu.vector_load %arg8[%get3A_920] {strides = array<i32>} : memref<64xf32, #tpu.memory_space<vmem>>, vector<16xf32>,
          %get3A_922 = arith.constant 48 : index
          %get3A_923 = tpu.vector_load %arg8[%get3A_922] {strides = array<i32>} : memref<64xf32, #tpu.memory_space<vmem>>, vector<16xf32>,
          %get3A_924 = arith.constant 0 : index
          %get3A_925 = tpu.vector_load %arg9[%get3A_924] {strides = array<i32>} : memref<64xi32, #tpu.memory_space<vmem>>, vector<16xi32>,
          %get3A_926 = arith.constant 16 : index
          %get3A_927 = tpu.vector_load %arg9[%get3A_926] {strides = array<i32>} : memref<64xi32, #tpu.memory_space<vmem>>, vector<16xi32>,
          %get3A_928 = arith.constant 32 : index
          %get3A_929 = tpu.vector_load %arg9[%get3A_928] {strides = array<i32>} : memref<64xi32, #tpu.memory_space<vmem>>, vector<16xi32>,
          %get3A_930 = arith.constant 48 : index
          %get3A_931 = tpu.vector_load %arg9[%get3A_930] {strides = array<i32>} : memref<64xi32, #tpu.memory_space<vmem>>, vector<16xi32>,
          %rev3A_932 = arith.constant 15 : i32
          %rev3A_933 = vector.broadcast %rev3A_932 : i32 to vector<16xi32>
          %rev3A_934 = tpu.iota {dimensions = array<i32: 0>} : vector<16xi32>
          %rev3A_935 = arith.subi %rev3A_933, %rev3A_934 : vector<16xi32>
          %rev3A_936 = tpu.dynamic_gather %masked_sort3A_914[%rev3A_935] in [0] : vector<16xf32>, vector<16xi32> -> vector<16xf32>
          %rev3A_937 = arith.constant 15 : i32
          %rev3A_938 = vector.broadcast %rev3A_937 : i32 to vector<16xi32>
          %rev3A_939 = tpu.iota {dimensions = array<i32: 0>} : vector<16xi32>
          %rev3A_940 = arith.subi %rev3A_938, %rev3A_939 : vector<16xi32>
          %rev3A_941 = tpu.dynamic_gather %masked_sort3A_910[%rev3A_940] in [0] : vector<16xf32>, vector<16xi32> -> vector<16xf32>
          %rev3A_942 = arith.constant 15 : i32
          %rev3A_943 = vector.broadcast %rev3A_942 : i32 to vector<16xi32>
          %rev3A_944 = tpu.iota {dimensions = array<i32: 0>} : vector<16xi32>
          %rev3A_945 = arith.subi %rev3A_943, %rev3A_944 : vector<16xi32>
          %rev3A_946 = tpu.dynamic_gather %masked_sort3A_906[%rev3A_945] in [0] : vector<16xf32>, vector<16xi32> -> vector<16xf32>
          %rev3A_947 = arith.constant 15 : i32
          %rev3A_948 = vector.broadcast %rev3A_947 : i32 to vector<16xi32>
          %rev3A_949 = tpu.iota {dimensions = array<i32: 0>} : vector<16xi32>
          %rev3A_950 = arith.subi %rev3A_948, %rev3A_949 : vector<16xi32>
          %rev3A_951 = tpu.dynamic_gather %masked_sort3A_902[%rev3A_950] in [0] : vector<16xf32>, vector<16xi32> -> vector<16xf32>
          %rev3A_952 = arith.constant 15 : i32
          %rev3A_953 = vector.broadcast %rev3A_952 : i32 to vector<16xi32>
          %rev3A_954 = tpu.iota {dimensions = array<i32: 0>} : vector<16xi32>
          %rev3A_955 = arith.subi %rev3A_953, %rev3A_954 : vector<16xi32>
          %rev3A_956 = tpu.dynamic_gather %masked_sort3A_915[%rev3A_955] in [0] : vector<16xi32>, vector<16xi32> -> vector<16xi32>
          %rev3A_957 = arith.constant 15 : i32
          %rev3A_958 = vector.broadcast %rev3A_957 : i32 to vector<16xi32>
          %rev3A_959 = tpu.iota {dimensions = array<i32: 0>} : vector<16xi32>
          %rev3A_960 = arith.subi %rev3A_958, %rev3A_959 : vector<16xi32>
          %rev3A_961 = tpu.dynamic_gather %masked_sort3A_911[%rev3A_960] in [0] : vector<16xi32>, vector<16xi32> -> vector<16xi32>
          %rev3A_962 = arith.constant 15 : i32
          %rev3A_963 = vector.broadcast %rev3A_962 : i32 to vector<16xi32>
          %rev3A_964 = tpu.iota {dimensions = array<i32: 0>} : vector<16xi32>
          %rev3A_965 = arith.subi %rev3A_963, %rev3A_964 : vector<16xi32>
          %rev3A_966 = tpu.dynamic_gather %masked_sort3A_907[%rev3A_965] in [0] : vector<16xi32>, vector<16xi32> -> vector<16xi32>
          %rev3A_967 = arith.constant 15 : i32
          %rev3A_968 = vector.broadcast %rev3A_967 : i32 to vector<16xi32>
          %rev3A_969 = tpu.iota {dimensions = array<i32: 0>} : vector<16xi32>
          %rev3A_970 = arith.subi %rev3A_968, %rev3A_969 : vector<16xi32>
          %rev3A_971 = tpu.dynamic_gather %masked_sort3A_903[%rev3A_970] in [0] : vector<16xi32>, vector<16xi32> -> vector<16xi32>
          %le3A_972 = arith.cmpf ole, %get3A_917, %rev3A_936 : vector<16xf32>
          %select_n3A_973 = arith.select %le3A_972, %get3A_917, %rev3A_936 : vector<16xi1>, vector<16xf32>
          %select_n3A_974 = arith.select %le3A_972, %get3A_925, %rev3A_956 : vector<16xi1>, vector<16xi32>
          %le3A_975 = arith.cmpf ole, %get3A_919, %rev3A_941 : vector<16xf32>
          %select_n3A_976 = arith.select %le3A_975, %get3A_919, %rev3A_941 : vector<16xi1>, vector<16xf32>
          %select_n3A_977 = arith.select %le3A_975, %get3A_927, %rev3A_961 : vector<16xi1>, vector<16xi32>
          %le3A_978 = arith.cmpf ole, %get3A_921, %rev3A_946 : vector<16xf32>
          %select_n3A_979 = arith.select %le3A_978, %get3A_921, %rev3A_946 : vector<16xi1>, vector<16xf32>
          %select_n3A_980 = arith.select %le3A_978, %get3A_929, %rev3A_966 : vector<16xi1>, vector<16xi32>
          %le3A_981 = arith.cmpf ole, %get3A_923, %rev3A_951 : vector<16xf32>
          %select_n3A_982 = arith.select %le3A_981, %get3A_923, %rev3A_951 : vector<16xi1>, vector<16xf32>
          %select_n3A_983 = arith.select %le3A_981, %get3A_931, %rev3A_971 : vector<16xi1>, vector<16xi32>
          %le3A_984 = arith.cmpf ole, %select_n3A_973, %select_n3A_979 : vector<16xf32>
          %select_n3A_985 = arith.select %le3A_984, %select_n3A_973, %select_n3A_979 : vector<16xi1>, vector<16xf32>
          %select_n3A_986 = arith.select %le3A_984, %select_n3A_974, %select_n3A_980 : vector<16xi1>, vector<16xi32>
          %select_n3A_987 = arith.select %le3A_984, %select_n3A_979, %select_n3A_973 : vector<16xi1>, vector<16xf32>
          %select_n3A_988 = arith.select %le3A_984, %select_n3A_980, %select_n3A_974 : vector<16xi1>, vector<16xi32>
          %le3A_989 = arith.cmpf ole, %select_n3A_976, %select_n3A_982 : vector<16xf32>
          %select_n3A_990 = arith.select %le3A_989, %select_n3A_976, %select_n3A_982 : vector<16xi1>, vector<16xf32>
          %select_n3A_991 = arith.select %le3A_989, %select_n3A_977, %select_n3A_983 : vector<16xi1>, vector<16xi32>
          %select_n3A_992 = arith.select %le3A_989, %select_n3A_982, %select_n3A_976 : vector<16xi1>, vector<16xf32>
          %select_n3A_993 = arith.select %le3A_989, %select_n3A_983, %select_n3A_977 : vector<16xi1>, vector<16xi32>
          %le3A_994 = arith.cmpf ole, %select_n3A_985, %select_n3A_990 : vector<16xf32>
          %select_n3A_995 = arith.select %le3A_994, %select_n3A_985, %select_n3A_990 : vector<16xi1>, vector<16xf32>
          %select_n3A_996 = arith.select %le3A_994, %select_n3A_986, %select_n3A_991 : vector<16xi1>, vector<16xi32>
          %select_n3A_997 = arith.select %le3A_994, %select_n3A_990, %select_n3A_985 : vector<16xi1>, vector<16xf32>
          %select_n3A_998 = arith.select %le3A_994, %select_n3A_991, %select_n3A_986 : vector<16xi1>, vector<16xi32>
          %le3A_999 = arith.cmpf ole, %select_n3A_987, %select_n3A_992 : vector<16xf32>
          %select_n3A_1000 = arith.select %le3A_999, %select_n3A_987, %select_n3A_992 : vector<16xi1>, vector<16xf32>
          %select_n3A_1001 = arith.select %le3A_999, %select_n3A_988, %select_n3A_993 : vector<16xi1>, vector<16xi32>
          %select_n3A_1002 = arith.select %le3A_999, %select_n3A_992, %select_n3A_987 : vector<16xi1>, vector<16xf32>
          %select_n3A_1003 = arith.select %le3A_999, %select_n3A_993, %select_n3A_988 : vector<16xi1>, vector<16xi32>
          %masked_sort3A_1004 = arith.constant dense<true> : vector<16xi1>
          %masked_sort3A_1005, %masked_sort3A_1006, %masked_sort3A_1007 = tpu.sort %select_n3A_995, %select_n3A_996 masked %masked_sort3A_1004 : (vector<16xf32>, vector<16xi32>, vector<16xi1>) -> (vector<16xi1>, vector<16xf32>, vector<16xi32>)
          %masked_sort3A_1008 = arith.constant dense<true> : vector<16xi1>
          %masked_sort3A_1009, %masked_sort3A_1010, %masked_sort3A_1011 = tpu.sort %select_n3A_997, %select_n3A_998 masked %masked_sort3A_1008 : (vector<16xf32>, vector<16xi32>, vector<16xi1>) -> (vector<16xi1>, vector<16xf32>, vector<16xi32>)
          %masked_sort3A_1012 = arith.constant dense<true> : vector<16xi1>
          %masked_sort3A_1013, %masked_sort3A_1014, %masked_sort3A_1015 = tpu.sort %select_n3A_1000, %select_n3A_1001 masked %masked_sort3A_1012 : (vector<16xf32>, vector<16xi32>, vector<16xi1>) -> (vector<16xi1>, vector<16xf32>, vector<16xi32>)
          %masked_sort3A_1016 = arith.constant dense<true> : vector<16xi1>
          %masked_sort3A_1017, %masked_sort3A_1018, %masked_sort3A_1019 = tpu.sort %select_n3A_1002, %select_n3A_1003 masked %masked_sort3A_1016 : (vector<16xf32>, vector<16xi32>, vector<16xi1>) -> (vector<16xi1>, vector<16xf32>, vector<16xi32>)
          %swap3A_1020 = arith.constant 0 : index
          %swap3A_1021 = tpu.vector_load %arg8[%swap3A_1020] {strides = array<i32>} : memref<64xf32, #tpu.memory_space<vmem>>, vector<16xf32>,
          tpu.vector_store %arg8[%swap3A_1020], %masked_sort3A_1006 {strides = array<i32>} : memref<64xf32, #tpu.memory_space<vmem>>, vector<16xf32>,
          %swap3A_1022 = arith.constant 0 : index
          %swap3A_1023 = tpu.vector_load %arg9[%swap3A_1022] {strides = array<i32>} : memref<64xi32, #tpu.memory_space<vmem>>, vector<16xi32>,
          tpu.vector_store %arg9[%swap3A_1022], %masked_sort3A_1007 {strides = array<i32>} : memref<64xi32, #tpu.memory_space<vmem>>, vector<16xi32>,
          %swap3A_1024 = arith.constant 16 : index
          %swap3A_1025 = tpu.vector_load %arg8[%swap3A_1024] {strides = array<i32>} : memref<64xf32, #tpu.memory_space<vmem>>, vector<16xf32>,
          tpu.vector_store %arg8[%swap3A_1024], %masked_sort3A_1010 {strides = array<i32>} : memref<64xf32, #tpu.memory_space<vmem>>, vector<16xf32>,
          %swap3A_1026 = arith.constant 16 : index
          %swap3A_1027 = tpu.vector_load %arg9[%swap3A_1026] {strides = array<i32>} : memref<64xi32, #tpu.memory_space<vmem>>, vector<16xi32>,
          tpu.vector_store %arg9[%swap3A_1026], %masked_sort3A_1011 {strides = array<i32>} : memref<64xi32, #tpu.memory_space<vmem>>, vector<16xi32>,
          %swap3A_1028 = arith.constant 32 : index
          %swap3A_1029 = tpu.vector_load %arg8[%swap3A_1028] {strides = array<i32>} : memref<64xf32, #tpu.memory_space<vmem>>, vector<16xf32>,
          tpu.vector_store %arg8[%swap3A_1028], %masked_sort3A_1014 {strides = array<i32>} : memref<64xf32, #tpu.memory_space<vmem>>, vector<16xf32>,
          %swap3A_1030 = arith.constant 32 : index
          %swap3A_1031 = tpu.vector_load %arg9[%swap3A_1030] {strides = array<i32>} : memref<64xi32, #tpu.memory_space<vmem>>, vector<16xi32>,
          tpu.vector_store %arg9[%swap3A_1030], %masked_sort3A_1015 {strides = array<i32>} : memref<64xi32, #tpu.memory_space<vmem>>, vector<16xi32>,
          %swap3A_1032 = arith.constant 48 : index
          %swap3A_1033 = tpu.vector_load %arg8[%swap3A_1032] {strides = array<i32>} : memref<64xf32, #tpu.memory_space<vmem>>, vector<16xf32>,
          tpu.vector_store %arg8[%swap3A_1032], %masked_sort3A_1018 {strides = array<i32>} : memref<64xf32, #tpu.memory_space<vmem>>, vector<16xf32>,
          %swap3A_1034 = arith.constant 48 : index
          %swap3A_1035 = tpu.vector_load %arg9[%swap3A_1034] {strides = array<i32>} : memref<64xi32, #tpu.memory_space<vmem>>, vector<16xi32>,
          tpu.vector_store %arg9[%swap3A_1034], %masked_sort3A_1019 {strides = array<i32>} : memref<64xi32, #tpu.memory_space<vmem>>, vector<16xi32>,
          %reduce_max3A_1036 = arith.constant true
          %reduce_max3A_1037 = vector.broadcast %reduce_max3A_1036 : i1 to vector<16xi1>
          %reduce_max3A_1038 = tpu.scan <max>, %masked_sort3A_1018 masked %reduce_max3A_1037 : vector<16xf32>, vector<16xi1> -> vector<16xf32>
          %reduce_max3A_1039 = vector.extract %reduce_max3A_1038[15] : f32 from vector<16xf32>
          %swap3A_1040 = arith.constant 0 : i32
          %swap3A_1041 = arith.index_cast %swap3A_1040 : i32 to index
          %swap3A_1042 = memref.load %arg17[%swap3A_1041] : memref<1xf32, #tpu.memory_space<smem>>
          memref.store %reduce_max3A_1039, %arg17[%swap3A_1041] : memref<1xf32, #tpu.memory_space<smem>>
          %get3A_1043 = arith.constant 64 : index
          %get3A_1044 = tpu.vector_load %arg6[%get3A_1043] {strides = array<i32>} : memref<80xf32, #tpu.memory_space<vmem>>, vector<16xf32>,
          %swap3A_1045 = arith.constant 0 : index
          %swap3A_1046 = tpu.vector_load %arg6[%swap3A_1045] {strides = array<i32>} : memref<80xf32, #tpu.memory_space<vmem>>, vector<16xf32>,
          tpu.vector_store %arg6[%swap3A_1045], %get3A_1044 {strides = array<i32>} : memref<80xf32, #tpu.memory_space<vmem>>, vector<16xf32>,
          %get3A_1047 = arith.constant 64 : index
          %get3A_1048 = tpu.vector_load %arg7[%get3A_1047] {strides = array<i32>} : memref<80xi32, #tpu.memory_space<vmem>>, vector<16xi32>,
          %swap3A_1049 = arith.constant 0 : index
          %swap3A_1050 = tpu.vector_load %arg7[%swap3A_1049] {strides = array<i32>} : memref<80xi32, #tpu.memory_space<vmem>>, vector<16xi32>,
          tpu.vector_store %arg7[%swap3A_1049], %get3A_1048 {strides = array<i32>} : memref<80xi32, #tpu.memory_space<vmem>>, vector<16xi32>,
        } else {
        }
        %ge3A_614 = arith.constant 64 : i32
        %ge3A_615 = arith.cmpi sge, %add3A_608, %ge3A_614 : i32
        %sub3A_616 = arith.constant 64 : i32
        %sub3A_617 = arith.subi %add3A_608, %sub3A_616 : i32
        %select_n3A_618 = arith.select %ge3A_615, %sub3A_617, %add3A_608 : i32
        %get3A_619 = arith.constant 0 : i32
        %get3A_620 = arith.index_cast %get3A_619 : i32 to index
        %get3A_621 = memref.load %arg17[%get3A_620] : memref<1xf32, #tpu.memory_space<smem>>
        %lt3A_622 = vector.broadcast %get3A_621 : f32 to vector<16xf32>
        %lt3A_623 = arith.cmpf olt, %get3A_507, %lt3A_622 : vector<16xf32>
        %convert_element_type3A_624 = arith.extui %lt3A_623 : vector<16xi1> to vector<16xi32>
        %reduce_sum3A_625 = arith.constant true
        %reduce_sum3A_626 = vector.broadcast %reduce_sum3A_625 : i1 to vector<16xi1>
        %reduce_sum3A_627 = tpu.scan <sum>, %convert_element_type3A_624 masked %reduce_sum3A_626 : vector<16xi32>, vector<16xi1> -> vector<16xi32>
        %reduce_sum3A_628 = vector.extract %reduce_sum3A_627[15] : i32 from vector<16xi32>
        %gt3A_629 = arith.constant 0 : i32
        %gt3A_630 = arith.cmpi sgt, %reduce_sum3A_628, %gt3A_629 : i32
        %convert_element_type3A_631 = arith.extui %gt3A_630 : i1 to i32
        %cond3A_632 = arith.constant 0 : i32
        %cond3A_633 = arith.cmpi ne, %convert_element_type3A_631, %cond3A_632 : i32
        scf.if %cond3A_633 {
          %swap3A_752 = arith.index_cast %select_n3A_618 : i32 to index
          %swap3A_753 = tpu.vector_load %arg6[%swap3A_752] masked %lt3A_623 {strides = array<i32>} : memref<80xf32, #tpu.memory_space<vmem>>, vector<16xf32>, vector<16xi1>
          tpu.vector_store %arg6[%swap3A_752], %get3A_507 masked %lt3A_623 {strides = array<i32>} : memref<80xf32, #tpu.memory_space<vmem>>, vector<16xf32>, vector<16xi1>
          %add3A_754 = arith.addi %multiple_of3A, %mul3A_491 : i32
          %add3A_755 = arith.constant 48 : i32
          %add3A_756 = arith.addi %add3A_754, %add3A_755 : i32
          %add3A_757 = vector.broadcast %add3A_756 : i32 to vector<16xi32>
          %add3A_758 = arith.addi %add3A_757, %iota3A : vector<16xi32>
          %swap3A_759 = arith.index_cast %select_n3A_618 : i32 to index
          %swap3A_760 = tpu.vector_load %arg7[%swap3A_759] masked %lt3A_623 {strides = array<i32>} : memref<80xi32, #tpu.memory_space<vmem>>, vector<16xi32>, vector<16xi1>
          tpu.vector_store %arg7[%swap3A_759], %add3A_758 masked %lt3A_623 {strides = array<i32>} : memref<80xi32, #tpu.memory_space<vmem>>, vector<16xi32>, vector<16xi1>
        } else {
        }
        %add3A_634 = arith.addi %select_n3A_618, %reduce_sum3A_628 : i32
        %ge3A_635 = arith.constant 64 : i32
        %ge3A_636 = arith.cmpi sge, %add3A_634, %ge3A_635 : i32
        %convert_element_type3A_637 = arith.extui %ge3A_636 : i1 to i32
        %cond3A_638 = arith.constant 0 : i32
        %cond3A_639 = arith.cmpi ne, %convert_element_type3A_637, %cond3A_638 : i32
        scf.if %cond3A_639 {
          %add3A_752 = arith.constant 0 : i32
          %add3A_753 = vector.broadcast %add3A_752 : i32 to vector<16xi32>
          %add3A_754 = arith.addi %iota3A, %add3A_753 : vector<16xi32>
          %lt3A_755 = vector.broadcast %add3A_634 : i32 to vector<16xi32>
          %lt3A_756 = arith.cmpi slt, %add3A_754, %lt3A_755 : vector<16xi32>
          %get3A_757 = arith.constant 0 : index
          %get3A_758 = tpu.vector_load %arg6[%get3A_757] {strides = array<i32>} : memref<80xf32, #tpu.memory_space<vmem>>, vector<16xf32>,
          %jit3A = arith.constant 0x7F800000 : f32
          %broadcast_in_dim3A = vector.broadcast %jit3A : f32 to vector<16xf32>
          %select_n3A_759 = arith.select %lt3A_756, %get3A_758, %broadcast_in_dim3A : vector<16xi1>, vector<16xf32>
          %get3A_760 = arith.constant 0 : index
          %get3A_761 = tpu.vector_load %arg7[%get3A_760] {strides = array<i32>} : memref<80xi32, #tpu.memory_space<vmem>>, vector<16xi32>,
          %add3A_762 = arith.constant 16 : i32
          %add3A_763 = vector.broadcast %add3A_762 : i32 to vector<16xi32>
          %add3A_764 = arith.addi %iota3A, %add3A_763 : vector<16xi32>
          %lt3A_765 = vector.broadcast %add3A_634 : i32 to vector<16xi32>
          %lt3A_766 = arith.cmpi slt, %add3A_764, %lt3A_765 : vector<16xi32>
          %get3A_767 = arith.constant 16 : index
          %get3A_768 = tpu.vector_load %arg6[%get3A_767] {strides = array<i32>} : memref<80xf32, #tpu.memory_space<vmem>>, vector<16xf32>,
          %jit3A_769 = arith.constant 0x7F800000 : f32
          %broadcast_in_dim3A_770 = vector.broadcast %jit3A_769 : f32 to vector<16xf32>
          %select_n3A_771 = arith.select %lt3A_766, %get3A_768, %broadcast_in_dim3A_770 : vector<16xi1>, vector<16xf32>
          %get3A_772 = arith.constant 16 : index
          %get3A_773 = tpu.vector_load %arg7[%get3A_772] {strides = array<i32>} : memref<80xi32, #tpu.memory_space<vmem>>, vector<16xi32>,
          %add3A_774 = arith.constant 32 : i32
          %add3A_775 = vector.broadcast %add3A_774 : i32 to vector<16xi32>
          %add3A_776 = arith.addi %iota3A, %add3A_775 : vector<16xi32>
          %lt3A_777 = vector.broadcast %add3A_634 : i32 to vector<16xi32>
          %lt3A_778 = arith.cmpi slt, %add3A_776, %lt3A_777 : vector<16xi32>
          %get3A_779 = arith.constant 32 : index
          %get3A_780 = tpu.vector_load %arg6[%get3A_779] {strides = array<i32>} : memref<80xf32, #tpu.memory_space<vmem>>, vector<16xf32>,
          %jit3A_781 = arith.constant 0x7F800000 : f32
          %broadcast_in_dim3A_782 = vector.broadcast %jit3A_781 : f32 to vector<16xf32>
          %select_n3A_783 = arith.select %lt3A_778, %get3A_780, %broadcast_in_dim3A_782 : vector<16xi1>, vector<16xf32>
          %get3A_784 = arith.constant 32 : index
          %get3A_785 = tpu.vector_load %arg7[%get3A_784] {strides = array<i32>} : memref<80xi32, #tpu.memory_space<vmem>>, vector<16xi32>,
          %add3A_786 = arith.constant 48 : i32
          %add3A_787 = vector.broadcast %add3A_786 : i32 to vector<16xi32>
          %add3A_788 = arith.addi %iota3A, %add3A_787 : vector<16xi32>
          %lt3A_789 = vector.broadcast %add3A_634 : i32 to vector<16xi32>
          %lt3A_790 = arith.cmpi slt, %add3A_788, %lt3A_789 : vector<16xi32>
          %get3A_791 = arith.constant 48 : index
          %get3A_792 = tpu.vector_load %arg6[%get3A_791] {strides = array<i32>} : memref<80xf32, #tpu.memory_space<vmem>>, vector<16xf32>,
          %jit3A_793 = arith.constant 0x7F800000 : f32
          %broadcast_in_dim3A_794 = vector.broadcast %jit3A_793 : f32 to vector<16xf32>
          %select_n3A_795 = arith.select %lt3A_790, %get3A_792, %broadcast_in_dim3A_794 : vector<16xi1>, vector<16xf32>
          %get3A_796 = arith.constant 48 : index
          %get3A_797 = tpu.vector_load %arg7[%get3A_796] {strides = array<i32>} : memref<80xi32, #tpu.memory_space<vmem>>, vector<16xi32>,
          %masked_sort3A_798 = arith.constant dense<true> : vector<16xi1>
          %masked_sort3A_799, %masked_sort3A_800, %masked_sort3A_801 = tpu.sort %select_n3A_759, %get3A_761 masked %masked_sort3A_798 : (vector<16xf32>, vector<16xi32>, vector<16xi1>) -> (vector<16xi1>, vector<16xf32>, vector<16xi32>)
          %masked_sort3A_802 = arith.constant dense<true> : vector<16xi1>
          %masked_sort3A_803, %masked_sort3A_804, %masked_sort3A_805 = tpu.sort %select_n3A_771, %get3A_773 masked %masked_sort3A_802 : (vector<16xf32>, vector<16xi32>, vector<16xi1>) -> (vector<16xi1>, vector<16xf32>, vector<16xi32>)
          %masked_sort3A_806 = arith.constant dense<true> : vector<16xi1>
          %masked_sort3A_807, %masked_sort3A_808, %masked_sort3A_809 = tpu.sort %select_n3A_783, %get3A_785 masked %masked_sort3A_806 : (vector<16xf32>, vector<16xi32>, vector<16xi1>) -> (vector<16xi1>, vector<16xf32>, vector<16xi32>)
          %masked_sort3A_810 = arith.constant dense<true> : vector<16xi1>
          %masked_sort3A_811, %masked_sort3A_812, %masked_sort3A_813 = tpu.sort %select_n3A_795, %get3A_797 masked %masked_sort3A_810 : (vector<16xf32>, vector<16xi32>, vector<16xi1>) -> (vector<16xi1>, vector<16xf32>, vector<16xi32>)
          %rev3A_814 = arith.constant 15 : i32
          %rev3A_815 = vector.broadcast %rev3A_814 : i32 to vector<16xi32>
          %rev3A_816 = tpu.iota {dimensions = array<i32: 0>} : vector<16xi32>
          %rev3A_817 = arith.subi %rev3A_815, %rev3A_816 : vector<16xi32>
          %rev3A_818 = tpu.dynamic_gather %masked_sort3A_804[%rev3A_817] in [0] : vector<16xf32>, vector<16xi32> -> vector<16xf32>
          %rev3A_819 = arith.constant 15 : i32
          %rev3A_820 = vector.broadcast %rev3A_819 : i32 to vector<16xi32>
          %rev3A_821 = tpu.iota {dimensions = array<i32: 0>} : vector<16xi32>
          %rev3A_822 = arith.subi %rev3A_820, %rev3A_821 : vector<16xi32>
          %rev3A_823 = tpu.dynamic_gather %masked_sort3A_805[%rev3A_822] in [0] : vector<16xi32>, vector<16xi32> -> vector<16xi32>
          %le3A_824 = arith.cmpf ole, %masked_sort3A_800, %rev3A_818 : vector<16xf32>
          %select_n3A_825 = arith.select %le3A_824, %masked_sort3A_800, %rev3A_818 : vector<16xi1>, vector<16xf32>
          %select_n3A_826 = arith.select %le3A_824, %masked_sort3A_801, %rev3A_823 : vector<16xi1>, vector<16xi32>
          %select_n3A_827 = arith.select %le3A_824, %rev3A_818, %masked_sort3A_800 : vector<16xi1>, vector<16xf32>
          %select_n3A_828 = arith.select %le3A_824, %rev3A_823, %masked_sort3A_801 : vector<16xi1>, vector<16xi32>
          %masked_sort3A_829 = arith.constant dense<true> : vector<16xi1>
          %masked_sort3A_830, %masked_sort3A_831, %masked_sort3A_832 = tpu.sort %select_n3A_825, %select_n3A_826 masked %masked_sort3A_829 : (vector<16xf32>, vector<16xi32>, vector<16xi1>) -> (vector<16xi1>, vector<16xf32>, vector<16xi32>)
          %masked_sort3A_833 = arith.constant dense<true> : vector<16xi1>
          %masked_sort3A_834, %masked_sort3A_835, %masked_sort3A_836 = tpu.sort %select_n3A_827, %select_n3A_828 masked %masked_sort3A_833 : (vector<16xf32>, vector<16xi32>, vector<16xi1>) -> (vector<16xi1>, vector<16xf32>, vector<16xi32>)
          %rev3A_837 = arith.constant 15 : i32
          %rev3A_838 = vector.broadcast %rev3A_837 : i32 to vector<16xi32>
          %rev3A_839 = tpu.iota {dimensions = array<i32: 0>} : vector<16xi32>
          %rev3A_840 = arith.subi %rev3A_838, %rev3A_839 : vector<16xi32>
          %rev3A_841 = tpu.dynamic_gather %masked_sort3A_812[%rev3A_840] in [0] : vector<16xf32>, vector<16xi32> -> vector<16xf32>
          %rev3A_842 = arith.constant 15 : i32
          %rev3A_843 = vector.broadcast %rev3A_842 : i32 to vector<16xi32>
          %rev3A_844 = tpu.iota {dimensions = array<i32: 0>} : vector<16xi32>
          %rev3A_845 = arith.subi %rev3A_843, %rev3A_844 : vector<16xi32>
          %rev3A_846 = tpu.dynamic_gather %masked_sort3A_813[%rev3A_845] in [0] : vector<16xi32>, vector<16xi32> -> vector<16xi32>
          %le3A_847 = arith.cmpf ole, %masked_sort3A_808, %rev3A_841 : vector<16xf32>
          %select_n3A_848 = arith.select %le3A_847, %masked_sort3A_808, %rev3A_841 : vector<16xi1>, vector<16xf32>
          %select_n3A_849 = arith.select %le3A_847, %masked_sort3A_809, %rev3A_846 : vector<16xi1>, vector<16xi32>
          %select_n3A_850 = arith.select %le3A_847, %rev3A_841, %masked_sort3A_808 : vector<16xi1>, vector<16xf32>
          %select_n3A_851 = arith.select %le3A_847, %rev3A_846, %masked_sort3A_809 : vector<16xi1>, vector<16xi32>
          %masked_sort3A_852 = arith.constant dense<true> : vector<16xi1>
          %masked_sort3A_853, %masked_sort3A_854, %masked_sort3A_855 = tpu.sort %select_n3A_848, %select_n3A_849 masked %masked_sort3A_852 : (vector<16xf32>, vector<16xi32>, vector<16xi1>) -> (vector<16xi1>, vector<16xf32>, vector<16xi32>)
          %masked_sort3A_856 = arith.constant dense<true> : vector<16xi1>
          %masked_sort3A_857, %masked_sort3A_858, %masked_sort3A_859 = tpu.sort %select_n3A_850, %select_n3A_851 masked %masked_sort3A_856 : (vector<16xf32>, vector<16xi32>, vector<16xi1>) -> (vector<16xi1>, vector<16xf32>, vector<16xi32>)
          %rev3A_860 = arith.constant 15 : i32
          %rev3A_861 = vector.broadcast %rev3A_860 : i32 to vector<16xi32>
          %rev3A_862 = tpu.iota {dimensions = array<i32: 0>} : vector<16xi32>
          %rev3A_863 = arith.subi %rev3A_861, %rev3A_862 : vector<16xi32>
          %rev3A_864 = tpu.dynamic_gather %masked_sort3A_858[%rev3A_863] in [0] : vector<16xf32>, vector<16xi32> -> vector<16xf32>
          %rev3A_865 = arith.constant 15 : i32
          %rev3A_866 = vector.broadcast %rev3A_865 : i32 to vector<16xi32>
          %rev3A_867 = tpu.iota {dimensions = array<i32: 0>} : vector<16xi32>
          %rev3A_868 = arith.subi %rev3A_866, %rev3A_867 : vector<16xi32>
          %rev3A_869 = tpu.dynamic_gather %masked_sort3A_859[%rev3A_868] in [0] : vector<16xi32>, vector<16xi32> -> vector<16xi32>
          %le3A_870 = arith.cmpf ole, %masked_sort3A_831, %rev3A_864 : vector<16xf32>
          %select_n3A_871 = arith.select %le3A_870, %masked_sort3A_831, %rev3A_864 : vector<16xi1>, vector<16xf32>
          %select_n3A_872 = arith.select %le3A_870, %masked_sort3A_832, %rev3A_869 : vector<16xi1>, vector<16xi32>
          %select_n3A_873 = arith.select %le3A_870, %rev3A_864, %masked_sort3A_831 : vector<16xi1>, vector<16xf32>
          %select_n3A_874 = arith.select %le3A_870, %rev3A_869, %masked_sort3A_832 : vector<16xi1>, vector<16xi32>
          %rev3A_875 = arith.constant 15 : i32
          %rev3A_876 = vector.broadcast %rev3A_875 : i32 to vector<16xi32>
          %rev3A_877 = tpu.iota {dimensions = array<i32: 0>} : vector<16xi32>
          %rev3A_878 = arith.subi %rev3A_876, %rev3A_877 : vector<16xi32>
          %rev3A_879 = tpu.dynamic_gather %masked_sort3A_854[%rev3A_878] in [0] : vector<16xf32>, vector<16xi32> -> vector<16xf32>
          %rev3A_880 = arith.constant 15 : i32
          %rev3A_881 = vector.broadcast %rev3A_880 : i32 to vector<16xi32>
          %rev3A_882 = tpu.iota {dimensions = array<i32: 0>} : vector<16xi32>
          %rev3A_883 = arith.subi %rev3A_881, %rev3A_882 : vector<16xi32>
          %rev3A_884 = tpu.dynamic_gather %masked_sort3A_855[%rev3A_883] in [0] : vector<16xi32>, vector<16xi32> -> vector<16xi32>
          %le3A_885 = arith.cmpf ole, %masked_sort3A_835, %rev3A_879 : vector<16xf32>
          %select_n3A_886 = arith.select %le3A_885, %masked_sort3A_835, %rev3A_879 : vector<16xi1>, vector<16xf32>
          %select_n3A_887 = arith.select %le3A_885, %masked_sort3A_836, %rev3A_884 : vector<16xi1>, vector<16xi32>
          %select_n3A_888 = arith.select %le3A_885, %rev3A_879, %masked_sort3A_835 : vector<16xi1>, vector<16xf32>
          %select_n3A_889 = arith.select %le3A_885, %rev3A_884, %masked_sort3A_836 : vector<16xi1>, vector<16xi32>
          %le3A_890 = arith.cmpf ole, %select_n3A_871, %select_n3A_886 : vector<16xf32>
          %select_n3A_891 = arith.select %le3A_890, %select_n3A_871, %select_n3A_886 : vector<16xi1>, vector<16xf32>
          %select_n3A_892 = arith.select %le3A_890, %select_n3A_872, %select_n3A_887 : vector<16xi1>, vector<16xi32>
          %select_n3A_893 = arith.select %le3A_890, %select_n3A_886, %select_n3A_871 : vector<16xi1>, vector<16xf32>
          %select_n3A_894 = arith.select %le3A_890, %select_n3A_887, %select_n3A_872 : vector<16xi1>, vector<16xi32>
          %le3A_895 = arith.cmpf ole, %select_n3A_888, %select_n3A_873 : vector<16xf32>
          %select_n3A_896 = arith.select %le3A_895, %select_n3A_888, %select_n3A_873 : vector<16xi1>, vector<16xf32>
          %select_n3A_897 = arith.select %le3A_895, %select_n3A_889, %select_n3A_874 : vector<16xi1>, vector<16xi32>
          %select_n3A_898 = arith.select %le3A_895, %select_n3A_873, %select_n3A_888 : vector<16xi1>, vector<16xf32>
          %select_n3A_899 = arith.select %le3A_895, %select_n3A_874, %select_n3A_889 : vector<16xi1>, vector<16xi32>
          %masked_sort3A_900 = arith.constant dense<true> : vector<16xi1>
          %masked_sort3A_901, %masked_sort3A_902, %masked_sort3A_903 = tpu.sort %select_n3A_891, %select_n3A_892 masked %masked_sort3A_900 : (vector<16xf32>, vector<16xi32>, vector<16xi1>) -> (vector<16xi1>, vector<16xf32>, vector<16xi32>)
          %masked_sort3A_904 = arith.constant dense<true> : vector<16xi1>
          %masked_sort3A_905, %masked_sort3A_906, %masked_sort3A_907 = tpu.sort %select_n3A_893, %select_n3A_894 masked %masked_sort3A_904 : (vector<16xf32>, vector<16xi32>, vector<16xi1>) -> (vector<16xi1>, vector<16xf32>, vector<16xi32>)
          %masked_sort3A_908 = arith.constant dense<true> : vector<16xi1>
          %masked_sort3A_909, %masked_sort3A_910, %masked_sort3A_911 = tpu.sort %select_n3A_896, %select_n3A_897 masked %masked_sort3A_908 : (vector<16xf32>, vector<16xi32>, vector<16xi1>) -> (vector<16xi1>, vector<16xf32>, vector<16xi32>)
          %masked_sort3A_912 = arith.constant dense<true> : vector<16xi1>
          %masked_sort3A_913, %masked_sort3A_914, %masked_sort3A_915 = tpu.sort %select_n3A_898, %select_n3A_899 masked %masked_sort3A_912 : (vector<16xf32>, vector<16xi32>, vector<16xi1>) -> (vector<16xi1>, vector<16xf32>, vector<16xi32>)
          %get3A_916 = arith.constant 0 : index
          %get3A_917 = tpu.vector_load %arg8[%get3A_916] {strides = array<i32>} : memref<64xf32, #tpu.memory_space<vmem>>, vector<16xf32>,
          %get3A_918 = arith.constant 16 : index
          %get3A_919 = tpu.vector_load %arg8[%get3A_918] {strides = array<i32>} : memref<64xf32, #tpu.memory_space<vmem>>, vector<16xf32>,
          %get3A_920 = arith.constant 32 : index
          %get3A_921 = tpu.vector_load %arg8[%get3A_920] {strides = array<i32>} : memref<64xf32, #tpu.memory_space<vmem>>, vector<16xf32>,
          %get3A_922 = arith.constant 48 : index
          %get3A_923 = tpu.vector_load %arg8[%get3A_922] {strides = array<i32>} : memref<64xf32, #tpu.memory_space<vmem>>, vector<16xf32>,
          %get3A_924 = arith.constant 0 : index
          %get3A_925 = tpu.vector_load %arg9[%get3A_924] {strides = array<i32>} : memref<64xi32, #tpu.memory_space<vmem>>, vector<16xi32>,
          %get3A_926 = arith.constant 16 : index
          %get3A_927 = tpu.vector_load %arg9[%get3A_926] {strides = array<i32>} : memref<64xi32, #tpu.memory_space<vmem>>, vector<16xi32>,
          %get3A_928 = arith.constant 32 : index
          %get3A_929 = tpu.vector_load %arg9[%get3A_928] {strides = array<i32>} : memref<64xi32, #tpu.memory_space<vmem>>, vector<16xi32>,
          %get3A_930 = arith.constant 48 : index
          %get3A_931 = tpu.vector_load %arg9[%get3A_930] {strides = array<i32>} : memref<64xi32, #tpu.memory_space<vmem>>, vector<16xi32>,
          %rev3A_932 = arith.constant 15 : i32
          %rev3A_933 = vector.broadcast %rev3A_932 : i32 to vector<16xi32>
          %rev3A_934 = tpu.iota {dimensions = array<i32: 0>} : vector<16xi32>
          %rev3A_935 = arith.subi %rev3A_933, %rev3A_934 : vector<16xi32>
          %rev3A_936 = tpu.dynamic_gather %masked_sort3A_914[%rev3A_935] in [0] : vector<16xf32>, vector<16xi32> -> vector<16xf32>
          %rev3A_937 = arith.constant 15 : i32
          %rev3A_938 = vector.broadcast %rev3A_937 : i32 to vector<16xi32>
          %rev3A_939 = tpu.iota {dimensions = array<i32: 0>} : vector<16xi32>
          %rev3A_940 = arith.subi %rev3A_938, %rev3A_939 : vector<16xi32>
          %rev3A_941 = tpu.dynamic_gather %masked_sort3A_910[%rev3A_940] in [0] : vector<16xf32>, vector<16xi32> -> vector<16xf32>
          %rev3A_942 = arith.constant 15 : i32
          %rev3A_943 = vector.broadcast %rev3A_942 : i32 to vector<16xi32>
          %rev3A_944 = tpu.iota {dimensions = array<i32: 0>} : vector<16xi32>
          %rev3A_945 = arith.subi %rev3A_943, %rev3A_944 : vector<16xi32>
          %rev3A_946 = tpu.dynamic_gather %masked_sort3A_906[%rev3A_945] in [0] : vector<16xf32>, vector<16xi32> -> vector<16xf32>
          %rev3A_947 = arith.constant 15 : i32
          %rev3A_948 = vector.broadcast %rev3A_947 : i32 to vector<16xi32>
          %rev3A_949 = tpu.iota {dimensions = array<i32: 0>} : vector<16xi32>
          %rev3A_950 = arith.subi %rev3A_948, %rev3A_949 : vector<16xi32>
          %rev3A_951 = tpu.dynamic_gather %masked_sort3A_902[%rev3A_950] in [0] : vector<16xf32>, vector<16xi32> -> vector<16xf32>
          %rev3A_952 = arith.constant 15 : i32
          %rev3A_953 = vector.broadcast %rev3A_952 : i32 to vector<16xi32>
          %rev3A_954 = tpu.iota {dimensions = array<i32: 0>} : vector<16xi32>
          %rev3A_955 = arith.subi %rev3A_953, %rev3A_954 : vector<16xi32>
          %rev3A_956 = tpu.dynamic_gather %masked_sort3A_915[%rev3A_955] in [0] : vector<16xi32>, vector<16xi32> -> vector<16xi32>
          %rev3A_957 = arith.constant 15 : i32
          %rev3A_958 = vector.broadcast %rev3A_957 : i32 to vector<16xi32>
          %rev3A_959 = tpu.iota {dimensions = array<i32: 0>} : vector<16xi32>
          %rev3A_960 = arith.subi %rev3A_958, %rev3A_959 : vector<16xi32>
          %rev3A_961 = tpu.dynamic_gather %masked_sort3A_911[%rev3A_960] in [0] : vector<16xi32>, vector<16xi32> -> vector<16xi32>
          %rev3A_962 = arith.constant 15 : i32
          %rev3A_963 = vector.broadcast %rev3A_962 : i32 to vector<16xi32>
          %rev3A_964 = tpu.iota {dimensions = array<i32: 0>} : vector<16xi32>
          %rev3A_965 = arith.subi %rev3A_963, %rev3A_964 : vector<16xi32>
          %rev3A_966 = tpu.dynamic_gather %masked_sort3A_907[%rev3A_965] in [0] : vector<16xi32>, vector<16xi32> -> vector<16xi32>
          %rev3A_967 = arith.constant 15 : i32
          %rev3A_968 = vector.broadcast %rev3A_967 : i32 to vector<16xi32>
          %rev3A_969 = tpu.iota {dimensions = array<i32: 0>} : vector<16xi32>
          %rev3A_970 = arith.subi %rev3A_968, %rev3A_969 : vector<16xi32>
          %rev3A_971 = tpu.dynamic_gather %masked_sort3A_903[%rev3A_970] in [0] : vector<16xi32>, vector<16xi32> -> vector<16xi32>
          %le3A_972 = arith.cmpf ole, %get3A_917, %rev3A_936 : vector<16xf32>
          %select_n3A_973 = arith.select %le3A_972, %get3A_917, %rev3A_936 : vector<16xi1>, vector<16xf32>
          %select_n3A_974 = arith.select %le3A_972, %get3A_925, %rev3A_956 : vector<16xi1>, vector<16xi32>
          %le3A_975 = arith.cmpf ole, %get3A_919, %rev3A_941 : vector<16xf32>
          %select_n3A_976 = arith.select %le3A_975, %get3A_919, %rev3A_941 : vector<16xi1>, vector<16xf32>
          %select_n3A_977 = arith.select %le3A_975, %get3A_927, %rev3A_961 : vector<16xi1>, vector<16xi32>
          %le3A_978 = arith.cmpf ole, %get3A_921, %rev3A_946 : vector<16xf32>
          %select_n3A_979 = arith.select %le3A_978, %get3A_921, %rev3A_946 : vector<16xi1>, vector<16xf32>
          %select_n3A_980 = arith.select %le3A_978, %get3A_929, %rev3A_966 : vector<16xi1>, vector<16xi32>
          %le3A_981 = arith.cmpf ole, %get3A_923, %rev3A_951 : vector<16xf32>
          %select_n3A_982 = arith.select %le3A_981, %get3A_923, %rev3A_951 : vector<16xi1>, vector<16xf32>
          %select_n3A_983 = arith.select %le3A_981, %get3A_931, %rev3A_971 : vector<16xi1>, vector<16xi32>
          %le3A_984 = arith.cmpf ole, %select_n3A_973, %select_n3A_979 : vector<16xf32>
          %select_n3A_985 = arith.select %le3A_984, %select_n3A_973, %select_n3A_979 : vector<16xi1>, vector<16xf32>
          %select_n3A_986 = arith.select %le3A_984, %select_n3A_974, %select_n3A_980 : vector<16xi1>, vector<16xi32>
          %select_n3A_987 = arith.select %le3A_984, %select_n3A_979, %select_n3A_973 : vector<16xi1>, vector<16xf32>
          %select_n3A_988 = arith.select %le3A_984, %select_n3A_980, %select_n3A_974 : vector<16xi1>, vector<16xi32>
          %le3A_989 = arith.cmpf ole, %select_n3A_976, %select_n3A_982 : vector<16xf32>
          %select_n3A_990 = arith.select %le3A_989, %select_n3A_976, %select_n3A_982 : vector<16xi1>, vector<16xf32>
          %select_n3A_991 = arith.select %le3A_989, %select_n3A_977, %select_n3A_983 : vector<16xi1>, vector<16xi32>
          %select_n3A_992 = arith.select %le3A_989, %select_n3A_982, %select_n3A_976 : vector<16xi1>, vector<16xf32>
          %select_n3A_993 = arith.select %le3A_989, %select_n3A_983, %select_n3A_977 : vector<16xi1>, vector<16xi32>
          %le3A_994 = arith.cmpf ole, %select_n3A_985, %select_n3A_990 : vector<16xf32>
          %select_n3A_995 = arith.select %le3A_994, %select_n3A_985, %select_n3A_990 : vector<16xi1>, vector<16xf32>
          %select_n3A_996 = arith.select %le3A_994, %select_n3A_986, %select_n3A_991 : vector<16xi1>, vector<16xi32>
          %select_n3A_997 = arith.select %le3A_994, %select_n3A_990, %select_n3A_985 : vector<16xi1>, vector<16xf32>
          %select_n3A_998 = arith.select %le3A_994, %select_n3A_991, %select_n3A_986 : vector<16xi1>, vector<16xi32>
          %le3A_999 = arith.cmpf ole, %select_n3A_987, %select_n3A_992 : vector<16xf32>
          %select_n3A_1000 = arith.select %le3A_999, %select_n3A_987, %select_n3A_992 : vector<16xi1>, vector<16xf32>
          %select_n3A_1001 = arith.select %le3A_999, %select_n3A_988, %select_n3A_993 : vector<16xi1>, vector<16xi32>
          %select_n3A_1002 = arith.select %le3A_999, %select_n3A_992, %select_n3A_987 : vector<16xi1>, vector<16xf32>
          %select_n3A_1003 = arith.select %le3A_999, %select_n3A_993, %select_n3A_988 : vector<16xi1>, vector<16xi32>
          %masked_sort3A_1004 = arith.constant dense<true> : vector<16xi1>
          %masked_sort3A_1005, %masked_sort3A_1006, %masked_sort3A_1007 = tpu.sort %select_n3A_995, %select_n3A_996 masked %masked_sort3A_1004 : (vector<16xf32>, vector<16xi32>, vector<16xi1>) -> (vector<16xi1>, vector<16xf32>, vector<16xi32>)
          %masked_sort3A_1008 = arith.constant dense<true> : vector<16xi1>
          %masked_sort3A_1009, %masked_sort3A_1010, %masked_sort3A_1011 = tpu.sort %select_n3A_997, %select_n3A_998 masked %masked_sort3A_1008 : (vector<16xf32>, vector<16xi32>, vector<16xi1>) -> (vector<16xi1>, vector<16xf32>, vector<16xi32>)
          %masked_sort3A_1012 = arith.constant dense<true> : vector<16xi1>
          %masked_sort3A_1013, %masked_sort3A_1014, %masked_sort3A_1015 = tpu.sort %select_n3A_1000, %select_n3A_1001 masked %masked_sort3A_1012 : (vector<16xf32>, vector<16xi32>, vector<16xi1>) -> (vector<16xi1>, vector<16xf32>, vector<16xi32>)
          %masked_sort3A_1016 = arith.constant dense<true> : vector<16xi1>
          %masked_sort3A_1017, %masked_sort3A_1018, %masked_sort3A_1019 = tpu.sort %select_n3A_1002, %select_n3A_1003 masked %masked_sort3A_1016 : (vector<16xf32>, vector<16xi32>, vector<16xi1>) -> (vector<16xi1>, vector<16xf32>, vector<16xi32>)
          %swap3A_1020 = arith.constant 0 : index
          %swap3A_1021 = tpu.vector_load %arg8[%swap3A_1020] {strides = array<i32>} : memref<64xf32, #tpu.memory_space<vmem>>, vector<16xf32>,
          tpu.vector_store %arg8[%swap3A_1020], %masked_sort3A_1006 {strides = array<i32>} : memref<64xf32, #tpu.memory_space<vmem>>, vector<16xf32>,
          %swap3A_1022 = arith.constant 0 : index
          %swap3A_1023 = tpu.vector_load %arg9[%swap3A_1022] {strides = array<i32>} : memref<64xi32, #tpu.memory_space<vmem>>, vector<16xi32>,
          tpu.vector_store %arg9[%swap3A_1022], %masked_sort3A_1007 {strides = array<i32>} : memref<64xi32, #tpu.memory_space<vmem>>, vector<16xi32>,
          %swap3A_1024 = arith.constant 16 : index
          %swap3A_1025 = tpu.vector_load %arg8[%swap3A_1024] {strides = array<i32>} : memref<64xf32, #tpu.memory_space<vmem>>, vector<16xf32>,
          tpu.vector_store %arg8[%swap3A_1024], %masked_sort3A_1010 {strides = array<i32>} : memref<64xf32, #tpu.memory_space<vmem>>, vector<16xf32>,
          %swap3A_1026 = arith.constant 16 : index
          %swap3A_1027 = tpu.vector_load %arg9[%swap3A_1026] {strides = array<i32>} : memref<64xi32, #tpu.memory_space<vmem>>, vector<16xi32>,
          tpu.vector_store %arg9[%swap3A_1026], %masked_sort3A_1011 {strides = array<i32>} : memref<64xi32, #tpu.memory_space<vmem>>, vector<16xi32>,
          %swap3A_1028 = arith.constant 32 : index
          %swap3A_1029 = tpu.vector_load %arg8[%swap3A_1028] {strides = array<i32>} : memref<64xf32, #tpu.memory_space<vmem>>, vector<16xf32>,
          tpu.vector_store %arg8[%swap3A_1028], %masked_sort3A_1014 {strides = array<i32>} : memref<64xf32, #tpu.memory_space<vmem>>, vector<16xf32>,
          %swap3A_1030 = arith.constant 32 : index
          %swap3A_1031 = tpu.vector_load %arg9[%swap3A_1030] {strides = array<i32>} : memref<64xi32, #tpu.memory_space<vmem>>, vector<16xi32>,
          tpu.vector_store %arg9[%swap3A_1030], %masked_sort3A_1015 {strides = array<i32>} : memref<64xi32, #tpu.memory_space<vmem>>, vector<16xi32>,
          %swap3A_1032 = arith.constant 48 : index
          %swap3A_1033 = tpu.vector_load %arg8[%swap3A_1032] {strides = array<i32>} : memref<64xf32, #tpu.memory_space<vmem>>, vector<16xf32>,
          tpu.vector_store %arg8[%swap3A_1032], %masked_sort3A_1018 {strides = array<i32>} : memref<64xf32, #tpu.memory_space<vmem>>, vector<16xf32>,
          %swap3A_1034 = arith.constant 48 : index
          %swap3A_1035 = tpu.vector_load %arg9[%swap3A_1034] {strides = array<i32>} : memref<64xi32, #tpu.memory_space<vmem>>, vector<16xi32>,
          tpu.vector_store %arg9[%swap3A_1034], %masked_sort3A_1019 {strides = array<i32>} : memref<64xi32, #tpu.memory_space<vmem>>, vector<16xi32>,
          %reduce_max3A_1036 = arith.constant true
          %reduce_max3A_1037 = vector.broadcast %reduce_max3A_1036 : i1 to vector<16xi1>
          %reduce_max3A_1038 = tpu.scan <max>, %masked_sort3A_1018 masked %reduce_max3A_1037 : vector<16xf32>, vector<16xi1> -> vector<16xf32>
          %reduce_max3A_1039 = vector.extract %reduce_max3A_1038[15] : f32 from vector<16xf32>
          %swap3A_1040 = arith.constant 0 : i32
          %swap3A_1041 = arith.index_cast %swap3A_1040 : i32 to index
          %swap3A_1042 = memref.load %arg17[%swap3A_1041] : memref<1xf32, #tpu.memory_space<smem>>
          memref.store %reduce_max3A_1039, %arg17[%swap3A_1041] : memref<1xf32, #tpu.memory_space<smem>>
          %get3A_1043 = arith.constant 64 : index
          %get3A_1044 = tpu.vector_load %arg6[%get3A_1043] {strides = array<i32>} : memref<80xf32, #tpu.memory_space<vmem>>, vector<16xf32>,
          %swap3A_1045 = arith.constant 0 : index
          %swap3A_1046 = tpu.vector_load %arg6[%swap3A_1045] {strides = array<i32>} : memref<80xf32, #tpu.memory_space<vmem>>, vector<16xf32>,
          tpu.vector_store %arg6[%swap3A_1045], %get3A_1044 {strides = array<i32>} : memref<80xf32, #tpu.memory_space<vmem>>, vector<16xf32>,
          %get3A_1047 = arith.constant 64 : index
          %get3A_1048 = tpu.vector_load %arg7[%get3A_1047] {strides = array<i32>} : memref<80xi32, #tpu.memory_space<vmem>>, vector<16xi32>,
          %swap3A_1049 = arith.constant 0 : index
          %swap3A_1050 = tpu.vector_load %arg7[%swap3A_1049] {strides = array<i32>} : memref<80xi32, #tpu.memory_space<vmem>>, vector<16xi32>,
          tpu.vector_store %arg7[%swap3A_1049], %get3A_1048 {strides = array<i32>} : memref<80xi32, #tpu.memory_space<vmem>>, vector<16xi32>,
        } else {
        }
        %ge3A_640 = arith.constant 64 : i32
        %ge3A_641 = arith.cmpi sge, %add3A_634, %ge3A_640 : i32
        %sub3A_642 = arith.constant 64 : i32
        %sub3A_643 = arith.subi %add3A_634, %sub3A_642 : i32
        %select_n3A_644 = arith.select %ge3A_641, %sub3A_643, %add3A_634 : i32
        %get3A_645 = arith.constant 0 : i32
        %get3A_646 = arith.index_cast %get3A_645 : i32 to index
        %get3A_647 = memref.load %arg17[%get3A_646] : memref<1xf32, #tpu.memory_space<smem>>
        %lt3A_648 = vector.broadcast %get3A_647 : f32 to vector<16xf32>
        %lt3A_649 = arith.cmpf olt, %get3A_511, %lt3A_648 : vector<16xf32>
        %convert_element_type3A_650 = arith.extui %lt3A_649 : vector<16xi1> to vector<16xi32>
        %reduce_sum3A_651 = arith.constant true
        %reduce_sum3A_652 = vector.broadcast %reduce_sum3A_651 : i1 to vector<16xi1>
        %reduce_sum3A_653 = tpu.scan <sum>, %convert_element_type3A_650 masked %reduce_sum3A_652 : vector<16xi32>, vector<16xi1> -> vector<16xi32>
        %reduce_sum3A_654 = vector.extract %reduce_sum3A_653[15] : i32 from vector<16xi32>
        %gt3A_655 = arith.constant 0 : i32
        %gt3A_656 = arith.cmpi sgt, %reduce_sum3A_654, %gt3A_655 : i32
        %convert_element_type3A_657 = arith.extui %gt3A_656 : i1 to i32
        %cond3A_658 = arith.constant 0 : i32
        %cond3A_659 = arith.cmpi ne, %convert_element_type3A_657, %cond3A_658 : i32
        scf.if %cond3A_659 {
          %swap3A_752 = arith.index_cast %select_n3A_644 : i32 to index
          %swap3A_753 = tpu.vector_load %arg6[%swap3A_752] masked %lt3A_649 {strides = array<i32>} : memref<80xf32, #tpu.memory_space<vmem>>, vector<16xf32>, vector<16xi1>
          tpu.vector_store %arg6[%swap3A_752], %get3A_511 masked %lt3A_649 {strides = array<i32>} : memref<80xf32, #tpu.memory_space<vmem>>, vector<16xf32>, vector<16xi1>
          %add3A_754 = arith.addi %multiple_of3A, %mul3A_491 : i32
          %add3A_755 = arith.constant 64 : i32
          %add3A_756 = arith.addi %add3A_754, %add3A_755 : i32
          %add3A_757 = vector.broadcast %add3A_756 : i32 to vector<16xi32>
          %add3A_758 = arith.addi %add3A_757, %iota3A : vector<16xi32>
          %swap3A_759 = arith.index_cast %select_n3A_644 : i32 to index
          %swap3A_760 = tpu.vector_load %arg7[%swap3A_759] masked %lt3A_649 {strides = array<i32>} : memref<80xi32, #tpu.memory_space<vmem>>, vector<16xi32>, vector<16xi1>
          tpu.vector_store %arg7[%swap3A_759], %add3A_758 masked %lt3A_649 {strides = array<i32>} : memref<80xi32, #tpu.memory_space<vmem>>, vector<16xi32>, vector<16xi1>
        } else {
        }
        %add3A_660 = arith.addi %select_n3A_644, %reduce_sum3A_654 : i32
        %ge3A_661 = arith.constant 64 : i32
        %ge3A_662 = arith.cmpi sge, %add3A_660, %ge3A_661 : i32
        %convert_element_type3A_663 = arith.extui %ge3A_662 : i1 to i32
        %cond3A_664 = arith.constant 0 : i32
        %cond3A_665 = arith.cmpi ne, %convert_element_type3A_663, %cond3A_664 : i32
        scf.if %cond3A_665 {
          %add3A_752 = arith.constant 0 : i32
          %add3A_753 = vector.broadcast %add3A_752 : i32 to vector<16xi32>
          %add3A_754 = arith.addi %iota3A, %add3A_753 : vector<16xi32>
          %lt3A_755 = vector.broadcast %add3A_660 : i32 to vector<16xi32>
          %lt3A_756 = arith.cmpi slt, %add3A_754, %lt3A_755 : vector<16xi32>
          %get3A_757 = arith.constant 0 : index
          %get3A_758 = tpu.vector_load %arg6[%get3A_757] {strides = array<i32>} : memref<80xf32, #tpu.memory_space<vmem>>, vector<16xf32>,
          %jit3A = arith.constant 0x7F800000 : f32
          %broadcast_in_dim3A = vector.broadcast %jit3A : f32 to vector<16xf32>
          %select_n3A_759 = arith.select %lt3A_756, %get3A_758, %broadcast_in_dim3A : vector<16xi1>, vector<16xf32>
          %get3A_760 = arith.constant 0 : index
          %get3A_761 = tpu.vector_load %arg7[%get3A_760] {strides = array<i32>} : memref<80xi32, #tpu.memory_space<vmem>>, vector<16xi32>,
          %add3A_762 = arith.constant 16 : i32
          %add3A_763 = vector.broadcast %add3A_762 : i32 to vector<16xi32>
          %add3A_764 = arith.addi %iota3A, %add3A_763 : vector<16xi32>
          %lt3A_765 = vector.broadcast %add3A_660 : i32 to vector<16xi32>
          %lt3A_766 = arith.cmpi slt, %add3A_764, %lt3A_765 : vector<16xi32>
          %get3A_767 = arith.constant 16 : index
          %get3A_768 = tpu.vector_load %arg6[%get3A_767] {strides = array<i32>} : memref<80xf32, #tpu.memory_space<vmem>>, vector<16xf32>,
          %jit3A_769 = arith.constant 0x7F800000 : f32
          %broadcast_in_dim3A_770 = vector.broadcast %jit3A_769 : f32 to vector<16xf32>
          %select_n3A_771 = arith.select %lt3A_766, %get3A_768, %broadcast_in_dim3A_770 : vector<16xi1>, vector<16xf32>
          %get3A_772 = arith.constant 16 : index
          %get3A_773 = tpu.vector_load %arg7[%get3A_772] {strides = array<i32>} : memref<80xi32, #tpu.memory_space<vmem>>, vector<16xi32>,
          %add3A_774 = arith.constant 32 : i32
          %add3A_775 = vector.broadcast %add3A_774 : i32 to vector<16xi32>
          %add3A_776 = arith.addi %iota3A, %add3A_775 : vector<16xi32>
          %lt3A_777 = vector.broadcast %add3A_660 : i32 to vector<16xi32>
          %lt3A_778 = arith.cmpi slt, %add3A_776, %lt3A_777 : vector<16xi32>
          %get3A_779 = arith.constant 32 : index
          %get3A_780 = tpu.vector_load %arg6[%get3A_779] {strides = array<i32>} : memref<80xf32, #tpu.memory_space<vmem>>, vector<16xf32>,
          %jit3A_781 = arith.constant 0x7F800000 : f32
          %broadcast_in_dim3A_782 = vector.broadcast %jit3A_781 : f32 to vector<16xf32>
          %select_n3A_783 = arith.select %lt3A_778, %get3A_780, %broadcast_in_dim3A_782 : vector<16xi1>, vector<16xf32>
          %get3A_784 = arith.constant 32 : index
          %get3A_785 = tpu.vector_load %arg7[%get3A_784] {strides = array<i32>} : memref<80xi32, #tpu.memory_space<vmem>>, vector<16xi32>,
          %add3A_786 = arith.constant 48 : i32
          %add3A_787 = vector.broadcast %add3A_786 : i32 to vector<16xi32>
          %add3A_788 = arith.addi %iota3A, %add3A_787 : vector<16xi32>
          %lt3A_789 = vector.broadcast %add3A_660 : i32 to vector<16xi32>
          %lt3A_790 = arith.cmpi slt, %add3A_788, %lt3A_789 : vector<16xi32>
          %get3A_791 = arith.constant 48 : index
          %get3A_792 = tpu.vector_load %arg6[%get3A_791] {strides = array<i32>} : memref<80xf32, #tpu.memory_space<vmem>>, vector<16xf32>,
          %jit3A_793 = arith.constant 0x7F800000 : f32
          %broadcast_in_dim3A_794 = vector.broadcast %jit3A_793 : f32 to vector<16xf32>
          %select_n3A_795 = arith.select %lt3A_790, %get3A_792, %broadcast_in_dim3A_794 : vector<16xi1>, vector<16xf32>
          %get3A_796 = arith.constant 48 : index
          %get3A_797 = tpu.vector_load %arg7[%get3A_796] {strides = array<i32>} : memref<80xi32, #tpu.memory_space<vmem>>, vector<16xi32>,
          %masked_sort3A_798 = arith.constant dense<true> : vector<16xi1>
          %masked_sort3A_799, %masked_sort3A_800, %masked_sort3A_801 = tpu.sort %select_n3A_759, %get3A_761 masked %masked_sort3A_798 : (vector<16xf32>, vector<16xi32>, vector<16xi1>) -> (vector<16xi1>, vector<16xf32>, vector<16xi32>)
          %masked_sort3A_802 = arith.constant dense<true> : vector<16xi1>
          %masked_sort3A_803, %masked_sort3A_804, %masked_sort3A_805 = tpu.sort %select_n3A_771, %get3A_773 masked %masked_sort3A_802 : (vector<16xf32>, vector<16xi32>, vector<16xi1>) -> (vector<16xi1>, vector<16xf32>, vector<16xi32>)
          %masked_sort3A_806 = arith.constant dense<true> : vector<16xi1>
          %masked_sort3A_807, %masked_sort3A_808, %masked_sort3A_809 = tpu.sort %select_n3A_783, %get3A_785 masked %masked_sort3A_806 : (vector<16xf32>, vector<16xi32>, vector<16xi1>) -> (vector<16xi1>, vector<16xf32>, vector<16xi32>)
          %masked_sort3A_810 = arith.constant dense<true> : vector<16xi1>
          %masked_sort3A_811, %masked_sort3A_812, %masked_sort3A_813 = tpu.sort %select_n3A_795, %get3A_797 masked %masked_sort3A_810 : (vector<16xf32>, vector<16xi32>, vector<16xi1>) -> (vector<16xi1>, vector<16xf32>, vector<16xi32>)
          %rev3A_814 = arith.constant 15 : i32
          %rev3A_815 = vector.broadcast %rev3A_814 : i32 to vector<16xi32>
          %rev3A_816 = tpu.iota {dimensions = array<i32: 0>} : vector<16xi32>
          %rev3A_817 = arith.subi %rev3A_815, %rev3A_816 : vector<16xi32>
          %rev3A_818 = tpu.dynamic_gather %masked_sort3A_804[%rev3A_817] in [0] : vector<16xf32>, vector<16xi32> -> vector<16xf32>
          %rev3A_819 = arith.constant 15 : i32
          %rev3A_820 = vector.broadcast %rev3A_819 : i32 to vector<16xi32>
          %rev3A_821 = tpu.iota {dimensions = array<i32: 0>} : vector<16xi32>
          %rev3A_822 = arith.subi %rev3A_820, %rev3A_821 : vector<16xi32>
          %rev3A_823 = tpu.dynamic_gather %masked_sort3A_805[%rev3A_822] in [0] : vector<16xi32>, vector<16xi32> -> vector<16xi32>
          %le3A_824 = arith.cmpf ole, %masked_sort3A_800, %rev3A_818 : vector<16xf32>
          %select_n3A_825 = arith.select %le3A_824, %masked_sort3A_800, %rev3A_818 : vector<16xi1>, vector<16xf32>
          %select_n3A_826 = arith.select %le3A_824, %masked_sort3A_801, %rev3A_823 : vector<16xi1>, vector<16xi32>
          %select_n3A_827 = arith.select %le3A_824, %rev3A_818, %masked_sort3A_800 : vector<16xi1>, vector<16xf32>
          %select_n3A_828 = arith.select %le3A_824, %rev3A_823, %masked_sort3A_801 : vector<16xi1>, vector<16xi32>
          %masked_sort3A_829 = arith.constant dense<true> : vector<16xi1>
          %masked_sort3A_830, %masked_sort3A_831, %masked_sort3A_832 = tpu.sort %select_n3A_825, %select_n3A_826 masked %masked_sort3A_829 : (vector<16xf32>, vector<16xi32>, vector<16xi1>) -> (vector<16xi1>, vector<16xf32>, vector<16xi32>)
          %masked_sort3A_833 = arith.constant dense<true> : vector<16xi1>
          %masked_sort3A_834, %masked_sort3A_835, %masked_sort3A_836 = tpu.sort %select_n3A_827, %select_n3A_828 masked %masked_sort3A_833 : (vector<16xf32>, vector<16xi32>, vector<16xi1>) -> (vector<16xi1>, vector<16xf32>, vector<16xi32>)
          %rev3A_837 = arith.constant 15 : i32
          %rev3A_838 = vector.broadcast %rev3A_837 : i32 to vector<16xi32>
          %rev3A_839 = tpu.iota {dimensions = array<i32: 0>} : vector<16xi32>
          %rev3A_840 = arith.subi %rev3A_838, %rev3A_839 : vector<16xi32>
          %rev3A_841 = tpu.dynamic_gather %masked_sort3A_812[%rev3A_840] in [0] : vector<16xf32>, vector<16xi32> -> vector<16xf32>
          %rev3A_842 = arith.constant 15 : i32
          %rev3A_843 = vector.broadcast %rev3A_842 : i32 to vector<16xi32>
          %rev3A_844 = tpu.iota {dimensions = array<i32: 0>} : vector<16xi32>
          %rev3A_845 = arith.subi %rev3A_843, %rev3A_844 : vector<16xi32>
          %rev3A_846 = tpu.dynamic_gather %masked_sort3A_813[%rev3A_845] in [0] : vector<16xi32>, vector<16xi32> -> vector<16xi32>
          %le3A_847 = arith.cmpf ole, %masked_sort3A_808, %rev3A_841 : vector<16xf32>
          %select_n3A_848 = arith.select %le3A_847, %masked_sort3A_808, %rev3A_841 : vector<16xi1>, vector<16xf32>
          %select_n3A_849 = arith.select %le3A_847, %masked_sort3A_809, %rev3A_846 : vector<16xi1>, vector<16xi32>
          %select_n3A_850 = arith.select %le3A_847, %rev3A_841, %masked_sort3A_808 : vector<16xi1>, vector<16xf32>
          %select_n3A_851 = arith.select %le3A_847, %rev3A_846, %masked_sort3A_809 : vector<16xi1>, vector<16xi32>
          %masked_sort3A_852 = arith.constant dense<true> : vector<16xi1>
          %masked_sort3A_853, %masked_sort3A_854, %masked_sort3A_855 = tpu.sort %select_n3A_848, %select_n3A_849 masked %masked_sort3A_852 : (vector<16xf32>, vector<16xi32>, vector<16xi1>) -> (vector<16xi1>, vector<16xf32>, vector<16xi32>)
          %masked_sort3A_856 = arith.constant dense<true> : vector<16xi1>
          %masked_sort3A_857, %masked_sort3A_858, %masked_sort3A_859 = tpu.sort %select_n3A_850, %select_n3A_851 masked %masked_sort3A_856 : (vector<16xf32>, vector<16xi32>, vector<16xi1>) -> (vector<16xi1>, vector<16xf32>, vector<16xi32>)
          %rev3A_860 = arith.constant 15 : i32
          %rev3A_861 = vector.broadcast %rev3A_860 : i32 to vector<16xi32>
          %rev3A_862 = tpu.iota {dimensions = array<i32: 0>} : vector<16xi32>
          %rev3A_863 = arith.subi %rev3A_861, %rev3A_862 : vector<16xi32>
          %rev3A_864 = tpu.dynamic_gather %masked_sort3A_858[%rev3A_863] in [0] : vector<16xf32>, vector<16xi32> -> vector<16xf32>
          %rev3A_865 = arith.constant 15 : i32
          %rev3A_866 = vector.broadcast %rev3A_865 : i32 to vector<16xi32>
          %rev3A_867 = tpu.iota {dimensions = array<i32: 0>} : vector<16xi32>
          %rev3A_868 = arith.subi %rev3A_866, %rev3A_867 : vector<16xi32>
          %rev3A_869 = tpu.dynamic_gather %masked_sort3A_859[%rev3A_868] in [0] : vector<16xi32>, vector<16xi32> -> vector<16xi32>
          %le3A_870 = arith.cmpf ole, %masked_sort3A_831, %rev3A_864 : vector<16xf32>
          %select_n3A_871 = arith.select %le3A_870, %masked_sort3A_831, %rev3A_864 : vector<16xi1>, vector<16xf32>
          %select_n3A_872 = arith.select %le3A_870, %masked_sort3A_832, %rev3A_869 : vector<16xi1>, vector<16xi32>
          %select_n3A_873 = arith.select %le3A_870, %rev3A_864, %masked_sort3A_831 : vector<16xi1>, vector<16xf32>
          %select_n3A_874 = arith.select %le3A_870, %rev3A_869, %masked_sort3A_832 : vector<16xi1>, vector<16xi32>
          %rev3A_875 = arith.constant 15 : i32
          %rev3A_876 = vector.broadcast %rev3A_875 : i32 to vector<16xi32>
          %rev3A_877 = tpu.iota {dimensions = array<i32: 0>} : vector<16xi32>
          %rev3A_878 = arith.subi %rev3A_876, %rev3A_877 : vector<16xi32>
          %rev3A_879 = tpu.dynamic_gather %masked_sort3A_854[%rev3A_878] in [0] : vector<16xf32>, vector<16xi32> -> vector<16xf32>
          %rev3A_880 = arith.constant 15 : i32
          %rev3A_881 = vector.broadcast %rev3A_880 : i32 to vector<16xi32>
          %rev3A_882 = tpu.iota {dimensions = array<i32: 0>} : vector<16xi32>
          %rev3A_883 = arith.subi %rev3A_881, %rev3A_882 : vector<16xi32>
          %rev3A_884 = tpu.dynamic_gather %masked_sort3A_855[%rev3A_883] in [0] : vector<16xi32>, vector<16xi32> -> vector<16xi32>
          %le3A_885 = arith.cmpf ole, %masked_sort3A_835, %rev3A_879 : vector<16xf32>
          %select_n3A_886 = arith.select %le3A_885, %masked_sort3A_835, %rev3A_879 : vector<16xi1>, vector<16xf32>
          %select_n3A_887 = arith.select %le3A_885, %masked_sort3A_836, %rev3A_884 : vector<16xi1>, vector<16xi32>
          %select_n3A_888 = arith.select %le3A_885, %rev3A_879, %masked_sort3A_835 : vector<16xi1>, vector<16xf32>
          %select_n3A_889 = arith.select %le3A_885, %rev3A_884, %masked_sort3A_836 : vector<16xi1>, vector<16xi32>
          %le3A_890 = arith.cmpf ole, %select_n3A_871, %select_n3A_886 : vector<16xf32>
          %select_n3A_891 = arith.select %le3A_890, %select_n3A_871, %select_n3A_886 : vector<16xi1>, vector<16xf32>
          %select_n3A_892 = arith.select %le3A_890, %select_n3A_872, %select_n3A_887 : vector<16xi1>, vector<16xi32>
          %select_n3A_893 = arith.select %le3A_890, %select_n3A_886, %select_n3A_871 : vector<16xi1>, vector<16xf32>
          %select_n3A_894 = arith.select %le3A_890, %select_n3A_887, %select_n3A_872 : vector<16xi1>, vector<16xi32>
          %le3A_895 = arith.cmpf ole, %select_n3A_888, %select_n3A_873 : vector<16xf32>
          %select_n3A_896 = arith.select %le3A_895, %select_n3A_888, %select_n3A_873 : vector<16xi1>, vector<16xf32>
          %select_n3A_897 = arith.select %le3A_895, %select_n3A_889, %select_n3A_874 : vector<16xi1>, vector<16xi32>
          %select_n3A_898 = arith.select %le3A_895, %select_n3A_873, %select_n3A_888 : vector<16xi1>, vector<16xf32>
          %select_n3A_899 = arith.select %le3A_895, %select_n3A_874, %select_n3A_889 : vector<16xi1>, vector<16xi32>
          %masked_sort3A_900 = arith.constant dense<true> : vector<16xi1>
          %masked_sort3A_901, %masked_sort3A_902, %masked_sort3A_903 = tpu.sort %select_n3A_891, %select_n3A_892 masked %masked_sort3A_900 : (vector<16xf32>, vector<16xi32>, vector<16xi1>) -> (vector<16xi1>, vector<16xf32>, vector<16xi32>)
          %masked_sort3A_904 = arith.constant dense<true> : vector<16xi1>
          %masked_sort3A_905, %masked_sort3A_906, %masked_sort3A_907 = tpu.sort %select_n3A_893, %select_n3A_894 masked %masked_sort3A_904 : (vector<16xf32>, vector<16xi32>, vector<16xi1>) -> (vector<16xi1>, vector<16xf32>, vector<16xi32>)
          %masked_sort3A_908 = arith.constant dense<true> : vector<16xi1>
          %masked_sort3A_909, %masked_sort3A_910, %masked_sort3A_911 = tpu.sort %select_n3A_896, %select_n3A_897 masked %masked_sort3A_908 : (vector<16xf32>, vector<16xi32>, vector<16xi1>) -> (vector<16xi1>, vector<16xf32>, vector<16xi32>)
          %masked_sort3A_912 = arith.constant dense<true> : vector<16xi1>
          %masked_sort3A_913, %masked_sort3A_914, %masked_sort3A_915 = tpu.sort %select_n3A_898, %select_n3A_899 masked %masked_sort3A_912 : (vector<16xf32>, vector<16xi32>, vector<16xi1>) -> (vector<16xi1>, vector<16xf32>, vector<16xi32>)
          %get3A_916 = arith.constant 0 : index
          %get3A_917 = tpu.vector_load %arg8[%get3A_916] {strides = array<i32>} : memref<64xf32, #tpu.memory_space<vmem>>, vector<16xf32>,
          %get3A_918 = arith.constant 16 : index
          %get3A_919 = tpu.vector_load %arg8[%get3A_918] {strides = array<i32>} : memref<64xf32, #tpu.memory_space<vmem>>, vector<16xf32>,
          %get3A_920 = arith.constant 32 : index
          %get3A_921 = tpu.vector_load %arg8[%get3A_920] {strides = array<i32>} : memref<64xf32, #tpu.memory_space<vmem>>, vector<16xf32>,
          %get3A_922 = arith.constant 48 : index
          %get3A_923 = tpu.vector_load %arg8[%get3A_922] {strides = array<i32>} : memref<64xf32, #tpu.memory_space<vmem>>, vector<16xf32>,
          %get3A_924 = arith.constant 0 : index
          %get3A_925 = tpu.vector_load %arg9[%get3A_924] {strides = array<i32>} : memref<64xi32, #tpu.memory_space<vmem>>, vector<16xi32>,
          %get3A_926 = arith.constant 16 : index
          %get3A_927 = tpu.vector_load %arg9[%get3A_926] {strides = array<i32>} : memref<64xi32, #tpu.memory_space<vmem>>, vector<16xi32>,
          %get3A_928 = arith.constant 32 : index
          %get3A_929 = tpu.vector_load %arg9[%get3A_928] {strides = array<i32>} : memref<64xi32, #tpu.memory_space<vmem>>, vector<16xi32>,
          %get3A_930 = arith.constant 48 : index
          %get3A_931 = tpu.vector_load %arg9[%get3A_930] {strides = array<i32>} : memref<64xi32, #tpu.memory_space<vmem>>, vector<16xi32>,
          %rev3A_932 = arith.constant 15 : i32
          %rev3A_933 = vector.broadcast %rev3A_932 : i32 to vector<16xi32>
          %rev3A_934 = tpu.iota {dimensions = array<i32: 0>} : vector<16xi32>
          %rev3A_935 = arith.subi %rev3A_933, %rev3A_934 : vector<16xi32>
          %rev3A_936 = tpu.dynamic_gather %masked_sort3A_914[%rev3A_935] in [0] : vector<16xf32>, vector<16xi32> -> vector<16xf32>
          %rev3A_937 = arith.constant 15 : i32
          %rev3A_938 = vector.broadcast %rev3A_937 : i32 to vector<16xi32>
          %rev3A_939 = tpu.iota {dimensions = array<i32: 0>} : vector<16xi32>
          %rev3A_940 = arith.subi %rev3A_938, %rev3A_939 : vector<16xi32>
          %rev3A_941 = tpu.dynamic_gather %masked_sort3A_910[%rev3A_940] in [0] : vector<16xf32>, vector<16xi32> -> vector<16xf32>
          %rev3A_942 = arith.constant 15 : i32
          %rev3A_943 = vector.broadcast %rev3A_942 : i32 to vector<16xi32>
          %rev3A_944 = tpu.iota {dimensions = array<i32: 0>} : vector<16xi32>
          %rev3A_945 = arith.subi %rev3A_943, %rev3A_944 : vector<16xi32>
          %rev3A_946 = tpu.dynamic_gather %masked_sort3A_906[%rev3A_945] in [0] : vector<16xf32>, vector<16xi32> -> vector<16xf32>
          %rev3A_947 = arith.constant 15 : i32
          %rev3A_948 = vector.broadcast %rev3A_947 : i32 to vector<16xi32>
          %rev3A_949 = tpu.iota {dimensions = array<i32: 0>} : vector<16xi32>
          %rev3A_950 = arith.subi %rev3A_948, %rev3A_949 : vector<16xi32>
          %rev3A_951 = tpu.dynamic_gather %masked_sort3A_902[%rev3A_950] in [0] : vector<16xf32>, vector<16xi32> -> vector<16xf32>
          %rev3A_952 = arith.constant 15 : i32
          %rev3A_953 = vector.broadcast %rev3A_952 : i32 to vector<16xi32>
          %rev3A_954 = tpu.iota {dimensions = array<i32: 0>} : vector<16xi32>
          %rev3A_955 = arith.subi %rev3A_953, %rev3A_954 : vector<16xi32>
          %rev3A_956 = tpu.dynamic_gather %masked_sort3A_915[%rev3A_955] in [0] : vector<16xi32>, vector<16xi32> -> vector<16xi32>
          %rev3A_957 = arith.constant 15 : i32
          %rev3A_958 = vector.broadcast %rev3A_957 : i32 to vector<16xi32>
          %rev3A_959 = tpu.iota {dimensions = array<i32: 0>} : vector<16xi32>
          %rev3A_960 = arith.subi %rev3A_958, %rev3A_959 : vector<16xi32>
          %rev3A_961 = tpu.dynamic_gather %masked_sort3A_911[%rev3A_960] in [0] : vector<16xi32>, vector<16xi32> -> vector<16xi32>
          %rev3A_962 = arith.constant 15 : i32
          %rev3A_963 = vector.broadcast %rev3A_962 : i32 to vector<16xi32>
          %rev3A_964 = tpu.iota {dimensions = array<i32: 0>} : vector<16xi32>
          %rev3A_965 = arith.subi %rev3A_963, %rev3A_964 : vector<16xi32>
          %rev3A_966 = tpu.dynamic_gather %masked_sort3A_907[%rev3A_965] in [0] : vector<16xi32>, vector<16xi32> -> vector<16xi32>
          %rev3A_967 = arith.constant 15 : i32
          %rev3A_968 = vector.broadcast %rev3A_967 : i32 to vector<16xi32>
          %rev3A_969 = tpu.iota {dimensions = array<i32: 0>} : vector<16xi32>
          %rev3A_970 = arith.subi %rev3A_968, %rev3A_969 : vector<16xi32>
          %rev3A_971 = tpu.dynamic_gather %masked_sort3A_903[%rev3A_970] in [0] : vector<16xi32>, vector<16xi32> -> vector<16xi32>
          %le3A_972 = arith.cmpf ole, %get3A_917, %rev3A_936 : vector<16xf32>
          %select_n3A_973 = arith.select %le3A_972, %get3A_917, %rev3A_936 : vector<16xi1>, vector<16xf32>
          %select_n3A_974 = arith.select %le3A_972, %get3A_925, %rev3A_956 : vector<16xi1>, vector<16xi32>
          %le3A_975 = arith.cmpf ole, %get3A_919, %rev3A_941 : vector<16xf32>
          %select_n3A_976 = arith.select %le3A_975, %get3A_919, %rev3A_941 : vector<16xi1>, vector<16xf32>
          %select_n3A_977 = arith.select %le3A_975, %get3A_927, %rev3A_961 : vector<16xi1>, vector<16xi32>
          %le3A_978 = arith.cmpf ole, %get3A_921, %rev3A_946 : vector<16xf32>
          %select_n3A_979 = arith.select %le3A_978, %get3A_921, %rev3A_946 : vector<16xi1>, vector<16xf32>
          %select_n3A_980 = arith.select %le3A_978, %get3A_929, %rev3A_966 : vector<16xi1>, vector<16xi32>
          %le3A_981 = arith.cmpf ole, %get3A_923, %rev3A_951 : vector<16xf32>
          %select_n3A_982 = arith.select %le3A_981, %get3A_923, %rev3A_951 : vector<16xi1>, vector<16xf32>
          %select_n3A_983 = arith.select %le3A_981, %get3A_931, %rev3A_971 : vector<16xi1>, vector<16xi32>
          %le3A_984 = arith.cmpf ole, %select_n3A_973, %select_n3A_979 : vector<16xf32>
          %select_n3A_985 = arith.select %le3A_984, %select_n3A_973, %select_n3A_979 : vector<16xi1>, vector<16xf32>
          %select_n3A_986 = arith.select %le3A_984, %select_n3A_974, %select_n3A_980 : vector<16xi1>, vector<16xi32>
          %select_n3A_987 = arith.select %le3A_984, %select_n3A_979, %select_n3A_973 : vector<16xi1>, vector<16xf32>
          %select_n3A_988 = arith.select %le3A_984, %select_n3A_980, %select_n3A_974 : vector<16xi1>, vector<16xi32>
          %le3A_989 = arith.cmpf ole, %select_n3A_976, %select_n3A_982 : vector<16xf32>
          %select_n3A_990 = arith.select %le3A_989, %select_n3A_976, %select_n3A_982 : vector<16xi1>, vector<16xf32>
          %select_n3A_991 = arith.select %le3A_989, %select_n3A_977, %select_n3A_983 : vector<16xi1>, vector<16xi32>
          %select_n3A_992 = arith.select %le3A_989, %select_n3A_982, %select_n3A_976 : vector<16xi1>, vector<16xf32>
          %select_n3A_993 = arith.select %le3A_989, %select_n3A_983, %select_n3A_977 : vector<16xi1>, vector<16xi32>
          %le3A_994 = arith.cmpf ole, %select_n3A_985, %select_n3A_990 : vector<16xf32>
          %select_n3A_995 = arith.select %le3A_994, %select_n3A_985, %select_n3A_990 : vector<16xi1>, vector<16xf32>
          %select_n3A_996 = arith.select %le3A_994, %select_n3A_986, %select_n3A_991 : vector<16xi1>, vector<16xi32>
          %select_n3A_997 = arith.select %le3A_994, %select_n3A_990, %select_n3A_985 : vector<16xi1>, vector<16xf32>
          %select_n3A_998 = arith.select %le3A_994, %select_n3A_991, %select_n3A_986 : vector<16xi1>, vector<16xi32>
          %le3A_999 = arith.cmpf ole, %select_n3A_987, %select_n3A_992 : vector<16xf32>
          %select_n3A_1000 = arith.select %le3A_999, %select_n3A_987, %select_n3A_992 : vector<16xi1>, vector<16xf32>
          %select_n3A_1001 = arith.select %le3A_999, %select_n3A_988, %select_n3A_993 : vector<16xi1>, vector<16xi32>
          %select_n3A_1002 = arith.select %le3A_999, %select_n3A_992, %select_n3A_987 : vector<16xi1>, vector<16xf32>
          %select_n3A_1003 = arith.select %le3A_999, %select_n3A_993, %select_n3A_988 : vector<16xi1>, vector<16xi32>
          %masked_sort3A_1004 = arith.constant dense<true> : vector<16xi1>
          %masked_sort3A_1005, %masked_sort3A_1006, %masked_sort3A_1007 = tpu.sort %select_n3A_995, %select_n3A_996 masked %masked_sort3A_1004 : (vector<16xf32>, vector<16xi32>, vector<16xi1>) -> (vector<16xi1>, vector<16xf32>, vector<16xi32>)
          %masked_sort3A_1008 = arith.constant dense<true> : vector<16xi1>
          %masked_sort3A_1009, %masked_sort3A_1010, %masked_sort3A_1011 = tpu.sort %select_n3A_997, %select_n3A_998 masked %masked_sort3A_1008 : (vector<16xf32>, vector<16xi32>, vector<16xi1>) -> (vector<16xi1>, vector<16xf32>, vector<16xi32>)
          %masked_sort3A_1012 = arith.constant dense<true> : vector<16xi1>
          %masked_sort3A_1013, %masked_sort3A_1014, %masked_sort3A_1015 = tpu.sort %select_n3A_1000, %select_n3A_1001 masked %masked_sort3A_1012 : (vector<16xf32>, vector<16xi32>, vector<16xi1>) -> (vector<16xi1>, vector<16xf32>, vector<16xi32>)
          %masked_sort3A_1016 = arith.constant dense<true> : vector<16xi1>
          %masked_sort3A_1017, %masked_sort3A_1018, %masked_sort3A_1019 = tpu.sort %select_n3A_1002, %select_n3A_1003 masked %masked_sort3A_1016 : (vector<16xf32>, vector<16xi32>, vector<16xi1>) -> (vector<16xi1>, vector<16xf32>, vector<16xi32>)
          %swap3A_1020 = arith.constant 0 : index
          %swap3A_1021 = tpu.vector_load %arg8[%swap3A_1020] {strides = array<i32>} : memref<64xf32, #tpu.memory_space<vmem>>, vector<16xf32>,
          tpu.vector_store %arg8[%swap3A_1020], %masked_sort3A_1006 {strides = array<i32>} : memref<64xf32, #tpu.memory_space<vmem>>, vector<16xf32>,
          %swap3A_1022 = arith.constant 0 : index
          %swap3A_1023 = tpu.vector_load %arg9[%swap3A_1022] {strides = array<i32>} : memref<64xi32, #tpu.memory_space<vmem>>, vector<16xi32>,
          tpu.vector_store %arg9[%swap3A_1022], %masked_sort3A_1007 {strides = array<i32>} : memref<64xi32, #tpu.memory_space<vmem>>, vector<16xi32>,
          %swap3A_1024 = arith.constant 16 : index
          %swap3A_1025 = tpu.vector_load %arg8[%swap3A_1024] {strides = array<i32>} : memref<64xf32, #tpu.memory_space<vmem>>, vector<16xf32>,
          tpu.vector_store %arg8[%swap3A_1024], %masked_sort3A_1010 {strides = array<i32>} : memref<64xf32, #tpu.memory_space<vmem>>, vector<16xf32>,
          %swap3A_1026 = arith.constant 16 : index
          %swap3A_1027 = tpu.vector_load %arg9[%swap3A_1026] {strides = array<i32>} : memref<64xi32, #tpu.memory_space<vmem>>, vector<16xi32>,
          tpu.vector_store %arg9[%swap3A_1026], %masked_sort3A_1011 {strides = array<i32>} : memref<64xi32, #tpu.memory_space<vmem>>, vector<16xi32>,
          %swap3A_1028 = arith.constant 32 : index
          %swap3A_1029 = tpu.vector_load %arg8[%swap3A_1028] {strides = array<i32>} : memref<64xf32, #tpu.memory_space<vmem>>, vector<16xf32>,
          tpu.vector_store %arg8[%swap3A_1028], %masked_sort3A_1014 {strides = array<i32>} : memref<64xf32, #tpu.memory_space<vmem>>, vector<16xf32>,
          %swap3A_1030 = arith.constant 32 : index
          %swap3A_1031 = tpu.vector_load %arg9[%swap3A_1030] {strides = array<i32>} : memref<64xi32, #tpu.memory_space<vmem>>, vector<16xi32>,
          tpu.vector_store %arg9[%swap3A_1030], %masked_sort3A_1015 {strides = array<i32>} : memref<64xi32, #tpu.memory_space<vmem>>, vector<16xi32>,
          %swap3A_1032 = arith.constant 48 : index
          %swap3A_1033 = tpu.vector_load %arg8[%swap3A_1032] {strides = array<i32>} : memref<64xf32, #tpu.memory_space<vmem>>, vector<16xf32>,
          tpu.vector_store %arg8[%swap3A_1032], %masked_sort3A_1018 {strides = array<i32>} : memref<64xf32, #tpu.memory_space<vmem>>, vector<16xf32>,
          %swap3A_1034 = arith.constant 48 : index
          %swap3A_1035 = tpu.vector_load %arg9[%swap3A_1034] {strides = array<i32>} : memref<64xi32, #tpu.memory_space<vmem>>, vector<16xi32>,
          tpu.vector_store %arg9[%swap3A_1034], %masked_sort3A_1019 {strides = array<i32>} : memref<64xi32, #tpu.memory_space<vmem>>, vector<16xi32>,
          %reduce_max3A_1036 = arith.constant true
          %reduce_max3A_1037 = vector.broadcast %reduce_max3A_1036 : i1 to vector<16xi1>
          %reduce_max3A_1038 = tpu.scan <max>, %masked_sort3A_1018 masked %reduce_max3A_1037 : vector<16xf32>, vector<16xi1> -> vector<16xf32>
          %reduce_max3A_1039 = vector.extract %reduce_max3A_1038[15] : f32 from vector<16xf32>
          %swap3A_1040 = arith.constant 0 : i32
          %swap3A_1041 = arith.index_cast %swap3A_1040 : i32 to index
          %swap3A_1042 = memref.load %arg17[%swap3A_1041] : memref<1xf32, #tpu.memory_space<smem>>
          memref.store %reduce_max3A_1039, %arg17[%swap3A_1041] : memref<1xf32, #tpu.memory_space<smem>>
          %get3A_1043 = arith.constant 64 : index
          %get3A_1044 = tpu.vector_load %arg6[%get3A_1043] {strides = array<i32>} : memref<80xf32, #tpu.memory_space<vmem>>, vector<16xf32>,
          %swap3A_1045 = arith.constant 0 : index
          %swap3A_1046 = tpu.vector_load %arg6[%swap3A_1045] {strides = array<i32>} : memref<80xf32, #tpu.memory_space<vmem>>, vector<16xf32>,
          tpu.vector_store %arg6[%swap3A_1045], %get3A_1044 {strides = array<i32>} : memref<80xf32, #tpu.memory_space<vmem>>, vector<16xf32>,
          %get3A_1047 = arith.constant 64 : index
          %get3A_1048 = tpu.vector_load %arg7[%get3A_1047] {strides = array<i32>} : memref<80xi32, #tpu.memory_space<vmem>>, vector<16xi32>,
          %swap3A_1049 = arith.constant 0 : index
          %swap3A_1050 = tpu.vector_load %arg7[%swap3A_1049] {strides = array<i32>} : memref<80xi32, #tpu.memory_space<vmem>>, vector<16xi32>,
          tpu.vector_store %arg7[%swap3A_1049], %get3A_1048 {strides = array<i32>} : memref<80xi32, #tpu.memory_space<vmem>>, vector<16xi32>,
        } else {
        }
        %ge3A_666 = arith.constant 64 : i32
        %ge3A_667 = arith.cmpi sge, %add3A_660, %ge3A_666 : i32
        %sub3A_668 = arith.constant 64 : i32
        %sub3A_669 = arith.subi %add3A_660, %sub3A_668 : i32
        %select_n3A_670 = arith.select %ge3A_667, %sub3A_669, %add3A_660 : i32
        %get3A_671 = arith.constant 0 : i32
        %get3A_672 = arith.index_cast %get3A_671 : i32 to index
        %get3A_673 = memref.load %arg17[%get3A_672] : memref<1xf32, #tpu.memory_space<smem>>
        %lt3A_674 = vector.broadcast %get3A_673 : f32 to vector<16xf32>
        %lt3A_675 = arith.cmpf olt, %get3A_515, %lt3A_674 : vector<16xf32>
        %convert_element_type3A_676 = arith.extui %lt3A_675 : vector<16xi1> to vector<16xi32>
        %reduce_sum3A_677 = arith.constant true
        %reduce_sum3A_678 = vector.broadcast %reduce_sum3A_677 : i1 to vector<16xi1>
        %reduce_sum3A_679 = tpu.scan <sum>, %convert_element_type3A_676 masked %reduce_sum3A_678 : vector<16xi32>, vector<16xi1> -> vector<16xi32>
        %reduce_sum3A_680 = vector.extract %reduce_sum3A_679[15] : i32 from vector<16xi32>
        %gt3A_681 = arith.constant 0 : i32
        %gt3A_682 = arith.cmpi sgt, %reduce_sum3A_680, %gt3A_681 : i32
        %convert_element_type3A_683 = arith.extui %gt3A_682 : i1 to i32
        %cond3A_684 = arith.constant 0 : i32
        %cond3A_685 = arith.cmpi ne, %convert_element_type3A_683, %cond3A_684 : i32
        scf.if %cond3A_685 {
          %swap3A_752 = arith.index_cast %select_n3A_670 : i32 to index
          %swap3A_753 = tpu.vector_load %arg6[%swap3A_752] masked %lt3A_675 {strides = array<i32>} : memref<80xf32, #tpu.memory_space<vmem>>, vector<16xf32>, vector<16xi1>
          tpu.vector_store %arg6[%swap3A_752], %get3A_515 masked %lt3A_675 {strides = array<i32>} : memref<80xf32, #tpu.memory_space<vmem>>, vector<16xf32>, vector<16xi1>
          %add3A_754 = arith.addi %multiple_of3A, %mul3A_491 : i32
          %add3A_755 = arith.constant 80 : i32
          %add3A_756 = arith.addi %add3A_754, %add3A_755 : i32
          %add3A_757 = vector.broadcast %add3A_756 : i32 to vector<16xi32>
          %add3A_758 = arith.addi %add3A_757, %iota3A : vector<16xi32>
          %swap3A_759 = arith.index_cast %select_n3A_670 : i32 to index
          %swap3A_760 = tpu.vector_load %arg7[%swap3A_759] masked %lt3A_675 {strides = array<i32>} : memref<80xi32, #tpu.memory_space<vmem>>, vector<16xi32>, vector<16xi1>
          tpu.vector_store %arg7[%swap3A_759], %add3A_758 masked %lt3A_675 {strides = array<i32>} : memref<80xi32, #tpu.memory_space<vmem>>, vector<16xi32>, vector<16xi1>
        } else {
        }
        %add3A_686 = arith.addi %select_n3A_670, %reduce_sum3A_680 : i32
        %ge3A_687 = arith.constant 64 : i32
        %ge3A_688 = arith.cmpi sge, %add3A_686, %ge3A_687 : i32
        %convert_element_type3A_689 = arith.extui %ge3A_688 : i1 to i32
        %cond3A_690 = arith.constant 0 : i32
        %cond3A_691 = arith.cmpi ne, %convert_element_type3A_689, %cond3A_690 : i32
        scf.if %cond3A_691 {
          %add3A_752 = arith.constant 0 : i32
          %add3A_753 = vector.broadcast %add3A_752 : i32 to vector<16xi32>
          %add3A_754 = arith.addi %iota3A, %add3A_753 : vector<16xi32>
          %lt3A_755 = vector.broadcast %add3A_686 : i32 to vector<16xi32>
          %lt3A_756 = arith.cmpi slt, %add3A_754, %lt3A_755 : vector<16xi32>
          %get3A_757 = arith.constant 0 : index
          %get3A_758 = tpu.vector_load %arg6[%get3A_757] {strides = array<i32>} : memref<80xf32, #tpu.memory_space<vmem>>, vector<16xf32>,
          %jit3A = arith.constant 0x7F800000 : f32
          %broadcast_in_dim3A = vector.broadcast %jit3A : f32 to vector<16xf32>
          %select_n3A_759 = arith.select %lt3A_756, %get3A_758, %broadcast_in_dim3A : vector<16xi1>, vector<16xf32>
          %get3A_760 = arith.constant 0 : index
          %get3A_761 = tpu.vector_load %arg7[%get3A_760] {strides = array<i32>} : memref<80xi32, #tpu.memory_space<vmem>>, vector<16xi32>,
          %add3A_762 = arith.constant 16 : i32
          %add3A_763 = vector.broadcast %add3A_762 : i32 to vector<16xi32>
          %add3A_764 = arith.addi %iota3A, %add3A_763 : vector<16xi32>
          %lt3A_765 = vector.broadcast %add3A_686 : i32 to vector<16xi32>
          %lt3A_766 = arith.cmpi slt, %add3A_764, %lt3A_765 : vector<16xi32>
          %get3A_767 = arith.constant 16 : index
          %get3A_768 = tpu.vector_load %arg6[%get3A_767] {strides = array<i32>} : memref<80xf32, #tpu.memory_space<vmem>>, vector<16xf32>,
          %jit3A_769 = arith.constant 0x7F800000 : f32
          %broadcast_in_dim3A_770 = vector.broadcast %jit3A_769 : f32 to vector<16xf32>
          %select_n3A_771 = arith.select %lt3A_766, %get3A_768, %broadcast_in_dim3A_770 : vector<16xi1>, vector<16xf32>
          %get3A_772 = arith.constant 16 : index
          %get3A_773 = tpu.vector_load %arg7[%get3A_772] {strides = array<i32>} : memref<80xi32, #tpu.memory_space<vmem>>, vector<16xi32>,
          %add3A_774 = arith.constant 32 : i32
          %add3A_775 = vector.broadcast %add3A_774 : i32 to vector<16xi32>
          %add3A_776 = arith.addi %iota3A, %add3A_775 : vector<16xi32>
          %lt3A_777 = vector.broadcast %add3A_686 : i32 to vector<16xi32>
          %lt3A_778 = arith.cmpi slt, %add3A_776, %lt3A_777 : vector<16xi32>
          %get3A_779 = arith.constant 32 : index
          %get3A_780 = tpu.vector_load %arg6[%get3A_779] {strides = array<i32>} : memref<80xf32, #tpu.memory_space<vmem>>, vector<16xf32>,
          %jit3A_781 = arith.constant 0x7F800000 : f32
          %broadcast_in_dim3A_782 = vector.broadcast %jit3A_781 : f32 to vector<16xf32>
          %select_n3A_783 = arith.select %lt3A_778, %get3A_780, %broadcast_in_dim3A_782 : vector<16xi1>, vector<16xf32>
          %get3A_784 = arith.constant 32 : index
          %get3A_785 = tpu.vector_load %arg7[%get3A_784] {strides = array<i32>} : memref<80xi32, #tpu.memory_space<vmem>>, vector<16xi32>,
          %add3A_786 = arith.constant 48 : i32
          %add3A_787 = vector.broadcast %add3A_786 : i32 to vector<16xi32>
          %add3A_788 = arith.addi %iota3A, %add3A_787 : vector<16xi32>
          %lt3A_789 = vector.broadcast %add3A_686 : i32 to vector<16xi32>
          %lt3A_790 = arith.cmpi slt, %add3A_788, %lt3A_789 : vector<16xi32>
          %get3A_791 = arith.constant 48 : index
          %get3A_792 = tpu.vector_load %arg6[%get3A_791] {strides = array<i32>} : memref<80xf32, #tpu.memory_space<vmem>>, vector<16xf32>,
          %jit3A_793 = arith.constant 0x7F800000 : f32
          %broadcast_in_dim3A_794 = vector.broadcast %jit3A_793 : f32 to vector<16xf32>
          %select_n3A_795 = arith.select %lt3A_790, %get3A_792, %broadcast_in_dim3A_794 : vector<16xi1>, vector<16xf32>
          %get3A_796 = arith.constant 48 : index
          %get3A_797 = tpu.vector_load %arg7[%get3A_796] {strides = array<i32>} : memref<80xi32, #tpu.memory_space<vmem>>, vector<16xi32>,
          %masked_sort3A_798 = arith.constant dense<true> : vector<16xi1>
          %masked_sort3A_799, %masked_sort3A_800, %masked_sort3A_801 = tpu.sort %select_n3A_759, %get3A_761 masked %masked_sort3A_798 : (vector<16xf32>, vector<16xi32>, vector<16xi1>) -> (vector<16xi1>, vector<16xf32>, vector<16xi32>)
          %masked_sort3A_802 = arith.constant dense<true> : vector<16xi1>
          %masked_sort3A_803, %masked_sort3A_804, %masked_sort3A_805 = tpu.sort %select_n3A_771, %get3A_773 masked %masked_sort3A_802 : (vector<16xf32>, vector<16xi32>, vector<16xi1>) -> (vector<16xi1>, vector<16xf32>, vector<16xi32>)
          %masked_sort3A_806 = arith.constant dense<true> : vector<16xi1>
          %masked_sort3A_807, %masked_sort3A_808, %masked_sort3A_809 = tpu.sort %select_n3A_783, %get3A_785 masked %masked_sort3A_806 : (vector<16xf32>, vector<16xi32>, vector<16xi1>) -> (vector<16xi1>, vector<16xf32>, vector<16xi32>)
          %masked_sort3A_810 = arith.constant dense<true> : vector<16xi1>
          %masked_sort3A_811, %masked_sort3A_812, %masked_sort3A_813 = tpu.sort %select_n3A_795, %get3A_797 masked %masked_sort3A_810 : (vector<16xf32>, vector<16xi32>, vector<16xi1>) -> (vector<16xi1>, vector<16xf32>, vector<16xi32>)
          %rev3A_814 = arith.constant 15 : i32
          %rev3A_815 = vector.broadcast %rev3A_814 : i32 to vector<16xi32>
          %rev3A_816 = tpu.iota {dimensions = array<i32: 0>} : vector<16xi32>
          %rev3A_817 = arith.subi %rev3A_815, %rev3A_816 : vector<16xi32>
          %rev3A_818 = tpu.dynamic_gather %masked_sort3A_804[%rev3A_817] in [0] : vector<16xf32>, vector<16xi32> -> vector<16xf32>
          %rev3A_819 = arith.constant 15 : i32
          %rev3A_820 = vector.broadcast %rev3A_819 : i32 to vector<16xi32>
          %rev3A_821 = tpu.iota {dimensions = array<i32: 0>} : vector<16xi32>
          %rev3A_822 = arith.subi %rev3A_820, %rev3A_821 : vector<16xi32>
          %rev3A_823 = tpu.dynamic_gather %masked_sort3A_805[%rev3A_822] in [0] : vector<16xi32>, vector<16xi32> -> vector<16xi32>
          %le3A_824 = arith.cmpf ole, %masked_sort3A_800, %rev3A_818 : vector<16xf32>
          %select_n3A_825 = arith.select %le3A_824, %masked_sort3A_800, %rev3A_818 : vector<16xi1>, vector<16xf32>
          %select_n3A_826 = arith.select %le3A_824, %masked_sort3A_801, %rev3A_823 : vector<16xi1>, vector<16xi32>
          %select_n3A_827 = arith.select %le3A_824, %rev3A_818, %masked_sort3A_800 : vector<16xi1>, vector<16xf32>
          %select_n3A_828 = arith.select %le3A_824, %rev3A_823, %masked_sort3A_801 : vector<16xi1>, vector<16xi32>
          %masked_sort3A_829 = arith.constant dense<true> : vector<16xi1>
          %masked_sort3A_830, %masked_sort3A_831, %masked_sort3A_832 = tpu.sort %select_n3A_825, %select_n3A_826 masked %masked_sort3A_829 : (vector<16xf32>, vector<16xi32>, vector<16xi1>) -> (vector<16xi1>, vector<16xf32>, vector<16xi32>)
          %masked_sort3A_833 = arith.constant dense<true> : vector<16xi1>
          %masked_sort3A_834, %masked_sort3A_835, %masked_sort3A_836 = tpu.sort %select_n3A_827, %select_n3A_828 masked %masked_sort3A_833 : (vector<16xf32>, vector<16xi32>, vector<16xi1>) -> (vector<16xi1>, vector<16xf32>, vector<16xi32>)
          %rev3A_837 = arith.constant 15 : i32
          %rev3A_838 = vector.broadcast %rev3A_837 : i32 to vector<16xi32>
          %rev3A_839 = tpu.iota {dimensions = array<i32: 0>} : vector<16xi32>
          %rev3A_840 = arith.subi %rev3A_838, %rev3A_839 : vector<16xi32>
          %rev3A_841 = tpu.dynamic_gather %masked_sort3A_812[%rev3A_840] in [0] : vector<16xf32>, vector<16xi32> -> vector<16xf32>
          %rev3A_842 = arith.constant 15 : i32
          %rev3A_843 = vector.broadcast %rev3A_842 : i32 to vector<16xi32>
          %rev3A_844 = tpu.iota {dimensions = array<i32: 0>} : vector<16xi32>
          %rev3A_845 = arith.subi %rev3A_843, %rev3A_844 : vector<16xi32>
          %rev3A_846 = tpu.dynamic_gather %masked_sort3A_813[%rev3A_845] in [0] : vector<16xi32>, vector<16xi32> -> vector<16xi32>
          %le3A_847 = arith.cmpf ole, %masked_sort3A_808, %rev3A_841 : vector<16xf32>
          %select_n3A_848 = arith.select %le3A_847, %masked_sort3A_808, %rev3A_841 : vector<16xi1>, vector<16xf32>
          %select_n3A_849 = arith.select %le3A_847, %masked_sort3A_809, %rev3A_846 : vector<16xi1>, vector<16xi32>
          %select_n3A_850 = arith.select %le3A_847, %rev3A_841, %masked_sort3A_808 : vector<16xi1>, vector<16xf32>
          %select_n3A_851 = arith.select %le3A_847, %rev3A_846, %masked_sort3A_809 : vector<16xi1>, vector<16xi32>
          %masked_sort3A_852 = arith.constant dense<true> : vector<16xi1>
          %masked_sort3A_853, %masked_sort3A_854, %masked_sort3A_855 = tpu.sort %select_n3A_848, %select_n3A_849 masked %masked_sort3A_852 : (vector<16xf32>, vector<16xi32>, vector<16xi1>) -> (vector<16xi1>, vector<16xf32>, vector<16xi32>)
          %masked_sort3A_856 = arith.constant dense<true> : vector<16xi1>
          %masked_sort3A_857, %masked_sort3A_858, %masked_sort3A_859 = tpu.sort %select_n3A_850, %select_n3A_851 masked %masked_sort3A_856 : (vector<16xf32>, vector<16xi32>, vector<16xi1>) -> (vector<16xi1>, vector<16xf32>, vector<16xi32>)
          %rev3A_860 = arith.constant 15 : i32
          %rev3A_861 = vector.broadcast %rev3A_860 : i32 to vector<16xi32>
          %rev3A_862 = tpu.iota {dimensions = array<i32: 0>} : vector<16xi32>
          %rev3A_863 = arith.subi %rev3A_861, %rev3A_862 : vector<16xi32>
          %rev3A_864 = tpu.dynamic_gather %masked_sort3A_858[%rev3A_863] in [0] : vector<16xf32>, vector<16xi32> -> vector<16xf32>
          %rev3A_865 = arith.constant 15 : i32
          %rev3A_866 = vector.broadcast %rev3A_865 : i32 to vector<16xi32>
          %rev3A_867 = tpu.iota {dimensions = array<i32: 0>} : vector<16xi32>
          %rev3A_868 = arith.subi %rev3A_866, %rev3A_867 : vector<16xi32>
          %rev3A_869 = tpu.dynamic_gather %masked_sort3A_859[%rev3A_868] in [0] : vector<16xi32>, vector<16xi32> -> vector<16xi32>
          %le3A_870 = arith.cmpf ole, %masked_sort3A_831, %rev3A_864 : vector<16xf32>
          %select_n3A_871 = arith.select %le3A_870, %masked_sort3A_831, %rev3A_864 : vector<16xi1>, vector<16xf32>
          %select_n3A_872 = arith.select %le3A_870, %masked_sort3A_832, %rev3A_869 : vector<16xi1>, vector<16xi32>
          %select_n3A_873 = arith.select %le3A_870, %rev3A_864, %masked_sort3A_831 : vector<16xi1>, vector<16xf32>
          %select_n3A_874 = arith.select %le3A_870, %rev3A_869, %masked_sort3A_832 : vector<16xi1>, vector<16xi32>
          %rev3A_875 = arith.constant 15 : i32
          %rev3A_876 = vector.broadcast %rev3A_875 : i32 to vector<16xi32>
          %rev3A_877 = tpu.iota {dimensions = array<i32: 0>} : vector<16xi32>
          %rev3A_878 = arith.subi %rev3A_876, %rev3A_877 : vector<16xi32>
          %rev3A_879 = tpu.dynamic_gather %masked_sort3A_854[%rev3A_878] in [0] : vector<16xf32>, vector<16xi32> -> vector<16xf32>
          %rev3A_880 = arith.constant 15 : i32
          %rev3A_881 = vector.broadcast %rev3A_880 : i32 to vector<16xi32>
          %rev3A_882 = tpu.iota {dimensions = array<i32: 0>} : vector<16xi32>
          %rev3A_883 = arith.subi %rev3A_881, %rev3A_882 : vector<16xi32>
          %rev3A_884 = tpu.dynamic_gather %masked_sort3A_855[%rev3A_883] in [0] : vector<16xi32>, vector<16xi32> -> vector<16xi32>
          %le3A_885 = arith.cmpf ole, %masked_sort3A_835, %rev3A_879 : vector<16xf32>
          %select_n3A_886 = arith.select %le3A_885, %masked_sort3A_835, %rev3A_879 : vector<16xi1>, vector<16xf32>
          %select_n3A_887 = arith.select %le3A_885, %masked_sort3A_836, %rev3A_884 : vector<16xi1>, vector<16xi32>
          %select_n3A_888 = arith.select %le3A_885, %rev3A_879, %masked_sort3A_835 : vector<16xi1>, vector<16xf32>
          %select_n3A_889 = arith.select %le3A_885, %rev3A_884, %masked_sort3A_836 : vector<16xi1>, vector<16xi32>
          %le3A_890 = arith.cmpf ole, %select_n3A_871, %select_n3A_886 : vector<16xf32>
          %select_n3A_891 = arith.select %le3A_890, %select_n3A_871, %select_n3A_886 : vector<16xi1>, vector<16xf32>
          %select_n3A_892 = arith.select %le3A_890, %select_n3A_872, %select_n3A_887 : vector<16xi1>, vector<16xi32>
          %select_n3A_893 = arith.select %le3A_890, %select_n3A_886, %select_n3A_871 : vector<16xi1>, vector<16xf32>
          %select_n3A_894 = arith.select %le3A_890, %select_n3A_887, %select_n3A_872 : vector<16xi1>, vector<16xi32>
          %le3A_895 = arith.cmpf ole, %select_n3A_888, %select_n3A_873 : vector<16xf32>
          %select_n3A_896 = arith.select %le3A_895, %select_n3A_888, %select_n3A_873 : vector<16xi1>, vector<16xf32>
          %select_n3A_897 = arith.select %le3A_895, %select_n3A_889, %select_n3A_874 : vector<16xi1>, vector<16xi32>
          %select_n3A_898 = arith.select %le3A_895, %select_n3A_873, %select_n3A_888 : vector<16xi1>, vector<16xf32>
          %select_n3A_899 = arith.select %le3A_895, %select_n3A_874, %select_n3A_889 : vector<16xi1>, vector<16xi32>
          %masked_sort3A_900 = arith.constant dense<true> : vector<16xi1>
          %masked_sort3A_901, %masked_sort3A_902, %masked_sort3A_903 = tpu.sort %select_n3A_891, %select_n3A_892 masked %masked_sort3A_900 : (vector<16xf32>, vector<16xi32>, vector<16xi1>) -> (vector<16xi1>, vector<16xf32>, vector<16xi32>)
          %masked_sort3A_904 = arith.constant dense<true> : vector<16xi1>
          %masked_sort3A_905, %masked_sort3A_906, %masked_sort3A_907 = tpu.sort %select_n3A_893, %select_n3A_894 masked %masked_sort3A_904 : (vector<16xf32>, vector<16xi32>, vector<16xi1>) -> (vector<16xi1>, vector<16xf32>, vector<16xi32>)
          %masked_sort3A_908 = arith.constant dense<true> : vector<16xi1>
          %masked_sort3A_909, %masked_sort3A_910, %masked_sort3A_911 = tpu.sort %select_n3A_896, %select_n3A_897 masked %masked_sort3A_908 : (vector<16xf32>, vector<16xi32>, vector<16xi1>) -> (vector<16xi1>, vector<16xf32>, vector<16xi32>)
          %masked_sort3A_912 = arith.constant dense<true> : vector<16xi1>
          %masked_sort3A_913, %masked_sort3A_914, %masked_sort3A_915 = tpu.sort %select_n3A_898, %select_n3A_899 masked %masked_sort3A_912 : (vector<16xf32>, vector<16xi32>, vector<16xi1>) -> (vector<16xi1>, vector<16xf32>, vector<16xi32>)
          %get3A_916 = arith.constant 0 : index
          %get3A_917 = tpu.vector_load %arg8[%get3A_916] {strides = array<i32>} : memref<64xf32, #tpu.memory_space<vmem>>, vector<16xf32>,
          %get3A_918 = arith.constant 16 : index
          %get3A_919 = tpu.vector_load %arg8[%get3A_918] {strides = array<i32>} : memref<64xf32, #tpu.memory_space<vmem>>, vector<16xf32>,
          %get3A_920 = arith.constant 32 : index
          %get3A_921 = tpu.vector_load %arg8[%get3A_920] {strides = array<i32>} : memref<64xf32, #tpu.memory_space<vmem>>, vector<16xf32>,
          %get3A_922 = arith.constant 48 : index
          %get3A_923 = tpu.vector_load %arg8[%get3A_922] {strides = array<i32>} : memref<64xf32, #tpu.memory_space<vmem>>, vector<16xf32>,
          %get3A_924 = arith.constant 0 : index
          %get3A_925 = tpu.vector_load %arg9[%get3A_924] {strides = array<i32>} : memref<64xi32, #tpu.memory_space<vmem>>, vector<16xi32>,
          %get3A_926 = arith.constant 16 : index
          %get3A_927 = tpu.vector_load %arg9[%get3A_926] {strides = array<i32>} : memref<64xi32, #tpu.memory_space<vmem>>, vector<16xi32>,
          %get3A_928 = arith.constant 32 : index
          %get3A_929 = tpu.vector_load %arg9[%get3A_928] {strides = array<i32>} : memref<64xi32, #tpu.memory_space<vmem>>, vector<16xi32>,
          %get3A_930 = arith.constant 48 : index
          %get3A_931 = tpu.vector_load %arg9[%get3A_930] {strides = array<i32>} : memref<64xi32, #tpu.memory_space<vmem>>, vector<16xi32>,
          %rev3A_932 = arith.constant 15 : i32
          %rev3A_933 = vector.broadcast %rev3A_932 : i32 to vector<16xi32>
          %rev3A_934 = tpu.iota {dimensions = array<i32: 0>} : vector<16xi32>
          %rev3A_935 = arith.subi %rev3A_933, %rev3A_934 : vector<16xi32>
          %rev3A_936 = tpu.dynamic_gather %masked_sort3A_914[%rev3A_935] in [0] : vector<16xf32>, vector<16xi32> -> vector<16xf32>
          %rev3A_937 = arith.constant 15 : i32
          %rev3A_938 = vector.broadcast %rev3A_937 : i32 to vector<16xi32>
          %rev3A_939 = tpu.iota {dimensions = array<i32: 0>} : vector<16xi32>
          %rev3A_940 = arith.subi %rev3A_938, %rev3A_939 : vector<16xi32>
          %rev3A_941 = tpu.dynamic_gather %masked_sort3A_910[%rev3A_940] in [0] : vector<16xf32>, vector<16xi32> -> vector<16xf32>
          %rev3A_942 = arith.constant 15 : i32
          %rev3A_943 = vector.broadcast %rev3A_942 : i32 to vector<16xi32>
          %rev3A_944 = tpu.iota {dimensions = array<i32: 0>} : vector<16xi32>
          %rev3A_945 = arith.subi %rev3A_943, %rev3A_944 : vector<16xi32>
          %rev3A_946 = tpu.dynamic_gather %masked_sort3A_906[%rev3A_945] in [0] : vector<16xf32>, vector<16xi32> -> vector<16xf32>
          %rev3A_947 = arith.constant 15 : i32
          %rev3A_948 = vector.broadcast %rev3A_947 : i32 to vector<16xi32>
          %rev3A_949 = tpu.iota {dimensions = array<i32: 0>} : vector<16xi32>
          %rev3A_950 = arith.subi %rev3A_948, %rev3A_949 : vector<16xi32>
          %rev3A_951 = tpu.dynamic_gather %masked_sort3A_902[%rev3A_950] in [0] : vector<16xf32>, vector<16xi32> -> vector<16xf32>
          %rev3A_952 = arith.constant 15 : i32
          %rev3A_953 = vector.broadcast %rev3A_952 : i32 to vector<16xi32>
          %rev3A_954 = tpu.iota {dimensions = array<i32: 0>} : vector<16xi32>
          %rev3A_955 = arith.subi %rev3A_953, %rev3A_954 : vector<16xi32>
          %rev3A_956 = tpu.dynamic_gather %masked_sort3A_915[%rev3A_955] in [0] : vector<16xi32>, vector<16xi32> -> vector<16xi32>
          %rev3A_957 = arith.constant 15 : i32
          %rev3A_958 = vector.broadcast %rev3A_957 : i32 to vector<16xi32>
          %rev3A_959 = tpu.iota {dimensions = array<i32: 0>} : vector<16xi32>
          %rev3A_960 = arith.subi %rev3A_958, %rev3A_959 : vector<16xi32>
          %rev3A_961 = tpu.dynamic_gather %masked_sort3A_911[%rev3A_960] in [0] : vector<16xi32>, vector<16xi32> -> vector<16xi32>
          %rev3A_962 = arith.constant 15 : i32
          %rev3A_963 = vector.broadcast %rev3A_962 : i32 to vector<16xi32>
          %rev3A_964 = tpu.iota {dimensions = array<i32: 0>} : vector<16xi32>
          %rev3A_965 = arith.subi %rev3A_963, %rev3A_964 : vector<16xi32>
          %rev3A_966 = tpu.dynamic_gather %masked_sort3A_907[%rev3A_965] in [0] : vector<16xi32>, vector<16xi32> -> vector<16xi32>
          %rev3A_967 = arith.constant 15 : i32
          %rev3A_968 = vector.broadcast %rev3A_967 : i32 to vector<16xi32>
          %rev3A_969 = tpu.iota {dimensions = array<i32: 0>} : vector<16xi32>
          %rev3A_970 = arith.subi %rev3A_968, %rev3A_969 : vector<16xi32>
          %rev3A_971 = tpu.dynamic_gather %masked_sort3A_903[%rev3A_970] in [0] : vector<16xi32>, vector<16xi32> -> vector<16xi32>
          %le3A_972 = arith.cmpf ole, %get3A_917, %rev3A_936 : vector<16xf32>
          %select_n3A_973 = arith.select %le3A_972, %get3A_917, %rev3A_936 : vector<16xi1>, vector<16xf32>
          %select_n3A_974 = arith.select %le3A_972, %get3A_925, %rev3A_956 : vector<16xi1>, vector<16xi32>
          %le3A_975 = arith.cmpf ole, %get3A_919, %rev3A_941 : vector<16xf32>
          %select_n3A_976 = arith.select %le3A_975, %get3A_919, %rev3A_941 : vector<16xi1>, vector<16xf32>
          %select_n3A_977 = arith.select %le3A_975, %get3A_927, %rev3A_961 : vector<16xi1>, vector<16xi32>
          %le3A_978 = arith.cmpf ole, %get3A_921, %rev3A_946 : vector<16xf32>
          %select_n3A_979 = arith.select %le3A_978, %get3A_921, %rev3A_946 : vector<16xi1>, vector<16xf32>
          %select_n3A_980 = arith.select %le3A_978, %get3A_929, %rev3A_966 : vector<16xi1>, vector<16xi32>
          %le3A_981 = arith.cmpf ole, %get3A_923, %rev3A_951 : vector<16xf32>
          %select_n3A_982 = arith.select %le3A_981, %get3A_923, %rev3A_951 : vector<16xi1>, vector<16xf32>
          %select_n3A_983 = arith.select %le3A_981, %get3A_931, %rev3A_971 : vector<16xi1>, vector<16xi32>
          %le3A_984 = arith.cmpf ole, %select_n3A_973, %select_n3A_979 : vector<16xf32>
          %select_n3A_985 = arith.select %le3A_984, %select_n3A_973, %select_n3A_979 : vector<16xi1>, vector<16xf32>
          %select_n3A_986 = arith.select %le3A_984, %select_n3A_974, %select_n3A_980 : vector<16xi1>, vector<16xi32>
          %select_n3A_987 = arith.select %le3A_984, %select_n3A_979, %select_n3A_973 : vector<16xi1>, vector<16xf32>
          %select_n3A_988 = arith.select %le3A_984, %select_n3A_980, %select_n3A_974 : vector<16xi1>, vector<16xi32>
          %le3A_989 = arith.cmpf ole, %select_n3A_976, %select_n3A_982 : vector<16xf32>
          %select_n3A_990 = arith.select %le3A_989, %select_n3A_976, %select_n3A_982 : vector<16xi1>, vector<16xf32>
          %select_n3A_991 = arith.select %le3A_989, %select_n3A_977, %select_n3A_983 : vector<16xi1>, vector<16xi32>
          %select_n3A_992 = arith.select %le3A_989, %select_n3A_982, %select_n3A_976 : vector<16xi1>, vector<16xf32>
          %select_n3A_993 = arith.select %le3A_989, %select_n3A_983, %select_n3A_977 : vector<16xi1>, vector<16xi32>
          %le3A_994 = arith.cmpf ole, %select_n3A_985, %select_n3A_990 : vector<16xf32>
          %select_n3A_995 = arith.select %le3A_994, %select_n3A_985, %select_n3A_990 : vector<16xi1>, vector<16xf32>
          %select_n3A_996 = arith.select %le3A_994, %select_n3A_986, %select_n3A_991 : vector<16xi1>, vector<16xi32>
          %select_n3A_997 = arith.select %le3A_994, %select_n3A_990, %select_n3A_985 : vector<16xi1>, vector<16xf32>
          %select_n3A_998 = arith.select %le3A_994, %select_n3A_991, %select_n3A_986 : vector<16xi1>, vector<16xi32>
          %le3A_999 = arith.cmpf ole, %select_n3A_987, %select_n3A_992 : vector<16xf32>
          %select_n3A_1000 = arith.select %le3A_999, %select_n3A_987, %select_n3A_992 : vector<16xi1>, vector<16xf32>
          %select_n3A_1001 = arith.select %le3A_999, %select_n3A_988, %select_n3A_993 : vector<16xi1>, vector<16xi32>
          %select_n3A_1002 = arith.select %le3A_999, %select_n3A_992, %select_n3A_987 : vector<16xi1>, vector<16xf32>
          %select_n3A_1003 = arith.select %le3A_999, %select_n3A_993, %select_n3A_988 : vector<16xi1>, vector<16xi32>
          %masked_sort3A_1004 = arith.constant dense<true> : vector<16xi1>
          %masked_sort3A_1005, %masked_sort3A_1006, %masked_sort3A_1007 = tpu.sort %select_n3A_995, %select_n3A_996 masked %masked_sort3A_1004 : (vector<16xf32>, vector<16xi32>, vector<16xi1>) -> (vector<16xi1>, vector<16xf32>, vector<16xi32>)
          %masked_sort3A_1008 = arith.constant dense<true> : vector<16xi1>
          %masked_sort3A_1009, %masked_sort3A_1010, %masked_sort3A_1011 = tpu.sort %select_n3A_997, %select_n3A_998 masked %masked_sort3A_1008 : (vector<16xf32>, vector<16xi32>, vector<16xi1>) -> (vector<16xi1>, vector<16xf32>, vector<16xi32>)
          %masked_sort3A_1012 = arith.constant dense<true> : vector<16xi1>
          %masked_sort3A_1013, %masked_sort3A_1014, %masked_sort3A_1015 = tpu.sort %select_n3A_1000, %select_n3A_1001 masked %masked_sort3A_1012 : (vector<16xf32>, vector<16xi32>, vector<16xi1>) -> (vector<16xi1>, vector<16xf32>, vector<16xi32>)
          %masked_sort3A_1016 = arith.constant dense<true> : vector<16xi1>
          %masked_sort3A_1017, %masked_sort3A_1018, %masked_sort3A_1019 = tpu.sort %select_n3A_1002, %select_n3A_1003 masked %masked_sort3A_1016 : (vector<16xf32>, vector<16xi32>, vector<16xi1>) -> (vector<16xi1>, vector<16xf32>, vector<16xi32>)
          %swap3A_1020 = arith.constant 0 : index
          %swap3A_1021 = tpu.vector_load %arg8[%swap3A_1020] {strides = array<i32>} : memref<64xf32, #tpu.memory_space<vmem>>, vector<16xf32>,
          tpu.vector_store %arg8[%swap3A_1020], %masked_sort3A_1006 {strides = array<i32>} : memref<64xf32, #tpu.memory_space<vmem>>, vector<16xf32>,
          %swap3A_1022 = arith.constant 0 : index
          %swap3A_1023 = tpu.vector_load %arg9[%swap3A_1022] {strides = array<i32>} : memref<64xi32, #tpu.memory_space<vmem>>, vector<16xi32>,
          tpu.vector_store %arg9[%swap3A_1022], %masked_sort3A_1007 {strides = array<i32>} : memref<64xi32, #tpu.memory_space<vmem>>, vector<16xi32>,
          %swap3A_1024 = arith.constant 16 : index
          %swap3A_1025 = tpu.vector_load %arg8[%swap3A_1024] {strides = array<i32>} : memref<64xf32, #tpu.memory_space<vmem>>, vector<16xf32>,
          tpu.vector_store %arg8[%swap3A_1024], %masked_sort3A_1010 {strides = array<i32>} : memref<64xf32, #tpu.memory_space<vmem>>, vector<16xf32>,
          %swap3A_1026 = arith.constant 16 : index
          %swap3A_1027 = tpu.vector_load %arg9[%swap3A_1026] {strides = array<i32>} : memref<64xi32, #tpu.memory_space<vmem>>, vector<16xi32>,
          tpu.vector_store %arg9[%swap3A_1026], %masked_sort3A_1011 {strides = array<i32>} : memref<64xi32, #tpu.memory_space<vmem>>, vector<16xi32>,
          %swap3A_1028 = arith.constant 32 : index
          %swap3A_1029 = tpu.vector_load %arg8[%swap3A_1028] {strides = array<i32>} : memref<64xf32, #tpu.memory_space<vmem>>, vector<16xf32>,
          tpu.vector_store %arg8[%swap3A_1028], %masked_sort3A_1014 {strides = array<i32>} : memref<64xf32, #tpu.memory_space<vmem>>, vector<16xf32>,
          %swap3A_1030 = arith.constant 32 : index
          %swap3A_1031 = tpu.vector_load %arg9[%swap3A_1030] {strides = array<i32>} : memref<64xi32, #tpu.memory_space<vmem>>, vector<16xi32>,
          tpu.vector_store %arg9[%swap3A_1030], %masked_sort3A_1015 {strides = array<i32>} : memref<64xi32, #tpu.memory_space<vmem>>, vector<16xi32>,
          %swap3A_1032 = arith.constant 48 : index
          %swap3A_1033 = tpu.vector_load %arg8[%swap3A_1032] {strides = array<i32>} : memref<64xf32, #tpu.memory_space<vmem>>, vector<16xf32>,
          tpu.vector_store %arg8[%swap3A_1032], %masked_sort3A_1018 {strides = array<i32>} : memref<64xf32, #tpu.memory_space<vmem>>, vector<16xf32>,
          %swap3A_1034 = arith.constant 48 : index
          %swap3A_1035 = tpu.vector_load %arg9[%swap3A_1034] {strides = array<i32>} : memref<64xi32, #tpu.memory_space<vmem>>, vector<16xi32>,
          tpu.vector_store %arg9[%swap3A_1034], %masked_sort3A_1019 {strides = array<i32>} : memref<64xi32, #tpu.memory_space<vmem>>, vector<16xi32>,
          %reduce_max3A_1036 = arith.constant true
          %reduce_max3A_1037 = vector.broadcast %reduce_max3A_1036 : i1 to vector<16xi1>
          %reduce_max3A_1038 = tpu.scan <max>, %masked_sort3A_1018 masked %reduce_max3A_1037 : vector<16xf32>, vector<16xi1> -> vector<16xf32>
          %reduce_max3A_1039 = vector.extract %reduce_max3A_1038[15] : f32 from vector<16xf32>
          %swap3A_1040 = arith.constant 0 : i32
          %swap3A_1041 = arith.index_cast %swap3A_1040 : i32 to index
          %swap3A_1042 = memref.load %arg17[%swap3A_1041] : memref<1xf32, #tpu.memory_space<smem>>
          memref.store %reduce_max3A_1039, %arg17[%swap3A_1041] : memref<1xf32, #tpu.memory_space<smem>>
          %get3A_1043 = arith.constant 64 : index
          %get3A_1044 = tpu.vector_load %arg6[%get3A_1043] {strides = array<i32>} : memref<80xf32, #tpu.memory_space<vmem>>, vector<16xf32>,
          %swap3A_1045 = arith.constant 0 : index
          %swap3A_1046 = tpu.vector_load %arg6[%swap3A_1045] {strides = array<i32>} : memref<80xf32, #tpu.memory_space<vmem>>, vector<16xf32>,
          tpu.vector_store %arg6[%swap3A_1045], %get3A_1044 {strides = array<i32>} : memref<80xf32, #tpu.memory_space<vmem>>, vector<16xf32>,
          %get3A_1047 = arith.constant 64 : index
          %get3A_1048 = tpu.vector_load %arg7[%get3A_1047] {strides = array<i32>} : memref<80xi32, #tpu.memory_space<vmem>>, vector<16xi32>,
          %swap3A_1049 = arith.constant 0 : index
          %swap3A_1050 = tpu.vector_load %arg7[%swap3A_1049] {strides = array<i32>} : memref<80xi32, #tpu.memory_space<vmem>>, vector<16xi32>,
          tpu.vector_store %arg7[%swap3A_1049], %get3A_1048 {strides = array<i32>} : memref<80xi32, #tpu.memory_space<vmem>>, vector<16xi32>,
        } else {
        }
        %ge3A_692 = arith.constant 64 : i32
        %ge3A_693 = arith.cmpi sge, %add3A_686, %ge3A_692 : i32
        %sub3A_694 = arith.constant 64 : i32
        %sub3A_695 = arith.subi %add3A_686, %sub3A_694 : i32
        %select_n3A_696 = arith.select %ge3A_693, %sub3A_695, %add3A_686 : i32
        %get3A_697 = arith.constant 0 : i32
        %get3A_698 = arith.index_cast %get3A_697 : i32 to index
        %get3A_699 = memref.load %arg17[%get3A_698] : memref<1xf32, #tpu.memory_space<smem>>
        %lt3A_700 = vector.broadcast %get3A_699 : f32 to vector<16xf32>
        %lt3A_701 = arith.cmpf olt, %get3A_519, %lt3A_700 : vector<16xf32>
        %convert_element_type3A_702 = arith.extui %lt3A_701 : vector<16xi1> to vector<16xi32>
        %reduce_sum3A_703 = arith.constant true
        %reduce_sum3A_704 = vector.broadcast %reduce_sum3A_703 : i1 to vector<16xi1>
        %reduce_sum3A_705 = tpu.scan <sum>, %convert_element_type3A_702 masked %reduce_sum3A_704 : vector<16xi32>, vector<16xi1> -> vector<16xi32>
        %reduce_sum3A_706 = vector.extract %reduce_sum3A_705[15] : i32 from vector<16xi32>
        %gt3A_707 = arith.constant 0 : i32
        %gt3A_708 = arith.cmpi sgt, %reduce_sum3A_706, %gt3A_707 : i32
        %convert_element_type3A_709 = arith.extui %gt3A_708 : i1 to i32
        %cond3A_710 = arith.constant 0 : i32
        %cond3A_711 = arith.cmpi ne, %convert_element_type3A_709, %cond3A_710 : i32
        scf.if %cond3A_711 {
          %swap3A_752 = arith.index_cast %select_n3A_696 : i32 to index
          %swap3A_753 = tpu.vector_load %arg6[%swap3A_752] masked %lt3A_701 {strides = array<i32>} : memref<80xf32, #tpu.memory_space<vmem>>, vector<16xf32>, vector<16xi1>
          tpu.vector_store %arg6[%swap3A_752], %get3A_519 masked %lt3A_701 {strides = array<i32>} : memref<80xf32, #tpu.memory_space<vmem>>, vector<16xf32>, vector<16xi1>
          %add3A_754 = arith.addi %multiple_of3A, %mul3A_491 : i32
          %add3A_755 = arith.constant 96 : i32
          %add3A_756 = arith.addi %add3A_754, %add3A_755 : i32
          %add3A_757 = vector.broadcast %add3A_756 : i32 to vector<16xi32>
          %add3A_758 = arith.addi %add3A_757, %iota3A : vector<16xi32>
          %swap3A_759 = arith.index_cast %select_n3A_696 : i32 to index
          %swap3A_760 = tpu.vector_load %arg7[%swap3A_759] masked %lt3A_701 {strides = array<i32>} : memref<80xi32, #tpu.memory_space<vmem>>, vector<16xi32>, vector<16xi1>
          tpu.vector_store %arg7[%swap3A_759], %add3A_758 masked %lt3A_701 {strides = array<i32>} : memref<80xi32, #tpu.memory_space<vmem>>, vector<16xi32>, vector<16xi1>
        } else {
        }
        %add3A_712 = arith.addi %select_n3A_696, %reduce_sum3A_706 : i32
        %ge3A_713 = arith.constant 64 : i32
        %ge3A_714 = arith.cmpi sge, %add3A_712, %ge3A_713 : i32
        %convert_element_type3A_715 = arith.extui %ge3A_714 : i1 to i32
        %cond3A_716 = arith.constant 0 : i32
        %cond3A_717 = arith.cmpi ne, %convert_element_type3A_715, %cond3A_716 : i32
        scf.if %cond3A_717 {
          %add3A_752 = arith.constant 0 : i32
          %add3A_753 = vector.broadcast %add3A_752 : i32 to vector<16xi32>
          %add3A_754 = arith.addi %iota3A, %add3A_753 : vector<16xi32>
          %lt3A_755 = vector.broadcast %add3A_712 : i32 to vector<16xi32>
          %lt3A_756 = arith.cmpi slt, %add3A_754, %lt3A_755 : vector<16xi32>
          %get3A_757 = arith.constant 0 : index
          %get3A_758 = tpu.vector_load %arg6[%get3A_757] {strides = array<i32>} : memref<80xf32, #tpu.memory_space<vmem>>, vector<16xf32>,
          %jit3A = arith.constant 0x7F800000 : f32
          %broadcast_in_dim3A = vector.broadcast %jit3A : f32 to vector<16xf32>
          %select_n3A_759 = arith.select %lt3A_756, %get3A_758, %broadcast_in_dim3A : vector<16xi1>, vector<16xf32>
          %get3A_760 = arith.constant 0 : index
          %get3A_761 = tpu.vector_load %arg7[%get3A_760] {strides = array<i32>} : memref<80xi32, #tpu.memory_space<vmem>>, vector<16xi32>,
          %add3A_762 = arith.constant 16 : i32
          %add3A_763 = vector.broadcast %add3A_762 : i32 to vector<16xi32>
          %add3A_764 = arith.addi %iota3A, %add3A_763 : vector<16xi32>
          %lt3A_765 = vector.broadcast %add3A_712 : i32 to vector<16xi32>
          %lt3A_766 = arith.cmpi slt, %add3A_764, %lt3A_765 : vector<16xi32>
          %get3A_767 = arith.constant 16 : index
          %get3A_768 = tpu.vector_load %arg6[%get3A_767] {strides = array<i32>} : memref<80xf32, #tpu.memory_space<vmem>>, vector<16xf32>,
          %jit3A_769 = arith.constant 0x7F800000 : f32
          %broadcast_in_dim3A_770 = vector.broadcast %jit3A_769 : f32 to vector<16xf32>
          %select_n3A_771 = arith.select %lt3A_766, %get3A_768, %broadcast_in_dim3A_770 : vector<16xi1>, vector<16xf32>
          %get3A_772 = arith.constant 16 : index
          %get3A_773 = tpu.vector_load %arg7[%get3A_772] {strides = array<i32>} : memref<80xi32, #tpu.memory_space<vmem>>, vector<16xi32>,
          %add3A_774 = arith.constant 32 : i32
          %add3A_775 = vector.broadcast %add3A_774 : i32 to vector<16xi32>
          %add3A_776 = arith.addi %iota3A, %add3A_775 : vector<16xi32>
          %lt3A_777 = vector.broadcast %add3A_712 : i32 to vector<16xi32>
          %lt3A_778 = arith.cmpi slt, %add3A_776, %lt3A_777 : vector<16xi32>
          %get3A_779 = arith.constant 32 : index
          %get3A_780 = tpu.vector_load %arg6[%get3A_779] {strides = array<i32>} : memref<80xf32, #tpu.memory_space<vmem>>, vector<16xf32>,
          %jit3A_781 = arith.constant 0x7F800000 : f32
          %broadcast_in_dim3A_782 = vector.broadcast %jit3A_781 : f32 to vector<16xf32>
          %select_n3A_783 = arith.select %lt3A_778, %get3A_780, %broadcast_in_dim3A_782 : vector<16xi1>, vector<16xf32>
          %get3A_784 = arith.constant 32 : index
          %get3A_785 = tpu.vector_load %arg7[%get3A_784] {strides = array<i32>} : memref<80xi32, #tpu.memory_space<vmem>>, vector<16xi32>,
          %add3A_786 = arith.constant 48 : i32
          %add3A_787 = vector.broadcast %add3A_786 : i32 to vector<16xi32>
          %add3A_788 = arith.addi %iota3A, %add3A_787 : vector<16xi32>
          %lt3A_789 = vector.broadcast %add3A_712 : i32 to vector<16xi32>
          %lt3A_790 = arith.cmpi slt, %add3A_788, %lt3A_789 : vector<16xi32>
          %get3A_791 = arith.constant 48 : index
          %get3A_792 = tpu.vector_load %arg6[%get3A_791] {strides = array<i32>} : memref<80xf32, #tpu.memory_space<vmem>>, vector<16xf32>,
          %jit3A_793 = arith.constant 0x7F800000 : f32
          %broadcast_in_dim3A_794 = vector.broadcast %jit3A_793 : f32 to vector<16xf32>
          %select_n3A_795 = arith.select %lt3A_790, %get3A_792, %broadcast_in_dim3A_794 : vector<16xi1>, vector<16xf32>
          %get3A_796 = arith.constant 48 : index
          %get3A_797 = tpu.vector_load %arg7[%get3A_796] {strides = array<i32>} : memref<80xi32, #tpu.memory_space<vmem>>, vector<16xi32>,
          %masked_sort3A_798 = arith.constant dense<true> : vector<16xi1>
          %masked_sort3A_799, %masked_sort3A_800, %masked_sort3A_801 = tpu.sort %select_n3A_759, %get3A_761 masked %masked_sort3A_798 : (vector<16xf32>, vector<16xi32>, vector<16xi1>) -> (vector<16xi1>, vector<16xf32>, vector<16xi32>)
          %masked_sort3A_802 = arith.constant dense<true> : vector<16xi1>
          %masked_sort3A_803, %masked_sort3A_804, %masked_sort3A_805 = tpu.sort %select_n3A_771, %get3A_773 masked %masked_sort3A_802 : (vector<16xf32>, vector<16xi32>, vector<16xi1>) -> (vector<16xi1>, vector<16xf32>, vector<16xi32>)
          %masked_sort3A_806 = arith.constant dense<true> : vector<16xi1>
          %masked_sort3A_807, %masked_sort3A_808, %masked_sort3A_809 = tpu.sort %select_n3A_783, %get3A_785 masked %masked_sort3A_806 : (vector<16xf32>, vector<16xi32>, vector<16xi1>) -> (vector<16xi1>, vector<16xf32>, vector<16xi32>)
          %masked_sort3A_810 = arith.constant dense<true> : vector<16xi1>
          %masked_sort3A_811, %masked_sort3A_812, %masked_sort3A_813 = tpu.sort %select_n3A_795, %get3A_797 masked %masked_sort3A_810 : (vector<16xf32>, vector<16xi32>, vector<16xi1>) -> (vector<16xi1>, vector<16xf32>, vector<16xi32>)
          %rev3A_814 = arith.constant 15 : i32
          %rev3A_815 = vector.broadcast %rev3A_814 : i32 to vector<16xi32>
          %rev3A_816 = tpu.iota {dimensions = array<i32: 0>} : vector<16xi32>
          %rev3A_817 = arith.subi %rev3A_815, %rev3A_816 : vector<16xi32>
          %rev3A_818 = tpu.dynamic_gather %masked_sort3A_804[%rev3A_817] in [0] : vector<16xf32>, vector<16xi32> -> vector<16xf32>
          %rev3A_819 = arith.constant 15 : i32
          %rev3A_820 = vector.broadcast %rev3A_819 : i32 to vector<16xi32>
          %rev3A_821 = tpu.iota {dimensions = array<i32: 0>} : vector<16xi32>
          %rev3A_822 = arith.subi %rev3A_820, %rev3A_821 : vector<16xi32>
          %rev3A_823 = tpu.dynamic_gather %masked_sort3A_805[%rev3A_822] in [0] : vector<16xi32>, vector<16xi32> -> vector<16xi32>
          %le3A_824 = arith.cmpf ole, %masked_sort3A_800, %rev3A_818 : vector<16xf32>
          %select_n3A_825 = arith.select %le3A_824, %masked_sort3A_800, %rev3A_818 : vector<16xi1>, vector<16xf32>
          %select_n3A_826 = arith.select %le3A_824, %masked_sort3A_801, %rev3A_823 : vector<16xi1>, vector<16xi32>
          %select_n3A_827 = arith.select %le3A_824, %rev3A_818, %masked_sort3A_800 : vector<16xi1>, vector<16xf32>
          %select_n3A_828 = arith.select %le3A_824, %rev3A_823, %masked_sort3A_801 : vector<16xi1>, vector<16xi32>
          %masked_sort3A_829 = arith.constant dense<true> : vector<16xi1>
          %masked_sort3A_830, %masked_sort3A_831, %masked_sort3A_832 = tpu.sort %select_n3A_825, %select_n3A_826 masked %masked_sort3A_829 : (vector<16xf32>, vector<16xi32>, vector<16xi1>) -> (vector<16xi1>, vector<16xf32>, vector<16xi32>)
          %masked_sort3A_833 = arith.constant dense<true> : vector<16xi1>
          %masked_sort3A_834, %masked_sort3A_835, %masked_sort3A_836 = tpu.sort %select_n3A_827, %select_n3A_828 masked %masked_sort3A_833 : (vector<16xf32>, vector<16xi32>, vector<16xi1>) -> (vector<16xi1>, vector<16xf32>, vector<16xi32>)
          %rev3A_837 = arith.constant 15 : i32
          %rev3A_838 = vector.broadcast %rev3A_837 : i32 to vector<16xi32>
          %rev3A_839 = tpu.iota {dimensions = array<i32: 0>} : vector<16xi32>
          %rev3A_840 = arith.subi %rev3A_838, %rev3A_839 : vector<16xi32>
          %rev3A_841 = tpu.dynamic_gather %masked_sort3A_812[%rev3A_840] in [0] : vector<16xf32>, vector<16xi32> -> vector<16xf32>
          %rev3A_842 = arith.constant 15 : i32
          %rev3A_843 = vector.broadcast %rev3A_842 : i32 to vector<16xi32>
          %rev3A_844 = tpu.iota {dimensions = array<i32: 0>} : vector<16xi32>
          %rev3A_845 = arith.subi %rev3A_843, %rev3A_844 : vector<16xi32>
          %rev3A_846 = tpu.dynamic_gather %masked_sort3A_813[%rev3A_845] in [0] : vector<16xi32>, vector<16xi32> -> vector<16xi32>
          %le3A_847 = arith.cmpf ole, %masked_sort3A_808, %rev3A_841 : vector<16xf32>
          %select_n3A_848 = arith.select %le3A_847, %masked_sort3A_808, %rev3A_841 : vector<16xi1>, vector<16xf32>
          %select_n3A_849 = arith.select %le3A_847, %masked_sort3A_809, %rev3A_846 : vector<16xi1>, vector<16xi32>
          %select_n3A_850 = arith.select %le3A_847, %rev3A_841, %masked_sort3A_808 : vector<16xi1>, vector<16xf32>
          %select_n3A_851 = arith.select %le3A_847, %rev3A_846, %masked_sort3A_809 : vector<16xi1>, vector<16xi32>
          %masked_sort3A_852 = arith.constant dense<true> : vector<16xi1>
          %masked_sort3A_853, %masked_sort3A_854, %masked_sort3A_855 = tpu.sort %select_n3A_848, %select_n3A_849 masked %masked_sort3A_852 : (vector<16xf32>, vector<16xi32>, vector<16xi1>) -> (vector<16xi1>, vector<16xf32>, vector<16xi32>)
          %masked_sort3A_856 = arith.constant dense<true> : vector<16xi1>
          %masked_sort3A_857, %masked_sort3A_858, %masked_sort3A_859 = tpu.sort %select_n3A_850, %select_n3A_851 masked %masked_sort3A_856 : (vector<16xf32>, vector<16xi32>, vector<16xi1>) -> (vector<16xi1>, vector<16xf32>, vector<16xi32>)
          %rev3A_860 = arith.constant 15 : i32
          %rev3A_861 = vector.broadcast %rev3A_860 : i32 to vector<16xi32>
          %rev3A_862 = tpu.iota {dimensions = array<i32: 0>} : vector<16xi32>
          %rev3A_863 = arith.subi %rev3A_861, %rev3A_862 : vector<16xi32>
          %rev3A_864 = tpu.dynamic_gather %masked_sort3A_858[%rev3A_863] in [0] : vector<16xf32>, vector<16xi32> -> vector<16xf32>
          %rev3A_865 = arith.constant 15 : i32
          %rev3A_866 = vector.broadcast %rev3A_865 : i32 to vector<16xi32>
          %rev3A_867 = tpu.iota {dimensions = array<i32: 0>} : vector<16xi32>
          %rev3A_868 = arith.subi %rev3A_866, %rev3A_867 : vector<16xi32>
          %rev3A_869 = tpu.dynamic_gather %masked_sort3A_859[%rev3A_868] in [0] : vector<16xi32>, vector<16xi32> -> vector<16xi32>
          %le3A_870 = arith.cmpf ole, %masked_sort3A_831, %rev3A_864 : vector<16xf32>
          %select_n3A_871 = arith.select %le3A_870, %masked_sort3A_831, %rev3A_864 : vector<16xi1>, vector<16xf32>
          %select_n3A_872 = arith.select %le3A_870, %masked_sort3A_832, %rev3A_869 : vector<16xi1>, vector<16xi32>
          %select_n3A_873 = arith.select %le3A_870, %rev3A_864, %masked_sort3A_831 : vector<16xi1>, vector<16xf32>
          %select_n3A_874 = arith.select %le3A_870, %rev3A_869, %masked_sort3A_832 : vector<16xi1>, vector<16xi32>
          %rev3A_875 = arith.constant 15 : i32
          %rev3A_876 = vector.broadcast %rev3A_875 : i32 to vector<16xi32>
          %rev3A_877 = tpu.iota {dimensions = array<i32: 0>} : vector<16xi32>
          %rev3A_878 = arith.subi %rev3A_876, %rev3A_877 : vector<16xi32>
          %rev3A_879 = tpu.dynamic_gather %masked_sort3A_854[%rev3A_878] in [0] : vector<16xf32>, vector<16xi32> -> vector<16xf32>
          %rev3A_880 = arith.constant 15 : i32
          %rev3A_881 = vector.broadcast %rev3A_880 : i32 to vector<16xi32>
          %rev3A_882 = tpu.iota {dimensions = array<i32: 0>} : vector<16xi32>
          %rev3A_883 = arith.subi %rev3A_881, %rev3A_882 : vector<16xi32>
          %rev3A_884 = tpu.dynamic_gather %masked_sort3A_855[%rev3A_883] in [0] : vector<16xi32>, vector<16xi32> -> vector<16xi32>
          %le3A_885 = arith.cmpf ole, %masked_sort3A_835, %rev3A_879 : vector<16xf32>
          %select_n3A_886 = arith.select %le3A_885, %masked_sort3A_835, %rev3A_879 : vector<16xi1>, vector<16xf32>
          %select_n3A_887 = arith.select %le3A_885, %masked_sort3A_836, %rev3A_884 : vector<16xi1>, vector<16xi32>
          %select_n3A_888 = arith.select %le3A_885, %rev3A_879, %masked_sort3A_835 : vector<16xi1>, vector<16xf32>
          %select_n3A_889 = arith.select %le3A_885, %rev3A_884, %masked_sort3A_836 : vector<16xi1>, vector<16xi32>
          %le3A_890 = arith.cmpf ole, %select_n3A_871, %select_n3A_886 : vector<16xf32>
          %select_n3A_891 = arith.select %le3A_890, %select_n3A_871, %select_n3A_886 : vector<16xi1>, vector<16xf32>
          %select_n3A_892 = arith.select %le3A_890, %select_n3A_872, %select_n3A_887 : vector<16xi1>, vector<16xi32>
          %select_n3A_893 = arith.select %le3A_890, %select_n3A_886, %select_n3A_871 : vector<16xi1>, vector<16xf32>
          %select_n3A_894 = arith.select %le3A_890, %select_n3A_887, %select_n3A_872 : vector<16xi1>, vector<16xi32>
          %le3A_895 = arith.cmpf ole, %select_n3A_888, %select_n3A_873 : vector<16xf32>
          %select_n3A_896 = arith.select %le3A_895, %select_n3A_888, %select_n3A_873 : vector<16xi1>, vector<16xf32>
          %select_n3A_897 = arith.select %le3A_895, %select_n3A_889, %select_n3A_874 : vector<16xi1>, vector<16xi32>
          %select_n3A_898 = arith.select %le3A_895, %select_n3A_873, %select_n3A_888 : vector<16xi1>, vector<16xf32>
          %select_n3A_899 = arith.select %le3A_895, %select_n3A_874, %select_n3A_889 : vector<16xi1>, vector<16xi32>
          %masked_sort3A_900 = arith.constant dense<true> : vector<16xi1>
          %masked_sort3A_901, %masked_sort3A_902, %masked_sort3A_903 = tpu.sort %select_n3A_891, %select_n3A_892 masked %masked_sort3A_900 : (vector<16xf32>, vector<16xi32>, vector<16xi1>) -> (vector<16xi1>, vector<16xf32>, vector<16xi32>)
          %masked_sort3A_904 = arith.constant dense<true> : vector<16xi1>
          %masked_sort3A_905, %masked_sort3A_906, %masked_sort3A_907 = tpu.sort %select_n3A_893, %select_n3A_894 masked %masked_sort3A_904 : (vector<16xf32>, vector<16xi32>, vector<16xi1>) -> (vector<16xi1>, vector<16xf32>, vector<16xi32>)
          %masked_sort3A_908 = arith.constant dense<true> : vector<16xi1>
          %masked_sort3A_909, %masked_sort3A_910, %masked_sort3A_911 = tpu.sort %select_n3A_896, %select_n3A_897 masked %masked_sort3A_908 : (vector<16xf32>, vector<16xi32>, vector<16xi1>) -> (vector<16xi1>, vector<16xf32>, vector<16xi32>)
          %masked_sort3A_912 = arith.constant dense<true> : vector<16xi1>
          %masked_sort3A_913, %masked_sort3A_914, %masked_sort3A_915 = tpu.sort %select_n3A_898, %select_n3A_899 masked %masked_sort3A_912 : (vector<16xf32>, vector<16xi32>, vector<16xi1>) -> (vector<16xi1>, vector<16xf32>, vector<16xi32>)
          %get3A_916 = arith.constant 0 : index
          %get3A_917 = tpu.vector_load %arg8[%get3A_916] {strides = array<i32>} : memref<64xf32, #tpu.memory_space<vmem>>, vector<16xf32>,
          %get3A_918 = arith.constant 16 : index
          %get3A_919 = tpu.vector_load %arg8[%get3A_918] {strides = array<i32>} : memref<64xf32, #tpu.memory_space<vmem>>, vector<16xf32>,
          %get3A_920 = arith.constant 32 : index
          %get3A_921 = tpu.vector_load %arg8[%get3A_920] {strides = array<i32>} : memref<64xf32, #tpu.memory_space<vmem>>, vector<16xf32>,
          %get3A_922 = arith.constant 48 : index
          %get3A_923 = tpu.vector_load %arg8[%get3A_922] {strides = array<i32>} : memref<64xf32, #tpu.memory_space<vmem>>, vector<16xf32>,
          %get3A_924 = arith.constant 0 : index
          %get3A_925 = tpu.vector_load %arg9[%get3A_924] {strides = array<i32>} : memref<64xi32, #tpu.memory_space<vmem>>, vector<16xi32>,
          %get3A_926 = arith.constant 16 : index
          %get3A_927 = tpu.vector_load %arg9[%get3A_926] {strides = array<i32>} : memref<64xi32, #tpu.memory_space<vmem>>, vector<16xi32>,
          %get3A_928 = arith.constant 32 : index
          %get3A_929 = tpu.vector_load %arg9[%get3A_928] {strides = array<i32>} : memref<64xi32, #tpu.memory_space<vmem>>, vector<16xi32>,
          %get3A_930 = arith.constant 48 : index
          %get3A_931 = tpu.vector_load %arg9[%get3A_930] {strides = array<i32>} : memref<64xi32, #tpu.memory_space<vmem>>, vector<16xi32>,
          %rev3A_932 = arith.constant 15 : i32
          %rev3A_933 = vector.broadcast %rev3A_932 : i32 to vector<16xi32>
          %rev3A_934 = tpu.iota {dimensions = array<i32: 0>} : vector<16xi32>
          %rev3A_935 = arith.subi %rev3A_933, %rev3A_934 : vector<16xi32>
          %rev3A_936 = tpu.dynamic_gather %masked_sort3A_914[%rev3A_935] in [0] : vector<16xf32>, vector<16xi32> -> vector<16xf32>
          %rev3A_937 = arith.constant 15 : i32
          %rev3A_938 = vector.broadcast %rev3A_937 : i32 to vector<16xi32>
          %rev3A_939 = tpu.iota {dimensions = array<i32: 0>} : vector<16xi32>
          %rev3A_940 = arith.subi %rev3A_938, %rev3A_939 : vector<16xi32>
          %rev3A_941 = tpu.dynamic_gather %masked_sort3A_910[%rev3A_940] in [0] : vector<16xf32>, vector<16xi32> -> vector<16xf32>
          %rev3A_942 = arith.constant 15 : i32
          %rev3A_943 = vector.broadcast %rev3A_942 : i32 to vector<16xi32>
          %rev3A_944 = tpu.iota {dimensions = array<i32: 0>} : vector<16xi32>
          %rev3A_945 = arith.subi %rev3A_943, %rev3A_944 : vector<16xi32>
          %rev3A_946 = tpu.dynamic_gather %masked_sort3A_906[%rev3A_945] in [0] : vector<16xf32>, vector<16xi32> -> vector<16xf32>
          %rev3A_947 = arith.constant 15 : i32
          %rev3A_948 = vector.broadcast %rev3A_947 : i32 to vector<16xi32>
          %rev3A_949 = tpu.iota {dimensions = array<i32: 0>} : vector<16xi32>
          %rev3A_950 = arith.subi %rev3A_948, %rev3A_949 : vector<16xi32>
          %rev3A_951 = tpu.dynamic_gather %masked_sort3A_902[%rev3A_950] in [0] : vector<16xf32>, vector<16xi32> -> vector<16xf32>
          %rev3A_952 = arith.constant 15 : i32
          %rev3A_953 = vector.broadcast %rev3A_952 : i32 to vector<16xi32>
          %rev3A_954 = tpu.iota {dimensions = array<i32: 0>} : vector<16xi32>
          %rev3A_955 = arith.subi %rev3A_953, %rev3A_954 : vector<16xi32>
          %rev3A_956 = tpu.dynamic_gather %masked_sort3A_915[%rev3A_955] in [0] : vector<16xi32>, vector<16xi32> -> vector<16xi32>
          %rev3A_957 = arith.constant 15 : i32
          %rev3A_958 = vector.broadcast %rev3A_957 : i32 to vector<16xi32>
          %rev3A_959 = tpu.iota {dimensions = array<i32: 0>} : vector<16xi32>
          %rev3A_960 = arith.subi %rev3A_958, %rev3A_959 : vector<16xi32>
          %rev3A_961 = tpu.dynamic_gather %masked_sort3A_911[%rev3A_960] in [0] : vector<16xi32>, vector<16xi32> -> vector<16xi32>
          %rev3A_962 = arith.constant 15 : i32
          %rev3A_963 = vector.broadcast %rev3A_962 : i32 to vector<16xi32>
          %rev3A_964 = tpu.iota {dimensions = array<i32: 0>} : vector<16xi32>
          %rev3A_965 = arith.subi %rev3A_963, %rev3A_964 : vector<16xi32>
          %rev3A_966 = tpu.dynamic_gather %masked_sort3A_907[%rev3A_965] in [0] : vector<16xi32>, vector<16xi32> -> vector<16xi32>
          %rev3A_967 = arith.constant 15 : i32
          %rev3A_968 = vector.broadcast %rev3A_967 : i32 to vector<16xi32>
          %rev3A_969 = tpu.iota {dimensions = array<i32: 0>} : vector<16xi32>
          %rev3A_970 = arith.subi %rev3A_968, %rev3A_969 : vector<16xi32>
          %rev3A_971 = tpu.dynamic_gather %masked_sort3A_903[%rev3A_970] in [0] : vector<16xi32>, vector<16xi32> -> vector<16xi32>
          %le3A_972 = arith.cmpf ole, %get3A_917, %rev3A_936 : vector<16xf32>
          %select_n3A_973 = arith.select %le3A_972, %get3A_917, %rev3A_936 : vector<16xi1>, vector<16xf32>
          %select_n3A_974 = arith.select %le3A_972, %get3A_925, %rev3A_956 : vector<16xi1>, vector<16xi32>
          %le3A_975 = arith.cmpf ole, %get3A_919, %rev3A_941 : vector<16xf32>
          %select_n3A_976 = arith.select %le3A_975, %get3A_919, %rev3A_941 : vector<16xi1>, vector<16xf32>
          %select_n3A_977 = arith.select %le3A_975, %get3A_927, %rev3A_961 : vector<16xi1>, vector<16xi32>
          %le3A_978 = arith.cmpf ole, %get3A_921, %rev3A_946 : vector<16xf32>
          %select_n3A_979 = arith.select %le3A_978, %get3A_921, %rev3A_946 : vector<16xi1>, vector<16xf32>
          %select_n3A_980 = arith.select %le3A_978, %get3A_929, %rev3A_966 : vector<16xi1>, vector<16xi32>
          %le3A_981 = arith.cmpf ole, %get3A_923, %rev3A_951 : vector<16xf32>
          %select_n3A_982 = arith.select %le3A_981, %get3A_923, %rev3A_951 : vector<16xi1>, vector<16xf32>
          %select_n3A_983 = arith.select %le3A_981, %get3A_931, %rev3A_971 : vector<16xi1>, vector<16xi32>
          %le3A_984 = arith.cmpf ole, %select_n3A_973, %select_n3A_979 : vector<16xf32>
          %select_n3A_985 = arith.select %le3A_984, %select_n3A_973, %select_n3A_979 : vector<16xi1>, vector<16xf32>
          %select_n3A_986 = arith.select %le3A_984, %select_n3A_974, %select_n3A_980 : vector<16xi1>, vector<16xi32>
          %select_n3A_987 = arith.select %le3A_984, %select_n3A_979, %select_n3A_973 : vector<16xi1>, vector<16xf32>
          %select_n3A_988 = arith.select %le3A_984, %select_n3A_980, %select_n3A_974 : vector<16xi1>, vector<16xi32>
          %le3A_989 = arith.cmpf ole, %select_n3A_976, %select_n3A_982 : vector<16xf32>
          %select_n3A_990 = arith.select %le3A_989, %select_n3A_976, %select_n3A_982 : vector<16xi1>, vector<16xf32>
          %select_n3A_991 = arith.select %le3A_989, %select_n3A_977, %select_n3A_983 : vector<16xi1>, vector<16xi32>
          %select_n3A_992 = arith.select %le3A_989, %select_n3A_982, %select_n3A_976 : vector<16xi1>, vector<16xf32>
          %select_n3A_993 = arith.select %le3A_989, %select_n3A_983, %select_n3A_977 : vector<16xi1>, vector<16xi32>
          %le3A_994 = arith.cmpf ole, %select_n3A_985, %select_n3A_990 : vector<16xf32>
          %select_n3A_995 = arith.select %le3A_994, %select_n3A_985, %select_n3A_990 : vector<16xi1>, vector<16xf32>
          %select_n3A_996 = arith.select %le3A_994, %select_n3A_986, %select_n3A_991 : vector<16xi1>, vector<16xi32>
          %select_n3A_997 = arith.select %le3A_994, %select_n3A_990, %select_n3A_985 : vector<16xi1>, vector<16xf32>
          %select_n3A_998 = arith.select %le3A_994, %select_n3A_991, %select_n3A_986 : vector<16xi1>, vector<16xi32>
          %le3A_999 = arith.cmpf ole, %select_n3A_987, %select_n3A_992 : vector<16xf32>
          %select_n3A_1000 = arith.select %le3A_999, %select_n3A_987, %select_n3A_992 : vector<16xi1>, vector<16xf32>
          %select_n3A_1001 = arith.select %le3A_999, %select_n3A_988, %select_n3A_993 : vector<16xi1>, vector<16xi32>
          %select_n3A_1002 = arith.select %le3A_999, %select_n3A_992, %select_n3A_987 : vector<16xi1>, vector<16xf32>
          %select_n3A_1003 = arith.select %le3A_999, %select_n3A_993, %select_n3A_988 : vector<16xi1>, vector<16xi32>
          %masked_sort3A_1004 = arith.constant dense<true> : vector<16xi1>
          %masked_sort3A_1005, %masked_sort3A_1006, %masked_sort3A_1007 = tpu.sort %select_n3A_995, %select_n3A_996 masked %masked_sort3A_1004 : (vector<16xf32>, vector<16xi32>, vector<16xi1>) -> (vector<16xi1>, vector<16xf32>, vector<16xi32>)
          %masked_sort3A_1008 = arith.constant dense<true> : vector<16xi1>
          %masked_sort3A_1009, %masked_sort3A_1010, %masked_sort3A_1011 = tpu.sort %select_n3A_997, %select_n3A_998 masked %masked_sort3A_1008 : (vector<16xf32>, vector<16xi32>, vector<16xi1>) -> (vector<16xi1>, vector<16xf32>, vector<16xi32>)
          %masked_sort3A_1012 = arith.constant dense<true> : vector<16xi1>
          %masked_sort3A_1013, %masked_sort3A_1014, %masked_sort3A_1015 = tpu.sort %select_n3A_1000, %select_n3A_1001 masked %masked_sort3A_1012 : (vector<16xf32>, vector<16xi32>, vector<16xi1>) -> (vector<16xi1>, vector<16xf32>, vector<16xi32>)
          %masked_sort3A_1016 = arith.constant dense<true> : vector<16xi1>
          %masked_sort3A_1017, %masked_sort3A_1018, %masked_sort3A_1019 = tpu.sort %select_n3A_1002, %select_n3A_1003 masked %masked_sort3A_1016 : (vector<16xf32>, vector<16xi32>, vector<16xi1>) -> (vector<16xi1>, vector<16xf32>, vector<16xi32>)
          %swap3A_1020 = arith.constant 0 : index
          %swap3A_1021 = tpu.vector_load %arg8[%swap3A_1020] {strides = array<i32>} : memref<64xf32, #tpu.memory_space<vmem>>, vector<16xf32>,
          tpu.vector_store %arg8[%swap3A_1020], %masked_sort3A_1006 {strides = array<i32>} : memref<64xf32, #tpu.memory_space<vmem>>, vector<16xf32>,
          %swap3A_1022 = arith.constant 0 : index
          %swap3A_1023 = tpu.vector_load %arg9[%swap3A_1022] {strides = array<i32>} : memref<64xi32, #tpu.memory_space<vmem>>, vector<16xi32>,
          tpu.vector_store %arg9[%swap3A_1022], %masked_sort3A_1007 {strides = array<i32>} : memref<64xi32, #tpu.memory_space<vmem>>, vector<16xi32>,
          %swap3A_1024 = arith.constant 16 : index
          %swap3A_1025 = tpu.vector_load %arg8[%swap3A_1024] {strides = array<i32>} : memref<64xf32, #tpu.memory_space<vmem>>, vector<16xf32>,
          tpu.vector_store %arg8[%swap3A_1024], %masked_sort3A_1010 {strides = array<i32>} : memref<64xf32, #tpu.memory_space<vmem>>, vector<16xf32>,
          %swap3A_1026 = arith.constant 16 : index
          %swap3A_1027 = tpu.vector_load %arg9[%swap3A_1026] {strides = array<i32>} : memref<64xi32, #tpu.memory_space<vmem>>, vector<16xi32>,
          tpu.vector_store %arg9[%swap3A_1026], %masked_sort3A_1011 {strides = array<i32>} : memref<64xi32, #tpu.memory_space<vmem>>, vector<16xi32>,
          %swap3A_1028 = arith.constant 32 : index
          %swap3A_1029 = tpu.vector_load %arg8[%swap3A_1028] {strides = array<i32>} : memref<64xf32, #tpu.memory_space<vmem>>, vector<16xf32>,
          tpu.vector_store %arg8[%swap3A_1028], %masked_sort3A_1014 {strides = array<i32>} : memref<64xf32, #tpu.memory_space<vmem>>, vector<16xf32>,
          %swap3A_1030 = arith.constant 32 : index
          %swap3A_1031 = tpu.vector_load %arg9[%swap3A_1030] {strides = array<i32>} : memref<64xi32, #tpu.memory_space<vmem>>, vector<16xi32>,
          tpu.vector_store %arg9[%swap3A_1030], %masked_sort3A_1015 {strides = array<i32>} : memref<64xi32, #tpu.memory_space<vmem>>, vector<16xi32>,
          %swap3A_1032 = arith.constant 48 : index
          %swap3A_1033 = tpu.vector_load %arg8[%swap3A_1032] {strides = array<i32>} : memref<64xf32, #tpu.memory_space<vmem>>, vector<16xf32>,
          tpu.vector_store %arg8[%swap3A_1032], %masked_sort3A_1018 {strides = array<i32>} : memref<64xf32, #tpu.memory_space<vmem>>, vector<16xf32>,
          %swap3A_1034 = arith.constant 48 : index
          %swap3A_1035 = tpu.vector_load %arg9[%swap3A_1034] {strides = array<i32>} : memref<64xi32, #tpu.memory_space<vmem>>, vector<16xi32>,
          tpu.vector_store %arg9[%swap3A_1034], %masked_sort3A_1019 {strides = array<i32>} : memref<64xi32, #tpu.memory_space<vmem>>, vector<16xi32>,
          %reduce_max3A_1036 = arith.constant true
          %reduce_max3A_1037 = vector.broadcast %reduce_max3A_1036 : i1 to vector<16xi1>
          %reduce_max3A_1038 = tpu.scan <max>, %masked_sort3A_1018 masked %reduce_max3A_1037 : vector<16xf32>, vector<16xi1> -> vector<16xf32>
          %reduce_max3A_1039 = vector.extract %reduce_max3A_1038[15] : f32 from vector<16xf32>
          %swap3A_1040 = arith.constant 0 : i32
          %swap3A_1041 = arith.index_cast %swap3A_1040 : i32 to index
          %swap3A_1042 = memref.load %arg17[%swap3A_1041] : memref<1xf32, #tpu.memory_space<smem>>
          memref.store %reduce_max3A_1039, %arg17[%swap3A_1041] : memref<1xf32, #tpu.memory_space<smem>>
          %get3A_1043 = arith.constant 64 : index
          %get3A_1044 = tpu.vector_load %arg6[%get3A_1043] {strides = array<i32>} : memref<80xf32, #tpu.memory_space<vmem>>, vector<16xf32>,
          %swap3A_1045 = arith.constant 0 : index
          %swap3A_1046 = tpu.vector_load %arg6[%swap3A_1045] {strides = array<i32>} : memref<80xf32, #tpu.memory_space<vmem>>, vector<16xf32>,
          tpu.vector_store %arg6[%swap3A_1045], %get3A_1044 {strides = array<i32>} : memref<80xf32, #tpu.memory_space<vmem>>, vector<16xf32>,
          %get3A_1047 = arith.constant 64 : index
          %get3A_1048 = tpu.vector_load %arg7[%get3A_1047] {strides = array<i32>} : memref<80xi32, #tpu.memory_space<vmem>>, vector<16xi32>,
          %swap3A_1049 = arith.constant 0 : index
          %swap3A_1050 = tpu.vector_load %arg7[%swap3A_1049] {strides = array<i32>} : memref<80xi32, #tpu.memory_space<vmem>>, vector<16xi32>,
          tpu.vector_store %arg7[%swap3A_1049], %get3A_1048 {strides = array<i32>} : memref<80xi32, #tpu.memory_space<vmem>>, vector<16xi32>,
        } else {
        }
        %ge3A_718 = arith.constant 64 : i32
        %ge3A_719 = arith.cmpi sge, %add3A_712, %ge3A_718 : i32
        %sub3A_720 = arith.constant 64 : i32
        %sub3A_721 = arith.subi %add3A_712, %sub3A_720 : i32
        %select_n3A_722 = arith.select %ge3A_719, %sub3A_721, %add3A_712 : i32
        %get3A_723 = arith.constant 0 : i32
        %get3A_724 = arith.index_cast %get3A_723 : i32 to index
        %get3A_725 = memref.load %arg17[%get3A_724] : memref<1xf32, #tpu.memory_space<smem>>
        %lt3A_726 = vector.broadcast %get3A_725 : f32 to vector<16xf32>
        %lt3A_727 = arith.cmpf olt, %get3A_523, %lt3A_726 : vector<16xf32>
        %convert_element_type3A_728 = arith.extui %lt3A_727 : vector<16xi1> to vector<16xi32>
        %reduce_sum3A_729 = arith.constant true
        %reduce_sum3A_730 = vector.broadcast %reduce_sum3A_729 : i1 to vector<16xi1>
        %reduce_sum3A_731 = tpu.scan <sum>, %convert_element_type3A_728 masked %reduce_sum3A_730 : vector<16xi32>, vector<16xi1> -> vector<16xi32>
        %reduce_sum3A_732 = vector.extract %reduce_sum3A_731[15] : i32 from vector<16xi32>
        %gt3A_733 = arith.constant 0 : i32
        %gt3A_734 = arith.cmpi sgt, %reduce_sum3A_732, %gt3A_733 : i32
        %convert_element_type3A_735 = arith.extui %gt3A_734 : i1 to i32
        %cond3A_736 = arith.constant 0 : i32
        %cond3A_737 = arith.cmpi ne, %convert_element_type3A_735, %cond3A_736 : i32
        scf.if %cond3A_737 {
          %swap3A_752 = arith.index_cast %select_n3A_722 : i32 to index
          %swap3A_753 = tpu.vector_load %arg6[%swap3A_752] masked %lt3A_727 {strides = array<i32>} : memref<80xf32, #tpu.memory_space<vmem>>, vector<16xf32>, vector<16xi1>
          tpu.vector_store %arg6[%swap3A_752], %get3A_523 masked %lt3A_727 {strides = array<i32>} : memref<80xf32, #tpu.memory_space<vmem>>, vector<16xf32>, vector<16xi1>
          %add3A_754 = arith.addi %multiple_of3A, %mul3A_491 : i32
          %add3A_755 = arith.constant 112 : i32
          %add3A_756 = arith.addi %add3A_754, %add3A_755 : i32
          %add3A_757 = vector.broadcast %add3A_756 : i32 to vector<16xi32>
          %add3A_758 = arith.addi %add3A_757, %iota3A : vector<16xi32>
          %swap3A_759 = arith.index_cast %select_n3A_722 : i32 to index
          %swap3A_760 = tpu.vector_load %arg7[%swap3A_759] masked %lt3A_727 {strides = array<i32>} : memref<80xi32, #tpu.memory_space<vmem>>, vector<16xi32>, vector<16xi1>
          tpu.vector_store %arg7[%swap3A_759], %add3A_758 masked %lt3A_727 {strides = array<i32>} : memref<80xi32, #tpu.memory_space<vmem>>, vector<16xi32>, vector<16xi1>
        } else {
        }
        %add3A_738 = arith.addi %select_n3A_722, %reduce_sum3A_732 : i32
        %ge3A_739 = arith.constant 64 : i32
        %ge3A_740 = arith.cmpi sge, %add3A_738, %ge3A_739 : i32
        %convert_element_type3A_741 = arith.extui %ge3A_740 : i1 to i32
        %cond3A_742 = arith.constant 0 : i32
        %cond3A_743 = arith.cmpi ne, %convert_element_type3A_741, %cond3A_742 : i32
        scf.if %cond3A_743 {
          %add3A_752 = arith.constant 0 : i32
          %add3A_753 = vector.broadcast %add3A_752 : i32 to vector<16xi32>
          %add3A_754 = arith.addi %iota3A, %add3A_753 : vector<16xi32>
          %lt3A_755 = vector.broadcast %add3A_738 : i32 to vector<16xi32>
          %lt3A_756 = arith.cmpi slt, %add3A_754, %lt3A_755 : vector<16xi32>
          %get3A_757 = arith.constant 0 : index
          %get3A_758 = tpu.vector_load %arg6[%get3A_757] {strides = array<i32>} : memref<80xf32, #tpu.memory_space<vmem>>, vector<16xf32>,
          %jit3A = arith.constant 0x7F800000 : f32
          %broadcast_in_dim3A = vector.broadcast %jit3A : f32 to vector<16xf32>
          %select_n3A_759 = arith.select %lt3A_756, %get3A_758, %broadcast_in_dim3A : vector<16xi1>, vector<16xf32>
          %get3A_760 = arith.constant 0 : index
          %get3A_761 = tpu.vector_load %arg7[%get3A_760] {strides = array<i32>} : memref<80xi32, #tpu.memory_space<vmem>>, vector<16xi32>,
          %add3A_762 = arith.constant 16 : i32
          %add3A_763 = vector.broadcast %add3A_762 : i32 to vector<16xi32>
          %add3A_764 = arith.addi %iota3A, %add3A_763 : vector<16xi32>
          %lt3A_765 = vector.broadcast %add3A_738 : i32 to vector<16xi32>
          %lt3A_766 = arith.cmpi slt, %add3A_764, %lt3A_765 : vector<16xi32>
          %get3A_767 = arith.constant 16 : index
          %get3A_768 = tpu.vector_load %arg6[%get3A_767] {strides = array<i32>} : memref<80xf32, #tpu.memory_space<vmem>>, vector<16xf32>,
          %jit3A_769 = arith.constant 0x7F800000 : f32
          %broadcast_in_dim3A_770 = vector.broadcast %jit3A_769 : f32 to vector<16xf32>
          %select_n3A_771 = arith.select %lt3A_766, %get3A_768, %broadcast_in_dim3A_770 : vector<16xi1>, vector<16xf32>
          %get3A_772 = arith.constant 16 : index
          %get3A_773 = tpu.vector_load %arg7[%get3A_772] {strides = array<i32>} : memref<80xi32, #tpu.memory_space<vmem>>, vector<16xi32>,
          %add3A_774 = arith.constant 32 : i32
          %add3A_775 = vector.broadcast %add3A_774 : i32 to vector<16xi32>
          %add3A_776 = arith.addi %iota3A, %add3A_775 : vector<16xi32>
          %lt3A_777 = vector.broadcast %add3A_738 : i32 to vector<16xi32>
          %lt3A_778 = arith.cmpi slt, %add3A_776, %lt3A_777 : vector<16xi32>
          %get3A_779 = arith.constant 32 : index
          %get3A_780 = tpu.vector_load %arg6[%get3A_779] {strides = array<i32>} : memref<80xf32, #tpu.memory_space<vmem>>, vector<16xf32>,
          %jit3A_781 = arith.constant 0x7F800000 : f32
          %broadcast_in_dim3A_782 = vector.broadcast %jit3A_781 : f32 to vector<16xf32>
          %select_n3A_783 = arith.select %lt3A_778, %get3A_780, %broadcast_in_dim3A_782 : vector<16xi1>, vector<16xf32>
          %get3A_784 = arith.constant 32 : index
          %get3A_785 = tpu.vector_load %arg7[%get3A_784] {strides = array<i32>} : memref<80xi32, #tpu.memory_space<vmem>>, vector<16xi32>,
          %add3A_786 = arith.constant 48 : i32
          %add3A_787 = vector.broadcast %add3A_786 : i32 to vector<16xi32>
          %add3A_788 = arith.addi %iota3A, %add3A_787 : vector<16xi32>
          %lt3A_789 = vector.broadcast %add3A_738 : i32 to vector<16xi32>
          %lt3A_790 = arith.cmpi slt, %add3A_788, %lt3A_789 : vector<16xi32>
          %get3A_791 = arith.constant 48 : index
          %get3A_792 = tpu.vector_load %arg6[%get3A_791] {strides = array<i32>} : memref<80xf32, #tpu.memory_space<vmem>>, vector<16xf32>,
          %jit3A_793 = arith.constant 0x7F800000 : f32
          %broadcast_in_dim3A_794 = vector.broadcast %jit3A_793 : f32 to vector<16xf32>
          %select_n3A_795 = arith.select %lt3A_790, %get3A_792, %broadcast_in_dim3A_794 : vector<16xi1>, vector<16xf32>
          %get3A_796 = arith.constant 48 : index
          %get3A_797 = tpu.vector_load %arg7[%get3A_796] {strides = array<i32>} : memref<80xi32, #tpu.memory_space<vmem>>, vector<16xi32>,
          %masked_sort3A_798 = arith.constant dense<true> : vector<16xi1>
          %masked_sort3A_799, %masked_sort3A_800, %masked_sort3A_801 = tpu.sort %select_n3A_759, %get3A_761 masked %masked_sort3A_798 : (vector<16xf32>, vector<16xi32>, vector<16xi1>) -> (vector<16xi1>, vector<16xf32>, vector<16xi32>)
          %masked_sort3A_802 = arith.constant dense<true> : vector<16xi1>
          %masked_sort3A_803, %masked_sort3A_804, %masked_sort3A_805 = tpu.sort %select_n3A_771, %get3A_773 masked %masked_sort3A_802 : (vector<16xf32>, vector<16xi32>, vector<16xi1>) -> (vector<16xi1>, vector<16xf32>, vector<16xi32>)
          %masked_sort3A_806 = arith.constant dense<true> : vector<16xi1>
          %masked_sort3A_807, %masked_sort3A_808, %masked_sort3A_809 = tpu.sort %select_n3A_783, %get3A_785 masked %masked_sort3A_806 : (vector<16xf32>, vector<16xi32>, vector<16xi1>) -> (vector<16xi1>, vector<16xf32>, vector<16xi32>)
          %masked_sort3A_810 = arith.constant dense<true> : vector<16xi1>
          %masked_sort3A_811, %masked_sort3A_812, %masked_sort3A_813 = tpu.sort %select_n3A_795, %get3A_797 masked %masked_sort3A_810 : (vector<16xf32>, vector<16xi32>, vector<16xi1>) -> (vector<16xi1>, vector<16xf32>, vector<16xi32>)
          %rev3A_814 = arith.constant 15 : i32
          %rev3A_815 = vector.broadcast %rev3A_814 : i32 to vector<16xi32>
          %rev3A_816 = tpu.iota {dimensions = array<i32: 0>} : vector<16xi32>
          %rev3A_817 = arith.subi %rev3A_815, %rev3A_816 : vector<16xi32>
          %rev3A_818 = tpu.dynamic_gather %masked_sort3A_804[%rev3A_817] in [0] : vector<16xf32>, vector<16xi32> -> vector<16xf32>
          %rev3A_819 = arith.constant 15 : i32
          %rev3A_820 = vector.broadcast %rev3A_819 : i32 to vector<16xi32>
          %rev3A_821 = tpu.iota {dimensions = array<i32: 0>} : vector<16xi32>
          %rev3A_822 = arith.subi %rev3A_820, %rev3A_821 : vector<16xi32>
          %rev3A_823 = tpu.dynamic_gather %masked_sort3A_805[%rev3A_822] in [0] : vector<16xi32>, vector<16xi32> -> vector<16xi32>
          %le3A_824 = arith.cmpf ole, %masked_sort3A_800, %rev3A_818 : vector<16xf32>
          %select_n3A_825 = arith.select %le3A_824, %masked_sort3A_800, %rev3A_818 : vector<16xi1>, vector<16xf32>
          %select_n3A_826 = arith.select %le3A_824, %masked_sort3A_801, %rev3A_823 : vector<16xi1>, vector<16xi32>
          %select_n3A_827 = arith.select %le3A_824, %rev3A_818, %masked_sort3A_800 : vector<16xi1>, vector<16xf32>
          %select_n3A_828 = arith.select %le3A_824, %rev3A_823, %masked_sort3A_801 : vector<16xi1>, vector<16xi32>
          %masked_sort3A_829 = arith.constant dense<true> : vector<16xi1>
          %masked_sort3A_830, %masked_sort3A_831, %masked_sort3A_832 = tpu.sort %select_n3A_825, %select_n3A_826 masked %masked_sort3A_829 : (vector<16xf32>, vector<16xi32>, vector<16xi1>) -> (vector<16xi1>, vector<16xf32>, vector<16xi32>)
          %masked_sort3A_833 = arith.constant dense<true> : vector<16xi1>
          %masked_sort3A_834, %masked_sort3A_835, %masked_sort3A_836 = tpu.sort %select_n3A_827, %select_n3A_828 masked %masked_sort3A_833 : (vector<16xf32>, vector<16xi32>, vector<16xi1>) -> (vector<16xi1>, vector<16xf32>, vector<16xi32>)
          %rev3A_837 = arith.constant 15 : i32
          %rev3A_838 = vector.broadcast %rev3A_837 : i32 to vector<16xi32>
          %rev3A_839 = tpu.iota {dimensions = array<i32: 0>} : vector<16xi32>
          %rev3A_840 = arith.subi %rev3A_838, %rev3A_839 : vector<16xi32>
          %rev3A_841 = tpu.dynamic_gather %masked_sort3A_812[%rev3A_840] in [0] : vector<16xf32>, vector<16xi32> -> vector<16xf32>
          %rev3A_842 = arith.constant 15 : i32
          %rev3A_843 = vector.broadcast %rev3A_842 : i32 to vector<16xi32>
          %rev3A_844 = tpu.iota {dimensions = array<i32: 0>} : vector<16xi32>
          %rev3A_845 = arith.subi %rev3A_843, %rev3A_844 : vector<16xi32>
          %rev3A_846 = tpu.dynamic_gather %masked_sort3A_813[%rev3A_845] in [0] : vector<16xi32>, vector<16xi32> -> vector<16xi32>
          %le3A_847 = arith.cmpf ole, %masked_sort3A_808, %rev3A_841 : vector<16xf32>
          %select_n3A_848 = arith.select %le3A_847, %masked_sort3A_808, %rev3A_841 : vector<16xi1>, vector<16xf32>
          %select_n3A_849 = arith.select %le3A_847, %masked_sort3A_809, %rev3A_846 : vector<16xi1>, vector<16xi32>
          %select_n3A_850 = arith.select %le3A_847, %rev3A_841, %masked_sort3A_808 : vector<16xi1>, vector<16xf32>
          %select_n3A_851 = arith.select %le3A_847, %rev3A_846, %masked_sort3A_809 : vector<16xi1>, vector<16xi32>
          %masked_sort3A_852 = arith.constant dense<true> : vector<16xi1>
          %masked_sort3A_853, %masked_sort3A_854, %masked_sort3A_855 = tpu.sort %select_n3A_848, %select_n3A_849 masked %masked_sort3A_852 : (vector<16xf32>, vector<16xi32>, vector<16xi1>) -> (vector<16xi1>, vector<16xf32>, vector<16xi32>)
          %masked_sort3A_856 = arith.constant dense<true> : vector<16xi1>
          %masked_sort3A_857, %masked_sort3A_858, %masked_sort3A_859 = tpu.sort %select_n3A_850, %select_n3A_851 masked %masked_sort3A_856 : (vector<16xf32>, vector<16xi32>, vector<16xi1>) -> (vector<16xi1>, vector<16xf32>, vector<16xi32>)
          %rev3A_860 = arith.constant 15 : i32
          %rev3A_861 = vector.broadcast %rev3A_860 : i32 to vector<16xi32>
          %rev3A_862 = tpu.iota {dimensions = array<i32: 0>} : vector<16xi32>
          %rev3A_863 = arith.subi %rev3A_861, %rev3A_862 : vector<16xi32>
          %rev3A_864 = tpu.dynamic_gather %masked_sort3A_858[%rev3A_863] in [0] : vector<16xf32>, vector<16xi32> -> vector<16xf32>
          %rev3A_865 = arith.constant 15 : i32
          %rev3A_866 = vector.broadcast %rev3A_865 : i32 to vector<16xi32>
          %rev3A_867 = tpu.iota {dimensions = array<i32: 0>} : vector<16xi32>
          %rev3A_868 = arith.subi %rev3A_866, %rev3A_867 : vector<16xi32>
          %rev3A_869 = tpu.dynamic_gather %masked_sort3A_859[%rev3A_868] in [0] : vector<16xi32>, vector<16xi32> -> vector<16xi32>
          %le3A_870 = arith.cmpf ole, %masked_sort3A_831, %rev3A_864 : vector<16xf32>
          %select_n3A_871 = arith.select %le3A_870, %masked_sort3A_831, %rev3A_864 : vector<16xi1>, vector<16xf32>
          %select_n3A_872 = arith.select %le3A_870, %masked_sort3A_832, %rev3A_869 : vector<16xi1>, vector<16xi32>
          %select_n3A_873 = arith.select %le3A_870, %rev3A_864, %masked_sort3A_831 : vector<16xi1>, vector<16xf32>
          %select_n3A_874 = arith.select %le3A_870, %rev3A_869, %masked_sort3A_832 : vector<16xi1>, vector<16xi32>
          %rev3A_875 = arith.constant 15 : i32
          %rev3A_876 = vector.broadcast %rev3A_875 : i32 to vector<16xi32>
          %rev3A_877 = tpu.iota {dimensions = array<i32: 0>} : vector<16xi32>
          %rev3A_878 = arith.subi %rev3A_876, %rev3A_877 : vector<16xi32>
          %rev3A_879 = tpu.dynamic_gather %masked_sort3A_854[%rev3A_878] in [0] : vector<16xf32>, vector<16xi32> -> vector<16xf32>
          %rev3A_880 = arith.constant 15 : i32
          %rev3A_881 = vector.broadcast %rev3A_880 : i32 to vector<16xi32>
          %rev3A_882 = tpu.iota {dimensions = array<i32: 0>} : vector<16xi32>
          %rev3A_883 = arith.subi %rev3A_881, %rev3A_882 : vector<16xi32>
          %rev3A_884 = tpu.dynamic_gather %masked_sort3A_855[%rev3A_883] in [0] : vector<16xi32>, vector<16xi32> -> vector<16xi32>
          %le3A_885 = arith.cmpf ole, %masked_sort3A_835, %rev3A_879 : vector<16xf32>
          %select_n3A_886 = arith.select %le3A_885, %masked_sort3A_835, %rev3A_879 : vector<16xi1>, vector<16xf32>
          %select_n3A_887 = arith.select %le3A_885, %masked_sort3A_836, %rev3A_884 : vector<16xi1>, vector<16xi32>
          %select_n3A_888 = arith.select %le3A_885, %rev3A_879, %masked_sort3A_835 : vector<16xi1>, vector<16xf32>
          %select_n3A_889 = arith.select %le3A_885, %rev3A_884, %masked_sort3A_836 : vector<16xi1>, vector<16xi32>
          %le3A_890 = arith.cmpf ole, %select_n3A_871, %select_n3A_886 : vector<16xf32>
          %select_n3A_891 = arith.select %le3A_890, %select_n3A_871, %select_n3A_886 : vector<16xi1>, vector<16xf32>
          %select_n3A_892 = arith.select %le3A_890, %select_n3A_872, %select_n3A_887 : vector<16xi1>, vector<16xi32>
          %select_n3A_893 = arith.select %le3A_890, %select_n3A_886, %select_n3A_871 : vector<16xi1>, vector<16xf32>
          %select_n3A_894 = arith.select %le3A_890, %select_n3A_887, %select_n3A_872 : vector<16xi1>, vector<16xi32>
          %le3A_895 = arith.cmpf ole, %select_n3A_888, %select_n3A_873 : vector<16xf32>
          %select_n3A_896 = arith.select %le3A_895, %select_n3A_888, %select_n3A_873 : vector<16xi1>, vector<16xf32>
          %select_n3A_897 = arith.select %le3A_895, %select_n3A_889, %select_n3A_874 : vector<16xi1>, vector<16xi32>
          %select_n3A_898 = arith.select %le3A_895, %select_n3A_873, %select_n3A_888 : vector<16xi1>, vector<16xf32>
          %select_n3A_899 = arith.select %le3A_895, %select_n3A_874, %select_n3A_889 : vector<16xi1>, vector<16xi32>
          %masked_sort3A_900 = arith.constant dense<true> : vector<16xi1>
          %masked_sort3A_901, %masked_sort3A_902, %masked_sort3A_903 = tpu.sort %select_n3A_891, %select_n3A_892 masked %masked_sort3A_900 : (vector<16xf32>, vector<16xi32>, vector<16xi1>) -> (vector<16xi1>, vector<16xf32>, vector<16xi32>)
          %masked_sort3A_904 = arith.constant dense<true> : vector<16xi1>
          %masked_sort3A_905, %masked_sort3A_906, %masked_sort3A_907 = tpu.sort %select_n3A_893, %select_n3A_894 masked %masked_sort3A_904 : (vector<16xf32>, vector<16xi32>, vector<16xi1>) -> (vector<16xi1>, vector<16xf32>, vector<16xi32>)
          %masked_sort3A_908 = arith.constant dense<true> : vector<16xi1>
          %masked_sort3A_909, %masked_sort3A_910, %masked_sort3A_911 = tpu.sort %select_n3A_896, %select_n3A_897 masked %masked_sort3A_908 : (vector<16xf32>, vector<16xi32>, vector<16xi1>) -> (vector<16xi1>, vector<16xf32>, vector<16xi32>)
          %masked_sort3A_912 = arith.constant dense<true> : vector<16xi1>
          %masked_sort3A_913, %masked_sort3A_914, %masked_sort3A_915 = tpu.sort %select_n3A_898, %select_n3A_899 masked %masked_sort3A_912 : (vector<16xf32>, vector<16xi32>, vector<16xi1>) -> (vector<16xi1>, vector<16xf32>, vector<16xi32>)
          %get3A_916 = arith.constant 0 : index
          %get3A_917 = tpu.vector_load %arg8[%get3A_916] {strides = array<i32>} : memref<64xf32, #tpu.memory_space<vmem>>, vector<16xf32>,
          %get3A_918 = arith.constant 16 : index
          %get3A_919 = tpu.vector_load %arg8[%get3A_918] {strides = array<i32>} : memref<64xf32, #tpu.memory_space<vmem>>, vector<16xf32>,
          %get3A_920 = arith.constant 32 : index
          %get3A_921 = tpu.vector_load %arg8[%get3A_920] {strides = array<i32>} : memref<64xf32, #tpu.memory_space<vmem>>, vector<16xf32>,
          %get3A_922 = arith.constant 48 : index
          %get3A_923 = tpu.vector_load %arg8[%get3A_922] {strides = array<i32>} : memref<64xf32, #tpu.memory_space<vmem>>, vector<16xf32>,
          %get3A_924 = arith.constant 0 : index
          %get3A_925 = tpu.vector_load %arg9[%get3A_924] {strides = array<i32>} : memref<64xi32, #tpu.memory_space<vmem>>, vector<16xi32>,
          %get3A_926 = arith.constant 16 : index
          %get3A_927 = tpu.vector_load %arg9[%get3A_926] {strides = array<i32>} : memref<64xi32, #tpu.memory_space<vmem>>, vector<16xi32>,
          %get3A_928 = arith.constant 32 : index
          %get3A_929 = tpu.vector_load %arg9[%get3A_928] {strides = array<i32>} : memref<64xi32, #tpu.memory_space<vmem>>, vector<16xi32>,
          %get3A_930 = arith.constant 48 : index
          %get3A_931 = tpu.vector_load %arg9[%get3A_930] {strides = array<i32>} : memref<64xi32, #tpu.memory_space<vmem>>, vector<16xi32>,
          %rev3A_932 = arith.constant 15 : i32
          %rev3A_933 = vector.broadcast %rev3A_932 : i32 to vector<16xi32>
          %rev3A_934 = tpu.iota {dimensions = array<i32: 0>} : vector<16xi32>
          %rev3A_935 = arith.subi %rev3A_933, %rev3A_934 : vector<16xi32>
          %rev3A_936 = tpu.dynamic_gather %masked_sort3A_914[%rev3A_935] in [0] : vector<16xf32>, vector<16xi32> -> vector<16xf32>
          %rev3A_937 = arith.constant 15 : i32
          %rev3A_938 = vector.broadcast %rev3A_937 : i32 to vector<16xi32>
          %rev3A_939 = tpu.iota {dimensions = array<i32: 0>} : vector<16xi32>
          %rev3A_940 = arith.subi %rev3A_938, %rev3A_939 : vector<16xi32>
          %rev3A_941 = tpu.dynamic_gather %masked_sort3A_910[%rev3A_940] in [0] : vector<16xf32>, vector<16xi32> -> vector<16xf32>
          %rev3A_942 = arith.constant 15 : i32
          %rev3A_943 = vector.broadcast %rev3A_942 : i32 to vector<16xi32>
          %rev3A_944 = tpu.iota {dimensions = array<i32: 0>} : vector<16xi32>
          %rev3A_945 = arith.subi %rev3A_943, %rev3A_944 : vector<16xi32>
          %rev3A_946 = tpu.dynamic_gather %masked_sort3A_906[%rev3A_945] in [0] : vector<16xf32>, vector<16xi32> -> vector<16xf32>
          %rev3A_947 = arith.constant 15 : i32
          %rev3A_948 = vector.broadcast %rev3A_947 : i32 to vector<16xi32>
          %rev3A_949 = tpu.iota {dimensions = array<i32: 0>} : vector<16xi32>
          %rev3A_950 = arith.subi %rev3A_948, %rev3A_949 : vector<16xi32>
          %rev3A_951 = tpu.dynamic_gather %masked_sort3A_902[%rev3A_950] in [0] : vector<16xf32>, vector<16xi32> -> vector<16xf32>
          %rev3A_952 = arith.constant 15 : i32
          %rev3A_953 = vector.broadcast %rev3A_952 : i32 to vector<16xi32>
          %rev3A_954 = tpu.iota {dimensions = array<i32: 0>} : vector<16xi32>
          %rev3A_955 = arith.subi %rev3A_953, %rev3A_954 : vector<16xi32>
          %rev3A_956 = tpu.dynamic_gather %masked_sort3A_915[%rev3A_955] in [0] : vector<16xi32>, vector<16xi32> -> vector<16xi32>
          %rev3A_957 = arith.constant 15 : i32
          %rev3A_958 = vector.broadcast %rev3A_957 : i32 to vector<16xi32>
          %rev3A_959 = tpu.iota {dimensions = array<i32: 0>} : vector<16xi32>
          %rev3A_960 = arith.subi %rev3A_958, %rev3A_959 : vector<16xi32>
          %rev3A_961 = tpu.dynamic_gather %masked_sort3A_911[%rev3A_960] in [0] : vector<16xi32>, vector<16xi32> -> vector<16xi32>
          %rev3A_962 = arith.constant 15 : i32
          %rev3A_963 = vector.broadcast %rev3A_962 : i32 to vector<16xi32>
          %rev3A_964 = tpu.iota {dimensions = array<i32: 0>} : vector<16xi32>
          %rev3A_965 = arith.subi %rev3A_963, %rev3A_964 : vector<16xi32>
          %rev3A_966 = tpu.dynamic_gather %masked_sort3A_907[%rev3A_965] in [0] : vector<16xi32>, vector<16xi32> -> vector<16xi32>
          %rev3A_967 = arith.constant 15 : i32
          %rev3A_968 = vector.broadcast %rev3A_967 : i32 to vector<16xi32>
          %rev3A_969 = tpu.iota {dimensions = array<i32: 0>} : vector<16xi32>
          %rev3A_970 = arith.subi %rev3A_968, %rev3A_969 : vector<16xi32>
          %rev3A_971 = tpu.dynamic_gather %masked_sort3A_903[%rev3A_970] in [0] : vector<16xi32>, vector<16xi32> -> vector<16xi32>
          %le3A_972 = arith.cmpf ole, %get3A_917, %rev3A_936 : vector<16xf32>
          %select_n3A_973 = arith.select %le3A_972, %get3A_917, %rev3A_936 : vector<16xi1>, vector<16xf32>
          %select_n3A_974 = arith.select %le3A_972, %get3A_925, %rev3A_956 : vector<16xi1>, vector<16xi32>
          %le3A_975 = arith.cmpf ole, %get3A_919, %rev3A_941 : vector<16xf32>
          %select_n3A_976 = arith.select %le3A_975, %get3A_919, %rev3A_941 : vector<16xi1>, vector<16xf32>
          %select_n3A_977 = arith.select %le3A_975, %get3A_927, %rev3A_961 : vector<16xi1>, vector<16xi32>
          %le3A_978 = arith.cmpf ole, %get3A_921, %rev3A_946 : vector<16xf32>
          %select_n3A_979 = arith.select %le3A_978, %get3A_921, %rev3A_946 : vector<16xi1>, vector<16xf32>
          %select_n3A_980 = arith.select %le3A_978, %get3A_929, %rev3A_966 : vector<16xi1>, vector<16xi32>
          %le3A_981 = arith.cmpf ole, %get3A_923, %rev3A_951 : vector<16xf32>
          %select_n3A_982 = arith.select %le3A_981, %get3A_923, %rev3A_951 : vector<16xi1>, vector<16xf32>
          %select_n3A_983 = arith.select %le3A_981, %get3A_931, %rev3A_971 : vector<16xi1>, vector<16xi32>
          %le3A_984 = arith.cmpf ole, %select_n3A_973, %select_n3A_979 : vector<16xf32>
          %select_n3A_985 = arith.select %le3A_984, %select_n3A_973, %select_n3A_979 : vector<16xi1>, vector<16xf32>
          %select_n3A_986 = arith.select %le3A_984, %select_n3A_974, %select_n3A_980 : vector<16xi1>, vector<16xi32>
          %select_n3A_987 = arith.select %le3A_984, %select_n3A_979, %select_n3A_973 : vector<16xi1>, vector<16xf32>
          %select_n3A_988 = arith.select %le3A_984, %select_n3A_980, %select_n3A_974 : vector<16xi1>, vector<16xi32>
          %le3A_989 = arith.cmpf ole, %select_n3A_976, %select_n3A_982 : vector<16xf32>
          %select_n3A_990 = arith.select %le3A_989, %select_n3A_976, %select_n3A_982 : vector<16xi1>, vector<16xf32>
          %select_n3A_991 = arith.select %le3A_989, %select_n3A_977, %select_n3A_983 : vector<16xi1>, vector<16xi32>
          %select_n3A_992 = arith.select %le3A_989, %select_n3A_982, %select_n3A_976 : vector<16xi1>, vector<16xf32>
          %select_n3A_993 = arith.select %le3A_989, %select_n3A_983, %select_n3A_977 : vector<16xi1>, vector<16xi32>
          %le3A_994 = arith.cmpf ole, %select_n3A_985, %select_n3A_990 : vector<16xf32>
          %select_n3A_995 = arith.select %le3A_994, %select_n3A_985, %select_n3A_990 : vector<16xi1>, vector<16xf32>
          %select_n3A_996 = arith.select %le3A_994, %select_n3A_986, %select_n3A_991 : vector<16xi1>, vector<16xi32>
          %select_n3A_997 = arith.select %le3A_994, %select_n3A_990, %select_n3A_985 : vector<16xi1>, vector<16xf32>
          %select_n3A_998 = arith.select %le3A_994, %select_n3A_991, %select_n3A_986 : vector<16xi1>, vector<16xi32>
          %le3A_999 = arith.cmpf ole, %select_n3A_987, %select_n3A_992 : vector<16xf32>
          %select_n3A_1000 = arith.select %le3A_999, %select_n3A_987, %select_n3A_992 : vector<16xi1>, vector<16xf32>
          %select_n3A_1001 = arith.select %le3A_999, %select_n3A_988, %select_n3A_993 : vector<16xi1>, vector<16xi32>
          %select_n3A_1002 = arith.select %le3A_999, %select_n3A_992, %select_n3A_987 : vector<16xi1>, vector<16xf32>
          %select_n3A_1003 = arith.select %le3A_999, %select_n3A_993, %select_n3A_988 : vector<16xi1>, vector<16xi32>
          %masked_sort3A_1004 = arith.constant dense<true> : vector<16xi1>
          %masked_sort3A_1005, %masked_sort3A_1006, %masked_sort3A_1007 = tpu.sort %select_n3A_995, %select_n3A_996 masked %masked_sort3A_1004 : (vector<16xf32>, vector<16xi32>, vector<16xi1>) -> (vector<16xi1>, vector<16xf32>, vector<16xi32>)
          %masked_sort3A_1008 = arith.constant dense<true> : vector<16xi1>
          %masked_sort3A_1009, %masked_sort3A_1010, %masked_sort3A_1011 = tpu.sort %select_n3A_997, %select_n3A_998 masked %masked_sort3A_1008 : (vector<16xf32>, vector<16xi32>, vector<16xi1>) -> (vector<16xi1>, vector<16xf32>, vector<16xi32>)
          %masked_sort3A_1012 = arith.constant dense<true> : vector<16xi1>
          %masked_sort3A_1013, %masked_sort3A_1014, %masked_sort3A_1015 = tpu.sort %select_n3A_1000, %select_n3A_1001 masked %masked_sort3A_1012 : (vector<16xf32>, vector<16xi32>, vector<16xi1>) -> (vector<16xi1>, vector<16xf32>, vector<16xi32>)
          %masked_sort3A_1016 = arith.constant dense<true> : vector<16xi1>
          %masked_sort3A_1017, %masked_sort3A_1018, %masked_sort3A_1019 = tpu.sort %select_n3A_1002, %select_n3A_1003 masked %masked_sort3A_1016 : (vector<16xf32>, vector<16xi32>, vector<16xi1>) -> (vector<16xi1>, vector<16xf32>, vector<16xi32>)
          %swap3A_1020 = arith.constant 0 : index
          %swap3A_1021 = tpu.vector_load %arg8[%swap3A_1020] {strides = array<i32>} : memref<64xf32, #tpu.memory_space<vmem>>, vector<16xf32>,
          tpu.vector_store %arg8[%swap3A_1020], %masked_sort3A_1006 {strides = array<i32>} : memref<64xf32, #tpu.memory_space<vmem>>, vector<16xf32>,
          %swap3A_1022 = arith.constant 0 : index
          %swap3A_1023 = tpu.vector_load %arg9[%swap3A_1022] {strides = array<i32>} : memref<64xi32, #tpu.memory_space<vmem>>, vector<16xi32>,
          tpu.vector_store %arg9[%swap3A_1022], %masked_sort3A_1007 {strides = array<i32>} : memref<64xi32, #tpu.memory_space<vmem>>, vector<16xi32>,
          %swap3A_1024 = arith.constant 16 : index
          %swap3A_1025 = tpu.vector_load %arg8[%swap3A_1024] {strides = array<i32>} : memref<64xf32, #tpu.memory_space<vmem>>, vector<16xf32>,
          tpu.vector_store %arg8[%swap3A_1024], %masked_sort3A_1010 {strides = array<i32>} : memref<64xf32, #tpu.memory_space<vmem>>, vector<16xf32>,
          %swap3A_1026 = arith.constant 16 : index
          %swap3A_1027 = tpu.vector_load %arg9[%swap3A_1026] {strides = array<i32>} : memref<64xi32, #tpu.memory_space<vmem>>, vector<16xi32>,
          tpu.vector_store %arg9[%swap3A_1026], %masked_sort3A_1011 {strides = array<i32>} : memref<64xi32, #tpu.memory_space<vmem>>, vector<16xi32>,
          %swap3A_1028 = arith.constant 32 : index
          %swap3A_1029 = tpu.vector_load %arg8[%swap3A_1028] {strides = array<i32>} : memref<64xf32, #tpu.memory_space<vmem>>, vector<16xf32>,
          tpu.vector_store %arg8[%swap3A_1028], %masked_sort3A_1014 {strides = array<i32>} : memref<64xf32, #tpu.memory_space<vmem>>, vector<16xf32>,
          %swap3A_1030 = arith.constant 32 : index
          %swap3A_1031 = tpu.vector_load %arg9[%swap3A_1030] {strides = array<i32>} : memref<64xi32, #tpu.memory_space<vmem>>, vector<16xi32>,
          tpu.vector_store %arg9[%swap3A_1030], %masked_sort3A_1015 {strides = array<i32>} : memref<64xi32, #tpu.memory_space<vmem>>, vector<16xi32>,
          %swap3A_1032 = arith.constant 48 : index
          %swap3A_1033 = tpu.vector_load %arg8[%swap3A_1032] {strides = array<i32>} : memref<64xf32, #tpu.memory_space<vmem>>, vector<16xf32>,
          tpu.vector_store %arg8[%swap3A_1032], %masked_sort3A_1018 {strides = array<i32>} : memref<64xf32, #tpu.memory_space<vmem>>, vector<16xf32>,
          %swap3A_1034 = arith.constant 48 : index
          %swap3A_1035 = tpu.vector_load %arg9[%swap3A_1034] {strides = array<i32>} : memref<64xi32, #tpu.memory_space<vmem>>, vector<16xi32>,
          tpu.vector_store %arg9[%swap3A_1034], %masked_sort3A_1019 {strides = array<i32>} : memref<64xi32, #tpu.memory_space<vmem>>, vector<16xi32>,
          %reduce_max3A_1036 = arith.constant true
          %reduce_max3A_1037 = vector.broadcast %reduce_max3A_1036 : i1 to vector<16xi1>
          %reduce_max3A_1038 = tpu.scan <max>, %masked_sort3A_1018 masked %reduce_max3A_1037 : vector<16xf32>, vector<16xi1> -> vector<16xf32>
          %reduce_max3A_1039 = vector.extract %reduce_max3A_1038[15] : f32 from vector<16xf32>
          %swap3A_1040 = arith.constant 0 : i32
          %swap3A_1041 = arith.index_cast %swap3A_1040 : i32 to index
          %swap3A_1042 = memref.load %arg17[%swap3A_1041] : memref<1xf32, #tpu.memory_space<smem>>
          memref.store %reduce_max3A_1039, %arg17[%swap3A_1041] : memref<1xf32, #tpu.memory_space<smem>>
          %get3A_1043 = arith.constant 64 : index
          %get3A_1044 = tpu.vector_load %arg6[%get3A_1043] {strides = array<i32>} : memref<80xf32, #tpu.memory_space<vmem>>, vector<16xf32>,
          %swap3A_1045 = arith.constant 0 : index
          %swap3A_1046 = tpu.vector_load %arg6[%swap3A_1045] {strides = array<i32>} : memref<80xf32, #tpu.memory_space<vmem>>, vector<16xf32>,
          tpu.vector_store %arg6[%swap3A_1045], %get3A_1044 {strides = array<i32>} : memref<80xf32, #tpu.memory_space<vmem>>, vector<16xf32>,
          %get3A_1047 = arith.constant 64 : index
          %get3A_1048 = tpu.vector_load %arg7[%get3A_1047] {strides = array<i32>} : memref<80xi32, #tpu.memory_space<vmem>>, vector<16xi32>,
          %swap3A_1049 = arith.constant 0 : index
          %swap3A_1050 = tpu.vector_load %arg7[%swap3A_1049] {strides = array<i32>} : memref<80xi32, #tpu.memory_space<vmem>>, vector<16xi32>,
          tpu.vector_store %arg7[%swap3A_1049], %get3A_1048 {strides = array<i32>} : memref<80xi32, #tpu.memory_space<vmem>>, vector<16xi32>,
        } else {
        }
        %ge3A_744 = arith.constant 64 : i32
        %ge3A_745 = arith.cmpi sge, %add3A_738, %ge3A_744 : i32
        %sub3A_746 = arith.constant 64 : i32
        %sub3A_747 = arith.subi %add3A_738, %sub3A_746 : i32
        %select_n3A_748 = arith.select %ge3A_745, %sub3A_747, %add3A_738 : i32
        %swap3A_749 = arith.constant 0 : i32
        %swap3A_750 = arith.index_cast %swap3A_749 : i32 to index
        %swap3A_751 = memref.load %arg19[%swap3A_750] : memref<1xi32, #tpu.memory_space<smem>>
        memref.store %select_n3A_748, %arg19[%swap3A_750] : memref<1xi32, #tpu.memory_space<smem>>
      } else {
      }
    }
    %scan3A_422 = arith.constant 55 : i32
    %get3A_423 = arith.constant 0 : i32
    %get3A_424 = arith.index_cast %get3A_423 : i32 to index
    %get3A_425 = memref.load %arg19[%get3A_424] : memref<1xi32, #tpu.memory_space<smem>>
    %gt3A = arith.constant 0 : i32
    %gt3A_426 = arith.cmpi sgt, %get3A_425, %gt3A : i32
    %convert_element_type3A = arith.extui %gt3A_426 : i1 to i32
    %cond3A = arith.constant 0 : i32
    %cond3A_427 = arith.cmpi ne, %convert_element_type3A, %cond3A : i32
    scf.if %cond3A_427 {
      %add3A_489 = arith.constant 0 : i32
      %add3A_490 = vector.broadcast %add3A_489 : i32 to vector<16xi32>
      %add3A_491 = arith.addi %iota3A, %add3A_490 : vector<16xi32>
      %lt3A = vector.broadcast %get3A_425 : i32 to vector<16xi32>
      %lt3A_492 = arith.cmpi slt, %add3A_491, %lt3A : vector<16xi32>
      %get3A_493 = arith.constant 0 : index
      %get3A_494 = tpu.vector_load %arg6[%get3A_493] {strides = array<i32>} : memref<80xf32, #tpu.memory_space<vmem>>, vector<16xf32>,
      %jit3A = arith.constant 0x7F800000 : f32
      %broadcast_in_dim3A = vector.broadcast %jit3A : f32 to vector<16xf32>
      %select_n3A_495 = arith.select %lt3A_492, %get3A_494, %broadcast_in_dim3A : vector<16xi1>, vector<16xf32>
      %get3A_496 = arith.constant 0 : index
      %get3A_497 = tpu.vector_load %arg7[%get3A_496] {strides = array<i32>} : memref<80xi32, #tpu.memory_space<vmem>>, vector<16xi32>,
      %add3A_498 = arith.constant 16 : i32
      %add3A_499 = vector.broadcast %add3A_498 : i32 to vector<16xi32>
      %add3A_500 = arith.addi %iota3A, %add3A_499 : vector<16xi32>
      %lt3A_501 = vector.broadcast %get3A_425 : i32 to vector<16xi32>
      %lt3A_502 = arith.cmpi slt, %add3A_500, %lt3A_501 : vector<16xi32>
      %get3A_503 = arith.constant 16 : index
      %get3A_504 = tpu.vector_load %arg6[%get3A_503] {strides = array<i32>} : memref<80xf32, #tpu.memory_space<vmem>>, vector<16xf32>,
      %jit3A_505 = arith.constant 0x7F800000 : f32
      %broadcast_in_dim3A_506 = vector.broadcast %jit3A_505 : f32 to vector<16xf32>
      %select_n3A_507 = arith.select %lt3A_502, %get3A_504, %broadcast_in_dim3A_506 : vector<16xi1>, vector<16xf32>
      %get3A_508 = arith.constant 16 : index
      %get3A_509 = tpu.vector_load %arg7[%get3A_508] {strides = array<i32>} : memref<80xi32, #tpu.memory_space<vmem>>, vector<16xi32>,
      %add3A_510 = arith.constant 32 : i32
      %add3A_511 = vector.broadcast %add3A_510 : i32 to vector<16xi32>
      %add3A_512 = arith.addi %iota3A, %add3A_511 : vector<16xi32>
      %lt3A_513 = vector.broadcast %get3A_425 : i32 to vector<16xi32>
      %lt3A_514 = arith.cmpi slt, %add3A_512, %lt3A_513 : vector<16xi32>
      %get3A_515 = arith.constant 32 : index
      %get3A_516 = tpu.vector_load %arg6[%get3A_515] {strides = array<i32>} : memref<80xf32, #tpu.memory_space<vmem>>, vector<16xf32>,
      %jit3A_517 = arith.constant 0x7F800000 : f32
      %broadcast_in_dim3A_518 = vector.broadcast %jit3A_517 : f32 to vector<16xf32>
      %select_n3A_519 = arith.select %lt3A_514, %get3A_516, %broadcast_in_dim3A_518 : vector<16xi1>, vector<16xf32>
      %get3A_520 = arith.constant 32 : index
      %get3A_521 = tpu.vector_load %arg7[%get3A_520] {strides = array<i32>} : memref<80xi32, #tpu.memory_space<vmem>>, vector<16xi32>,
      %add3A_522 = arith.constant 48 : i32
      %add3A_523 = vector.broadcast %add3A_522 : i32 to vector<16xi32>
      %add3A_524 = arith.addi %iota3A, %add3A_523 : vector<16xi32>
      %lt3A_525 = vector.broadcast %get3A_425 : i32 to vector<16xi32>
      %lt3A_526 = arith.cmpi slt, %add3A_524, %lt3A_525 : vector<16xi32>
      %get3A_527 = arith.constant 48 : index
      %get3A_528 = tpu.vector_load %arg6[%get3A_527] {strides = array<i32>} : memref<80xf32, #tpu.memory_space<vmem>>, vector<16xf32>,
      %jit3A_529 = arith.constant 0x7F800000 : f32
      %broadcast_in_dim3A_530 = vector.broadcast %jit3A_529 : f32 to vector<16xf32>
      %select_n3A_531 = arith.select %lt3A_526, %get3A_528, %broadcast_in_dim3A_530 : vector<16xi1>, vector<16xf32>
      %get3A_532 = arith.constant 48 : index
      %get3A_533 = tpu.vector_load %arg7[%get3A_532] {strides = array<i32>} : memref<80xi32, #tpu.memory_space<vmem>>, vector<16xi32>,
      %masked_sort3A_534 = arith.constant dense<true> : vector<16xi1>
      %masked_sort3A_535, %masked_sort3A_536, %masked_sort3A_537 = tpu.sort %select_n3A_495, %get3A_497 masked %masked_sort3A_534 : (vector<16xf32>, vector<16xi32>, vector<16xi1>) -> (vector<16xi1>, vector<16xf32>, vector<16xi32>)
      %masked_sort3A_538 = arith.constant dense<true> : vector<16xi1>
      %masked_sort3A_539, %masked_sort3A_540, %masked_sort3A_541 = tpu.sort %select_n3A_507, %get3A_509 masked %masked_sort3A_538 : (vector<16xf32>, vector<16xi32>, vector<16xi1>) -> (vector<16xi1>, vector<16xf32>, vector<16xi32>)
      %masked_sort3A_542 = arith.constant dense<true> : vector<16xi1>
      %masked_sort3A_543, %masked_sort3A_544, %masked_sort3A_545 = tpu.sort %select_n3A_519, %get3A_521 masked %masked_sort3A_542 : (vector<16xf32>, vector<16xi32>, vector<16xi1>) -> (vector<16xi1>, vector<16xf32>, vector<16xi32>)
      %masked_sort3A_546 = arith.constant dense<true> : vector<16xi1>
      %masked_sort3A_547, %masked_sort3A_548, %masked_sort3A_549 = tpu.sort %select_n3A_531, %get3A_533 masked %masked_sort3A_546 : (vector<16xf32>, vector<16xi32>, vector<16xi1>) -> (vector<16xi1>, vector<16xf32>, vector<16xi32>)
      %rev3A_550 = arith.constant 15 : i32
      %rev3A_551 = vector.broadcast %rev3A_550 : i32 to vector<16xi32>
      %rev3A_552 = tpu.iota {dimensions = array<i32: 0>} : vector<16xi32>
      %rev3A_553 = arith.subi %rev3A_551, %rev3A_552 : vector<16xi32>
      %rev3A_554 = tpu.dynamic_gather %masked_sort3A_540[%rev3A_553] in [0] : vector<16xf32>, vector<16xi32> -> vector<16xf32>
      %rev3A_555 = arith.constant 15 : i32
      %rev3A_556 = vector.broadcast %rev3A_555 : i32 to vector<16xi32>
      %rev3A_557 = tpu.iota {dimensions = array<i32: 0>} : vector<16xi32>
      %rev3A_558 = arith.subi %rev3A_556, %rev3A_557 : vector<16xi32>
      %rev3A_559 = tpu.dynamic_gather %masked_sort3A_541[%rev3A_558] in [0] : vector<16xi32>, vector<16xi32> -> vector<16xi32>
      %le3A_560 = arith.cmpf ole, %masked_sort3A_536, %rev3A_554 : vector<16xf32>
      %select_n3A_561 = arith.select %le3A_560, %masked_sort3A_536, %rev3A_554 : vector<16xi1>, vector<16xf32>
      %select_n3A_562 = arith.select %le3A_560, %masked_sort3A_537, %rev3A_559 : vector<16xi1>, vector<16xi32>
      %select_n3A_563 = arith.select %le3A_560, %rev3A_554, %masked_sort3A_536 : vector<16xi1>, vector<16xf32>
      %select_n3A_564 = arith.select %le3A_560, %rev3A_559, %masked_sort3A_537 : vector<16xi1>, vector<16xi32>
      %masked_sort3A_565 = arith.constant dense<true> : vector<16xi1>
      %masked_sort3A_566, %masked_sort3A_567, %masked_sort3A_568 = tpu.sort %select_n3A_561, %select_n3A_562 masked %masked_sort3A_565 : (vector<16xf32>, vector<16xi32>, vector<16xi1>) -> (vector<16xi1>, vector<16xf32>, vector<16xi32>)
      %masked_sort3A_569 = arith.constant dense<true> : vector<16xi1>
      %masked_sort3A_570, %masked_sort3A_571, %masked_sort3A_572 = tpu.sort %select_n3A_563, %select_n3A_564 masked %masked_sort3A_569 : (vector<16xf32>, vector<16xi32>, vector<16xi1>) -> (vector<16xi1>, vector<16xf32>, vector<16xi32>)
      %rev3A_573 = arith.constant 15 : i32
      %rev3A_574 = vector.broadcast %rev3A_573 : i32 to vector<16xi32>
      %rev3A_575 = tpu.iota {dimensions = array<i32: 0>} : vector<16xi32>
      %rev3A_576 = arith.subi %rev3A_574, %rev3A_575 : vector<16xi32>
      %rev3A_577 = tpu.dynamic_gather %masked_sort3A_548[%rev3A_576] in [0] : vector<16xf32>, vector<16xi32> -> vector<16xf32>
      %rev3A_578 = arith.constant 15 : i32
      %rev3A_579 = vector.broadcast %rev3A_578 : i32 to vector<16xi32>
      %rev3A_580 = tpu.iota {dimensions = array<i32: 0>} : vector<16xi32>
      %rev3A_581 = arith.subi %rev3A_579, %rev3A_580 : vector<16xi32>
      %rev3A_582 = tpu.dynamic_gather %masked_sort3A_549[%rev3A_581] in [0] : vector<16xi32>, vector<16xi32> -> vector<16xi32>
      %le3A_583 = arith.cmpf ole, %masked_sort3A_544, %rev3A_577 : vector<16xf32>
      %select_n3A_584 = arith.select %le3A_583, %masked_sort3A_544, %rev3A_577 : vector<16xi1>, vector<16xf32>
      %select_n3A_585 = arith.select %le3A_583, %masked_sort3A_545, %rev3A_582 : vector<16xi1>, vector<16xi32>
      %select_n3A_586 = arith.select %le3A_583, %rev3A_577, %masked_sort3A_544 : vector<16xi1>, vector<16xf32>
      %select_n3A_587 = arith.select %le3A_583, %rev3A_582, %masked_sort3A_545 : vector<16xi1>, vector<16xi32>
      %masked_sort3A_588 = arith.constant dense<true> : vector<16xi1>
      %masked_sort3A_589, %masked_sort3A_590, %masked_sort3A_591 = tpu.sort %select_n3A_584, %select_n3A_585 masked %masked_sort3A_588 : (vector<16xf32>, vector<16xi32>, vector<16xi1>) -> (vector<16xi1>, vector<16xf32>, vector<16xi32>)
      %masked_sort3A_592 = arith.constant dense<true> : vector<16xi1>
      %masked_sort3A_593, %masked_sort3A_594, %masked_sort3A_595 = tpu.sort %select_n3A_586, %select_n3A_587 masked %masked_sort3A_592 : (vector<16xf32>, vector<16xi32>, vector<16xi1>) -> (vector<16xi1>, vector<16xf32>, vector<16xi32>)
      %rev3A_596 = arith.constant 15 : i32
      %rev3A_597 = vector.broadcast %rev3A_596 : i32 to vector<16xi32>
      %rev3A_598 = tpu.iota {dimensions = array<i32: 0>} : vector<16xi32>
      %rev3A_599 = arith.subi %rev3A_597, %rev3A_598 : vector<16xi32>
      %rev3A_600 = tpu.dynamic_gather %masked_sort3A_594[%rev3A_599] in [0] : vector<16xf32>, vector<16xi32> -> vector<16xf32>
      %rev3A_601 = arith.constant 15 : i32
      %rev3A_602 = vector.broadcast %rev3A_601 : i32 to vector<16xi32>
      %rev3A_603 = tpu.iota {dimensions = array<i32: 0>} : vector<16xi32>
      %rev3A_604 = arith.subi %rev3A_602, %rev3A_603 : vector<16xi32>
      %rev3A_605 = tpu.dynamic_gather %masked_sort3A_595[%rev3A_604] in [0] : vector<16xi32>, vector<16xi32> -> vector<16xi32>
      %le3A_606 = arith.cmpf ole, %masked_sort3A_567, %rev3A_600 : vector<16xf32>
      %select_n3A_607 = arith.select %le3A_606, %masked_sort3A_567, %rev3A_600 : vector<16xi1>, vector<16xf32>
      %select_n3A_608 = arith.select %le3A_606, %masked_sort3A_568, %rev3A_605 : vector<16xi1>, vector<16xi32>
      %select_n3A_609 = arith.select %le3A_606, %rev3A_600, %masked_sort3A_567 : vector<16xi1>, vector<16xf32>
      %select_n3A_610 = arith.select %le3A_606, %rev3A_605, %masked_sort3A_568 : vector<16xi1>, vector<16xi32>
      %rev3A_611 = arith.constant 15 : i32
      %rev3A_612 = vector.broadcast %rev3A_611 : i32 to vector<16xi32>
      %rev3A_613 = tpu.iota {dimensions = array<i32: 0>} : vector<16xi32>
      %rev3A_614 = arith.subi %rev3A_612, %rev3A_613 : vector<16xi32>
      %rev3A_615 = tpu.dynamic_gather %masked_sort3A_590[%rev3A_614] in [0] : vector<16xf32>, vector<16xi32> -> vector<16xf32>
      %rev3A_616 = arith.constant 15 : i32
      %rev3A_617 = vector.broadcast %rev3A_616 : i32 to vector<16xi32>
      %rev3A_618 = tpu.iota {dimensions = array<i32: 0>} : vector<16xi32>
      %rev3A_619 = arith.subi %rev3A_617, %rev3A_618 : vector<16xi32>
      %rev3A_620 = tpu.dynamic_gather %masked_sort3A_591[%rev3A_619] in [0] : vector<16xi32>, vector<16xi32> -> vector<16xi32>
      %le3A_621 = arith.cmpf ole, %masked_sort3A_571, %rev3A_615 : vector<16xf32>
      %select_n3A_622 = arith.select %le3A_621, %masked_sort3A_571, %rev3A_615 : vector<16xi1>, vector<16xf32>
      %select_n3A_623 = arith.select %le3A_621, %masked_sort3A_572, %rev3A_620 : vector<16xi1>, vector<16xi32>
      %select_n3A_624 = arith.select %le3A_621, %rev3A_615, %masked_sort3A_571 : vector<16xi1>, vector<16xf32>
      %select_n3A_625 = arith.select %le3A_621, %rev3A_620, %masked_sort3A_572 : vector<16xi1>, vector<16xi32>
      %le3A_626 = arith.cmpf ole, %select_n3A_607, %select_n3A_622 : vector<16xf32>
      %select_n3A_627 = arith.select %le3A_626, %select_n3A_607, %select_n3A_622 : vector<16xi1>, vector<16xf32>
      %select_n3A_628 = arith.select %le3A_626, %select_n3A_608, %select_n3A_623 : vector<16xi1>, vector<16xi32>
      %select_n3A_629 = arith.select %le3A_626, %select_n3A_622, %select_n3A_607 : vector<16xi1>, vector<16xf32>
      %select_n3A_630 = arith.select %le3A_626, %select_n3A_623, %select_n3A_608 : vector<16xi1>, vector<16xi32>
      %le3A_631 = arith.cmpf ole, %select_n3A_624, %select_n3A_609 : vector<16xf32>
      %select_n3A_632 = arith.select %le3A_631, %select_n3A_624, %select_n3A_609 : vector<16xi1>, vector<16xf32>
      %select_n3A_633 = arith.select %le3A_631, %select_n3A_625, %select_n3A_610 : vector<16xi1>, vector<16xi32>
      %select_n3A_634 = arith.select %le3A_631, %select_n3A_609, %select_n3A_624 : vector<16xi1>, vector<16xf32>
      %select_n3A_635 = arith.select %le3A_631, %select_n3A_610, %select_n3A_625 : vector<16xi1>, vector<16xi32>
      %masked_sort3A_636 = arith.constant dense<true> : vector<16xi1>
      %masked_sort3A_637, %masked_sort3A_638, %masked_sort3A_639 = tpu.sort %select_n3A_627, %select_n3A_628 masked %masked_sort3A_636 : (vector<16xf32>, vector<16xi32>, vector<16xi1>) -> (vector<16xi1>, vector<16xf32>, vector<16xi32>)
      %masked_sort3A_640 = arith.constant dense<true> : vector<16xi1>
      %masked_sort3A_641, %masked_sort3A_642, %masked_sort3A_643 = tpu.sort %select_n3A_629, %select_n3A_630 masked %masked_sort3A_640 : (vector<16xf32>, vector<16xi32>, vector<16xi1>) -> (vector<16xi1>, vector<16xf32>, vector<16xi32>)
      %masked_sort3A_644 = arith.constant dense<true> : vector<16xi1>
      %masked_sort3A_645, %masked_sort3A_646, %masked_sort3A_647 = tpu.sort %select_n3A_632, %select_n3A_633 masked %masked_sort3A_644 : (vector<16xf32>, vector<16xi32>, vector<16xi1>) -> (vector<16xi1>, vector<16xf32>, vector<16xi32>)
      %masked_sort3A_648 = arith.constant dense<true> : vector<16xi1>
      %masked_sort3A_649, %masked_sort3A_650, %masked_sort3A_651 = tpu.sort %select_n3A_634, %select_n3A_635 masked %masked_sort3A_648 : (vector<16xf32>, vector<16xi32>, vector<16xi1>) -> (vector<16xi1>, vector<16xf32>, vector<16xi32>)
      %get3A_652 = arith.constant 0 : index
      %get3A_653 = tpu.vector_load %arg8[%get3A_652] {strides = array<i32>} : memref<64xf32, #tpu.memory_space<vmem>>, vector<16xf32>,
      %get3A_654 = arith.constant 16 : index
      %get3A_655 = tpu.vector_load %arg8[%get3A_654] {strides = array<i32>} : memref<64xf32, #tpu.memory_space<vmem>>, vector<16xf32>,
      %get3A_656 = arith.constant 32 : index
      %get3A_657 = tpu.vector_load %arg8[%get3A_656] {strides = array<i32>} : memref<64xf32, #tpu.memory_space<vmem>>, vector<16xf32>,
      %get3A_658 = arith.constant 48 : index
      %get3A_659 = tpu.vector_load %arg8[%get3A_658] {strides = array<i32>} : memref<64xf32, #tpu.memory_space<vmem>>, vector<16xf32>,
      %get3A_660 = arith.constant 0 : index
      %get3A_661 = tpu.vector_load %arg9[%get3A_660] {strides = array<i32>} : memref<64xi32, #tpu.memory_space<vmem>>, vector<16xi32>,
      %get3A_662 = arith.constant 16 : index
      %get3A_663 = tpu.vector_load %arg9[%get3A_662] {strides = array<i32>} : memref<64xi32, #tpu.memory_space<vmem>>, vector<16xi32>,
      %get3A_664 = arith.constant 32 : index
      %get3A_665 = tpu.vector_load %arg9[%get3A_664] {strides = array<i32>} : memref<64xi32, #tpu.memory_space<vmem>>, vector<16xi32>,
      %get3A_666 = arith.constant 48 : index
      %get3A_667 = tpu.vector_load %arg9[%get3A_666] {strides = array<i32>} : memref<64xi32, #tpu.memory_space<vmem>>, vector<16xi32>,
      %rev3A_668 = arith.constant 15 : i32
      %rev3A_669 = vector.broadcast %rev3A_668 : i32 to vector<16xi32>
      %rev3A_670 = tpu.iota {dimensions = array<i32: 0>} : vector<16xi32>
      %rev3A_671 = arith.subi %rev3A_669, %rev3A_670 : vector<16xi32>
      %rev3A_672 = tpu.dynamic_gather %masked_sort3A_650[%rev3A_671] in [0] : vector<16xf32>, vector<16xi32> -> vector<16xf32>
      %rev3A_673 = arith.constant 15 : i32
      %rev3A_674 = vector.broadcast %rev3A_673 : i32 to vector<16xi32>
      %rev3A_675 = tpu.iota {dimensions = array<i32: 0>} : vector<16xi32>
      %rev3A_676 = arith.subi %rev3A_674, %rev3A_675 : vector<16xi32>
      %rev3A_677 = tpu.dynamic_gather %masked_sort3A_646[%rev3A_676] in [0] : vector<16xf32>, vector<16xi32> -> vector<16xf32>
      %rev3A_678 = arith.constant 15 : i32
      %rev3A_679 = vector.broadcast %rev3A_678 : i32 to vector<16xi32>
      %rev3A_680 = tpu.iota {dimensions = array<i32: 0>} : vector<16xi32>
      %rev3A_681 = arith.subi %rev3A_679, %rev3A_680 : vector<16xi32>
      %rev3A_682 = tpu.dynamic_gather %masked_sort3A_642[%rev3A_681] in [0] : vector<16xf32>, vector<16xi32> -> vector<16xf32>
      %rev3A_683 = arith.constant 15 : i32
      %rev3A_684 = vector.broadcast %rev3A_683 : i32 to vector<16xi32>
      %rev3A_685 = tpu.iota {dimensions = array<i32: 0>} : vector<16xi32>
      %rev3A_686 = arith.subi %rev3A_684, %rev3A_685 : vector<16xi32>
      %rev3A_687 = tpu.dynamic_gather %masked_sort3A_638[%rev3A_686] in [0] : vector<16xf32>, vector<16xi32> -> vector<16xf32>
      %rev3A_688 = arith.constant 15 : i32
      %rev3A_689 = vector.broadcast %rev3A_688 : i32 to vector<16xi32>
      %rev3A_690 = tpu.iota {dimensions = array<i32: 0>} : vector<16xi32>
      %rev3A_691 = arith.subi %rev3A_689, %rev3A_690 : vector<16xi32>
      %rev3A_692 = tpu.dynamic_gather %masked_sort3A_651[%rev3A_691] in [0] : vector<16xi32>, vector<16xi32> -> vector<16xi32>
      %rev3A_693 = arith.constant 15 : i32
      %rev3A_694 = vector.broadcast %rev3A_693 : i32 to vector<16xi32>
      %rev3A_695 = tpu.iota {dimensions = array<i32: 0>} : vector<16xi32>
      %rev3A_696 = arith.subi %rev3A_694, %rev3A_695 : vector<16xi32>
      %rev3A_697 = tpu.dynamic_gather %masked_sort3A_647[%rev3A_696] in [0] : vector<16xi32>, vector<16xi32> -> vector<16xi32>
      %rev3A_698 = arith.constant 15 : i32
      %rev3A_699 = vector.broadcast %rev3A_698 : i32 to vector<16xi32>
      %rev3A_700 = tpu.iota {dimensions = array<i32: 0>} : vector<16xi32>
      %rev3A_701 = arith.subi %rev3A_699, %rev3A_700 : vector<16xi32>
      %rev3A_702 = tpu.dynamic_gather %masked_sort3A_643[%rev3A_701] in [0] : vector<16xi32>, vector<16xi32> -> vector<16xi32>
      %rev3A_703 = arith.constant 15 : i32
      %rev3A_704 = vector.broadcast %rev3A_703 : i32 to vector<16xi32>
      %rev3A_705 = tpu.iota {dimensions = array<i32: 0>} : vector<16xi32>
      %rev3A_706 = arith.subi %rev3A_704, %rev3A_705 : vector<16xi32>
      %rev3A_707 = tpu.dynamic_gather %masked_sort3A_639[%rev3A_706] in [0] : vector<16xi32>, vector<16xi32> -> vector<16xi32>
      %le3A_708 = arith.cmpf ole, %get3A_653, %rev3A_672 : vector<16xf32>
      %select_n3A_709 = arith.select %le3A_708, %get3A_653, %rev3A_672 : vector<16xi1>, vector<16xf32>
      %select_n3A_710 = arith.select %le3A_708, %get3A_661, %rev3A_692 : vector<16xi1>, vector<16xi32>
      %le3A_711 = arith.cmpf ole, %get3A_655, %rev3A_677 : vector<16xf32>
      %select_n3A_712 = arith.select %le3A_711, %get3A_655, %rev3A_677 : vector<16xi1>, vector<16xf32>
      %select_n3A_713 = arith.select %le3A_711, %get3A_663, %rev3A_697 : vector<16xi1>, vector<16xi32>
      %le3A_714 = arith.cmpf ole, %get3A_657, %rev3A_682 : vector<16xf32>
      %select_n3A_715 = arith.select %le3A_714, %get3A_657, %rev3A_682 : vector<16xi1>, vector<16xf32>
      %select_n3A_716 = arith.select %le3A_714, %get3A_665, %rev3A_702 : vector<16xi1>, vector<16xi32>
      %le3A_717 = arith.cmpf ole, %get3A_659, %rev3A_687 : vector<16xf32>
      %select_n3A_718 = arith.select %le3A_717, %get3A_659, %rev3A_687 : vector<16xi1>, vector<16xf32>
      %select_n3A_719 = arith.select %le3A_717, %get3A_667, %rev3A_707 : vector<16xi1>, vector<16xi32>
      %le3A_720 = arith.cmpf ole, %select_n3A_709, %select_n3A_715 : vector<16xf32>
      %select_n3A_721 = arith.select %le3A_720, %select_n3A_709, %select_n3A_715 : vector<16xi1>, vector<16xf32>
      %select_n3A_722 = arith.select %le3A_720, %select_n3A_710, %select_n3A_716 : vector<16xi1>, vector<16xi32>
      %select_n3A_723 = arith.select %le3A_720, %select_n3A_715, %select_n3A_709 : vector<16xi1>, vector<16xf32>
      %select_n3A_724 = arith.select %le3A_720, %select_n3A_716, %select_n3A_710 : vector<16xi1>, vector<16xi32>
      %le3A_725 = arith.cmpf ole, %select_n3A_712, %select_n3A_718 : vector<16xf32>
      %select_n3A_726 = arith.select %le3A_725, %select_n3A_712, %select_n3A_718 : vector<16xi1>, vector<16xf32>
      %select_n3A_727 = arith.select %le3A_725, %select_n3A_713, %select_n3A_719 : vector<16xi1>, vector<16xi32>
      %select_n3A_728 = arith.select %le3A_725, %select_n3A_718, %select_n3A_712 : vector<16xi1>, vector<16xf32>
      %select_n3A_729 = arith.select %le3A_725, %select_n3A_719, %select_n3A_713 : vector<16xi1>, vector<16xi32>
      %le3A_730 = arith.cmpf ole, %select_n3A_721, %select_n3A_726 : vector<16xf32>
      %select_n3A_731 = arith.select %le3A_730, %select_n3A_721, %select_n3A_726 : vector<16xi1>, vector<16xf32>
      %select_n3A_732 = arith.select %le3A_730, %select_n3A_722, %select_n3A_727 : vector<16xi1>, vector<16xi32>
      %select_n3A_733 = arith.select %le3A_730, %select_n3A_726, %select_n3A_721 : vector<16xi1>, vector<16xf32>
      %select_n3A_734 = arith.select %le3A_730, %select_n3A_727, %select_n3A_722 : vector<16xi1>, vector<16xi32>
      %le3A_735 = arith.cmpf ole, %select_n3A_723, %select_n3A_728 : vector<16xf32>
      %select_n3A_736 = arith.select %le3A_735, %select_n3A_723, %select_n3A_728 : vector<16xi1>, vector<16xf32>
      %select_n3A_737 = arith.select %le3A_735, %select_n3A_724, %select_n3A_729 : vector<16xi1>, vector<16xi32>
      %select_n3A_738 = arith.select %le3A_735, %select_n3A_728, %select_n3A_723 : vector<16xi1>, vector<16xf32>
      %select_n3A_739 = arith.select %le3A_735, %select_n3A_729, %select_n3A_724 : vector<16xi1>, vector<16xi32>
      %masked_sort3A_740 = arith.constant dense<true> : vector<16xi1>
      %masked_sort3A_741, %masked_sort3A_742, %masked_sort3A_743 = tpu.sort %select_n3A_731, %select_n3A_732 masked %masked_sort3A_740 : (vector<16xf32>, vector<16xi32>, vector<16xi1>) -> (vector<16xi1>, vector<16xf32>, vector<16xi32>)
      %masked_sort3A_744 = arith.constant dense<true> : vector<16xi1>
      %masked_sort3A_745, %masked_sort3A_746, %masked_sort3A_747 = tpu.sort %select_n3A_733, %select_n3A_734 masked %masked_sort3A_744 : (vector<16xf32>, vector<16xi32>, vector<16xi1>) -> (vector<16xi1>, vector<16xf32>, vector<16xi32>)
      %masked_sort3A_748 = arith.constant dense<true> : vector<16xi1>
      %masked_sort3A_749, %masked_sort3A_750, %masked_sort3A_751 = tpu.sort %select_n3A_736, %select_n3A_737 masked %masked_sort3A_748 : (vector<16xf32>, vector<16xi32>, vector<16xi1>) -> (vector<16xi1>, vector<16xf32>, vector<16xi32>)
      %masked_sort3A_752 = arith.constant dense<true> : vector<16xi1>
      %masked_sort3A_753, %masked_sort3A_754, %masked_sort3A_755 = tpu.sort %select_n3A_738, %select_n3A_739 masked %masked_sort3A_752 : (vector<16xf32>, vector<16xi32>, vector<16xi1>) -> (vector<16xi1>, vector<16xf32>, vector<16xi32>)
      %swap3A_756 = arith.constant 0 : index
      %swap3A_757 = tpu.vector_load %arg8[%swap3A_756] {strides = array<i32>} : memref<64xf32, #tpu.memory_space<vmem>>, vector<16xf32>,
      tpu.vector_store %arg8[%swap3A_756], %masked_sort3A_742 {strides = array<i32>} : memref<64xf32, #tpu.memory_space<vmem>>, vector<16xf32>,
      %swap3A_758 = arith.constant 0 : index
      %swap3A_759 = tpu.vector_load %arg9[%swap3A_758] {strides = array<i32>} : memref<64xi32, #tpu.memory_space<vmem>>, vector<16xi32>,
      tpu.vector_store %arg9[%swap3A_758], %masked_sort3A_743 {strides = array<i32>} : memref<64xi32, #tpu.memory_space<vmem>>, vector<16xi32>,
      %swap3A_760 = arith.constant 16 : index
      %swap3A_761 = tpu.vector_load %arg8[%swap3A_760] {strides = array<i32>} : memref<64xf32, #tpu.memory_space<vmem>>, vector<16xf32>,
      tpu.vector_store %arg8[%swap3A_760], %masked_sort3A_746 {strides = array<i32>} : memref<64xf32, #tpu.memory_space<vmem>>, vector<16xf32>,
      %swap3A_762 = arith.constant 16 : index
      %swap3A_763 = tpu.vector_load %arg9[%swap3A_762] {strides = array<i32>} : memref<64xi32, #tpu.memory_space<vmem>>, vector<16xi32>,
      tpu.vector_store %arg9[%swap3A_762], %masked_sort3A_747 {strides = array<i32>} : memref<64xi32, #tpu.memory_space<vmem>>, vector<16xi32>,
      %swap3A_764 = arith.constant 32 : index
      %swap3A_765 = tpu.vector_load %arg8[%swap3A_764] {strides = array<i32>} : memref<64xf32, #tpu.memory_space<vmem>>, vector<16xf32>,
      tpu.vector_store %arg8[%swap3A_764], %masked_sort3A_750 {strides = array<i32>} : memref<64xf32, #tpu.memory_space<vmem>>, vector<16xf32>,
      %swap3A_766 = arith.constant 32 : index
      %swap3A_767 = tpu.vector_load %arg9[%swap3A_766] {strides = array<i32>} : memref<64xi32, #tpu.memory_space<vmem>>, vector<16xi32>,
      tpu.vector_store %arg9[%swap3A_766], %masked_sort3A_751 {strides = array<i32>} : memref<64xi32, #tpu.memory_space<vmem>>, vector<16xi32>,
      %swap3A_768 = arith.constant 48 : index
      %swap3A_769 = tpu.vector_load %arg8[%swap3A_768] {strides = array<i32>} : memref<64xf32, #tpu.memory_space<vmem>>, vector<16xf32>,
      tpu.vector_store %arg8[%swap3A_768], %masked_sort3A_754 {strides = array<i32>} : memref<64xf32, #tpu.memory_space<vmem>>, vector<16xf32>,
      %swap3A_770 = arith.constant 48 : index
      %swap3A_771 = tpu.vector_load %arg9[%swap3A_770] {strides = array<i32>} : memref<64xi32, #tpu.memory_space<vmem>>, vector<16xi32>,
      tpu.vector_store %arg9[%swap3A_770], %masked_sort3A_755 {strides = array<i32>} : memref<64xi32, #tpu.memory_space<vmem>>, vector<16xi32>,
      %reduce_max3A_772 = arith.constant true
      %reduce_max3A_773 = vector.broadcast %reduce_max3A_772 : i1 to vector<16xi1>
      %reduce_max3A_774 = tpu.scan <max>, %masked_sort3A_754 masked %reduce_max3A_773 : vector<16xf32>, vector<16xi1> -> vector<16xf32>
      %reduce_max3A_775 = vector.extract %reduce_max3A_774[15] : f32 from vector<16xf32>
      %swap3A_776 = arith.constant 0 : i32
      %swap3A_777 = arith.index_cast %swap3A_776 : i32 to index
      %swap3A_778 = memref.load %arg17[%swap3A_777] : memref<1xf32, #tpu.memory_space<smem>>
      memref.store %reduce_max3A_775, %arg17[%swap3A_777] : memref<1xf32, #tpu.memory_space<smem>>
    } else {
    }
    %dma_wait3A = tpu.memref_slice %arg3[%min3A_1] : memref<100000xi32, #tpu.memory_space<hbm>> -> memref<7168xi32, #tpu.memory_space<hbm>>
    %dma_wait3A_428 = tpu.memref_slice %arg3[%min3A_1] : memref<100000xi32, #tpu.memory_space<hbm>> -> memref<7168xi32, #tpu.memory_space<hbm>>
    tpu.wait_dma2 semaphore(%arg20 : memref<!tpu.dma_semaphore, #tpu.memory_space<semaphore_mem>>) src(%dma_wait3A_428 : memref<7168xi32, #tpu.memory_space<hbm>>) dst(%arg13 : memref<7168xi32, #tpu.memory_space<vmem>>)
    %get3A_429 = arith.constant 0 : index
    %get3A_430 = tpu.vector_load %arg8[%get3A_429] {strides = array<i32>} : memref<64xf32, #tpu.memory_space<vmem>>, vector<16xf32>,
    %get3A_431 = arith.constant 16 : index
    %get3A_432 = tpu.vector_load %arg8[%get3A_431] {strides = array<i32>} : memref<64xf32, #tpu.memory_space<vmem>>, vector<16xf32>,
    %get3A_433 = arith.constant 32 : index
    %get3A_434 = tpu.vector_load %arg8[%get3A_433] {strides = array<i32>} : memref<64xf32, #tpu.memory_space<vmem>>, vector<16xf32>,
    %get3A_435 = arith.constant 48 : index
    %get3A_436 = tpu.vector_load %arg8[%get3A_435] {strides = array<i32>} : memref<64xf32, #tpu.memory_space<vmem>>, vector<16xf32>,
    %get3A_437 = arith.constant 0 : index
    %get3A_438 = tpu.vector_load %arg9[%get3A_437] {strides = array<i32>} : memref<64xi32, #tpu.memory_space<vmem>>, vector<16xi32>,
    %get3A_439 = arith.constant 16 : index
    %get3A_440 = tpu.vector_load %arg9[%get3A_439] {strides = array<i32>} : memref<64xi32, #tpu.memory_space<vmem>>, vector<16xi32>,
    %get3A_441 = arith.constant 32 : index
    %get3A_442 = tpu.vector_load %arg9[%get3A_441] {strides = array<i32>} : memref<64xi32, #tpu.memory_space<vmem>>, vector<16xi32>,
    %get3A_443 = arith.constant 48 : index
    %get3A_444 = tpu.vector_load %arg9[%get3A_443] {strides = array<i32>} : memref<64xi32, #tpu.memory_space<vmem>>, vector<16xi32>,
    %sub3A = vector.broadcast %min3A_1 : i32 to vector<16xi32>
    %sub3A_445 = arith.subi %get3A_438, %sub3A : vector<16xi32>
    %gather3A = tpu.vector_load_idx %arg13[%sub3A_445] : memref<7168xi32, #tpu.memory_space<vmem>>[vector<16xi32>], vector<16xi32>,
    %mul3A_446 = arith.constant 1024 : i32
    %mul3A_447 = vector.broadcast %mul3A_446 : i32 to vector<16xi32>
    %mul3A_448 = arith.muli %get3A_438, %mul3A_447 : vector<16xi32>
    %add3A_449 = arith.addi %mul3A_448, %gather3A : vector<16xi32>
    %swap3A_450 = arith.constant 0 : index
    %swap3A_451 = tpu.vector_load %arg9[%swap3A_450] {strides = array<i32>} : memref<64xi32, #tpu.memory_space<vmem>>, vector<16xi32>,
    tpu.vector_store %arg9[%swap3A_450], %add3A_449 {strides = array<i32>} : memref<64xi32, #tpu.memory_space<vmem>>, vector<16xi32>,
    %sub3A_452 = vector.broadcast %min3A_1 : i32 to vector<16xi32>
    %sub3A_453 = arith.subi %get3A_440, %sub3A_452 : vector<16xi32>
    %gather3A_454 = tpu.vector_load_idx %arg13[%sub3A_453] : memref<7168xi32, #tpu.memory_space<vmem>>[vector<16xi32>], vector<16xi32>,
    %mul3A_455 = arith.constant 1024 : i32
    %mul3A_456 = vector.broadcast %mul3A_455 : i32 to vector<16xi32>
    %mul3A_457 = arith.muli %get3A_440, %mul3A_456 : vector<16xi32>
    %add3A_458 = arith.addi %mul3A_457, %gather3A_454 : vector<16xi32>
    %swap3A_459 = arith.constant 16 : index
    %swap3A_460 = tpu.vector_load %arg9[%swap3A_459] {strides = array<i32>} : memref<64xi32, #tpu.memory_space<vmem>>, vector<16xi32>,
    tpu.vector_store %arg9[%swap3A_459], %add3A_458 {strides = array<i32>} : memref<64xi32, #tpu.memory_space<vmem>>, vector<16xi32>,
    %sub3A_461 = vector.broadcast %min3A_1 : i32 to vector<16xi32>
    %sub3A_462 = arith.subi %get3A_442, %sub3A_461 : vector<16xi32>
    %gather3A_463 = tpu.vector_load_idx %arg13[%sub3A_462] : memref<7168xi32, #tpu.memory_space<vmem>>[vector<16xi32>], vector<16xi32>,
    %mul3A_464 = arith.constant 1024 : i32
    %mul3A_465 = vector.broadcast %mul3A_464 : i32 to vector<16xi32>
    %mul3A_466 = arith.muli %get3A_442, %mul3A_465 : vector<16xi32>
    %add3A_467 = arith.addi %mul3A_466, %gather3A_463 : vector<16xi32>
    %swap3A_468 = arith.constant 32 : index
    %swap3A_469 = tpu.vector_load %arg9[%swap3A_468] {strides = array<i32>} : memref<64xi32, #tpu.memory_space<vmem>>, vector<16xi32>,
    tpu.vector_store %arg9[%swap3A_468], %add3A_467 {strides = array<i32>} : memref<64xi32, #tpu.memory_space<vmem>>, vector<16xi32>,
    %sub3A_470 = vector.broadcast %min3A_1 : i32 to vector<16xi32>
    %sub3A_471 = arith.subi %get3A_444, %sub3A_470 : vector<16xi32>
    %gather3A_472 = tpu.vector_load_idx %arg13[%sub3A_471] : memref<7168xi32, #tpu.memory_space<vmem>>[vector<16xi32>], vector<16xi32>,
    %mul3A_473 = arith.constant 1024 : i32
    %mul3A_474 = vector.broadcast %mul3A_473 : i32 to vector<16xi32>
    %mul3A_475 = arith.muli %get3A_444, %mul3A_474 : vector<16xi32>
    %add3A_476 = arith.addi %mul3A_475, %gather3A_472 : vector<16xi32>
    %swap3A_477 = arith.constant 48 : index
    %swap3A_478 = tpu.vector_load %arg9[%swap3A_477] {strides = array<i32>} : memref<64xi32, #tpu.memory_space<vmem>>, vector<16xi32>,
    tpu.vector_store %arg9[%swap3A_477], %add3A_476 {strides = array<i32>} : memref<64xi32, #tpu.memory_space<vmem>>, vector<16xi32>,
    %mul3A_479 = arith.constant 64 : i32
    %mul3A_480 = arith.muli %arg1, %mul3A_479 : i32
    %multiple_of3A_481 = tpu.assume_multiple %mul3A_480, 64 : i32
    "tpu.region"() ({
      %run_scoped3A = tpu.sem_alloc : memref<!tpu.dma_semaphore, #tpu.memory_space<semaphore_mem>>
      %dma_start3A_489 = tpu.memref_slice %arg15[%multiple_of3A_481] : memref<1024xf32, #tpu.memory_space<vmem_shared>> -> memref<64xf32, #tpu.memory_space<vmem_shared>>
      %dma_start3A_490 = tpu.memref_slice %arg15[%multiple_of3A_481] : memref<1024xf32, #tpu.memory_space<vmem_shared>> -> memref<64xf32, #tpu.memory_space<vmem_shared>>
      tpu.enqueue_dma source(%arg8 : memref<64xf32, #tpu.memory_space<vmem>>) target(%dma_start3A_490 : memref<64xf32, #tpu.memory_space<vmem_shared>>) target_semaphore(%run_scoped3A : memref<!tpu.dma_semaphore, #tpu.memory_space<semaphore_mem>>)
      %dma_wait3A_491 = tpu.memref_slice %arg15[%multiple_of3A_481] : memref<1024xf32, #tpu.memory_space<vmem_shared>> -> memref<64xf32, #tpu.memory_space<vmem_shared>>
      %dma_wait3A_492 = tpu.memref_slice %arg15[%multiple_of3A_481] : memref<1024xf32, #tpu.memory_space<vmem_shared>> -> memref<64xf32, #tpu.memory_space<vmem_shared>>
      tpu.wait_dma2 semaphore(%run_scoped3A : memref<!tpu.dma_semaphore, #tpu.memory_space<semaphore_mem>>) src(%arg8 : memref<64xf32, #tpu.memory_space<vmem>>) dst(%dma_wait3A_492 : memref<64xf32, #tpu.memory_space<vmem_shared>>)
      tpu.yield
    }) : () -> ()
    %mul3A_482 = arith.constant 64 : i32
    %mul3A_483 = arith.muli %arg1, %mul3A_482 : i32
    %multiple_of3A_484 = tpu.assume_multiple %mul3A_483, 64 : i32
    "tpu.region"() ({
      %run_scoped3A = tpu.sem_alloc : memref<!tpu.dma_semaphore, #tpu.memory_space<semaphore_mem>>
      %dma_start3A_489 = tpu.memref_slice %arg16[%multiple_of3A_484] : memref<1024xi32, #tpu.memory_space<vmem_shared>> -> memref<64xi32, #tpu.memory_space<vmem_shared>>
      %dma_start3A_490 = tpu.memref_slice %arg16[%multiple_of3A_484] : memref<1024xi32, #tpu.memory_space<vmem_shared>> -> memref<64xi32, #tpu.memory_space<vmem_shared>>
      tpu.enqueue_dma source(%arg9 : memref<64xi32, #tpu.memory_space<vmem>>) target(%dma_start3A_490 : memref<64xi32, #tpu.memory_space<vmem_shared>>) target_semaphore(%run_scoped3A : memref<!tpu.dma_semaphore, #tpu.memory_space<semaphore_mem>>)
      %dma_wait3A_491 = tpu.memref_slice %arg16[%multiple_of3A_484] : memref<1024xi32, #tpu.memory_space<vmem_shared>> -> memref<64xi32, #tpu.memory_space<vmem_shared>>
      %dma_wait3A_492 = tpu.memref_slice %arg16[%multiple_of3A_484] : memref<1024xi32, #tpu.memory_space<vmem_shared>> -> memref<64xi32, #tpu.memory_space<vmem_shared>>
      tpu.wait_dma2 semaphore(%run_scoped3A : memref<!tpu.dma_semaphore, #tpu.memory_space<semaphore_mem>>) src(%arg9 : memref<64xi32, #tpu.memory_space<vmem>>) dst(%dma_wait3A_492 : memref<64xi32, #tpu.memory_space<vmem_shared>>)
      tpu.yield
    }) : () -> ()
    %barrier3A = arith.constant 0 : index
    tpu.barrier barrier_id(%barrier3A)
    %eq3A = arith.constant 0 : i32
    %eq3A_485 = arith.cmpi eq, %arg1, %eq3A : i32
    %convert_element_type3A_486 = arith.extui %eq3A_485 : i1 to i32
    %cond3A_487 = arith.constant 0 : i32
    %cond3A_488 = arith.cmpi ne, %convert_element_type3A_486, %cond3A_487 : i32
    scf.if %cond3A_488 {
      %scan3A_489 = arith.constant 0 : i32
      %scan3A_490 = arith.constant 1 : i32
      %scan3A_491 = arith.constant 15 : i32
      %scan3A_492 = arith.addi %scan3A_490, %scan3A_491 : i32
      %scan3A_493 = arith.constant 1 : i32
      scf.for %scan3A_549 = %scan3A_490 to %scan3A_492 step %scan3A_493  : i32 {
        %mul3A_550 = arith.constant 64 : i32
        %mul3A_551 = arith.muli %scan3A_549, %mul3A_550 : i32
        %multiple_of3A_552 = tpu.assume_multiple %mul3A_551, 64 : i32
        "tpu.region"() ({
          %run_scoped3A = tpu.sem_alloc : memref<!tpu.dma_semaphore, #tpu.memory_space<semaphore_mem>>
          %dma_start3A_689 = tpu.memref_slice %arg15[%multiple_of3A_552] : memref<1024xf32, #tpu.memory_space<vmem_shared>> -> memref<64xf32, #tpu.memory_space<vmem_shared>>
          %dma_start3A_690 = tpu.memref_slice %arg15[%multiple_of3A_552] : memref<1024xf32, #tpu.memory_space<vmem_shared>> -> memref<64xf32, #tpu.memory_space<vmem_shared>>
          tpu.enqueue_dma source(%dma_start3A_690 : memref<64xf32, #tpu.memory_space<vmem_shared>>) target(%arg10 : memref<64xf32, #tpu.memory_space<vmem>>) target_semaphore(%run_scoped3A : memref<!tpu.dma_semaphore, #tpu.memory_space<semaphore_mem>>)
          %dma_wait3A_691 = tpu.memref_slice %arg15[%multiple_of3A_552] : memref<1024xf32, #tpu.memory_space<vmem_shared>> -> memref<64xf32, #tpu.memory_space<vmem_shared>>
          %dma_wait3A_692 = tpu.memref_slice %arg15[%multiple_of3A_552] : memref<1024xf32, #tpu.memory_space<vmem_shared>> -> memref<64xf32, #tpu.memory_space<vmem_shared>>
          tpu.wait_dma2 semaphore(%run_scoped3A : memref<!tpu.dma_semaphore, #tpu.memory_space<semaphore_mem>>) src(%dma_wait3A_692 : memref<64xf32, #tpu.memory_space<vmem_shared>>) dst(%arg10 : memref<64xf32, #tpu.memory_space<vmem>>)
          tpu.yield
        }) : () -> ()
        "tpu.region"() ({
          %run_scoped3A = tpu.sem_alloc : memref<!tpu.dma_semaphore, #tpu.memory_space<semaphore_mem>>
          %dma_start3A_689 = tpu.memref_slice %arg16[%multiple_of3A_552] : memref<1024xi32, #tpu.memory_space<vmem_shared>> -> memref<64xi32, #tpu.memory_space<vmem_shared>>
          %dma_start3A_690 = tpu.memref_slice %arg16[%multiple_of3A_552] : memref<1024xi32, #tpu.memory_space<vmem_shared>> -> memref<64xi32, #tpu.memory_space<vmem_shared>>
          tpu.enqueue_dma source(%dma_start3A_690 : memref<64xi32, #tpu.memory_space<vmem_shared>>) target(%arg11 : memref<64xi32, #tpu.memory_space<vmem>>) target_semaphore(%run_scoped3A : memref<!tpu.dma_semaphore, #tpu.memory_space<semaphore_mem>>)
          %dma_wait3A_691 = tpu.memref_slice %arg16[%multiple_of3A_552] : memref<1024xi32, #tpu.memory_space<vmem_shared>> -> memref<64xi32, #tpu.memory_space<vmem_shared>>
          %dma_wait3A_692 = tpu.memref_slice %arg16[%multiple_of3A_552] : memref<1024xi32, #tpu.memory_space<vmem_shared>> -> memref<64xi32, #tpu.memory_space<vmem_shared>>
          tpu.wait_dma2 semaphore(%run_scoped3A : memref<!tpu.dma_semaphore, #tpu.memory_space<semaphore_mem>>) src(%dma_wait3A_692 : memref<64xi32, #tpu.memory_space<vmem_shared>>) dst(%arg11 : memref<64xi32, #tpu.memory_space<vmem>>)
          tpu.yield
        }) : () -> ()
        %get3A_553 = arith.constant 0 : index
        %get3A_554 = tpu.vector_load %arg10[%get3A_553] {strides = array<i32>} : memref<64xf32, #tpu.memory_space<vmem>>, vector<16xf32>,
        %get3A_555 = arith.constant 16 : index
        %get3A_556 = tpu.vector_load %arg10[%get3A_555] {strides = array<i32>} : memref<64xf32, #tpu.memory_space<vmem>>, vector<16xf32>,
        %get3A_557 = arith.constant 32 : index
        %get3A_558 = tpu.vector_load %arg10[%get3A_557] {strides = array<i32>} : memref<64xf32, #tpu.memory_space<vmem>>, vector<16xf32>,
        %get3A_559 = arith.constant 48 : index
        %get3A_560 = tpu.vector_load %arg10[%get3A_559] {strides = array<i32>} : memref<64xf32, #tpu.memory_space<vmem>>, vector<16xf32>,
        %get3A_561 = arith.constant 0 : index
        %get3A_562 = tpu.vector_load %arg11[%get3A_561] {strides = array<i32>} : memref<64xi32, #tpu.memory_space<vmem>>, vector<16xi32>,
        %get3A_563 = arith.constant 16 : index
        %get3A_564 = tpu.vector_load %arg11[%get3A_563] {strides = array<i32>} : memref<64xi32, #tpu.memory_space<vmem>>, vector<16xi32>,
        %get3A_565 = arith.constant 32 : index
        %get3A_566 = tpu.vector_load %arg11[%get3A_565] {strides = array<i32>} : memref<64xi32, #tpu.memory_space<vmem>>, vector<16xi32>,
        %get3A_567 = arith.constant 48 : index
        %get3A_568 = tpu.vector_load %arg11[%get3A_567] {strides = array<i32>} : memref<64xi32, #tpu.memory_space<vmem>>, vector<16xi32>,
        %get3A_569 = arith.constant 0 : index
        %get3A_570 = tpu.vector_load %arg8[%get3A_569] {strides = array<i32>} : memref<64xf32, #tpu.memory_space<vmem>>, vector<16xf32>,
        %get3A_571 = arith.constant 16 : index
        %get3A_572 = tpu.vector_load %arg8[%get3A_571] {strides = array<i32>} : memref<64xf32, #tpu.memory_space<vmem>>, vector<16xf32>,
        %get3A_573 = arith.constant 32 : index
        %get3A_574 = tpu.vector_load %arg8[%get3A_573] {strides = array<i32>} : memref<64xf32, #tpu.memory_space<vmem>>, vector<16xf32>,
        %get3A_575 = arith.constant 48 : index
        %get3A_576 = tpu.vector_load %arg8[%get3A_575] {strides = array<i32>} : memref<64xf32, #tpu.memory_space<vmem>>, vector<16xf32>,
        %get3A_577 = arith.constant 0 : index
        %get3A_578 = tpu.vector_load %arg9[%get3A_577] {strides = array<i32>} : memref<64xi32, #tpu.memory_space<vmem>>, vector<16xi32>,
        %get3A_579 = arith.constant 16 : index
        %get3A_580 = tpu.vector_load %arg9[%get3A_579] {strides = array<i32>} : memref<64xi32, #tpu.memory_space<vmem>>, vector<16xi32>,
        %get3A_581 = arith.constant 32 : index
        %get3A_582 = tpu.vector_load %arg9[%get3A_581] {strides = array<i32>} : memref<64xi32, #tpu.memory_space<vmem>>, vector<16xi32>,
        %get3A_583 = arith.constant 48 : index
        %get3A_584 = tpu.vector_load %arg9[%get3A_583] {strides = array<i32>} : memref<64xi32, #tpu.memory_space<vmem>>, vector<16xi32>,
        %rev3A_585 = arith.constant 15 : i32
        %rev3A_586 = vector.broadcast %rev3A_585 : i32 to vector<16xi32>
        %rev3A_587 = tpu.iota {dimensions = array<i32: 0>} : vector<16xi32>
        %rev3A_588 = arith.subi %rev3A_586, %rev3A_587 : vector<16xi32>
        %rev3A_589 = tpu.dynamic_gather %get3A_560[%rev3A_588] in [0] : vector<16xf32>, vector<16xi32> -> vector<16xf32>
        %rev3A_590 = arith.constant 15 : i32
        %rev3A_591 = vector.broadcast %rev3A_590 : i32 to vector<16xi32>
        %rev3A_592 = tpu.iota {dimensions = array<i32: 0>} : vector<16xi32>
        %rev3A_593 = arith.subi %rev3A_591, %rev3A_592 : vector<16xi32>
        %rev3A_594 = tpu.dynamic_gather %get3A_558[%rev3A_593] in [0] : vector<16xf32>, vector<16xi32> -> vector<16xf32>
        %rev3A_595 = arith.constant 15 : i32
        %rev3A_596 = vector.broadcast %rev3A_595 : i32 to vector<16xi32>
        %rev3A_597 = tpu.iota {dimensions = array<i32: 0>} : vector<16xi32>
        %rev3A_598 = arith.subi %rev3A_596, %rev3A_597 : vector<16xi32>
        %rev3A_599 = tpu.dynamic_gather %get3A_556[%rev3A_598] in [0] : vector<16xf32>, vector<16xi32> -> vector<16xf32>
        %rev3A_600 = arith.constant 15 : i32
        %rev3A_601 = vector.broadcast %rev3A_600 : i32 to vector<16xi32>
        %rev3A_602 = tpu.iota {dimensions = array<i32: 0>} : vector<16xi32>
        %rev3A_603 = arith.subi %rev3A_601, %rev3A_602 : vector<16xi32>
        %rev3A_604 = tpu.dynamic_gather %get3A_554[%rev3A_603] in [0] : vector<16xf32>, vector<16xi32> -> vector<16xf32>
        %rev3A_605 = arith.constant 15 : i32
        %rev3A_606 = vector.broadcast %rev3A_605 : i32 to vector<16xi32>
        %rev3A_607 = tpu.iota {dimensions = array<i32: 0>} : vector<16xi32>
        %rev3A_608 = arith.subi %rev3A_606, %rev3A_607 : vector<16xi32>
        %rev3A_609 = tpu.dynamic_gather %get3A_568[%rev3A_608] in [0] : vector<16xi32>, vector<16xi32> -> vector<16xi32>
        %rev3A_610 = arith.constant 15 : i32
        %rev3A_611 = vector.broadcast %rev3A_610 : i32 to vector<16xi32>
        %rev3A_612 = tpu.iota {dimensions = array<i32: 0>} : vector<16xi32>
        %rev3A_613 = arith.subi %rev3A_611, %rev3A_612 : vector<16xi32>
        %rev3A_614 = tpu.dynamic_gather %get3A_566[%rev3A_613] in [0] : vector<16xi32>, vector<16xi32> -> vector<16xi32>
        %rev3A_615 = arith.constant 15 : i32
        %rev3A_616 = vector.broadcast %rev3A_615 : i32 to vector<16xi32>
        %rev3A_617 = tpu.iota {dimensions = array<i32: 0>} : vector<16xi32>
        %rev3A_618 = arith.subi %rev3A_616, %rev3A_617 : vector<16xi32>
        %rev3A_619 = tpu.dynamic_gather %get3A_564[%rev3A_618] in [0] : vector<16xi32>, vector<16xi32> -> vector<16xi32>
        %rev3A_620 = arith.constant 15 : i32
        %rev3A_621 = vector.broadcast %rev3A_620 : i32 to vector<16xi32>
        %rev3A_622 = tpu.iota {dimensions = array<i32: 0>} : vector<16xi32>
        %rev3A_623 = arith.subi %rev3A_621, %rev3A_622 : vector<16xi32>
        %rev3A_624 = tpu.dynamic_gather %get3A_562[%rev3A_623] in [0] : vector<16xi32>, vector<16xi32> -> vector<16xi32>
        %le3A_625 = arith.cmpf ole, %get3A_570, %rev3A_589 : vector<16xf32>
        %select_n3A_626 = arith.select %le3A_625, %get3A_570, %rev3A_589 : vector<16xi1>, vector<16xf32>
        %select_n3A_627 = arith.select %le3A_625, %get3A_578, %rev3A_609 : vector<16xi1>, vector<16xi32>
        %le3A_628 = arith.cmpf ole, %get3A_572, %rev3A_594 : vector<16xf32>
        %select_n3A_629 = arith.select %le3A_628, %get3A_572, %rev3A_594 : vector<16xi1>, vector<16xf32>
        %select_n3A_630 = arith.select %le3A_628, %get3A_580, %rev3A_614 : vector<16xi1>, vector<16xi32>
        %le3A_631 = arith.cmpf ole, %get3A_574, %rev3A_599 : vector<16xf32>
        %select_n3A_632 = arith.select %le3A_631, %get3A_574, %rev3A_599 : vector<16xi1>, vector<16xf32>
        %select_n3A_633 = arith.select %le3A_631, %get3A_582, %rev3A_619 : vector<16xi1>, vector<16xi32>
        %le3A_634 = arith.cmpf ole, %get3A_576, %rev3A_604 : vector<16xf32>
        %select_n3A_635 = arith.select %le3A_634, %get3A_576, %rev3A_604 : vector<16xi1>, vector<16xf32>
        %select_n3A_636 = arith.select %le3A_634, %get3A_584, %rev3A_624 : vector<16xi1>, vector<16xi32>
        %le3A_637 = arith.cmpf ole, %select_n3A_626, %select_n3A_632 : vector<16xf32>
        %select_n3A_638 = arith.select %le3A_637, %select_n3A_626, %select_n3A_632 : vector<16xi1>, vector<16xf32>
        %select_n3A_639 = arith.select %le3A_637, %select_n3A_627, %select_n3A_633 : vector<16xi1>, vector<16xi32>
        %select_n3A_640 = arith.select %le3A_637, %select_n3A_632, %select_n3A_626 : vector<16xi1>, vector<16xf32>
        %select_n3A_641 = arith.select %le3A_637, %select_n3A_633, %select_n3A_627 : vector<16xi1>, vector<16xi32>
        %le3A_642 = arith.cmpf ole, %select_n3A_629, %select_n3A_635 : vector<16xf32>
        %select_n3A_643 = arith.select %le3A_642, %select_n3A_629, %select_n3A_635 : vector<16xi1>, vector<16xf32>
        %select_n3A_644 = arith.select %le3A_642, %select_n3A_630, %select_n3A_636 : vector<16xi1>, vector<16xi32>
        %select_n3A_645 = arith.select %le3A_642, %select_n3A_635, %select_n3A_629 : vector<16xi1>, vector<16xf32>
        %select_n3A_646 = arith.select %le3A_642, %select_n3A_636, %select_n3A_630 : vector<16xi1>, vector<16xi32>
        %le3A_647 = arith.cmpf ole, %select_n3A_638, %select_n3A_643 : vector<16xf32>
        %select_n3A_648 = arith.select %le3A_647, %select_n3A_638, %select_n3A_643 : vector<16xi1>, vector<16xf32>
        %select_n3A_649 = arith.select %le3A_647, %select_n3A_639, %select_n3A_644 : vector<16xi1>, vector<16xi32>
        %select_n3A_650 = arith.select %le3A_647, %select_n3A_643, %select_n3A_638 : vector<16xi1>, vector<16xf32>
        %select_n3A_651 = arith.select %le3A_647, %select_n3A_644, %select_n3A_639 : vector<16xi1>, vector<16xi32>
        %le3A_652 = arith.cmpf ole, %select_n3A_640, %select_n3A_645 : vector<16xf32>
        %select_n3A_653 = arith.select %le3A_652, %select_n3A_640, %select_n3A_645 : vector<16xi1>, vector<16xf32>
        %select_n3A_654 = arith.select %le3A_652, %select_n3A_641, %select_n3A_646 : vector<16xi1>, vector<16xi32>
        %select_n3A_655 = arith.select %le3A_652, %select_n3A_645, %select_n3A_640 : vector<16xi1>, vector<16xf32>
        %select_n3A_656 = arith.select %le3A_652, %select_n3A_646, %select_n3A_641 : vector<16xi1>, vector<16xi32>
        %masked_sort3A_657 = arith.constant dense<true> : vector<16xi1>
        %masked_sort3A_658, %masked_sort3A_659, %masked_sort3A_660 = tpu.sort %select_n3A_648, %select_n3A_649 masked %masked_sort3A_657 : (vector<16xf32>, vector<16xi32>, vector<16xi1>) -> (vector<16xi1>, vector<16xf32>, vector<16xi32>)
        %masked_sort3A_661 = arith.constant dense<true> : vector<16xi1>
        %masked_sort3A_662, %masked_sort3A_663, %masked_sort3A_664 = tpu.sort %select_n3A_650, %select_n3A_651 masked %masked_sort3A_661 : (vector<16xf32>, vector<16xi32>, vector<16xi1>) -> (vector<16xi1>, vector<16xf32>, vector<16xi32>)
        %masked_sort3A_665 = arith.constant dense<true> : vector<16xi1>
        %masked_sort3A_666, %masked_sort3A_667, %masked_sort3A_668 = tpu.sort %select_n3A_653, %select_n3A_654 masked %masked_sort3A_665 : (vector<16xf32>, vector<16xi32>, vector<16xi1>) -> (vector<16xi1>, vector<16xf32>, vector<16xi32>)
        %masked_sort3A_669 = arith.constant dense<true> : vector<16xi1>
        %masked_sort3A_670, %masked_sort3A_671, %masked_sort3A_672 = tpu.sort %select_n3A_655, %select_n3A_656 masked %masked_sort3A_669 : (vector<16xf32>, vector<16xi32>, vector<16xi1>) -> (vector<16xi1>, vector<16xf32>, vector<16xi32>)
        %swap3A_673 = arith.constant 0 : index
        %swap3A_674 = tpu.vector_load %arg8[%swap3A_673] {strides = array<i32>} : memref<64xf32, #tpu.memory_space<vmem>>, vector<16xf32>,
        tpu.vector_store %arg8[%swap3A_673], %masked_sort3A_659 {strides = array<i32>} : memref<64xf32, #tpu.memory_space<vmem>>, vector<16xf32>,
        %swap3A_675 = arith.constant 0 : index
        %swap3A_676 = tpu.vector_load %arg9[%swap3A_675] {strides = array<i32>} : memref<64xi32, #tpu.memory_space<vmem>>, vector<16xi32>,
        tpu.vector_store %arg9[%swap3A_675], %masked_sort3A_660 {strides = array<i32>} : memref<64xi32, #tpu.memory_space<vmem>>, vector<16xi32>,
        %swap3A_677 = arith.constant 16 : index
        %swap3A_678 = tpu.vector_load %arg8[%swap3A_677] {strides = array<i32>} : memref<64xf32, #tpu.memory_space<vmem>>, vector<16xf32>,
        tpu.vector_store %arg8[%swap3A_677], %masked_sort3A_663 {strides = array<i32>} : memref<64xf32, #tpu.memory_space<vmem>>, vector<16xf32>,
        %swap3A_679 = arith.constant 16 : index
        %swap3A_680 = tpu.vector_load %arg9[%swap3A_679] {strides = array<i32>} : memref<64xi32, #tpu.memory_space<vmem>>, vector<16xi32>,
        tpu.vector_store %arg9[%swap3A_679], %masked_sort3A_664 {strides = array<i32>} : memref<64xi32, #tpu.memory_space<vmem>>, vector<16xi32>,
        %swap3A_681 = arith.constant 32 : index
        %swap3A_682 = tpu.vector_load %arg8[%swap3A_681] {strides = array<i32>} : memref<64xf32, #tpu.memory_space<vmem>>, vector<16xf32>,
        tpu.vector_store %arg8[%swap3A_681], %masked_sort3A_667 {strides = array<i32>} : memref<64xf32, #tpu.memory_space<vmem>>, vector<16xf32>,
        %swap3A_683 = arith.constant 32 : index
        %swap3A_684 = tpu.vector_load %arg9[%swap3A_683] {strides = array<i32>} : memref<64xi32, #tpu.memory_space<vmem>>, vector<16xi32>,
        tpu.vector_store %arg9[%swap3A_683], %masked_sort3A_668 {strides = array<i32>} : memref<64xi32, #tpu.memory_space<vmem>>, vector<16xi32>,
        %swap3A_685 = arith.constant 48 : index
        %swap3A_686 = tpu.vector_load %arg8[%swap3A_685] {strides = array<i32>} : memref<64xf32, #tpu.memory_space<vmem>>, vector<16xf32>,
        tpu.vector_store %arg8[%swap3A_685], %masked_sort3A_671 {strides = array<i32>} : memref<64xf32, #tpu.memory_space<vmem>>, vector<16xf32>,
        %swap3A_687 = arith.constant 48 : index
        %swap3A_688 = tpu.vector_load %arg9[%swap3A_687] {strides = array<i32>} : memref<64xi32, #tpu.memory_space<vmem>>, vector<16xi32>,
        tpu.vector_store %arg9[%swap3A_687], %masked_sort3A_672 {strides = array<i32>} : memref<64xi32, #tpu.memory_space<vmem>>, vector<16xi32>,
      }
      %scan3A_494 = arith.constant 15 : i32
      %get3A_495 = arith.constant 0 : index
      %get3A_496 = tpu.vector_load %arg8[%get3A_495] {strides = array<i32>} : memref<64xf32, #tpu.memory_space<vmem>>, vector<16xf32>,
      %get3A_497 = arith.constant 16 : index
      %get3A_498 = tpu.vector_load %arg8[%get3A_497] {strides = array<i32>} : memref<64xf32, #tpu.memory_space<vmem>>, vector<16xf32>,
      %get3A_499 = arith.constant 32 : index
      %get3A_500 = tpu.vector_load %arg8[%get3A_499] {strides = array<i32>} : memref<64xf32, #tpu.memory_space<vmem>>, vector<16xf32>,
      %get3A_501 = arith.constant 48 : index
      %get3A_502 = tpu.vector_load %arg8[%get3A_501] {strides = array<i32>} : memref<64xf32, #tpu.memory_space<vmem>>, vector<16xf32>,
      %get3A_503 = arith.constant 0 : index
      %get3A_504 = tpu.vector_load %arg9[%get3A_503] {strides = array<i32>} : memref<64xi32, #tpu.memory_space<vmem>>, vector<16xi32>,
      %get3A_505 = arith.constant 16 : index
      %get3A_506 = tpu.vector_load %arg9[%get3A_505] {strides = array<i32>} : memref<64xi32, #tpu.memory_space<vmem>>, vector<16xi32>,
      %get3A_507 = arith.constant 32 : index
      %get3A_508 = tpu.vector_load %arg9[%get3A_507] {strides = array<i32>} : memref<64xi32, #tpu.memory_space<vmem>>, vector<16xi32>,
      %get3A_509 = arith.constant 48 : index
      %get3A_510 = tpu.vector_load %arg9[%get3A_509] {strides = array<i32>} : memref<64xi32, #tpu.memory_space<vmem>>, vector<16xi32>,
      %rem3A = arith.constant 1024 : i32
      %rem3A_511 = vector.broadcast %rem3A : i32 to vector<16xi32>
      %rem3A_512 = arith.remsi %get3A_504, %rem3A_511 : vector<16xi32>
      %swap3A_513 = arith.constant 0 : index
      %swap3A_514 = tpu.vector_load %arg12[%swap3A_513] {strides = array<i32>} : memref<80xi32, #tpu.memory_space<vmem>>, vector<16xi32>,
      tpu.vector_store %arg12[%swap3A_513], %rem3A_512 {strides = array<i32>} : memref<80xi32, #tpu.memory_space<vmem>>, vector<16xi32>,
      %rem3A_515 = arith.constant 1024 : i32
      %rem3A_516 = vector.broadcast %rem3A_515 : i32 to vector<16xi32>
      %rem3A_517 = arith.remsi %get3A_506, %rem3A_516 : vector<16xi32>
      %swap3A_518 = arith.constant 16 : index
      %swap3A_519 = tpu.vector_load %arg12[%swap3A_518] {strides = array<i32>} : memref<80xi32, #tpu.memory_space<vmem>>, vector<16xi32>,
      tpu.vector_store %arg12[%swap3A_518], %rem3A_517 {strides = array<i32>} : memref<80xi32, #tpu.memory_space<vmem>>, vector<16xi32>,
      %rem3A_520 = arith.constant 1024 : i32
      %rem3A_521 = vector.broadcast %rem3A_520 : i32 to vector<16xi32>
      %rem3A_522 = arith.remsi %get3A_508, %rem3A_521 : vector<16xi32>
      %swap3A_523 = arith.constant 32 : index
      %swap3A_524 = tpu.vector_load %arg12[%swap3A_523] {strides = array<i32>} : memref<80xi32, #tpu.memory_space<vmem>>, vector<16xi32>,
      tpu.vector_store %arg12[%swap3A_523], %rem3A_522 {strides = array<i32>} : memref<80xi32, #tpu.memory_space<vmem>>, vector<16xi32>,
      %rem3A_525 = arith.constant 1024 : i32
      %rem3A_526 = vector.broadcast %rem3A_525 : i32 to vector<16xi32>
      %rem3A_527 = arith.remsi %get3A_510, %rem3A_526 : vector<16xi32>
      %swap3A_528 = arith.constant 48 : index
      %swap3A_529 = tpu.vector_load %arg12[%swap3A_528] {strides = array<i32>} : memref<80xi32, #tpu.memory_space<vmem>>, vector<16xi32>,
      tpu.vector_store %arg12[%swap3A_528], %rem3A_527 {strides = array<i32>} : memref<80xi32, #tpu.memory_space<vmem>>, vector<16xi32>,
      %scan3A_530 = arith.constant 0 : i32
      %scan3A_531 = arith.constant 0 : i32
      %scan3A_532 = arith.constant 64 : i32
      %scan3A_533 = arith.addi %scan3A_531, %scan3A_532 : i32
      %scan3A_534 = arith.constant 1 : i32
      scf.for %scan3A_549 = %scan3A_531 to %scan3A_533 step %scan3A_534  : i32 {
        %get3A_550 = arith.index_cast %scan3A_549 : i32 to index
        %get3A_551 = tpu.vector_load %arg12[%get3A_550] {strides = array<i32>} : memref<80xi32, #tpu.memory_space<vmem>>, vector<16xi32>,
        %slice3A = vector.extract_strided_slice %get3A_551 {offsets = [0], sizes = [1], strides = [1]} : vector<16xi32> to vector<1xi32>
        %squeeze3A = vector.extract %slice3A[0] : i32 from vector<1xi32>
        %swap3A_552 = arith.constant 0 : i32
        %swap3A_553 = arith.index_cast %squeeze3A : i32 to index
        %swap3A_554 = memref.load %arg18[%swap3A_553] : memref<1000xi32, #tpu.memory_space<smem>>
        memref.store %swap3A_552, %arg18[%swap3A_553] : memref<1000xi32, #tpu.memory_space<smem>>
      }
      %scan3A_535 = arith.constant 64 : i32
      %scan3A_536 = arith.constant 0 : i32
      %scan3A_537 = arith.constant 1000 : i32
      %scan3A_538 = arith.constant 0 : i32
      %scan3A_539 = arith.constant 64 : i32
      %scan3A_540 = arith.addi %scan3A_538, %scan3A_539 : i32
      %scan3A_541 = arith.constant 1 : i32
      %scan3A_542:2 = scf.for %scan3A_549 = %scan3A_538 to %scan3A_540 step %scan3A_541 iter_args(%scan3A_550 = %scan3A_536, %scan3A_551 = %scan3A_537) -> (i32, i32)  : i32 {
        %get3A_552 = arith.index_cast %scan3A_549 : i32 to index
        %get3A_553 = tpu.vector_load %arg12[%get3A_552] {strides = array<i32>} : memref<80xi32, #tpu.memory_space<vmem>>, vector<16xi32>,
        %slice3A = vector.extract_strided_slice %get3A_553 {offsets = [0], sizes = [1], strides = [1]} : vector<16xi32> to vector<1xi32>
        %squeeze3A = vector.extract %slice3A[0] : i32 from vector<1xi32>
        %get3A_554 = arith.index_cast %squeeze3A : i32 to index
        %get3A_555 = memref.load %arg18[%get3A_554] : memref<1000xi32, #tpu.memory_space<smem>>
        %add3A_556 = arith.constant 1 : i32
        %add3A_557 = arith.addi %get3A_555, %add3A_556 : i32
        %swap3A_558 = arith.index_cast %squeeze3A : i32 to index
        %swap3A_559 = memref.load %arg18[%swap3A_558] : memref<1000xi32, #tpu.memory_space<smem>>
        memref.store %add3A_557, %arg18[%swap3A_558] : memref<1000xi32, #tpu.memory_space<smem>>
        %gt3A_560 = arith.cmpi sgt, %add3A_557, %scan3A_550 : i32
        %eq3A_561 = arith.cmpi eq, %add3A_557, %scan3A_550 : i32
        %lt3A = arith.cmpi slt, %squeeze3A, %scan3A_551 : i32
        %and3A = arith.andi %eq3A_561, %lt3A : i1
        %or3A = arith.ori %gt3A_560, %and3A : i1
        %select_n3A_562 = arith.select %or3A, %add3A_557, %scan3A_550 : i32
        %select_n3A_563 = arith.select %or3A, %squeeze3A, %scan3A_551 : i32
        scf.yield %select_n3A_562, %select_n3A_563 : i32, i32
      }
      %scan3A_543 = arith.constant 64 : i32
      %broadcast_in_dim3A = arith.constant 0 : i32
      %broadcast_in_dim3A_544 = vector.broadcast %broadcast_in_dim3A : i32 to vector<16xi32>
      %add3A_545 = vector.broadcast %scan3A_542#1 : i32 to vector<16xi32>
      %add3A_546 = arith.addi %broadcast_in_dim3A_544, %add3A_545 : vector<16xi32>
      %swap3A_547 = arith.constant 0 : index
      %swap3A_548 = tpu.vector_load %arg14[%swap3A_547] {strides = array<i32>} : memref<16xi32, #tpu.memory_space<vmem>>, vector<16xi32>,
      tpu.vector_store %arg14[%swap3A_547], %add3A_546 {strides = array<i32>} : memref<16xi32, #tpu.memory_space<vmem>>, vector<16xi32>,
      "tpu.region"() ({
        %run_scoped3A = tpu.sem_alloc : memref<!tpu.dma_semaphore, #tpu.memory_space<semaphore_mem>>
        tpu.enqueue_dma source(%arg14 : memref<16xi32, #tpu.memory_space<vmem>>) target(%arg4 : memref<16xi32, #tpu.memory_space<hbm>>) target_semaphore(%run_scoped3A : memref<!tpu.dma_semaphore, #tpu.memory_space<semaphore_mem>>)
        tpu.wait_dma2 semaphore(%run_scoped3A : memref<!tpu.dma_semaphore, #tpu.memory_space<semaphore_mem>>) src(%arg14 : memref<16xi32, #tpu.memory_space<vmem>>) dst(%arg4 : memref<16xi32, #tpu.memory_space<hbm>>)
        tpu.yield
      }) : () -> ()
    } else {
    }
    return
  }
}

module attributes {stable_mosaic.version = 14 : i64} {
  func.func @_dist_body(%arg0: i32, %arg1: memref<1x128xf32, #tpu.memory_space<vmem>>, %arg2: memref<16384x128xf32, #tpu.memory_space<vmem>>, %arg3: memref<1x8x2048xf32, #tpu.memory_space<vmem>>) attributes {dimension_semantics = [#tpu.dimension_semantics<arbitrary>], iteration_bounds = array<i64: 7>, scalar_prefetch = 0 : i64, scratch_operands = 0 : i64, tpu.core_type = #tpu.core_type<tc>, window_params = [{pipeline_mode = #tpu.pipeline_mode<synchronous>, transform_indices = @transform_0, window_bounds = array<i64: 1, 128>}, {transform_indices = @transform_1, window_bounds = array<i64: 16384, 128>}, {transform_indices = @transform_2, window_bounds = array<i64: 1, 8, 2048>}]} {
    %get3A = arith.constant 0 : index
    %get3A_0 = arith.constant 0 : index
    %get3A_1 = vector.load %arg2[%get3A, %get3A_0] : memref<16384x128xf32, #tpu.memory_space<vmem>>, vector<16384x128xf32>
    %get3A_2 = arith.constant 0 : index
    %get3A_3 = arith.constant 0 : index
    %get3A_4 = vector.load %arg1[%get3A_2, %get3A_3] : memref<1x128xf32, #tpu.memory_space<vmem>>, vector<1x128xf32>
    %sub3A = vector.broadcast %get3A_4 : vector<1x128xf32> to vector<16384x128xf32>
    %sub3A_5 = arith.subf %get3A_1, %sub3A : vector<16384x128xf32>
    %mul3A = arith.mulf %sub3A_5, %sub3A_5 : vector<16384x128xf32>
    %reduce_sum3A = arith.constant dense<0.000000e+00> : vector<16384xf32>
    %reduce_sum3A_6 = vector.multi_reduction <add>, %mul3A, %reduce_sum3A [1] : vector<16384x128xf32> to vector<16384xf32>
    %mul3A_7 = arith.constant 16384 : i32
    %mul3A_8 = arith.muli %arg0, %mul3A_7 : i32
    %iota3A = tpu.iota {dimensions = array<i32: 1>} : vector<1x16384xi32>
    %iota3A_9 = vector.shape_cast %iota3A : vector<1x16384xi32> to vector<16384xi32>
    %add3A = vector.broadcast %mul3A_8 : i32 to vector<16384xi32>
    %add3A_10 = arith.addi %add3A, %iota3A_9 : vector<16384xi32>
    %lt3A = arith.constant 100000 : i32
    %lt3A_11 = vector.broadcast %lt3A : i32 to vector<16384xi32>
    %lt3A_12 = arith.cmpi slt, %add3A_10, %lt3A_11 : vector<16384xi32>
    %jit3A = arith.constant 0x7F800000 : f32
    %broadcast_in_dim3A = vector.broadcast %jit3A : f32 to vector<16384xf32>
    %select_n3A = arith.select %lt3A_12, %reduce_sum3A_6, %broadcast_in_dim3A : vector<16384xi1>, vector<16384xf32>
    %reshape3A = vector.shape_cast %select_n3A : vector<16384xf32> to vector<1x8x2048xf32>
    %swap3A = arith.constant 0 : index
    %swap3A_13 = arith.constant 0 : index
    %swap3A_14 = arith.constant 0 : index
    %swap3A_15 = vector.load %arg3[%swap3A, %swap3A_13, %swap3A_14] : memref<1x8x2048xf32, #tpu.memory_space<vmem>>, vector<1x8x2048xf32>
    tpu.vector_store %arg3[%swap3A, %swap3A_13, %swap3A_14], %reshape3A {strides = array<i32>} : memref<1x8x2048xf32, #tpu.memory_space<vmem>>, vector<1x8x2048xf32>,
    return
  }
  func.func @transform_0(%arg0: i32) -> (i32, i32) {
    %c0_i32 = arith.constant 0 : i32
    %c0_i32_0 = arith.constant 0 : i32
    %c0_i32_1 = arith.constant 0 : i32
    return %c0_i32, %c0_i32_0 : i32, i32
  }
  func.func @transform_1(%arg0: i32) -> (i32, i32) {
    %c0_i32 = arith.constant 0 : i32
    %c0_i32_0 = arith.constant 0 : i32
    return %arg0, %c0_i32 : i32, i32
  }
  func.func @transform_2(%arg0: i32) -> (i32, i32, i32) {
    %c0_i32 = arith.constant 0 : i32
    %c0_i32_0 = arith.constant 0 : i32
    %c0_i32_1 = arith.constant 0 : i32
    return %arg0, %c0_i32, %c0_i32_0 : i32, i32, i32
  }
}

</mosaic_0001>

<sc_bundles>
// kernel: kernel.4.cloned.1.call-start
scs
__scs_entry_jumppad:
0x0: {  	(pc) =	sbr.rel $0x88, $3  }
0x1: {  	(tag) =	ssettag $0x0;
	lr =	simm.s32 $0x1  }
0x2: {  	[smem:$0x3F9E] =	sst lr;
	_ =	strace $0xD0000000  }
0x3: {  	_ = 	snop  }
0x4: {  	_ = 	snop  }
0x5: {  	_ = 	snop  }
0x6: {  	_ = 	snop  }
0x7: {  	_ = 	snop  }
__scs_overlays_trampoline_lowered:
0x8: {  	[smem:$0x3FAD] =	sst s0  }
0x9: {  	[smem:$0x3FAE] =	sst s1  }
0xa: {  	[smem:$0x3FAF] =	sst s2  }
0xb: {  	[smem:$0x3FB0] =	sst s3  }
0xc: {  	[smem:$0x3FB1] =	sst s4  }
0xd: {  	[smem:$0x3FB2] =	sst s5  }
0xe: {  	[smem:$0x3FB3] =	sst s6  }
0xf: {  	[smem:$0x3FB4] =	sst s7  }
0x10: {  	[smem:$0x3FB5] =	sst s8  }
0x11: {  	[smem:$0x3FB6] =	sst s9;
	s0 =	simm.s32 @!p0 $0x0  }
0x12: {  	s1 =	sld [smem:$0x3F9C];
	s0 =	simm.s32 @p0 $0x1  }
0x13: {  	[smem:$0x3FB7] =	sst s0;
	s0 =	simm.s32 @!p1 $0x0  }
0x14: {  	s2 =	sld [smem:$0x3F9B];
	s0 =	simm.s32 @p1 $0x1  }
0x15: {  	[smem:$0x3FB8] =	sst s0;
	s0 =	simm.s32 @!p2 $0x0  }
0x16: {  	s3 =	sld [smem:$0x3FDB];
	s0 =	simm.s32 @p2 $0x1  }
0x17: {  	s4 =	simm.s32 $0x1BF5;
	[smem:$0x3FBA] =	sst s0  }
0x18: {  	s0 =	sld [smem:$0x3F9D];
	_ =	swait.ge [sflag:s4], $0x0  }
0x19: {  	s7 =	sld [smem:$0x3F9E]  }
0x1a: {  	s8 =	sadd.s32 $0xFFFFE003, lr  }
0x1b: {  	s9 =	sadd.s32 $0xFFFFFEF7, lr;
	s5 =	simm.s32 $0xFFFFFFFF;
	p2 =	slt.u32 s8, $0xFFFFF086  }
0x1c: {  	p1 =	slt.u32 s9, $0xF7A;
	s5 =	simm.s32 @!p2 $0x0  }
0x1d: {  	s5 =	simm.s32 @p1 $0x1;
	p0 =	seq.s32 s7, s2  }
0x1e: {  	s7 =	smul.u32 @!p0 $0xF7A, s2;
	p2 =	seq.s32 @!p0 s5, $0x0  }
0x1f: {  	s9 =	smul.u32 $0xF7A, s1;
	s8 =	simm.s32 @!p0 $0x1BF5;
	p2 =	por !p2, p0  }
0x20: {  	[sflag:s8] =	ssyncset.s32 @!p0 $0xFFFFF086;
	s6 =	sadd.s32 @!p0 s3, s7;
	s7 =	simm.s32 @!p0 $0x108  }
0x21: {  	s3 =	sadd.s32 s3, s9;
	s6 =	sadd.s32 @!p0 $0x88, s6;
	s7 =	simm.s32 @p2 $0x1082  }
0x22: {  	[simem:s7], [sflag:s8] =	dma.local @!p0 [hbm:s6], $0xF7A  }
0x23: {  	s9 =	sor.u32 $0xD0000000, s2;
	s6 =	simm.s32 $0x108;
	_ =	swait.ge @!p0 [sflag:s8], $0x0  }
0x24: {  	s3 =	sadd.s32 $0x88, s3;
	s6 =	simm.s32 @!p1 $0x1082;
	[sflag:s4] =	ssyncset.s32 $0xFFFFF086  }
0x25: {  	[simem:s6], [sflag:s4] =	dma.local [hbm:s3], $0xF7A  }
0x26: {  	[smem:$0x3F9E] =	sst s1;
	(tag) =	ssettag s2;
	_ =	strace s9  }
0x27: {  	s1 =	sld [smem:$0x3FAE]  }
0x28: {  	s2 =	sld [smem:$0x3FAF]  }
0x29: {  	s4 =	sld [smem:$0x3FB1]  }
0x2a: {  	p0 =	seq.s32 s5, $0x0;
	s5 =	sld [smem:$0x3FB2]  }
0x2b: {  	s6 =	sld [smem:$0x3FB3]  }
0x2c: {  	s7 =	sld [smem:$0x3FB4]  }
0x2d: {  	s3 =	simm.s32 $0x108;
	s8 =	sld [smem:$0x3FB5]  }
0x2e: {  	s3 =	simm.s32 @!p0 $0x1082;
	s9 =	sld [smem:$0x3FB6]  }
0x2f: {  	lr =	sadd.s32 s0, s3;
	s0 =	sld [smem:$0x3FAD]  }
0x30: {  	s3 =	sld [smem:$0x3FB0]  }
0x31: {  	[smem:$0x3FB9] =	sst s10  }
0x32: {  	s10 =	sld [smem:$0x3FB7];
	_ =	sdelay $0x3  }
0x33: {  	p0 =	seq.s32 s10, $0x1;
	s10 =	sld [smem:$0x3FB9];
	_ =	sdelay $0x3  }
0x34: {  	[smem:$0x3FB9] =	sst s10  }
0x35: {  	s10 =	sld [smem:$0x3FB8];
	_ =	sdelay $0x3  }
0x36: {  	p1 =	seq.s32 s10, $0x1;
	s10 =	sld [smem:$0x3FB9];
	_ =	sdelay $0x3  }
0x37: {  	[smem:$0x3FB9] =	sst s10  }
0x38: {  	s10 =	sld [smem:$0x3FBA]  }
0x39: {  	_ = 	snop;
	(pc) =	sbr.ind lr, $3  }
0x3a: {  	_ = 	snop  }
0x3b: {  	_ = 	snop  }
0x3c: {  	p2 =	seq.s32 s10, $0x1;
	s10 =	sld [smem:$0x3FB9]  }
0x3d: {  	_ =	shalt  }
0x3e: {  	_ =	shalt  }
0x3f: {  	_ =	shalt  }
0x40: {  	_ =	shalt  }
0x41: {  	_ =	shalt  }
0x42: {  	_ =	shalt  }
0x43: {  	_ =	shalt  }
0x44: {  	_ =	shalt  }
0x45: {  	_ =	shalt  }
0x46: {  	_ =	shalt  }
0x47: {  	_ =	shalt  }
0x48: {  	_ =	shalt  }
0x49: {  	_ =	shalt  }
0x4a: {  	_ =	shalt  }
0x4b: {  	_ =	shalt  }
0x4c: {  	_ =	shalt  }
0x4d: {  	_ =	shalt  }
0x4e: {  	_ =	shalt  }
0x4f: {  	_ =	shalt  }
0x50: {  	_ =	shalt  }
0x51: {  	_ =	shalt  }
0x52: {  	_ =	shalt  }
0x53: {  	_ =	shalt  }
0x54: {  	_ =	shalt  }
0x55: {  	_ =	shalt  }
0x56: {  	_ =	shalt  }
0x57: {  	_ =	shalt  }
0x58: {  	_ =	shalt  }
0x59: {  	_ =	shalt  }
0x5a: {  	_ =	shalt  }
0x5b: {  	_ =	shalt  }
0x5c: {  	_ =	shalt  }
0x5d: {  	_ =	shalt  }
0x5e: {  	_ =	shalt  }
0x5f: {  	_ =	shalt  }
0x60: {  	_ =	shalt  }
0x61: {  	_ =	shalt  }
0x62: {  	_ =	shalt  }
0x63: {  	_ =	shalt  }
0x64: {  	_ =	shalt  }
0x65: {  	_ =	shalt  }
0x66: {  	_ =	shalt  }
0x67: {  	_ =	shalt  }
0x68: {  	_ =	shalt  }
0x69: {  	_ =	shalt  }
0x6a: {  	_ =	shalt  }
0x6b: {  	_ =	shalt  }
0x6c: {  	_ =	shalt  }
0x6d: {  	_ =	shalt  }
0x6e: {  	_ =	shalt  }
0x6f: {  	_ =	shalt  }
0x70: {  	_ =	shalt  }
0x71: {  	_ =	shalt  }
0x72: {  	_ =	shalt  }
0x73: {  	_ =	shalt  }
0x74: {  	_ =	shalt  }
0x75: {  	_ =	shalt  }
0x76: {  	_ =	shalt  }
0x77: {  	_ =	shalt  }
0x78: {  	_ =	shalt  }
0x79: {  	_ =	shalt  }
0x7a: {  	_ =	shalt  }
0x7b: {  	_ =	shalt  }
0x7c: {  	_ =	shalt  }
0x7d: {  	_ =	shalt  }
0x7e: {  	_ =	shalt  }
0x7f: {  	_ =	shalt  }
0x80: {  	_ =	shalt  }
0x81: {  	_ =	shalt  }
0x82: {  	_ =	shalt  }
0x83: {  	_ =	shalt  }
0x84: {  	_ =	shalt  }
0x85: {  	_ =	shalt  }
0x86: {  	_ =	shalt  }
0x87: {  	_ =	shalt  }
.Lfunc_end0:
.L_simem_size_0:
called_computation_lowered:
.L_overlay_start_0:
0x88: {  	s0 =	sld [smem:$0x3FD9]  }
0x89: {  	s1 =	sld [smem:$0x3FFE];
	_ =	sdelay $0x3  }
0x8a: {  	s0 =	sadd.s32 s1, s0  }
0x8b: {  	[smem:$0x3FC5] =	sst s0  }
0x8c: {  	_ = 	snop  }
0x8d: {  	s0 =	sld [smem:$0x3FC7]  }
0x8e: {  	s16 =	sld [smem:$0x3FD0];
	(tm) =	ssettm $0x1  }
0x8f: {  	s2 =	sld [smem:$0x3FFB];
	_ =	sdelay $0x3  }
0x90: {  	_ =	strace s2  }
0x91: {  	s2 =	sld [smem:$0x3FFC];
	_ =	sdelay $0x3  }
0x92: {  	_ =	strace s2  }
0x93: {  	s2 =	sld [smem:$0x3FFD];
	_ =	sdelay $0x3  }
0x94: {  	_ =	strace s2  }
0x95: {  	_ =	strace $0x8FFFFFFF  }
0x96: {  	s17 =	sld [smem:$0x3FDB];
	_ =	sdelay $0x1  }
0x97: {  	s3 =	simm.s32 $_scs_section_size  }
0x98: {  	s4 =	simm.s32 $_size__tile_overlayer_lowered;
	s5 =	simm.s32 $_tile_overlayer_lowered  }
0x99: {  	s20 =	simm.s32 $0x1BFF;
	s19 =	sshll.u32 s5, $0x1;
	s2 =	sadd.s32 s3, s17  }
0x9a: {  	s6 =	simm.s32 $0x0;
	s18 =	sshll.u32 s4, $0x1;
	s4 =	sadd.s32 s19, s2  }
0x9b: {  	[timem:s6], [sflag:s20] =	dma.local [hbm:s4], s18  }
0x9c: {  	_ =	swait.ge [sflag:s20], s18  }
0x9d: {  	s3 =	ssub.s32 $0x0, s18;
	[sflag:s20] =	ssyncset.done $0x0  }
0x9e: {  	[sflag:s20] =	ssyncadd.s32 s3;
	_ =	sdelay $0x1  }
0x9f: {  	s21 =	simm.s32 $0x1B8B  }
0xa0: {  	_ =	swait.ge [sflag:s21], $0x1  }
0xa1: {  	[sflag:s21] =	ssyncset.done $0x0  }
0xa2: {  	s23 =	simm.s32 $0x1B8E;
	s22 =	sld [smem:$0x3FFE];
	[sflag:s21] =	ssyncadd.s32 $0xFFFFFFFF  }
0xa3: {  	s24 =	simm.s32 $execute0_lowered;
	[smem:$0x3FD2] =	sst s23  }
0xa4: {  	s4 =	sshll.u32 s24, $0x1;
	_ =	strace $0x80000046;
	[dreg:$0x1] =	wrdreg $0xFFFFFFFF  }
0xa5: {  	s25 =	simm.s32 $_size_execute0_lowered;
	s2 =	sadd.s32 s2, s4;
	[dreg:$0x0] =	wrdreg $0x0  }
0xa6: {  	s4 =	sshll.u32 s25, $0x1;
	[dreg:$0x2] =	wrdreg s2  }
0xa7: {  	[dreg:$0x3] =	wrdreg s4  }
0xa8: {  	[dreg:$0x4] =	wrdreg $0xC0  }
0xa9: {  	_ =	task [dreg:s6], $0x5FFFF  }
0xaa: {  	[dreg:$0x1] =	wrdreg $0xFFFFFFFF  }
0xab: {  	[dreg:$0x0] =	wrdreg $0x60  }
0xac: {  	[dreg:$0x2] =	wrdreg s22  }
0xad: {  	[dreg:$0x3] =	wrdreg s0  }
0xae: {  	[dreg:$0x4] =	wrdreg s16  }
0xaf: {  	[dreg:$0x5] =	wrdreg $0x3C000  }
0xb0: {  	[dreg:$0x6] =	wrdreg $0x3C400  }
0xb1: {  	[dreg:$0x7] =	wrdreg $0x9  }
0xb2: {  	_ =	task.clear_ibuf [dreg:s6], $0x8FFFF;
	_ =	strace $0x90000046  }
0xb3: {  	s26 =	simm.s32 $0x9;
	_ =	strace $0x80000048  }
0xb4: {  	_ =	swait.ge [sflag:s26], $0x1  }
0xb5: {  	[sflag:s26] =	ssyncadd.s32 $0xFFFFFFFF  }
0xb6: {  	_ =	strace $0x90000048  }
0xb7: {  	_ =	sfence  }
0xb8: {  	s28 =	sld [smem:$0x0];
	_ =	sdelay $0x1  }
0xb9: {  	s29 =	srdreg.scid  }
0xba: {  	s30 =	sshll.u32 s29, $0xD;
	s31 =	sshrl.u32 s29, $0x2  }
0xbb: {  	s1 =	sand.u32 $0x1, s29;
	s2 =	sand.u32 $0x4000, s30;
	s0 =	sadd.s32 s31, s28  }
0xbc: {  	s1 =	sor.u32 s2, s1;
	s0 =	sshll.u32 s0, $0x11  }
0xbd: {  	s0 =	sor.u32 s0, s1  }
0xbe: {  	s0 =	sadd.s32 $0x8F2B, s0  }
0xbf: {  	[sflag:s0] =	ssyncadd.remote.s32 $0x1  }
0xc0: {  	_ =	sfence.sel $0xFFFF  }
0xc1: {  	[dreg:$0x0] =	wrdreg $0xFFFFFFFF;
	(pc) =	sbr.abs _section_cstart, $3  }
0xc2: {  	[dreg:$0x1] =	wrdreg $0xFFFFFFFF  }
0xc3: {  	_ =	task.clear_ibuf [dreg:s6], $0x2FFFF;
	_ =	strace $0x9FFFFFFF  }
0xc4: {  	(tm) =	ssettm $0x7FFFFFFF  }
0xc5: {  	_ =	shalt  }
tec
execute0_lowered:
.L_overlay_start_1:
0x0: {  	(tag) =	ssettag $0x1  }
0x1: {  	s8 =	rddreg [dreg:$0x0]  }
0x2: {  	s9 =	rddreg [dreg:$0x1]  }
0x3: {  	s1 =	rddreg [dreg:$0x2]  }
0x4: {  	s2 =	rddreg [dreg:$0x3];
	s4 =	stileid.u32  }
0x5: {  	s3 =	rddreg [dreg:$0x4];
	s5 =	smul.u32 $0x1C00, s4  }
0x6: {  	s0 =	rddreg [dreg:$0x5]  }
0x7: {  	s7 =	simm.s32 $0x0;
	s21 =	simm.s32 $0x1F80;
	s6 =	smin.u32 s5, $0x16AA0  }
0x8: {  	[smem:$0x7FF] =	sst s7;
	s10 =	sshrl.u32 s5, $0x3;
	s20 =	sshrl.u32 s6, $0x3  }
0x9: {  	_ =	strace $0x80000047;
	s8 =	sadd.s32 s10, s8;
	s9 =	sadd.s32 s9, s20  }
0xa: {  	[tilespmem:s21], [sflag:$0x1] =	stream.linear.gather [hbm4b:s9+s7], $0x1C00, $0x38;
	[tilespmem:$0x3C80] =	vst v63  }
0xb: {  	s22 =	simm.s32 $0x2;
	s8 =	sadd.s32 $0x600, s8  }
0xc: {  	[tilespmem:s7], [sflag:$0x2] =	stream.linear.gather [hbm4b:s8+s7], $0x1C00, $0x38;
	[tilespmem:$0x3C80] =	vst v63  }
0xd: {  	_ =	swait.ge [sflag:s22], $0x1C00  }
0xe: {  	[sflag:s22] =	ssyncset.done $0x0  }
0xf: {  	[sflag:s22] =	ssyncadd.s32 $0xFFFFE400  }
0x10: {  	v1 =	vld [tilespmem:$0x0]  }
0x11: {  	v2 =	vld [tilespmem:$0x10]  }
0x12: {  	v3 =	vld [tilespmem:$0x20]  }
0x13: {  	v0 =	vlaneseq.u32;
	v5 =	vld [tilespmem:$0x30]  }
0x14: {  	v4 =	vor.u32 s5, v0;
	s23 =	sor.u32 $0x10, s5  }
0x15: {  	s24 =	sor.u32 $0x20, s5;
	v6 =	vor.u32 s23, v0;
	(xrf1) =	vsort.ascd.msk.f32 $0xffff, v1, v4  }
0x16: {  	s25 =	sor.u32 $0x30, s5;
	v1 =	vor.u32 s24, v0;
	(xrf1) =	vsort.ascd.msk.f32 $0xffff, v2, v6  }
0x17: {  	v2 =	vor.u32 s25, v0;
	(xrf1) =	vsort.ascd.msk.f32 $0xffff, v3, v1  }
0x18: {  	(xrf1) =	vsort.ascd.msk.f32 $0xffff, v5, v2;
	_ =	sdelay $0x9  }
0x19: {  	v1 =	vmul.u32 $0xFFFFFFFF, v0  }
0x1a: {  	v2, v3, _ =	vpop (xrf1)  }
0x1b: {  	v1 =	vadd.s32 $0xF, v1;
	v61, v62, _ =	vpop (xrf1)  }
0x1c: {  	v4 =	vperm.xlane v61, v1;
	v63, v7, _ =	vpop (xrf1)  }
0x1d: {  	v5 =	vperm.xlane v62, v1;
	v8, v9, _ =	vpop (xrf1)  }
0x1e: {  	vm0 =	vle.f32 v2, v4;
	v8 =	vperm.xlane v8, v1;
	v12 =	vperm.xlane v9, v1  }
0x1f: {  	v10 =	vsel vm0, v2, v4;
	v11 =	vsel vm0, v3, v5;
	v2 =	vsel vm0, v4, v2  }
0x20: {  	v3 =	vsel vm0, v5, v3;
	(xrf1) =	vsort.ascd.msk.f32 $0xffff, v10, v11;
	vm10 =	vle.f32 v63, v8  }
0x21: {  	(xrf1) =	vsort.ascd.msk.f32 $0xffff, v2, v3;
	v2 =	vsel vm10, v63, v8;
	v3 =	vsel vm10, v7, v12  }
0x22: {  	v13 =	vsel vm10, v8, v63;
	v4 =	vsel vm10, v12, v7;
	(xrf1) =	vsort.ascd.msk.f32 $0xffff, v2, v3  }
0x23: {  	(xrf1) =	vsort.ascd.msk.f32 $0xffff, v13, v4;
	_ =	sdelay $0xa  }
0x24: {  	v2, v3, _ =	vpop (xrf1)  }
0x25: {  	v4, v5, _ =	vpop (xrf1)  }
0x26: {  	v14, v15, _ =	vpop (xrf1)  }
0x27: {  	v17, v16, _ =	vpop (xrf1)  }
0x28: {  	v6 =	vperm.xlane v14, v1;
	v8 =	vperm.xlane v17, v1  }
0x29: {  	v7 =	vperm.xlane v15, v1  }
0x2a: {  	v9 =	vperm.xlane v16, v1;
	vm1 =	vle.f32 v4, v6;
	vm11 =	vle.f32 v2, v8  }
0x2b: {  	v20 =	vsel vm1, v4, v6;
	v21 =	vsel vm1, v5, v7;
	v4 =	vsel vm1, v6, v4  }
0x2c: {  	v5 =	vsel vm1, v7, v5;
	v18 =	vsel vm11, v2, v8;
	v19 =	vsel vm11, v3, v9  }
0x2d: {  	v2 =	vsel vm11, v8, v2;
	v3 =	vsel vm11, v9, v3;
	vm12 =	vle.f32 v18, v20  }
0x2e: {  	v24 =	vld [tilespmem:$0x40];
	vm13 =	vle.f32 v4, v2;
	v22 =	vsel vm12, v18, v20;
	v23 =	vsel vm12, v19, v21  }
0x2f: {  	v25 =	vld [tilespmem:$0x50];
	v8 =	vsel vm12, v20, v18;
	v9 =	vsel vm12, v21, v19;
	(xrf1) =	vsort.ascd.msk.f32 $0xffff, v22, v23  }
0x30: {  	v26 =	vsel vm13, v4, v2;
	v27 =	vsel vm13, v5, v3;
	(xrf1) =	vsort.ascd.msk.f32 $0xffff, v8, v9  }
0x31: {  	s26 =	sor.u32 $0x40, s5;
	v28 =	vld [tilespmem:$0x60];
	v2 =	vsel vm13, v2, v4;
	v3 =	vsel vm13, v3, v5;
	(xrf1) =	vsort.ascd.msk.f32 $0xffff, v26, v27  }
0x32: {  	s28 =	sor.u32 $0x50, s5;
	v29 =	vor.u32 s26, v0;
	(xrf1) =	vsort.ascd.msk.f32 $0xffff, v2, v3;
	v2 =	vld [tilespmem:$0x70]  }
0x33: {  	v3 =	vor.u32 s28, v0;
	(xrf1) =	vsort.ascd.msk.f32 $0xffff, v24, v29  }
0x34: {  	s29 =	sor.u32 $0x60, s5;
	(xrf1) =	vsort.ascd.msk.f32 $0xffff, v25, v3  }
0x35: {  	s30 =	sor.u32 $0x70, s5;
	v3 =	vor.u32 s29, v0  }
0x36: {  	v30 =	vor.u32 s30, v0;
	(xrf1) =	vsort.ascd.msk.f32 $0xffff, v28, v3  }
0x37: {  	(xrf1) =	vsort.ascd.msk.f32 $0xffff, v2, v30;
	_ =	sdelay $0x5  }
0x38: {  	v2, v3, _ =	vpop (xrf1)  }
0x39: {  	v31, v32, _ =	vpop (xrf1)  }
0x3a: {  	v33, v7, _ =	vpop (xrf1)  }
0x3b: {  	v8, v9, _ =	vpop (xrf1)  }
0x3c: {  	v10, v34, _ =	vpop (xrf1)  }
0x3d: {  	v12, v13, _ =	vpop (xrf1)  }
0x3e: {  	v12 =	vperm.xlane v12, v1  }
0x3f: {  	v14, v15, _ =	vpop (xrf1)  }
0x40: {  	v13 =	vperm.xlane v13, v1;
	v16, v17, _ =	vpop (xrf1);
	vm14 =	vle.f32 v10, v12  }
0x41: {  	v18 =	vsel vm14, v10, v12;
	v16 =	vperm.xlane v16, v1  }
0x42: {  	v19 =	vsel vm14, v34, v13;
	v10 =	vsel vm14, v12, v10;
	v35 =	vperm.xlane v17, v1  }
0x43: {  	v11 =	vsel vm14, v13, v34;
	(xrf1) =	vsort.ascd.msk.f32 $0xffff, v18, v19;
	vm15 =	vle.f32 v14, v16  }
0x44: {  	(xrf1) =	vsort.ascd.msk.f32 $0xffff, v10, v11;
	v36 =	vsel vm15, v14, v16;
	v37 =	vsel vm15, v15, v35  }
0x45: {  	v38 =	vsel vm15, v16, v14;
	v12 =	vsel vm15, v35, v15;
	(xrf1) =	vsort.ascd.msk.f32 $0xffff, v36, v37  }
0x46: {  	(xrf1) =	vsort.ascd.msk.f32 $0xffff, v38, v12;
	_ =	sdelay $0xa  }
0x47: {  	v10, v11, _ =	vpop (xrf1)  }
0x48: {  	v12, v13, _ =	vpop (xrf1)  }
0x49: {  	v39, v40, _ =	vpop (xrf1)  }
0x4a: {  	v42, v41, _ =	vpop (xrf1)  }
0x4b: {  	v14 =	vperm.xlane v39, v1;
	v16 =	vperm.xlane v42, v1  }
0x4c: {  	v15 =	vperm.xlane v40, v1  }
0x4d: {  	v17 =	vperm.xlane v41, v1;
	vm5 =	vle.f32 v12, v14;
	vm4 =	vle.f32 v10, v16  }
0x4e: {  	v45 =	vsel vm5, v12, v14;
	v46 =	vsel vm5, v13, v15;
	v12 =	vsel vm5, v14, v12  }
0x4f: {  	v13 =	vsel vm5, v15, v13;
	v43 =	vsel vm4, v10, v16;
	v44 =	vsel vm4, v11, v17  }
0x50: {  	v10 =	vsel vm4, v16, v10;
	v11 =	vsel vm4, v17, v11;
	vm6 =	vle.f32 v43, v45  }
0x51: {  	vm7 =	vle.f32 v12, v10;
	v47 =	vsel vm6, v43, v45;
	v48 =	vsel vm6, v44, v46  }
0x52: {  	v16 =	vsel vm6, v45, v43;
	v17 =	vsel vm6, v46, v44;
	(xrf1) =	vsort.ascd.msk.f32 $0xffff, v47, v48  }
0x53: {  	v49 =	vsel vm7, v12, v10;
	v50 =	vsel vm7, v13, v11;
	(xrf1) =	vsort.ascd.msk.f32 $0xffff, v16, v17  }
0x54: {  	v10 =	vsel vm7, v10, v12;
	v11 =	vsel vm7, v11, v13;
	(xrf1) =	vsort.ascd.msk.f32 $0xffff, v49, v50  }
0x55: {  	(xrf1) =	vsort.ascd.msk.f32 $0xffff, v10, v11;
	_ =	sdelay $0xa  }
0x56: {  	v10, v11, _ =	vpop (xrf1)  }
0x57: {  	v51, v52, _ =	vpop (xrf1);
	v10 =	vperm.xlane v10, v1;
	v11 =	vperm.xlane v11, v1  }
0x58: {  	v14, v15, _ =	vpop (xrf1);
	v12 =	vperm.xlane v51, v1;
	v13 =	vperm.xlane v52, v1  }
0x59: {  	v16, v17, _ =	vpop (xrf1);
	v14 =	vperm.xlane v14, v1;
	v15 =	vperm.xlane v15, v1;
	vm11 =	vle.f32 v8, v10  }
0x5a: {  	v16 =	vperm.xlane v16, v1;
	v17 =	vperm.xlane v17, v1;
	vm10 =	vle.f32 v33, v12  }
0x5b: {  	v10 =	vsel vm11, v8, v10;
	v11 =	vsel vm11, v9, v11;
	vm9 =	vle.f32 v31, v14  }
0x5c: {  	v12 =	vsel vm10, v33, v12;
	v13 =	vsel vm10, v7, v13;
	vm8 =	vle.f32 v2, v16  }
0x5d: {  	v14 =	vsel vm9, v31, v14;
	v15 =	vsel vm9, v32, v15;
	v16 =	vsel vm8, v2, v16  }
0x5e: {  	v17 =	vsel vm8, v3, v17;
	vm13 =	vle.f32 v14, v10;
	vm12 =	vle.f32 v16, v12  }
0x5f: {  	v55 =	vsel vm13, v14, v10;
	v56 =	vsel vm13, v15, v11;
	v10 =	vsel vm13, v10, v14  }
0x60: {  	v11 =	vsel vm13, v11, v15;
	v53 =	vsel vm12, v16, v12;
	v54 =	vsel vm12, v17, v13  }
0x61: {  	v12 =	vsel vm12, v12, v16;
	v13 =	vsel vm12, v13, v17;
	vm14 =	vle.f32 v53, v55  }
0x62: {  	vm15 =	vle.f32 v12, v10;
	v57 =	vsel vm14, v53, v55;
	v58 =	vsel vm14, v54, v56  }
0x63: {  	v16 =	vsel vm14, v55, v53;
	v17 =	vsel vm14, v56, v54;
	(xrf1) =	vsort.ascd.msk.f32 $0xffff, v57, v58  }
0x64: {  	v59 =	vsel vm15, v12, v10;
	v60 =	vsel vm15, v13, v11;
	(xrf1) =	vsort.ascd.msk.f32 $0xffff, v16, v17  }
0x65: {  	v10 =	vsel vm15, v10, v12;
	v11 =	vsel vm15, v11, v13;
	(xrf1) =	vsort.ascd.msk.f32 $0xffff, v59, v60  }
0x66: {  	(xrf1) =	vsort.ascd.msk.f32 $0xffff, v10, v11;
	_ =	sdelay $0xa  }
0x67: {  	v10, v11, _ =	vpop (xrf1)  }
0x68: {  	v61, v62, _ =	vpop (xrf1)  }
0x69: {  	v14, v15, _ =	vpop (xrf1)  }
0x6a: {  	v16, v17, _ =	vpop (xrf1)  }
0x6b: {  	(xrf0) =	vmax.scan.msk.f32 $0xffff, v16;
	_ =	sdelay $0x5  }
0x6c: {  	v63, _, _ =	vpop (xrf0)  }
0x6d: {  	(v2sf) =	vpush v63, $0xF;
	_ =	sdelay $0x1  }
0x6e: {  	[tilespmem:$0x1D00] =	vst v2  }
0x6f: {  	[tilespmem:$0x1D80] =	vst v3  }
0x70: {  	[tilespmem:$0x1D10] =	vst v31  }
0x71: {  	[tilespmem:$0x1D90] =	vst v32  }
0x72: {  	[tilespmem:$0x1D20] =	vst v33  }
0x73: {  	[tilespmem:$0x1DA0] =	vst v7  }
0x74: {  	[tilespmem:$0x1D30] =	vst v8  }
0x75: {  	[tilespmem:$0x1DB0] =	vst v9  }
0x76: {  	[tilespmem:$0x1D00] =	vst v10  }
0x77: {  	[tilespmem:$0x1D80] =	vst v11  }
0x78: {  	[tilespmem:$0x1D10] =	vst v61  }
.Ltmp0:
0x79: {  	[tilespmem:$0x1D90] =	vst v62;
	(pc) =	sbr.rel .LBB2_1-.Ltmp0, $4  }
0x7a: {  	[tilespmem:$0x1D20] =	vst v14  }
0x7b: {  	[tilespmem:$0x1DA0] =	vst v15;
	s31 =	spop (v2sf)  }
0x7c: {  	[tilespmem:$0x1D30] =	vst v16;
	[smem:$0x0] =	sst s31  }
0x7d: {  	s9 =	simm.s32 $0x0;
	s8 =	simm.s32 $0xF0;
	v2 =	vimm.s32 $0x0;
	[tilespmem:$0x1DB0] =	vst v17;
	[smem:$0x480] =	sst s7  }
.LBB2_18:
0x7e: {  	p0 =	sgt.s32 s9, $0x3F;
	s10 =	sadd.s32 $0xFFFFFFC0, s9  }
0x7f: {  	s9 =	smov.u32 @p0 s10  }
0x80: {  	[smem:$0x480] =	sst s9  }
.LBB2_19:
0x81: {  	s7 =	sadd.s32 $0x80, s7  }
0x82: {  	p0 =	sne.s32 s7, $0x1B80  }
.Ltmp1:
0x83: {  	_ = 	snop;
	(pc) =	sbr.rel @!p0 .LBB2_20-.Ltmp1, $2  }
0x84: {  	_ =	sdelay $0x2  }
0x85: {  	s8 =	sadd.s32 $0x80, s8  }
.LBB2_1:
0x86: {  	v11 =	vld [tilespmem:s8+$0xFFFFFF90]  }
0x87: {  	v9 =	vld [tilespmem:s8+$0xFFFFFFA0]  }
0x88: {  	v8 =	vld [tilespmem:s8+$0xFFFFFFB0]  }
0x89: {  	v7 =	vld [tilespmem:s8+$0xFFFFFFC0]  }
0x8a: {  	v6 =	vld [tilespmem:s8+$0xFFFFFFD0]  }
0x8b: {  	v5 =	vld [tilespmem:s8+$0xFFFFFFE0]  }
0x8c: {  	v4 =	vld [tilespmem:s8+$0xFFFFFFF0];
	v10 =	vmin.f32 v11, v9  }
0x8d: {  	v3 =	vld [tilespmem:s8+$0x0];
	v10 =	vmin.f32 v10, v8  }
0x8e: {  	v10 =	vmin.f32 v10, v7  }
0x8f: {  	v10 =	vmin.f32 v10, v6  }
0x90: {  	v10 =	vmin.f32 v10, v5  }
0x91: {  	v10 =	vmin.f32 v10, v4  }
0x92: {  	v10 =	vmin.f32 v10, v3  }
0x93: {  	(xrf0) =	vmin.scan.msk.f32 $0xffff, v10;
	_ =	sdelay $0x5  }
0x94: {  	v10, _, _ =	vpop (xrf0)  }
0x95: {  	(v2sf) =	vpush v10, $0xF;
	_ =	sdelay $0xc  }
0x96: {  	s10 =	sld [smem:$0x0];
	_ =	sdelay $0x1  }
0x97: {  	s11 =	spop (v2sf)  }
0x98: {  	p0 =	slt.f32 s11, s10  }
.Ltmp2:
0x99: {  	_ = 	snop;
	(pc) =	sbr.rel @!p0 .LBB2_19-.Ltmp2, $1  }
0x9a: {  	_ =	sdelay $0x3  }
0x9b: {  	vm0 =	vlt.f32 v11, s10  }
0x9c: {  	v10 =	vsel vm0, $0x1, v2  }
0x9d: {  	(xrf0) =	vadd.scan.msk.s32 $0xffff, v10;
	_ =	sdelay $0x5  }
0x9e: {  	v10, _, _ =	vpop (xrf0)  }
0x9f: {  	(v2sf) =	vpush v10, $0xF;
	_ =	sdelay $0xe  }
0xa0: {  	s11 =	spop (v2sf)  }
0xa1: {  	p0 =	slt.s32 s11, $0x1  }
0xa2: {  	v10 =	vmov s10;
	s10 =	sadd.s32 @!p0 s7, s5  }
0xa3: {  	s12 =	sadd.s32 @!p0 $0x80, s10;
	s10 =	sadd.s32 s11, s9  }
0xa4: {  	p1 =	slt.s32 s10, $0x40  }
.Ltmp3:
0xa5: {  	_ = 	snop;
	(pc) =	sbr.rel @p1 .LBB2_4-.Ltmp3, $4  }
0xa6: {  	_ = 	snop  }
0xa7: {  	vm0 =	vlt.f32 @!p0 v11, v10;
	v12 =	vlaneseq.u32 @!p0  }
0xa8: {  	[tilespmem:s9+$0x1C00] =	vst.msk @!p0 vm0, v11;
	v11 =	vor.u32 @!p0 s12, v12  }
0xa9: {  	[tilespmem:s9+$0x1C80] =	vst.msk @!p0 vm0, v11  }
0xaa: {  	v10 =	vld [tilespmem:$0x1C00]  }
0xab: {  	v11 =	vld [tilespmem:$0x1C80]  }
0xac: {  	v12 =	vld [tilespmem:$0x1C10]  }
0xad: {  	v13 =	vld [tilespmem:$0x1C90]  }
0xae: {  	v14 =	vld [tilespmem:$0x1C20]  }
0xaf: {  	v16 =	vld [tilespmem:$0x1CA0]  }
0xb0: {  	v15 =	vmov s10;
	v18 =	vld [tilespmem:$0x1C30]  }
0xb1: {  	v17 =	vor.u32 $0x10, v0;
	v63 =	vld [tilespmem:$0x1CB0];
	vm0 =	vgt.s32 v15, v0  }
0xb2: {  	v19 =	vor.u32 $0x20, v0;
	vm12 =	vgt.s32 v15, v17;
	v10 =	vnsel vm0, $0x7F800000, v10  }
0xb3: {  	vm13 =	vgt.s32 v15, v19;
	v12 =	vnsel vm12, $0x7F800000, v12;
	(xrf1) =	vsort.ascd.msk.f32 $0xffff, v10, v11;
	v10 =	vor.u32 $0x30, v0  }
0xb4: {  	v11 =	vnsel vm13, $0x7F800000, v14;
	(xrf1) =	vsort.ascd.msk.f32 $0xffff, v12, v13;
	vm14 =	vgt.s32 v15, v10  }
0xb5: {  	v10 =	vnsel vm14, $0x7F800000, v18;
	(xrf1) =	vsort.ascd.msk.f32 $0xffff, v11, v16  }
0xb6: {  	(xrf1) =	vsort.ascd.msk.f32 $0xffff, v10, v63;
	_ =	sdelay $0xa  }
0xb7: {  	v10, v11, _ =	vpop (xrf1)  }
0xb8: {  	v12, v13, _ =	vpop (xrf1)  }
0xb9: {  	v12 =	vperm.xlane v12, v1;
	v21, v22, _ =	vpop (xrf1)  }
0xba: {  	v13 =	vperm.xlane v13, v1;
	v23, v17, _ =	vpop (xrf1)  }
0xbb: {  	vm15 =	vle.f32 v10, v12;
	v16 =	vperm.xlane v23, v1;
	v26 =	vperm.xlane v17, v1  }
0xbc: {  	v24 =	vsel vm15, v10, v12;
	v25 =	vsel vm15, v11, v13;
	v10 =	vsel vm15, v12, v10  }
0xbd: {  	v11 =	vsel vm15, v13, v11;
	(xrf1) =	vsort.ascd.msk.f32 $0xffff, v24, v25;
	vm4 =	vle.f32 v21, v16  }
0xbe: {  	(xrf1) =	vsort.ascd.msk.f32 $0xffff, v10, v11;
	v10 =	vsel vm4, v21, v16;
	v11 =	vsel vm4, v22, v26  }
0xbf: {  	v27 =	vsel vm4, v16, v21;
	v12 =	vsel vm4, v26, v22;
	(xrf1) =	vsort.ascd.msk.f32 $0xffff, v10, v11  }
0xc0: {  	(xrf1) =	vsort.ascd.msk.f32 $0xffff, v27, v12;
	_ =	sdelay $0xa  }
0xc1: {  	v10, v11, _ =	vpop (xrf1)  }
0xc2: {  	v12, v13, _ =	vpop (xrf1)  }
0xc3: {  	v28, v29, _ =	vpop (xrf1)  }
0xc4: {  	v31, v30, _ =	vpop (xrf1)  }
0xc5: {  	v14 =	vperm.xlane v28, v1;
	v16 =	vperm.xlane v31, v1  }
0xc6: {  	v15 =	vperm.xlane v29, v1  }
0xc7: {  	v17 =	vperm.xlane v30, v1;
	vm1 =	vle.f32 v12, v14;
	vm5 =	vle.f32 v10, v16  }
0xc8: {  	v34 =	vsel vm1, v12, v14;
	v35 =	vsel vm1, v13, v15;
	v12 =	vsel vm1, v14, v12  }
0xc9: {  	v13 =	vsel vm1, v15, v13;
	v32 =	vsel vm5, v10, v16;
	v33 =	vsel vm5, v11, v17  }
0xca: {  	v10 =	vsel vm5, v16, v10;
	v11 =	vsel vm5, v17, v11;
	vm6 =	vle.f32 v32, v34  }
0xcb: {  	vm7 =	vle.f32 v12, v10;
	v36 =	vsel vm6, v32, v34;
	v37 =	vsel vm6, v33, v35  }
0xcc: {  	v16 =	vsel vm6, v34, v32;
	v17 =	vsel vm6, v35, v33;
	(xrf1) =	vsort.ascd.msk.f32 $0xffff, v36, v37  }
0xcd: {  	v38 =	vsel vm7, v12, v10;
	v39 =	vsel vm7, v13, v11;
	(xrf1) =	vsort.ascd.msk.f32 $0xffff, v16, v17  }
0xce: {  	v10 =	vsel vm7, v10, v12;
	v11 =	vsel vm7, v11, v13;
	(xrf1) =	vsort.ascd.msk.f32 $0xffff, v38, v39  }
0xcf: {  	(xrf1) =	vsort.ascd.msk.f32 $0xffff, v10, v11;
	_ =	sdelay $0x6  }
0xd0: {  	v41 =	vld [tilespmem:$0x1D10]  }
0xd1: {  	v42 =	vld [tilespmem:$0x1D20]  }
0xd2: {  	v45 =	vld [tilespmem:$0x1D30]  }
0xd3: {  	v24 =	vld [tilespmem:$0x1DA0]  }
0xd4: {  	v25 =	vld [tilespmem:$0x1DB0];
	v11, v40, _ =	vpop (xrf1)  }
0xd5: {  	v10 =	vld [tilespmem:$0x1D00];
	v14, v15, _ =	vpop (xrf1);
	v11 =	vperm.xlane v11, v1;
	v12 =	vperm.xlane v40, v1  }
0xd6: {  	v23 =	vld [tilespmem:$0x1D90];
	v44, v43, _ =	vpop (xrf1);
	v14 =	vperm.xlane v14, v1;
	v15 =	vperm.xlane v15, v1  }
0xd7: {  	v22 =	vld [tilespmem:$0x1D80];
	v20, v21, _ =	vpop (xrf1);
	v17 =	vperm.xlane v44, v1;
	v18 =	vperm.xlane v43, v1;
	vm11 =	vle.f32 v45, v11  }
0xd8: {  	v20 =	vperm.xlane v20, v1;
	v21 =	vperm.xlane v21, v1;
	vm10 =	vle.f32 v42, v14  }
0xd9: {  	v11 =	vsel vm11, v45, v11;
	v12 =	vsel vm11, v25, v12;
	vm9 =	vle.f32 v41, v17  }
0xda: {  	v14 =	vsel vm10, v42, v14;
	v15 =	vsel vm10, v24, v15;
	vm8 =	vle.f32 v10, v20  }
0xdb: {  	v13 =	vsel vm9, v41, v17;
	v47 =	vsel vm9, v23, v18;
	v10 =	vsel vm8, v10, v20  }
0xdc: {  	v46 =	vsel vm8, v22, v21;
	vm13 =	vle.f32 v13, v11;
	vm12 =	vle.f32 v10, v14  }
0xdd: {  	v50 =	vsel vm13, v13, v11;
	v51 =	vsel vm13, v47, v12;
	v11 =	vsel vm13, v11, v13  }
0xde: {  	v12 =	vsel vm13, v12, v47;
	v16 =	vsel vm12, v10, v14;
	v48 =	vsel vm12, v46, v15  }
0xdf: {  	v10 =	vsel vm12, v14, v10;
	v49 =	vsel vm12, v15, v46;
	vm14 =	vle.f32 v16, v50  }
0xe0: {  	vm15 =	vle.f32 v10, v11;
	v52 =	vsel vm14, v16, v50;
	v53 =	vsel vm14, v48, v51  }
0xe1: {  	v15 =	vsel vm14, v50, v16;
	v54 =	vsel vm14, v51, v48;
	(xrf1) =	vsort.ascd.msk.f32 $0xffff, v52, v53  }
0xe2: {  	v55 =	vsel vm15, v10, v11;
	v56 =	vsel vm15, v49, v12;
	(xrf1) =	vsort.ascd.msk.f32 $0xffff, v15, v54  }
0xe3: {  	v10 =	vsel vm15, v11, v10;
	v11 =	vsel vm15, v12, v49;
	(xrf1) =	vsort.ascd.msk.f32 $0xffff, v55, v56  }
0xe4: {  	(xrf1) =	vsort.ascd.msk.f32 $0xffff, v10, v11;
	_ =	sdelay $0xa  }
0xe5: {  	v10, v11, _ =	vpop (xrf1)  }
0xe6: {  	v57, v58, _ =	vpop (xrf1)  }
0xe7: {  	v60, v59, _ =	vpop (xrf1)  }
0xe8: {  	v61, v62, _ =	vpop (xrf1)  }
0xe9: {  	(xrf0) =	vmax.scan.msk.f32 $0xffff, v61;
	_ =	sdelay $0x5  }
0xea: {  	v63, _, _ =	vpop (xrf0)  }
0xeb: {  	(v2sf) =	vpush v63, $0xF;
	_ =	sdelay $0x6  }
0xec: {  	[tilespmem:$0x1D00] =	vst v10  }
0xed: {  	[tilespmem:$0x1D80] =	vst v11  }
0xee: {  	[tilespmem:$0x1D10] =	vst v57  }
0xef: {  	v10 =	vld [tilespmem:$0x1C40];
	[tilespmem:$0x1D90] =	vst v58  }
0xf0: {  	v11 =	vld [tilespmem:$0x1CC0];
	[tilespmem:$0x1D20] =	vst v60  }
0xf1: {  	[tilespmem:$0x1DA0] =	vst v59  }
0xf2: {  	[tilespmem:$0x1D30] =	vst v61  }
0xf3: {  	[tilespmem:$0x1DB0] =	vst v62  }
0xf4: {  	[tilespmem:$0x1C00] =	vst v10;
	s9 =	spop (v2sf)  }
0xf5: {  	[tilespmem:$0x1C80] =	vst v11;
	v10 =	vbroadcast v63, $0xF;
	[smem:$0x0] =	sst s9  }
.LBB2_4:
0xf6: {  	_ = 	snop  }
0xf7: {  	vm0 =	vlt.f32 v9, v10  }
0xf8: {  	v11 =	vsel vm0, $0x1, v2  }
0xf9: {  	(xrf0) =	vadd.scan.msk.s32 $0xffff, v11;
	_ =	sdelay $0x5  }
0xfa: {  	v11, _, _ =	vpop (xrf0)  }
0xfb: {  	(v2sf) =	vpush v11, $0xF;
	_ =	sdelay $0xd  }
0xfc: {  	p0 =	sgt.s32 s10, $0x3F;
	s11 =	sadd.s32 $0xFFFFFFC0, s10  }
0xfd: {  	s10 =	smov.u32 @p0 s11;
	s9 =	spop (v2sf)  }
0xfe: {  	p1 =	slt.s32 s9, $0x1;
	s9 =	sadd.s32 s10, s9  }
0xff: {  	p0 =	slt.s32 s9, $0x40  }
.Ltmp4:
0x100: {  	_ = 	snop;
	(pc) =	sbr.rel @p0 .LBB2_6-.Ltmp4, $4  }
0x101: {  	s11 =	sadd.s32 @!p1 s7, s5  }
0x102: {  	vm0 =	vlt.f32 @!p1 v9, v10;
	v11 =	vlaneseq.u32 @!p1;
	s11 =	sadd.s32 @!p1 $0x90, s11  }
0x103: {  	[tilespmem:s10+$0x1C00] =	vst.msk @!p1 vm0, v9;
	v9 =	vor.u32 @!p1 s11, v11  }
0x104: {  	[tilespmem:s10+$0x1C80] =	vst.msk @!p1 vm0, v9  }
0x105: {  	v9 =	vld [tilespmem:$0x1C00]  }
0x106: {  	v10 =	vld [tilespmem:$0x1C80]  }
0x107: {  	v11 =	vld [tilespmem:$0x1C10]  }
0x108: {  	v12 =	vld [tilespmem:$0x1C90]  }
0x109: {  	v13 =	vld [tilespmem:$0x1C20]  }
0x10a: {  	v14 =	vmov s9;
	v15 =	vld [tilespmem:$0x1CA0]  }
0x10b: {  	v16 =	vor.u32 $0x10, v0;
	v17 =	vld [tilespmem:$0x1C30];
	vm0 =	vgt.s32 v14, v0  }
0x10c: {  	v23 =	vld [tilespmem:$0x1CB0];
	vm12 =	vgt.s32 v14, v16;
	v9 =	vnsel vm0, $0x7F800000, v9  }
0x10d: {  	v18 =	vor.u32 $0x20, v0;
	v11 =	vnsel vm12, $0x7F800000, v11;
	(xrf1) =	vsort.ascd.msk.f32 $0xffff, v9, v10  }
0x10e: {  	vm13 =	vgt.s32 v14, v18;
	v9 =	vor.u32 $0x30, v0;
	(xrf1) =	vsort.ascd.msk.f32 $0xffff, v11, v12  }
0x10f: {  	v10 =	vnsel vm13, $0x7F800000, v13;
	vm14 =	vgt.s32 v14, v9  }
0x110: {  	v9 =	vnsel vm14, $0x7F800000, v17;
	(xrf1) =	vsort.ascd.msk.f32 $0xffff, v10, v15  }
0x111: {  	(xrf1) =	vsort.ascd.msk.f32 $0xffff, v9, v23;
	_ =	sdelay $0x9  }
0x112: {  	v9, v10, _ =	vpop (xrf1)  }
0x113: {  	v11, v12, _ =	vpop (xrf1)  }
0x114: {  	v11 =	vperm.xlane v11, v1  }
0x115: {  	v24, v25, _ =	vpop (xrf1)  }
0x116: {  	v12 =	vperm.xlane v12, v1;
	v26, v16, _ =	vpop (xrf1);
	vm15 =	vle.f32 v9, v11  }
0x117: {  	v15 =	vperm.xlane v26, v1;
	v27 =	vsel vm15, v9, v11  }
0x118: {  	v28 =	vsel vm15, v10, v12;
	v9 =	vsel vm15, v11, v9;
	v11 =	vperm.xlane v16, v1  }
0x119: {  	v10 =	vsel vm15, v12, v10;
	(xrf1) =	vsort.ascd.msk.f32 $0xffff, v27, v28;
	vm4 =	vle.f32 v24, v15  }
0x11a: {  	(xrf1) =	vsort.ascd.msk.f32 $0xffff, v9, v10;
	v9 =	vsel vm4, v24, v15;
	v10 =	vsel vm4, v25, v11  }
0x11b: {  	v29 =	vsel vm4, v15, v24;
	v11 =	vsel vm4, v11, v25;
	(xrf1) =	vsort.ascd.msk.f32 $0xffff, v9, v10  }
0x11c: {  	(xrf1) =	vsort.ascd.msk.f32 $0xffff, v29, v11;
	_ =	sdelay $0xa  }
0x11d: {  	v9, v10, _ =	vpop (xrf1)  }
0x11e: {  	v11, v12, _ =	vpop (xrf1)  }
0x11f: {  	v30, v31, _ =	vpop (xrf1)  }
0x120: {  	v33, v32, _ =	vpop (xrf1)  }
0x121: {  	v13 =	vperm.xlane v30, v1;
	v15 =	vperm.xlane v33, v1  }
0x122: {  	v14 =	vperm.xlane v31, v1  }
0x123: {  	v16 =	vperm.xlane v32, v1;
	vm1 =	vle.f32 v11, v13;
	vm5 =	vle.f32 v9, v15  }
0x124: {  	v36 =	vsel vm1, v11, v13;
	v37 =	vsel vm1, v12, v14;
	v11 =	vsel vm1, v13, v11  }
0x125: {  	v12 =	vsel vm1, v14, v12;
	v34 =	vsel vm5, v9, v15;
	v35 =	vsel vm5, v10, v16  }
0x126: {  	v9 =	vsel vm5, v15, v9;
	v10 =	vsel vm5, v16, v10;
	vm6 =	vle.f32 v34, v36  }
0x127: {  	vm7 =	vle.f32 v11, v9;
	v38 =	vsel vm6, v34, v36;
	v39 =	vsel vm6, v35, v37  }
0x128: {  	v15 =	vsel vm6, v36, v34;
	v16 =	vsel vm6, v37, v35;
	(xrf1) =	vsort.ascd.msk.f32 $0xffff, v38, v39  }
0x129: {  	v40 =	vsel vm7, v11, v9;
	v41 =	vsel vm7, v12, v10;
	(xrf1) =	vsort.ascd.msk.f32 $0xffff, v15, v16  }
0x12a: {  	v9 =	vsel vm7, v9, v11;
	v10 =	vsel vm7, v10, v12;
	(xrf1) =	vsort.ascd.msk.f32 $0xffff, v40, v41  }
0x12b: {  	(xrf1) =	vsort.ascd.msk.f32 $0xffff, v9, v10;
	_ =	sdelay $0x6  }
0x12c: {  	v42 =	vld [tilespmem:$0x1D10]  }
0x12d: {  	v43 =	vld [tilespmem:$0x1D20]  }
0x12e: {  	v46 =	vld [tilespmem:$0x1D30]  }
0x12f: {  	v23 =	vld [tilespmem:$0x1DA0]  }
0x130: {  	v24 =	vld [tilespmem:$0x1DB0];
	v10, v11, _ =	vpop (xrf1)  }
0x131: {  	v9 =	vld [tilespmem:$0x1D00];
	v13, v14, _ =	vpop (xrf1);
	v10 =	vperm.xlane v10, v1;
	v11 =	vperm.xlane v11, v1  }
0x132: {  	v22 =	vld [tilespmem:$0x1D90];
	v45, v44, _ =	vpop (xrf1);
	v13 =	vperm.xlane v13, v1;
	v14 =	vperm.xlane v14, v1  }
0x133: {  	v21 =	vld [tilespmem:$0x1D80];
	v19, v20, _ =	vpop (xrf1);
	v16 =	vperm.xlane v45, v1;
	v17 =	vperm.xlane v44, v1;
	vm11 =	vle.f32 v46, v10  }
0x134: {  	v19 =	vperm.xlane v19, v1;
	v20 =	vperm.xlane v20, v1;
	vm10 =	vle.f32 v43, v13  }
0x135: {  	v10 =	vsel vm11, v46, v10;
	v11 =	vsel vm11, v24, v11;
	vm9 =	vle.f32 v42, v16  }
0x136: {  	v13 =	vsel vm10, v43, v13;
	v14 =	vsel vm10, v23, v14;
	vm8 =	vle.f32 v9, v19  }
0x137: {  	v12 =	vsel vm9, v42, v16;
	v48 =	vsel vm9, v22, v17;
	v9 =	vsel vm8, v9, v19  }
0x138: {  	v47 =	vsel vm8, v21, v20;
	vm13 =	vle.f32 v12, v10;
	vm12 =	vle.f32 v9, v13  }
0x139: {  	v51 =	vsel vm13, v12, v10;
	v52 =	vsel vm13, v48, v11;
	v10 =	vsel vm13, v10, v12  }
0x13a: {  	v11 =	vsel vm13, v11, v48;
	v15 =	vsel vm12, v9, v13;
	v49 =	vsel vm12, v47, v14  }
0x13b: {  	v9 =	vsel vm12, v13, v9;
	v50 =	vsel vm12, v14, v47;
	vm14 =	vle.f32 v15, v51  }
0x13c: {  	vm15 =	vle.f32 v9, v10;
	v53 =	vsel vm14, v15, v51;
	v54 =	vsel vm14, v49, v52  }
0x13d: {  	v14 =	vsel vm14, v51, v15;
	v55 =	vsel vm14, v52, v49;
	(xrf1) =	vsort.ascd.msk.f32 $0xffff, v53, v54  }
0x13e: {  	v56 =	vsel vm15, v9, v10;
	v57 =	vsel vm15, v50, v11;
	(xrf1) =	vsort.ascd.msk.f32 $0xffff, v14, v55  }
0x13f: {  	v9 =	vsel vm15, v10, v9;
	v10 =	vsel vm15, v11, v50;
	(xrf1) =	vsort.ascd.msk.f32 $0xffff, v56, v57  }
0x140: {  	(xrf1) =	vsort.ascd.msk.f32 $0xffff, v9, v10;
	_ =	sdelay $0xa  }
0x141: {  	v9, v10, _ =	vpop (xrf1)  }
0x142: {  	v11, v58, _ =	vpop (xrf1)  }
0x143: {  	v60, v59, _ =	vpop (xrf1)  }
0x144: {  	v61, v62, _ =	vpop (xrf1)  }
0x145: {  	(xrf0) =	vmax.scan.msk.f32 $0xffff, v61;
	_ =	sdelay $0x5  }
0x146: {  	v63, _, _ =	vpop (xrf0)  }
0x147: {  	(v2sf) =	vpush v63, $0xF;
	_ =	sdelay $0x6  }
0x148: {  	[tilespmem:$0x1D00] =	vst v9  }
0x149: {  	[tilespmem:$0x1D80] =	vst v10  }
0x14a: {  	[tilespmem:$0x1D10] =	vst v11  }
0x14b: {  	v9 =	vld [tilespmem:$0x1C40];
	[tilespmem:$0x1D90] =	vst v58  }
0x14c: {  	v10 =	vld [tilespmem:$0x1CC0];
	[tilespmem:$0x1D20] =	vst v60  }
0x14d: {  	[tilespmem:$0x1DA0] =	vst v59  }
0x14e: {  	[tilespmem:$0x1D30] =	vst v61  }
0x14f: {  	[tilespmem:$0x1DB0] =	vst v62  }
0x150: {  	[tilespmem:$0x1C00] =	vst v9;
	s10 =	spop (v2sf)  }
0x151: {  	[tilespmem:$0x1C80] =	vst v10;
	v10 =	vbroadcast v63, $0xF;
	[smem:$0x0] =	sst s10  }
.LBB2_6:
0x152: {  	_ = 	snop  }
0x153: {  	vm0 =	vlt.f32 v8, v10  }
0x154: {  	v9 =	vsel vm0, $0x1, v2  }
0x155: {  	(xrf0) =	vadd.scan.msk.s32 $0xffff, v9;
	_ =	sdelay $0x5  }
0x156: {  	v9, _, _ =	vpop (xrf0)  }
0x157: {  	(v2sf) =	vpush v9, $0xF;
	_ =	sdelay $0xd  }
0x158: {  	p0 =	sgt.s32 s9, $0x3F;
	s11 =	sadd.s32 $0xFFFFFFC0, s9  }
0x159: {  	s9 =	smov.u32 @p0 s11;
	s10 =	spop (v2sf)  }
0x15a: {  	p1 =	slt.s32 s10, $0x1;
	s10 =	sadd.s32 s9, s10  }
0x15b: {  	p0 =	slt.s32 s10, $0x40  }
.Ltmp5:
0x15c: {  	_ = 	snop;
	(pc) =	sbr.rel @p0 .LBB2_8-.Ltmp5, $4  }
0x15d: {  	s11 =	sadd.s32 @!p1 s7, s5  }
0x15e: {  	vm0 =	vlt.f32 @!p1 v8, v10;
	v9 =	vlaneseq.u32 @!p1;
	s11 =	sadd.s32 @!p1 $0xA0, s11  }
0x15f: {  	[tilespmem:s9+$0x1C00] =	vst.msk @!p1 vm0, v8;
	v8 =	vor.u32 @!p1 s11, v9  }
0x160: {  	[tilespmem:s9+$0x1C80] =	vst.msk @!p1 vm0, v8  }
0x161: {  	v8 =	vld [tilespmem:$0x1C00]  }
0x162: {  	v9 =	vld [tilespmem:$0x1C80]  }
0x163: {  	v10 =	vld [tilespmem:$0x1C10]  }
0x164: {  	v11 =	vld [tilespmem:$0x1C90]  }
0x165: {  	v12 =	vld [tilespmem:$0x1C20]  }
0x166: {  	v13 =	vmov s10;
	v14 =	vld [tilespmem:$0x1CA0]  }
0x167: {  	v15 =	vor.u32 $0x10, v0;
	v16 =	vld [tilespmem:$0x1C30];
	vm0 =	vgt.s32 v13, v0  }
0x168: {  	v28 =	vld [tilespmem:$0x1CB0];
	vm12 =	vgt.s32 v13, v15;
	v8 =	vnsel vm0, $0x7F800000, v8  }
0x169: {  	v17 =	vor.u32 $0x20, v0;
	v10 =	vnsel vm12, $0x7F800000, v10;
	(xrf1) =	vsort.ascd.msk.f32 $0xffff, v8, v9  }
0x16a: {  	vm13 =	vgt.s32 v13, v17;
	v8 =	vor.u32 $0x30, v0;
	(xrf1) =	vsort.ascd.msk.f32 $0xffff, v10, v11  }
0x16b: {  	v9 =	vnsel vm13, $0x7F800000, v12;
	vm14 =	vgt.s32 v13, v8  }
0x16c: {  	v8 =	vnsel vm14, $0x7F800000, v16;
	(xrf1) =	vsort.ascd.msk.f32 $0xffff, v9, v14  }
0x16d: {  	(xrf1) =	vsort.ascd.msk.f32 $0xffff, v8, v28;
	_ =	sdelay $0x9  }
0x16e: {  	v8, v9, _ =	vpop (xrf1)  }
0x16f: {  	v10, v11, _ =	vpop (xrf1)  }
0x170: {  	v10 =	vperm.xlane v10, v1  }
0x171: {  	v29, v30, _ =	vpop (xrf1)  }
0x172: {  	v11 =	vperm.xlane v11, v1;
	v31, v15, _ =	vpop (xrf1);
	vm15 =	vle.f32 v8, v10  }
0x173: {  	v14 =	vperm.xlane v31, v1;
	v32 =	vsel vm15, v8, v10  }
0x174: {  	v33 =	vsel vm15, v9, v11;
	v8 =	vsel vm15, v10, v8;
	v10 =	vperm.xlane v15, v1  }
0x175: {  	v9 =	vsel vm15, v11, v9;
	(xrf1) =	vsort.ascd.msk.f32 $0xffff, v32, v33;
	vm4 =	vle.f32 v29, v14  }
0x176: {  	(xrf1) =	vsort.ascd.msk.f32 $0xffff, v8, v9;
	v8 =	vsel vm4, v29, v14;
	v9 =	vsel vm4, v30, v10  }
0x177: {  	v11 =	vsel vm4, v14, v29;
	v10 =	vsel vm4, v10, v30;
	(xrf1) =	vsort.ascd.msk.f32 $0xffff, v8, v9  }
0x178: {  	(xrf1) =	vsort.ascd.msk.f32 $0xffff, v11, v10;
	_ =	sdelay $0xa  }
0x179: {  	v8, v9, _ =	vpop (xrf1)  }
0x17a: {  	v10, v11, _ =	vpop (xrf1)  }
0x17b: {  	v34, v35, _ =	vpop (xrf1)  }
0x17c: {  	v37, v36, _ =	vpop (xrf1)  }
0x17d: {  	v12 =	vperm.xlane v34, v1;
	v14 =	vperm.xlane v37, v1  }
0x17e: {  	v13 =	vperm.xlane v35, v1  }
0x17f: {  	v15 =	vperm.xlane v36, v1;
	vm1 =	vle.f32 v10, v12;
	vm5 =	vle.f32 v8, v14  }
0x180: {  	v40 =	vsel vm1, v10, v12;
	v41 =	vsel vm1, v11, v13;
	v10 =	vsel vm1, v12, v10  }
0x181: {  	v11 =	vsel vm1, v13, v11;
	v38 =	vsel vm5, v8, v14;
	v39 =	vsel vm5, v9, v15  }
0x182: {  	v8 =	vsel vm5, v14, v8;
	v9 =	vsel vm5, v15, v9;
	vm6 =	vle.f32 v38, v40  }
0x183: {  	vm7 =	vle.f32 v10, v8;
	v42 =	vsel vm6, v38, v40;
	v43 =	vsel vm6, v39, v41  }
0x184: {  	v14 =	vsel vm6, v40, v38;
	v15 =	vsel vm6, v41, v39;
	(xrf1) =	vsort.ascd.msk.f32 $0xffff, v42, v43  }
0x185: {  	v44 =	vsel vm7, v10, v8;
	v45 =	vsel vm7, v11, v9;
	(xrf1) =	vsort.ascd.msk.f32 $0xffff, v14, v15  }
0x186: {  	v8 =	vsel vm7, v8, v10;
	v9 =	vsel vm7, v9, v11;
	(xrf1) =	vsort.ascd.msk.f32 $0xffff, v44, v45  }
0x187: {  	(xrf1) =	vsort.ascd.msk.f32 $0xffff, v8, v9;
	_ =	sdelay $0x6  }
0x188: {  	v46 =	vld [tilespmem:$0x1D20]  }
0x189: {  	v49 =	vld [tilespmem:$0x1D30]  }
0x18a: {  	v22 =	vld [tilespmem:$0x1DA0]  }
0x18b: {  	v23 =	vld [tilespmem:$0x1DB0]  }
0x18c: {  	v11 =	vld [tilespmem:$0x1D10];
	v9, v10, _ =	vpop (xrf1)  }
0x18d: {  	v8 =	vld [tilespmem:$0x1D00];
	v12, v13, _ =	vpop (xrf1);
	v9 =	vperm.xlane v9, v1;
	v10 =	vperm.xlane v10, v1  }
0x18e: {  	v21 =	vld [tilespmem:$0x1D90];
	v48, v47, _ =	vpop (xrf1);
	v12 =	vperm.xlane v12, v1;
	v13 =	vperm.xlane v13, v1  }
0x18f: {  	v20 =	vld [tilespmem:$0x1D80];
	v18, v19, _ =	vpop (xrf1);
	v15 =	vperm.xlane v48, v1;
	v16 =	vperm.xlane v47, v1;
	vm11 =	vle.f32 v49, v9  }
0x190: {  	v18 =	vperm.xlane v18, v1;
	v19 =	vperm.xlane v19, v1;
	vm10 =	vle.f32 v46, v12  }
0x191: {  	v9 =	vsel vm11, v49, v9;
	v10 =	vsel vm11, v23, v10;
	vm9 =	vle.f32 v11, v15  }
0x192: {  	v12 =	vsel vm10, v46, v12;
	v13 =	vsel vm10, v22, v13;
	vm8 =	vle.f32 v8, v18  }
0x193: {  	v11 =	vsel vm9, v11, v15;
	v51 =	vsel vm9, v21, v16;
	v8 =	vsel vm8, v8, v18  }
0x194: {  	v50 =	vsel vm8, v20, v19;
	vm13 =	vle.f32 v11, v9;
	vm12 =	vle.f32 v8, v12  }
0x195: {  	v54 =	vsel vm13, v11, v9;
	v55 =	vsel vm13, v51, v10;
	v9 =	vsel vm13, v9, v11  }
0x196: {  	v10 =	vsel vm13, v10, v51;
	v14 =	vsel vm12, v8, v12;
	v52 =	vsel vm12, v50, v13  }
0x197: {  	v8 =	vsel vm12, v12, v8;
	v53 =	vsel vm12, v13, v50;
	vm14 =	vle.f32 v14, v54  }
0x198: {  	vm15 =	vle.f32 v8, v9;
	v11 =	vsel vm14, v14, v54;
	v56 =	vsel vm14, v52, v55  }
0x199: {  	v13 =	vsel vm14, v54, v14;
	v57 =	vsel vm14, v55, v52;
	(xrf1) =	vsort.ascd.msk.f32 $0xffff, v11, v56  }
0x19a: {  	v58 =	vsel vm15, v53, v10;
	v11 =	vsel vm15, v8, v9;
	(xrf1) =	vsort.ascd.msk.f32 $0xffff, v13, v57  }
0x19b: {  	v8 =	vsel vm15, v9, v8;
	v9 =	vsel vm15, v10, v53;
	(xrf1) =	vsort.ascd.msk.f32 $0xffff, v11, v58  }
0x19c: {  	(xrf1) =	vsort.ascd.msk.f32 $0xffff, v8, v9;
	_ =	sdelay $0xa  }
0x19d: {  	v8, v9, _ =	vpop (xrf1)  }
0x19e: {  	v10, v11, _ =	vpop (xrf1)  }
0x19f: {  	v60, v59, _ =	vpop (xrf1)  }
0x1a0: {  	v61, v62, _ =	vpop (xrf1)  }
0x1a1: {  	(xrf0) =	vmax.scan.msk.f32 $0xffff, v61;
	_ =	sdelay $0x5  }
0x1a2: {  	v63, _, _ =	vpop (xrf0)  }
0x1a3: {  	(v2sf) =	vpush v63, $0xF;
	_ =	sdelay $0x6  }
0x1a4: {  	[tilespmem:$0x1D00] =	vst v8  }
0x1a5: {  	[tilespmem:$0x1D80] =	vst v9  }
0x1a6: {  	[tilespmem:$0x1D10] =	vst v10  }
0x1a7: {  	v8 =	vld [tilespmem:$0x1C40];
	[tilespmem:$0x1D90] =	vst v11  }
0x1a8: {  	v9 =	vld [tilespmem:$0x1CC0];
	[tilespmem:$0x1D20] =	vst v60  }
0x1a9: {  	[tilespmem:$0x1DA0] =	vst v59  }
0x1aa: {  	[tilespmem:$0x1D30] =	vst v61  }
0x1ab: {  	[tilespmem:$0x1DB0] =	vst v62  }
0x1ac: {  	[tilespmem:$0x1C00] =	vst v8;
	s9 =	spop (v2sf)  }
0x1ad: {  	[tilespmem:$0x1C80] =	vst v9;
	v10 =	vbroadcast v63, $0xF;
	[smem:$0x0] =	sst s9  }
.LBB2_8:
0x1ae: {  	_ = 	snop  }
0x1af: {  	vm0 =	vlt.f32 v7, v10  }
0x1b0: {  	v8 =	vsel vm0, $0x1, v2  }
0x1b1: {  	(xrf0) =	vadd.scan.msk.s32 $0xffff, v8;
	_ =	sdelay $0x5  }
0x1b2: {  	v8, _, _ =	vpop (xrf0)  }
0x1b3: {  	(v2sf) =	vpush v8, $0xF;
	_ =	sdelay $0xd  }
0x1b4: {  	p0 =	sgt.s32 s10, $0x3F;
	s11 =	sadd.s32 $0xFFFFFFC0, s10  }
0x1b5: {  	s10 =	smov.u32 @p0 s11;
	s9 =	spop (v2sf)  }
0x1b6: {  	p1 =	slt.s32 s9, $0x1;
	s9 =	sadd.s32 s10, s9  }
0x1b7: {  	p0 =	slt.s32 s9, $0x40  }
.Ltmp6:
0x1b8: {  	_ = 	snop;
	(pc) =	sbr.rel @p0 .LBB2_10-.Ltmp6, $4  }
0x1b9: {  	s11 =	sadd.s32 @!p1 s7, s5  }
0x1ba: {  	vm0 =	vlt.f32 @!p1 v7, v10;
	v8 =	vlaneseq.u32 @!p1;
	s11 =	sadd.s32 @!p1 $0xB0, s11  }
0x1bb: {  	[tilespmem:s10+$0x1C00] =	vst.msk @!p1 vm0, v7;
	v7 =	vor.u32 @!p1 s11, v8  }
0x1bc: {  	[tilespmem:s10+$0x1C80] =	vst.msk @!p1 vm0, v7  }
0x1bd: {  	v7 =	vld [tilespmem:$0x1C00]  }
0x1be: {  	v8 =	vld [tilespmem:$0x1C80]  }
0x1bf: {  	v9 =	vld [tilespmem:$0x1C10]  }
0x1c0: {  	v10 =	vld [tilespmem:$0x1C90]  }
0x1c1: {  	v11 =	vld [tilespmem:$0x1C20]  }
0x1c2: {  	v12 =	vmov s9;
	v13 =	vld [tilespmem:$0x1CA0]  }
0x1c3: {  	v14 =	vor.u32 $0x10, v0;
	v15 =	vld [tilespmem:$0x1C30];
	vm0 =	vgt.s32 v12, v0  }
0x1c4: {  	v34 =	vld [tilespmem:$0x1CB0];
	vm12 =	vgt.s32 v12, v14;
	v7 =	vnsel vm0, $0x7F800000, v7  }
0x1c5: {  	v16 =	vor.u32 $0x20, v0;
	v9 =	vnsel vm12, $0x7F800000, v9;
	(xrf1) =	vsort.ascd.msk.f32 $0xffff, v7, v8  }
0x1c6: {  	vm13 =	vgt.s32 v12, v16;
	v7 =	vor.u32 $0x30, v0;
	(xrf1) =	vsort.ascd.msk.f32 $0xffff, v9, v10  }
0x1c7: {  	v8 =	vnsel vm13, $0x7F800000, v11;
	vm14 =	vgt.s32 v12, v7  }
0x1c8: {  	v7 =	vnsel vm14, $0x7F800000, v15;
	(xrf1) =	vsort.ascd.msk.f32 $0xffff, v8, v13  }
0x1c9: {  	(xrf1) =	vsort.ascd.msk.f32 $0xffff, v7, v34;
	_ =	sdelay $0x9  }
0x1ca: {  	v7, v8, _ =	vpop (xrf1)  }
0x1cb: {  	v9, v10, _ =	vpop (xrf1)  }
0x1cc: {  	v9 =	vperm.xlane v9, v1  }
0x1cd: {  	v11, v35, _ =	vpop (xrf1)  }
0x1ce: {  	v10 =	vperm.xlane v10, v1;
	v36, v14, _ =	vpop (xrf1);
	vm15 =	vle.f32 v7, v9  }
0x1cf: {  	v13 =	vperm.xlane v36, v1;
	v37 =	vsel vm15, v7, v9  }
0x1d0: {  	v38 =	vsel vm15, v8, v10;
	v7 =	vsel vm15, v9, v7;
	v9 =	vperm.xlane v14, v1  }
0x1d1: {  	v8 =	vsel vm15, v10, v8;
	(xrf1) =	vsort.ascd.msk.f32 $0xffff, v37, v38;
	vm4 =	vle.f32 v11, v13  }
0x1d2: {  	(xrf1) =	vsort.ascd.msk.f32 $0xffff, v7, v8;
	v7 =	vsel vm4, v11, v13;
	v8 =	vsel vm4, v35, v9  }
0x1d3: {  	v10 =	vsel vm4, v13, v11;
	v9 =	vsel vm4, v9, v35;
	(xrf1) =	vsort.ascd.msk.f32 $0xffff, v7, v8  }
0x1d4: {  	(xrf1) =	vsort.ascd.msk.f32 $0xffff, v10, v9;
	_ =	sdelay $0xa  }
0x1d5: {  	v7, v8, _ =	vpop (xrf1)  }
0x1d6: {  	v9, v10, _ =	vpop (xrf1)  }
0x1d7: {  	v11, v39, _ =	vpop (xrf1)  }
0x1d8: {  	v41, v40, _ =	vpop (xrf1)  }
0x1d9: {  	v11 =	vperm.xlane v11, v1;
	v13 =	vperm.xlane v41, v1  }
0x1da: {  	v12 =	vperm.xlane v39, v1  }
0x1db: {  	v14 =	vperm.xlane v40, v1;
	vm1 =	vle.f32 v9, v11;
	vm5 =	vle.f32 v7, v13  }
0x1dc: {  	v44 =	vsel vm1, v9, v11;
	v45 =	vsel vm1, v10, v12;
	v9 =	vsel vm1, v11, v9  }
0x1dd: {  	v10 =	vsel vm1, v12, v10;
	v42 =	vsel vm5, v7, v13;
	v43 =	vsel vm5, v8, v14  }
0x1de: {  	v7 =	vsel vm5, v13, v7;
	v8 =	vsel vm5, v14, v8;
	vm6 =	vle.f32 v42, v44  }
0x1df: {  	vm7 =	vle.f32 v9, v7;
	v11 =	vsel vm6, v42, v44;
	v46 =	vsel vm6, v43, v45  }
0x1e0: {  	v13 =	vsel vm6, v44, v42;
	v14 =	vsel vm6, v45, v43;
	(xrf1) =	vsort.ascd.msk.f32 $0xffff, v11, v46  }
0x1e1: {  	v47 =	vsel vm7, v10, v8;
	v11 =	vsel vm7, v9, v7;
	(xrf1) =	vsort.ascd.msk.f32 $0xffff, v13, v14  }
0x1e2: {  	v8 =	vsel vm7, v8, v10;
	v7 =	vsel vm7, v7, v9;
	(xrf1) =	vsort.ascd.msk.f32 $0xffff, v11, v47  }
0x1e3: {  	(xrf1) =	vsort.ascd.msk.f32 $0xffff, v7, v8;
	_ =	sdelay $0x6  }
0x1e4: {  	v48 =	vld [tilespmem:$0x1D20]  }
0x1e5: {  	v51 =	vld [tilespmem:$0x1D30]  }
0x1e6: {  	v21 =	vld [tilespmem:$0x1DA0]  }
0x1e7: {  	v22 =	vld [tilespmem:$0x1DB0]  }
0x1e8: {  	v10 =	vld [tilespmem:$0x1D10];
	v8, v9, _ =	vpop (xrf1)  }
0x1e9: {  	v7 =	vld [tilespmem:$0x1D00];
	v11, v12, _ =	vpop (xrf1);
	v8 =	vperm.xlane v8, v1;
	v9 =	vperm.xlane v9, v1  }
0x1ea: {  	v20 =	vld [tilespmem:$0x1D90];
	v50, v49, _ =	vpop (xrf1);
	v11 =	vperm.xlane v11, v1;
	v12 =	vperm.xlane v12, v1  }
0x1eb: {  	v19 =	vld [tilespmem:$0x1D80];
	v17, v18, _ =	vpop (xrf1);
	v14 =	vperm.xlane v50, v1;
	v15 =	vperm.xlane v49, v1;
	vm11 =	vle.f32 v51, v8  }
0x1ec: {  	v17 =	vperm.xlane v17, v1;
	v18 =	vperm.xlane v18, v1;
	vm10 =	vle.f32 v48, v11  }
0x1ed: {  	v8 =	vsel vm11, v51, v8;
	v9 =	vsel vm11, v22, v9;
	vm9 =	vle.f32 v10, v14  }
0x1ee: {  	v11 =	vsel vm10, v48, v11;
	v12 =	vsel vm10, v21, v12;
	vm8 =	vle.f32 v7, v17  }
0x1ef: {  	v10 =	vsel vm9, v10, v14;
	v53 =	vsel vm9, v20, v15;
	v7 =	vsel vm8, v7, v17  }
0x1f0: {  	v52 =	vsel vm8, v19, v18;
	vm13 =	vle.f32 v10, v8;
	vm12 =	vle.f32 v7, v11  }
0x1f1: {  	v55 =	vsel vm13, v10, v8;
	v56 =	vsel vm13, v53, v9;
	v8 =	vsel vm13, v8, v10  }
0x1f2: {  	v9 =	vsel vm13, v9, v53;
	v13 =	vsel vm12, v7, v11;
	v54 =	vsel vm12, v52, v12  }
0x1f3: {  	v7 =	vsel vm12, v11, v7;
	v11 =	vsel vm12, v12, v52;
	vm14 =	vle.f32 v13, v55  }
0x1f4: {  	vm15 =	vle.f32 v7, v8;
	v10 =	vsel vm14, v13, v55;
	v57 =	vsel vm14, v54, v56  }
0x1f5: {  	v12 =	vsel vm14, v55, v13;
	v58 =	vsel vm14, v56, v54;
	(xrf1) =	vsort.ascd.msk.f32 $0xffff, v10, v57  }
0x1f6: {  	v59 =	vsel vm15, v11, v9;
	v10 =	vsel vm15, v7, v8;
	(xrf1) =	vsort.ascd.msk.f32 $0xffff, v12, v58  }
0x1f7: {  	v7 =	vsel vm15, v8, v7;
	v8 =	vsel vm15, v9, v11;
	(xrf1) =	vsort.ascd.msk.f32 $0xffff, v10, v59  }
0x1f8: {  	(xrf1) =	vsort.ascd.msk.f32 $0xffff, v7, v8;
	_ =	sdelay $0xa  }
0x1f9: {  	v7, v8, _ =	vpop (xrf1)  }
0x1fa: {  	v9, v10, _ =	vpop (xrf1)  }
0x1fb: {  	v11, v60, _ =	vpop (xrf1)  }
0x1fc: {  	v61, v62, _ =	vpop (xrf1)  }
0x1fd: {  	(xrf0) =	vmax.scan.msk.f32 $0xffff, v61;
	_ =	sdelay $0x5  }
0x1fe: {  	v63, _, _ =	vpop (xrf0)  }
0x1ff: {  	(v2sf) =	vpush v63, $0xF;
	_ =	sdelay $0x6  }
0x200: {  	[tilespmem:$0x1D00] =	vst v7  }
0x201: {  	[tilespmem:$0x1D80] =	vst v8  }
0x202: {  	[tilespmem:$0x1D10] =	vst v9  }
0x203: {  	v7 =	vld [tilespmem:$0x1C40];
	[tilespmem:$0x1D90] =	vst v10  }
0x204: {  	v8 =	vld [tilespmem:$0x1CC0];
	[tilespmem:$0x1D20] =	vst v11  }
0x205: {  	[tilespmem:$0x1DA0] =	vst v60  }
0x206: {  	[tilespmem:$0x1D30] =	vst v61  }
0x207: {  	[tilespmem:$0x1DB0] =	vst v62  }
0x208: {  	[tilespmem:$0x1C00] =	vst v7;
	s10 =	spop (v2sf)  }
0x209: {  	[tilespmem:$0x1C80] =	vst v8;
	v10 =	vbroadcast v63, $0xF;
	[smem:$0x0] =	sst s10  }
.LBB2_10:
0x20a: {  	_ = 	snop  }
0x20b: {  	vm0 =	vlt.f32 v6, v10  }
0x20c: {  	v7 =	vsel vm0, $0x1, v2  }
0x20d: {  	(xrf0) =	vadd.scan.msk.s32 $0xffff, v7;
	_ =	sdelay $0x5  }
0x20e: {  	v7, _, _ =	vpop (xrf0)  }
0x20f: {  	(v2sf) =	vpush v7, $0xF;
	_ =	sdelay $0xd  }
0x210: {  	p0 =	sgt.s32 s9, $0x3F;
	s11 =	sadd.s32 $0xFFFFFFC0, s9  }
0x211: {  	s9 =	smov.u32 @p0 s11;
	s10 =	spop (v2sf)  }
0x212: {  	p1 =	slt.s32 s10, $0x1;
	s10 =	sadd.s32 s9, s10  }
0x213: {  	p0 =	slt.s32 s10, $0x40  }
.Ltmp7:
0x214: {  	_ = 	snop;
	(pc) =	sbr.rel @p0 .LBB2_12-.Ltmp7, $4  }
0x215: {  	s11 =	sadd.s32 @!p1 s7, s5  }
0x216: {  	vm0 =	vlt.f32 @!p1 v6, v10;
	v7 =	vlaneseq.u32 @!p1;
	s11 =	sadd.s32 @!p1 $0xC0, s11  }
0x217: {  	[tilespmem:s9+$0x1C00] =	vst.msk @!p1 vm0, v6;
	v6 =	vor.u32 @!p1 s11, v7  }
0x218: {  	[tilespmem:s9+$0x1C80] =	vst.msk @!p1 vm0, v6  }
0x219: {  	v6 =	vld [tilespmem:$0x1C00]  }
0x21a: {  	v7 =	vld [tilespmem:$0x1C80]  }
0x21b: {  	v8 =	vld [tilespmem:$0x1C10]  }
0x21c: {  	v9 =	vld [tilespmem:$0x1C90]  }
0x21d: {  	v10 =	vld [tilespmem:$0x1C20]  }
0x21e: {  	v11 =	vmov s10;
	v12 =	vld [tilespmem:$0x1CA0]  }
0x21f: {  	v13 =	vor.u32 $0x10, v0;
	v14 =	vld [tilespmem:$0x1C30];
	vm0 =	vgt.s32 v11, v0  }
0x220: {  	v40 =	vld [tilespmem:$0x1CB0];
	vm12 =	vgt.s32 v11, v13;
	v6 =	vnsel vm0, $0x7F800000, v6  }
0x221: {  	v15 =	vor.u32 $0x20, v0;
	v8 =	vnsel vm12, $0x7F800000, v8;
	(xrf1) =	vsort.ascd.msk.f32 $0xffff, v6, v7  }
0x222: {  	vm13 =	vgt.s32 v11, v15;
	v6 =	vor.u32 $0x30, v0;
	(xrf1) =	vsort.ascd.msk.f32 $0xffff, v8, v9  }
0x223: {  	v7 =	vnsel vm13, $0x7F800000, v10;
	vm14 =	vgt.s32 v11, v6  }
0x224: {  	v6 =	vnsel vm14, $0x7F800000, v14;
	(xrf1) =	vsort.ascd.msk.f32 $0xffff, v7, v12  }
0x225: {  	(xrf1) =	vsort.ascd.msk.f32 $0xffff, v6, v40;
	_ =	sdelay $0x9  }
0x226: {  	v6, v7, _ =	vpop (xrf1)  }
0x227: {  	v8, v9, _ =	vpop (xrf1)  }
0x228: {  	v8 =	vperm.xlane v8, v1  }
0x229: {  	v10, v11, _ =	vpop (xrf1)  }
0x22a: {  	v9 =	vperm.xlane v9, v1;
	v41, v13, _ =	vpop (xrf1);
	vm15 =	vle.f32 v6, v8  }
0x22b: {  	v12 =	vperm.xlane v41, v1;
	v42 =	vsel vm15, v6, v8  }
0x22c: {  	v43 =	vsel vm15, v7, v9;
	v6 =	vsel vm15, v8, v6;
	v8 =	vperm.xlane v13, v1  }
0x22d: {  	v7 =	vsel vm15, v9, v7;
	(xrf1) =	vsort.ascd.msk.f32 $0xffff, v42, v43;
	vm4 =	vle.f32 v10, v12  }
0x22e: {  	(xrf1) =	vsort.ascd.msk.f32 $0xffff, v6, v7;
	v6 =	vsel vm4, v10, v12;
	v7 =	vsel vm4, v11, v8  }
0x22f: {  	v9 =	vsel vm4, v12, v10;
	v8 =	vsel vm4, v8, v11;
	(xrf1) =	vsort.ascd.msk.f32 $0xffff, v6, v7  }
0x230: {  	(xrf1) =	vsort.ascd.msk.f32 $0xffff, v9, v8;
	_ =	sdelay $0xa  }
0x231: {  	v6, v7, _ =	vpop (xrf1)  }
0x232: {  	v8, v9, _ =	vpop (xrf1)  }
0x233: {  	v10, v11, _ =	vpop (xrf1)  }
0x234: {  	v45, v44, _ =	vpop (xrf1)  }
0x235: {  	v10 =	vperm.xlane v10, v1;
	v12 =	vperm.xlane v45, v1  }
0x236: {  	v11 =	vperm.xlane v11, v1  }
0x237: {  	v13 =	vperm.xlane v44, v1;
	vm1 =	vle.f32 v8, v10;
	vm5 =	vle.f32 v6, v12  }
0x238: {  	v48 =	vsel vm1, v8, v10;
	v49 =	vsel vm1, v9, v11;
	v8 =	vsel vm1, v10, v8  }
0x239: {  	v9 =	vsel vm1, v11, v9;
	v46 =	vsel vm5, v6, v12;
	v47 =	vsel vm5, v7, v13  }
0x23a: {  	v6 =	vsel vm5, v12, v6;
	v7 =	vsel vm5, v13, v7;
	vm6 =	vle.f32 v46, v48  }
0x23b: {  	vm7 =	vle.f32 v8, v6;
	v10 =	vsel vm6, v46, v48;
	v11 =	vsel vm6, v47, v49  }
0x23c: {  	v12 =	vsel vm6, v48, v46;
	v13 =	vsel vm6, v49, v47;
	(xrf1) =	vsort.ascd.msk.f32 $0xffff, v10, v11  }
0x23d: {  	v10 =	vsel vm7, v8, v6;
	v11 =	vsel vm7, v9, v7;
	(xrf1) =	vsort.ascd.msk.f32 $0xffff, v12, v13  }
0x23e: {  	v6 =	vsel vm7, v6, v8;
	v7 =	vsel vm7, v7, v9;
	(xrf1) =	vsort.ascd.msk.f32 $0xffff, v10, v11  }
0x23f: {  	(xrf1) =	vsort.ascd.msk.f32 $0xffff, v6, v7;
	_ =	sdelay $0x6  }
0x240: {  	v50 =	vld [tilespmem:$0x1D20]  }
0x241: {  	v53 =	vld [tilespmem:$0x1D30]  }
0x242: {  	v20 =	vld [tilespmem:$0x1DA0]  }
0x243: {  	v21 =	vld [tilespmem:$0x1DB0]  }
0x244: {  	v9 =	vld [tilespmem:$0x1D10];
	v7, v8, _ =	vpop (xrf1)  }
0x245: {  	v6 =	vld [tilespmem:$0x1D00];
	v10, v11, _ =	vpop (xrf1);
	v7 =	vperm.xlane v7, v1;
	v8 =	vperm.xlane v8, v1  }
0x246: {  	v19 =	vld [tilespmem:$0x1D90];
	v52, v51, _ =	vpop (xrf1);
	v10 =	vperm.xlane v10, v1;
	v11 =	vperm.xlane v11, v1  }
0x247: {  	v18 =	vld [tilespmem:$0x1D80];
	v16, v17, _ =	vpop (xrf1);
	v13 =	vperm.xlane v52, v1;
	v14 =	vperm.xlane v51, v1;
	vm11 =	vle.f32 v53, v7  }
0x248: {  	v16 =	vperm.xlane v16, v1;
	v17 =	vperm.xlane v17, v1;
	vm10 =	vle.f32 v50, v10  }
0x249: {  	v7 =	vsel vm11, v53, v7;
	v8 =	vsel vm11, v21, v8;
	vm9 =	vle.f32 v9, v13  }
0x24a: {  	v10 =	vsel vm10, v50, v10;
	v11 =	vsel vm10, v20, v11;
	vm8 =	vle.f32 v6, v16  }
0x24b: {  	v9 =	vsel vm9, v9, v13;
	v55 =	vsel vm9, v19, v14;
	v6 =	vsel vm8, v6, v16  }
0x24c: {  	v54 =	vsel vm8, v18, v17;
	vm13 =	vle.f32 v9, v7;
	vm12 =	vle.f32 v6, v10  }
0x24d: {  	v57 =	vsel vm13, v55, v8;
	v12 =	vsel vm12, v6, v10;
	v56 =	vsel vm12, v54, v11  }
0x24e: {  	v6 =	vsel vm12, v10, v6;
	v10 =	vsel vm12, v11, v54;
	v11 =	vsel vm13, v9, v7  }
0x24f: {  	v8 =	vsel vm13, v8, v55;
	v7 =	vsel vm13, v7, v9;
	vm14 =	vle.f32 v12, v11  }
0x250: {  	vm15 =	vle.f32 v6, v7;
	v9 =	vsel vm14, v12, v11;
	v58 =	vsel vm14, v56, v57  }
0x251: {  	v11 =	vsel vm14, v11, v12;
	v59 =	vsel vm14, v57, v56;
	(xrf1) =	vsort.ascd.msk.f32 $0xffff, v9, v58  }
0x252: {  	v60 =	vsel vm15, v10, v8;
	v9 =	vsel vm15, v6, v7;
	(xrf1) =	vsort.ascd.msk.f32 $0xffff, v11, v59  }
0x253: {  	v6 =	vsel vm15, v7, v6;
	v7 =	vsel vm15, v8, v10;
	(xrf1) =	vsort.ascd.msk.f32 $0xffff, v9, v60  }
0x254: {  	(xrf1) =	vsort.ascd.msk.f32 $0xffff, v6, v7;
	_ =	sdelay $0xa  }
0x255: {  	v6, v7, _ =	vpop (xrf1)  }
0x256: {  	v8, v9, _ =	vpop (xrf1)  }
0x257: {  	v10, v11, _ =	vpop (xrf1)  }
0x258: {  	v61, v62, _ =	vpop (xrf1)  }
0x259: {  	(xrf0) =	vmax.scan.msk.f32 $0xffff, v61;
	_ =	sdelay $0x5  }
0x25a: {  	v63, _, _ =	vpop (xrf0)  }
0x25b: {  	(v2sf) =	vpush v63, $0xF;
	_ =	sdelay $0x6  }
0x25c: {  	[tilespmem:$0x1D00] =	vst v6  }
0x25d: {  	[tilespmem:$0x1D80] =	vst v7  }
0x25e: {  	[tilespmem:$0x1D10] =	vst v8  }
0x25f: {  	v6 =	vld [tilespmem:$0x1C40];
	[tilespmem:$0x1D90] =	vst v9  }
0x260: {  	v7 =	vld [tilespmem:$0x1CC0];
	[tilespmem:$0x1D20] =	vst v10  }
0x261: {  	[tilespmem:$0x1DA0] =	vst v11  }
0x262: {  	[tilespmem:$0x1D30] =	vst v61  }
0x263: {  	[tilespmem:$0x1DB0] =	vst v62  }
0x264: {  	[tilespmem:$0x1C00] =	vst v6;
	s9 =	spop (v2sf)  }
0x265: {  	[tilespmem:$0x1C80] =	vst v7;
	v10 =	vbroadcast v63, $0xF;
	[smem:$0x0] =	sst s9  }
.LBB2_12:
0x266: {  	_ = 	snop  }
0x267: {  	vm0 =	vlt.f32 v5, v10  }
0x268: {  	v6 =	vsel vm0, $0x1, v2  }
0x269: {  	(xrf0) =	vadd.scan.msk.s32 $0xffff, v6;
	_ =	sdelay $0x5  }
0x26a: {  	v6, _, _ =	vpop (xrf0)  }
0x26b: {  	(v2sf) =	vpush v6, $0xF;
	_ =	sdelay $0xd  }
0x26c: {  	p0 =	sgt.s32 s10, $0x3F;
	s11 =	sadd.s32 $0xFFFFFFC0, s10  }
0x26d: {  	s10 =	smov.u32 @p0 s11;
	s9 =	spop (v2sf)  }
0x26e: {  	p1 =	slt.s32 s9, $0x1;
	s9 =	sadd.s32 s10, s9  }
0x26f: {  	p0 =	slt.s32 s9, $0x40  }
.Ltmp8:
0x270: {  	_ = 	snop;
	(pc) =	sbr.rel @p0 .LBB2_14-.Ltmp8, $4  }
0x271: {  	s11 =	sadd.s32 @!p1 s7, s5  }
0x272: {  	vm0 =	vlt.f32 @!p1 v5, v10;
	v6 =	vlaneseq.u32 @!p1;
	s11 =	sadd.s32 @!p1 $0xD0, s11  }
0x273: {  	[tilespmem:s10+$0x1C00] =	vst.msk @!p1 vm0, v5;
	v5 =	vor.u32 @!p1 s11, v6  }
0x274: {  	[tilespmem:s10+$0x1C80] =	vst.msk @!p1 vm0, v5  }
0x275: {  	v5 =	vld [tilespmem:$0x1C00]  }
0x276: {  	v6 =	vld [tilespmem:$0x1C80]  }
0x277: {  	v7 =	vld [tilespmem:$0x1C10]  }
0x278: {  	v8 =	vld [tilespmem:$0x1C90]  }
0x279: {  	v9 =	vld [tilespmem:$0x1C20]  }
0x27a: {  	v10 =	vmov s9;
	v11 =	vld [tilespmem:$0x1CA0]  }
0x27b: {  	v12 =	vor.u32 $0x10, v0;
	v13 =	vld [tilespmem:$0x1C30];
	vm0 =	vgt.s32 v10, v0  }
0x27c: {  	v46 =	vld [tilespmem:$0x1CB0];
	vm12 =	vgt.s32 v10, v12;
	v5 =	vnsel vm0, $0x7F800000, v5  }
0x27d: {  	v14 =	vor.u32 $0x20, v0;
	v7 =	vnsel vm12, $0x7F800000, v7;
	(xrf1) =	vsort.ascd.msk.f32 $0xffff, v5, v6  }
0x27e: {  	vm13 =	vgt.s32 v10, v14;
	v5 =	vor.u32 $0x30, v0;
	(xrf1) =	vsort.ascd.msk.f32 $0xffff, v7, v8  }
0x27f: {  	v6 =	vnsel vm13, $0x7F800000, v9;
	vm14 =	vgt.s32 v10, v5  }
0x280: {  	v5 =	vnsel vm14, $0x7F800000, v13;
	(xrf1) =	vsort.ascd.msk.f32 $0xffff, v6, v11  }
0x281: {  	(xrf1) =	vsort.ascd.msk.f32 $0xffff, v5, v46;
	_ =	sdelay $0x9  }
0x282: {  	v5, v6, _ =	vpop (xrf1)  }
0x283: {  	v7, v8, _ =	vpop (xrf1)  }
0x284: {  	v7 =	vperm.xlane v7, v1  }
0x285: {  	v9, v10, _ =	vpop (xrf1)  }
0x286: {  	v8 =	vperm.xlane v8, v1;
	v11, v12, _ =	vpop (xrf1);
	vm15 =	vle.f32 v5, v7  }
0x287: {  	v11 =	vperm.xlane v11, v1;
	v47 =	vsel vm15, v5, v7  }
0x288: {  	v48 =	vsel vm15, v6, v8;
	v5 =	vsel vm15, v7, v5;
	v7 =	vperm.xlane v12, v1  }
0x289: {  	v6 =	vsel vm15, v8, v6;
	(xrf1) =	vsort.ascd.msk.f32 $0xffff, v47, v48;
	vm4 =	vle.f32 v9, v11  }
0x28a: {  	(xrf1) =	vsort.ascd.msk.f32 $0xffff, v5, v6;
	v5 =	vsel vm4, v9, v11;
	v6 =	vsel vm4, v10, v7  }
0x28b: {  	v8 =	vsel vm4, v11, v9;
	v7 =	vsel vm4, v7, v10;
	(xrf1) =	vsort.ascd.msk.f32 $0xffff, v5, v6  }
0x28c: {  	(xrf1) =	vsort.ascd.msk.f32 $0xffff, v8, v7;
	_ =	sdelay $0xa  }
0x28d: {  	v5, v6, _ =	vpop (xrf1)  }
0x28e: {  	v7, v8, _ =	vpop (xrf1)  }
0x28f: {  	v9, v10, _ =	vpop (xrf1)  }
0x290: {  	v11, v49, _ =	vpop (xrf1)  }
0x291: {  	v9 =	vperm.xlane v9, v1;
	v11 =	vperm.xlane v11, v1  }
0x292: {  	v10 =	vperm.xlane v10, v1  }
0x293: {  	v12 =	vperm.xlane v49, v1;
	vm1 =	vle.f32 v7, v9;
	vm5 =	vle.f32 v5, v11  }
0x294: {  	v52 =	vsel vm1, v8, v10;
	v8 =	vsel vm1, v10, v8;
	v50 =	vsel vm5, v5, v11  }
0x295: {  	v51 =	vsel vm5, v6, v12;
	v5 =	vsel vm5, v11, v5;
	v11 =	vsel vm1, v7, v9  }
0x296: {  	v6 =	vsel vm5, v12, v6;
	v7 =	vsel vm1, v9, v7;
	vm6 =	vle.f32 v50, v11  }
0x297: {  	vm7 =	vle.f32 v7, v5;
	v9 =	vsel vm6, v50, v11;
	v10 =	vsel vm6, v51, v52  }
0x298: {  	v11 =	vsel vm6, v11, v50;
	v12 =	vsel vm6, v52, v51;
	(xrf1) =	vsort.ascd.msk.f32 $0xffff, v9, v10  }
0x299: {  	v9 =	vsel vm7, v7, v5;
	v10 =	vsel vm7, v8, v6;
	(xrf1) =	vsort.ascd.msk.f32 $0xffff, v11, v12  }
0x29a: {  	v5 =	vsel vm7, v5, v7;
	v6 =	vsel vm7, v6, v8;
	(xrf1) =	vsort.ascd.msk.f32 $0xffff, v9, v10  }
0x29b: {  	(xrf1) =	vsort.ascd.msk.f32 $0xffff, v5, v6;
	_ =	sdelay $0x6  }
0x29c: {  	v55 =	vld [tilespmem:$0x1D30]  }
0x29d: {  	v19 =	vld [tilespmem:$0x1DA0]  }
0x29e: {  	v20 =	vld [tilespmem:$0x1DB0]  }
0x29f: {  	v11 =	vld [tilespmem:$0x1D20]  }
0x2a0: {  	v8 =	vld [tilespmem:$0x1D10];
	v6, v7, _ =	vpop (xrf1)  }
0x2a1: {  	v5 =	vld [tilespmem:$0x1D00];
	v9, v10, _ =	vpop (xrf1);
	v6 =	vperm.xlane v6, v1;
	v7 =	vperm.xlane v7, v1  }
0x2a2: {  	v18 =	vld [tilespmem:$0x1D90];
	v54, v53, _ =	vpop (xrf1);
	v9 =	vperm.xlane v9, v1;
	v10 =	vperm.xlane v10, v1  }
0x2a3: {  	v17 =	vld [tilespmem:$0x1D80];
	v15, v16, _ =	vpop (xrf1);
	v12 =	vperm.xlane v54, v1;
	v13 =	vperm.xlane v53, v1;
	vm11 =	vle.f32 v55, v6  }
0x2a4: {  	v15 =	vperm.xlane v15, v1;
	v16 =	vperm.xlane v16, v1;
	vm10 =	vle.f32 v11, v9  }
0x2a5: {  	v6 =	vsel vm11, v55, v6;
	v7 =	vsel vm11, v20, v7;
	vm9 =	vle.f32 v8, v12  }
0x2a6: {  	v9 =	vsel vm10, v11, v9;
	v10 =	vsel vm10, v19, v10;
	vm8 =	vle.f32 v5, v15  }
0x2a7: {  	v8 =	vsel vm9, v8, v12;
	v57 =	vsel vm9, v18, v13;
	v5 =	vsel vm8, v5, v15  }
0x2a8: {  	v56 =	vsel vm8, v17, v16;
	vm13 =	vle.f32 v8, v6;
	vm12 =	vle.f32 v5, v9  }
0x2a9: {  	v59 =	vsel vm13, v57, v7;
	v11 =	vsel vm12, v5, v9;
	v58 =	vsel vm12, v56, v10  }
0x2aa: {  	v5 =	vsel vm12, v9, v5;
	v9 =	vsel vm12, v10, v56;
	v10 =	vsel vm13, v8, v6  }
0x2ab: {  	v7 =	vsel vm13, v7, v57;
	v6 =	vsel vm13, v6, v8;
	vm14 =	vle.f32 v11, v10  }
0x2ac: {  	vm15 =	vle.f32 v5, v6;
	v8 =	vsel vm14, v11, v10;
	v60 =	vsel vm14, v58, v59  }
0x2ad: {  	v10 =	vsel vm14, v10, v11;
	v11 =	vsel vm14, v59, v58;
	(xrf1) =	vsort.ascd.msk.f32 $0xffff, v8, v60  }
0x2ae: {  	v61 =	vsel vm15, v9, v7;
	v8 =	vsel vm15, v5, v6;
	(xrf1) =	vsort.ascd.msk.f32 $0xffff, v10, v11  }
0x2af: {  	v5 =	vsel vm15, v6, v5;
	v6 =	vsel vm15, v7, v9;
	(xrf1) =	vsort.ascd.msk.f32 $0xffff, v8, v61  }
0x2b0: {  	(xrf1) =	vsort.ascd.msk.f32 $0xffff, v5, v6;
	_ =	sdelay $0xa  }
0x2b1: {  	v5, v6, _ =	vpop (xrf1)  }
0x2b2: {  	v7, v8, _ =	vpop (xrf1)  }
0x2b3: {  	v9, v10, _ =	vpop (xrf1)  }
0x2b4: {  	v11, v62, _ =	vpop (xrf1)  }
0x2b5: {  	(xrf0) =	vmax.scan.msk.f32 $0xffff, v11;
	_ =	sdelay $0x5  }
0x2b6: {  	v63, _, _ =	vpop (xrf0)  }
0x2b7: {  	(v2sf) =	vpush v63, $0xF;
	_ =	sdelay $0x6  }
0x2b8: {  	[tilespmem:$0x1D00] =	vst v5  }
0x2b9: {  	[tilespmem:$0x1D80] =	vst v6  }
0x2ba: {  	[tilespmem:$0x1D10] =	vst v7  }
0x2bb: {  	v5 =	vld [tilespmem:$0x1C40];
	[tilespmem:$0x1D90] =	vst v8  }
0x2bc: {  	v6 =	vld [tilespmem:$0x1CC0];
	[tilespmem:$0x1D20] =	vst v9  }
0x2bd: {  	[tilespmem:$0x1DA0] =	vst v10  }
0x2be: {  	[tilespmem:$0x1D30] =	vst v11  }
0x2bf: {  	[tilespmem:$0x1DB0] =	vst v62  }
0x2c0: {  	[tilespmem:$0x1C00] =	vst v5;
	s10 =	spop (v2sf)  }
0x2c1: {  	[tilespmem:$0x1C80] =	vst v6;
	v10 =	vbroadcast v63, $0xF;
	[smem:$0x0] =	sst s10  }
.LBB2_14:
0x2c2: {  	_ = 	snop  }
0x2c3: {  	vm0 =	vlt.f32 v4, v10  }
0x2c4: {  	v5 =	vsel vm0, $0x1, v2  }
0x2c5: {  	(xrf0) =	vadd.scan.msk.s32 $0xffff, v5;
	_ =	sdelay $0x5  }
0x2c6: {  	v5, _, _ =	vpop (xrf0)  }
0x2c7: {  	(v2sf) =	vpush v5, $0xF;
	_ =	sdelay $0xd  }
0x2c8: {  	p0 =	sgt.s32 s9, $0x3F;
	s11 =	sadd.s32 $0xFFFFFFC0, s9  }
0x2c9: {  	s9 =	smov.u32 @p0 s11;
	s10 =	spop (v2sf)  }
0x2ca: {  	p1 =	slt.s32 s10, $0x1;
	s10 =	sadd.s32 s9, s10  }
0x2cb: {  	p0 =	slt.s32 s10, $0x40  }
.Ltmp9:
0x2cc: {  	_ = 	snop;
	(pc) =	sbr.rel @p0 .LBB2_16-.Ltmp9, $4  }
0x2cd: {  	s11 =	sadd.s32 @!p1 s7, s5  }
0x2ce: {  	vm0 =	vlt.f32 @!p1 v4, v10;
	v5 =	vlaneseq.u32 @!p1;
	s11 =	sadd.s32 @!p1 $0xE0, s11  }
0x2cf: {  	[tilespmem:s9+$0x1C00] =	vst.msk @!p1 vm0, v4;
	v4 =	vor.u32 @!p1 s11, v5  }
0x2d0: {  	[tilespmem:s9+$0x1C80] =	vst.msk @!p1 vm0, v4  }
0x2d1: {  	v4 =	vld [tilespmem:$0x1C00]  }
0x2d2: {  	v5 =	vld [tilespmem:$0x1C80]  }
0x2d3: {  	v6 =	vld [tilespmem:$0x1C10]  }
0x2d4: {  	v7 =	vld [tilespmem:$0x1C90]  }
0x2d5: {  	v8 =	vld [tilespmem:$0x1C20]  }
0x2d6: {  	v10 =	vld [tilespmem:$0x1CA0]  }
0x2d7: {  	v9 =	vmov s10;
	v11 =	vor.u32 $0x10, v0;
	v12 =	vld [tilespmem:$0x1C30]  }
0x2d8: {  	vm0 =	vgt.s32 v9, v0;
	vm12 =	vgt.s32 v9, v11;
	v11 =	vld [tilespmem:$0x1CB0]  }
0x2d9: {  	v13 =	vor.u32 $0x20, v0;
	v4 =	vnsel vm0, $0x7F800000, v4  }
0x2da: {  	vm13 =	vgt.s32 v9, v13;
	v6 =	vnsel vm12, $0x7F800000, v6;
	(xrf1) =	vsort.ascd.msk.f32 $0xffff, v4, v5;
	v4 =	vor.u32 $0x30, v0  }
0x2db: {  	v5 =	vnsel vm13, $0x7F800000, v8;
	(xrf1) =	vsort.ascd.msk.f32 $0xffff, v6, v7;
	vm14 =	vgt.s32 v9, v4  }
0x2dc: {  	v4 =	vnsel vm14, $0x7F800000, v12;
	(xrf1) =	vsort.ascd.msk.f32 $0xffff, v5, v10  }
0x2dd: {  	(xrf1) =	vsort.ascd.msk.f32 $0xffff, v4, v11;
	_ =	sdelay $0xa  }
0x2de: {  	v4, v5, _ =	vpop (xrf1)  }
0x2df: {  	v6, v7, _ =	vpop (xrf1)  }
0x2e0: {  	v6 =	vperm.xlane v6, v1;
	v8, v9, _ =	vpop (xrf1)  }
0x2e1: {  	v7 =	vperm.xlane v7, v1;
	v10, v11, _ =	vpop (xrf1)  }
0x2e2: {  	vm15 =	vle.f32 v4, v6;
	v10 =	vperm.xlane v10, v1;
	v48 =	vperm.xlane v11, v1  }
0x2e3: {  	v46 =	vsel vm15, v4, v6;
	v47 =	vsel vm15, v5, v7;
	v4 =	vsel vm15, v6, v4  }
0x2e4: {  	v5 =	vsel vm15, v7, v5;
	(xrf1) =	vsort.ascd.msk.f32 $0xffff, v46, v47;
	vm4 =	vle.f32 v8, v10  }
0x2e5: {  	(xrf1) =	vsort.ascd.msk.f32 $0xffff, v4, v5;
	v4 =	vsel vm4, v8, v10;
	v5 =	vsel vm4, v9, v48  }
0x2e6: {  	v49 =	vsel vm4, v10, v8;
	v6 =	vsel vm4, v48, v9;
	(xrf1) =	vsort.ascd.msk.f32 $0xffff, v4, v5  }
0x2e7: {  	(xrf1) =	vsort.ascd.msk.f32 $0xffff, v49, v6;
	_ =	sdelay $0xa  }
0x2e8: {  	v4, v5, _ =	vpop (xrf1)  }
0x2e9: {  	v6, v7, _ =	vpop (xrf1)  }
0x2ea: {  	v8, v9, _ =	vpop (xrf1)  }
0x2eb: {  	v10, v11, _ =	vpop (xrf1)  }
0x2ec: {  	v8 =	vperm.xlane v8, v1;
	v10 =	vperm.xlane v10, v1  }
0x2ed: {  	v11 =	vperm.xlane v11, v1  }
0x2ee: {  	v9 =	vperm.xlane v9, v1;
	vm1 =	vle.f32 v6, v8;
	vm5 =	vle.f32 v4, v10  }
0x2ef: {  	v50 =	vsel vm5, v4, v10;
	v51 =	vsel vm5, v5, v11;
	v4 =	vsel vm5, v10, v4  }
0x2f0: {  	v5 =	vsel vm5, v11, v5;
	v10 =	vsel vm1, v6, v8;
	v11 =	vsel vm1, v7, v9  }
0x2f1: {  	v6 =	vsel vm1, v8, v6;
	v7 =	vsel vm1, v9, v7;
	vm6 =	vle.f32 v50, v10  }
0x2f2: {  	vm7 =	vle.f32 v6, v4;
	v8 =	vsel vm6, v50, v10;
	v9 =	vsel vm6, v51, v11  }
0x2f3: {  	v10 =	vsel vm6, v10, v50;
	v11 =	vsel vm6, v11, v51;
	(xrf1) =	vsort.ascd.msk.f32 $0xffff, v8, v9  }
0x2f4: {  	v8 =	vsel vm7, v6, v4;
	v9 =	vsel vm7, v7, v5;
	(xrf1) =	vsort.ascd.msk.f32 $0xffff, v10, v11  }
0x2f5: {  	v4 =	vsel vm7, v4, v6;
	v5 =	vsel vm7, v5, v7;
	(xrf1) =	vsort.ascd.msk.f32 $0xffff, v8, v9  }
0x2f6: {  	(xrf1) =	vsort.ascd.msk.f32 $0xffff, v4, v5;
	_ =	sdelay $0x6  }
0x2f7: {  	v53 =	vld [tilespmem:$0x1D10]  }
0x2f8: {  	v55 =	vld [tilespmem:$0x1D30]  }
0x2f9: {  	v18 =	vld [tilespmem:$0x1DA0]  }
0x2fa: {  	v10 =	vld [tilespmem:$0x1D20]  }
0x2fb: {  	v19 =	vld [tilespmem:$0x1DB0];
	v5, v52, _ =	vpop (xrf1)  }
0x2fc: {  	v4 =	vld [tilespmem:$0x1D00];
	v8, v9, _ =	vpop (xrf1);
	v5 =	vperm.xlane v5, v1;
	v6 =	vperm.xlane v52, v1  }
0x2fd: {  	v17 =	vld [tilespmem:$0x1D90];
	v11, v54, _ =	vpop (xrf1);
	v8 =	vperm.xlane v8, v1;
	v9 =	vperm.xlane v9, v1  }
0x2fe: {  	v16 =	vld [tilespmem:$0x1D80];
	v14, v15, _ =	vpop (xrf1);
	v11 =	vperm.xlane v11, v1;
	v12 =	vperm.xlane v54, v1;
	vm11 =	vle.f32 v55, v5  }
0x2ff: {  	v14 =	vperm.xlane v14, v1;
	v15 =	vperm.xlane v15, v1;
	vm10 =	vle.f32 v10, v8  }
0x300: {  	v5 =	vsel vm11, v55, v5;
	v6 =	vsel vm11, v19, v6;
	vm9 =	vle.f32 v53, v11  }
0x301: {  	v8 =	vsel vm10, v10, v8;
	v9 =	vsel vm10, v18, v9;
	vm8 =	vle.f32 v4, v14  }
0x302: {  	v7 =	vsel vm9, v53, v11;
	v11 =	vsel vm9, v17, v12;
	v4 =	vsel vm8, v4, v14  }
0x303: {  	v56 =	vsel vm8, v16, v15;
	vm13 =	vle.f32 v7, v5;
	vm12 =	vle.f32 v4, v8  }
0x304: {  	v58 =	vsel vm13, v11, v6;
	v10 =	vsel vm12, v4, v8;
	v57 =	vsel vm12, v56, v9  }
0x305: {  	v4 =	vsel vm12, v8, v4;
	v8 =	vsel vm12, v9, v56;
	v9 =	vsel vm13, v7, v5  }
0x306: {  	v6 =	vsel vm13, v6, v11;
	v5 =	vsel vm13, v5, v7;
	vm14 =	vle.f32 v10, v9  }
0x307: {  	vm15 =	vle.f32 v4, v5;
	v59 =	vsel vm14, v10, v9;
	v11 =	vsel vm14, v57, v58  }
0x308: {  	v9 =	vsel vm14, v9, v10;
	v10 =	vsel vm14, v58, v57;
	(xrf1) =	vsort.ascd.msk.f32 $0xffff, v59, v11  }
0x309: {  	v60 =	vsel vm15, v4, v5;
	v11 =	vsel vm15, v8, v6;
	(xrf1) =	vsort.ascd.msk.f32 $0xffff, v9, v10  }
0x30a: {  	v4 =	vsel vm15, v5, v4;
	v5 =	vsel vm15, v6, v8;
	(xrf1) =	vsort.ascd.msk.f32 $0xffff, v60, v11  }
0x30b: {  	(xrf1) =	vsort.ascd.msk.f32 $0xffff, v4, v5;
	_ =	sdelay $0xa  }
0x30c: {  	v4, v5, _ =	vpop (xrf1)  }
0x30d: {  	v61, v62, _ =	vpop (xrf1)  }
0x30e: {  	v8, v9, _ =	vpop (xrf1)  }
0x30f: {  	v10, v11, _ =	vpop (xrf1)  }
0x310: {  	(xrf0) =	vmax.scan.msk.f32 $0xffff, v10;
	_ =	sdelay $0x5  }
0x311: {  	v63, _, _ =	vpop (xrf0)  }
0x312: {  	(v2sf) =	vpush v63, $0xF;
	_ =	sdelay $0x6  }
0x313: {  	[tilespmem:$0x1D00] =	vst v4  }
0x314: {  	[tilespmem:$0x1D80] =	vst v5  }
0x315: {  	[tilespmem:$0x1D10] =	vst v61  }
0x316: {  	v4 =	vld [tilespmem:$0x1C40];
	[tilespmem:$0x1D90] =	vst v62  }
0x317: {  	v5 =	vld [tilespmem:$0x1CC0];
	[tilespmem:$0x1D20] =	vst v8  }
0x318: {  	[tilespmem:$0x1DA0] =	vst v9  }
0x319: {  	[tilespmem:$0x1D30] =	vst v10  }
0x31a: {  	[tilespmem:$0x1DB0] =	vst v11  }
0x31b: {  	[tilespmem:$0x1C00] =	vst v4;
	s9 =	spop (v2sf)  }
0x31c: {  	[tilespmem:$0x1C80] =	vst v5;
	v10 =	vbroadcast v63, $0xF;
	[smem:$0x0] =	sst s9  }
.LBB2_16:
0x31d: {  	_ = 	snop  }
0x31e: {  	vm0 =	vlt.f32 v3, v10  }
0x31f: {  	v4 =	vsel vm0, $0x1, v2  }
0x320: {  	(xrf0) =	vadd.scan.msk.s32 $0xffff, v4;
	_ =	sdelay $0x5  }
0x321: {  	v4, _, _ =	vpop (xrf0)  }
0x322: {  	(v2sf) =	vpush v4, $0xF;
	_ =	sdelay $0xd  }
0x323: {  	p0 =	sgt.s32 s10, $0x3F;
	s11 =	sadd.s32 $0xFFFFFFC0, s10  }
0x324: {  	s10 =	smov.u32 @p0 s11;
	s9 =	spop (v2sf)  }
0x325: {  	p1 =	slt.s32 s9, $0x1;
	s9 =	sadd.s32 s10, s9  }
0x326: {  	p0 =	slt.s32 s9, $0x40  }
.Ltmp10:
0x327: {  	_ = 	snop;
	(pc) =	sbr.rel @p0 .LBB2_18-.Ltmp10, $4  }
0x328: {  	s11 =	sadd.s32 @!p1 s7, s5  }
0x329: {  	vm0 =	vlt.f32 @!p1 v3, v10;
	v4 =	vlaneseq.u32 @!p1;
	s11 =	sadd.s32 @!p1 $0xF0, s11  }
0x32a: {  	[tilespmem:s10+$0x1C00] =	vst.msk @!p1 vm0, v3;
	v3 =	vor.u32 @!p1 s11, v4  }
0x32b: {  	[tilespmem:s10+$0x1C80] =	vst.msk @!p1 vm0, v3  }
0x32c: {  	v3 =	vld [tilespmem:$0x1C00]  }
0x32d: {  	v4 =	vld [tilespmem:$0x1C80]  }
0x32e: {  	v5 =	vld [tilespmem:$0x1C10]  }
0x32f: {  	v6 =	vld [tilespmem:$0x1C90]  }
0x330: {  	v7 =	vld [tilespmem:$0x1C20]  }
0x331: {  	v9 =	vld [tilespmem:$0x1CA0]  }
0x332: {  	v8 =	vmov s9;
	v11 =	vld [tilespmem:$0x1C30]  }
0x333: {  	v10 =	vor.u32 $0x10, v0;
	v63 =	vld [tilespmem:$0x1CB0];
	vm0 =	vgt.s32 v8, v0  }
0x334: {  	v12 =	vor.u32 $0x20, v0;
	vm12 =	vgt.s32 v8, v10;
	v3 =	vnsel vm0, $0x7F800000, v3  }
0x335: {  	vm13 =	vgt.s32 v8, v12;
	v5 =	vnsel vm12, $0x7F800000, v5;
	(xrf1) =	vsort.ascd.msk.f32 $0xffff, v3, v4;
	v3 =	vor.u32 $0x30, v0  }
0x336: {  	v15 =	vnsel vm13, $0x7F800000, v7;
	(xrf1) =	vsort.ascd.msk.f32 $0xffff, v5, v6;
	vm14 =	vgt.s32 v8, v3  }
0x337: {  	v3 =	vnsel vm14, $0x7F800000, v11;
	(xrf1) =	vsort.ascd.msk.f32 $0xffff, v15, v9  }
0x338: {  	(xrf1) =	vsort.ascd.msk.f32 $0xffff, v3, v63;
	_ =	sdelay $0xa  }
0x339: {  	v3, v16, _ =	vpop (xrf1)  }
0x33a: {  	v5, v6, _ =	vpop (xrf1)  }
0x33b: {  	v5 =	vperm.xlane v5, v1;
	v17, v18, _ =	vpop (xrf1)  }
0x33c: {  	v6 =	vperm.xlane v6, v1;
	v19, v10, _ =	vpop (xrf1)  }
0x33d: {  	vm15 =	vle.f32 v3, v5;
	v9 =	vperm.xlane v19, v1;
	v22 =	vperm.xlane v10, v1  }
0x33e: {  	v20 =	vsel vm15, v3, v5;
	v21 =	vsel vm15, v16, v6;
	v3 =	vsel vm15, v5, v3  }
0x33f: {  	v4 =	vsel vm15, v6, v16;
	(xrf1) =	vsort.ascd.msk.f32 $0xffff, v20, v21;
	vm4 =	vle.f32 v17, v9  }
0x340: {  	(xrf1) =	vsort.ascd.msk.f32 $0xffff, v3, v4;
	v3 =	vsel vm4, v17, v9;
	v23 =	vsel vm4, v18, v22  }
0x341: {  	v24 =	vsel vm4, v9, v17;
	v5 =	vsel vm4, v22, v18;
	(xrf1) =	vsort.ascd.msk.f32 $0xffff, v3, v23  }
0x342: {  	(xrf1) =	vsort.ascd.msk.f32 $0xffff, v24, v5;
	_ =	sdelay $0xa  }
0x343: {  	v3, v4, _ =	vpop (xrf1)  }
0x344: {  	v5, v6, _ =	vpop (xrf1)  }
0x345: {  	v25, v26, _ =	vpop (xrf1)  }
0x346: {  	v28, v27, _ =	vpop (xrf1)  }
0x347: {  	v7 =	vperm.xlane v25, v1;
	v9 =	vperm.xlane v28, v1  }
0x348: {  	v8 =	vperm.xlane v26, v1  }
0x349: {  	v10 =	vperm.xlane v27, v1;
	vm1 =	vle.f32 v5, v7;
	vm5 =	vle.f32 v3, v9  }
0x34a: {  	v31 =	vsel vm1, v5, v7;
	v32 =	vsel vm1, v6, v8;
	v5 =	vsel vm1, v7, v5  }
0x34b: {  	v6 =	vsel vm1, v8, v6;
	v29 =	vsel vm5, v3, v9;
	v30 =	vsel vm5, v4, v10  }
0x34c: {  	v3 =	vsel vm5, v9, v3;
	v4 =	vsel vm5, v10, v4;
	vm6 =	vle.f32 v29, v31  }
0x34d: {  	vm7 =	vle.f32 v5, v3;
	v33 =	vsel vm6, v29, v31;
	v34 =	vsel vm6, v30, v32  }
0x34e: {  	v9 =	vsel vm6, v31, v29;
	v10 =	vsel vm6, v32, v30;
	(xrf1) =	vsort.ascd.msk.f32 $0xffff, v33, v34  }
0x34f: {  	v35 =	vsel vm7, v5, v3;
	v36 =	vsel vm7, v6, v4;
	(xrf1) =	vsort.ascd.msk.f32 $0xffff, v9, v10  }
0x350: {  	v3 =	vsel vm7, v3, v5;
	v4 =	vsel vm7, v4, v6;
	(xrf1) =	vsort.ascd.msk.f32 $0xffff, v35, v36  }
0x351: {  	(xrf1) =	vsort.ascd.msk.f32 $0xffff, v3, v4;
	_ =	sdelay $0x6  }
0x352: {  	v39 =	vld [tilespmem:$0x1D10]  }
0x353: {  	v40 =	vld [tilespmem:$0x1D20]  }
0x354: {  	v43 =	vld [tilespmem:$0x1D30]  }
0x355: {  	v17 =	vld [tilespmem:$0x1DA0]  }
0x356: {  	v18 =	vld [tilespmem:$0x1DB0];
	v38, v37, _ =	vpop (xrf1)  }
0x357: {  	v3 =	vld [tilespmem:$0x1D00];
	v7, v8, _ =	vpop (xrf1);
	v4 =	vperm.xlane v38, v1;
	v5 =	vperm.xlane v37, v1  }
0x358: {  	v16 =	vld [tilespmem:$0x1D90];
	v42, v41, _ =	vpop (xrf1);
	v7 =	vperm.xlane v7, v1;
	v8 =	vperm.xlane v8, v1  }
0x359: {  	v15 =	vld [tilespmem:$0x1D80];
	v13, v14, _ =	vpop (xrf1);
	v10 =	vperm.xlane v42, v1;
	v11 =	vperm.xlane v41, v1;
	vm11 =	vle.f32 v43, v4  }
0x35a: {  	v13 =	vperm.xlane v13, v1;
	v14 =	vperm.xlane v14, v1;
	vm10 =	vle.f32 v40, v7  }
0x35b: {  	v4 =	vsel vm11, v43, v4;
	v5 =	vsel vm11, v18, v5;
	vm9 =	vle.f32 v39, v10  }
0x35c: {  	v7 =	vsel vm10, v40, v7;
	v8 =	vsel vm10, v17, v8;
	vm8 =	vle.f32 v3, v13  }
0x35d: {  	v6 =	vsel vm9, v39, v10;
	v45 =	vsel vm9, v16, v11;
	v3 =	vsel vm8, v3, v13  }
0x35e: {  	v44 =	vsel vm8, v15, v14;
	vm13 =	vle.f32 v6, v4;
	vm12 =	vle.f32 v3, v7  }
0x35f: {  	v48 =	vsel vm13, v6, v4;
	v49 =	vsel vm13, v45, v5;
	v4 =	vsel vm13, v4, v6  }
0x360: {  	v5 =	vsel vm13, v5, v45;
	v9 =	vsel vm12, v3, v7;
	v46 =	vsel vm12, v44, v8  }
0x361: {  	v3 =	vsel vm12, v7, v3;
	v47 =	vsel vm12, v8, v44;
	vm14 =	vle.f32 v9, v48  }
0x362: {  	vm15 =	vle.f32 v3, v4;
	v50 =	vsel vm14, v9, v48;
	v51 =	vsel vm14, v46, v49  }
0x363: {  	v8 =	vsel vm14, v48, v9;
	v52 =	vsel vm14, v49, v46;
	(xrf1) =	vsort.ascd.msk.f32 $0xffff, v50, v51  }
0x364: {  	v53 =	vsel vm15, v3, v4;
	v54 =	vsel vm15, v47, v5;
	(xrf1) =	vsort.ascd.msk.f32 $0xffff, v8, v52  }
0x365: {  	v3 =	vsel vm15, v4, v3;
	v55 =	vsel vm15, v5, v47;
	(xrf1) =	vsort.ascd.msk.f32 $0xffff, v53, v54  }
0x366: {  	(xrf1) =	vsort.ascd.msk.f32 $0xffff, v3, v55;
	_ =	sdelay $0xa  }
0x367: {  	v3, v4, _ =	vpop (xrf1)  }
0x368: {  	v56, v57, _ =	vpop (xrf1)  }
0x369: {  	v59, v58, _ =	vpop (xrf1)  }
0x36a: {  	v60, v61, _ =	vpop (xrf1)  }
0x36b: {  	(xrf0) =	vmax.scan.msk.f32 $0xffff, v60;
	_ =	sdelay $0x5  }
0x36c: {  	v62, _, _ =	vpop (xrf0)  }
0x36d: {  	(v2sf) =	vpush v62, $0xF;
	_ =	sdelay $0x1  }
0x36e: {  	v63 =	vld [tilespmem:$0x1CC0];
	_ =	sdelay $0x4  }
0x36f: {  	[tilespmem:$0x1C80] =	vst v63  }
0x370: {  	[tilespmem:$0x1D00] =	vst v3  }
0x371: {  	[tilespmem:$0x1D80] =	vst v4  }
0x372: {  	[tilespmem:$0x1D10] =	vst v56  }
0x373: {  	v3 =	vld [tilespmem:$0x1C40];
	[tilespmem:$0x1D90] =	vst v57  }
.Ltmp11:
0x374: {  	[tilespmem:$0x1D20] =	vst v59;
	(pc) =	sbr.rel .LBB2_18-.Ltmp11, $4  }
0x375: {  	[tilespmem:$0x1DA0] =	vst v58  }
0x376: {  	[tilespmem:$0x1D30] =	vst v60  }
0x377: {  	[tilespmem:$0x1DB0] =	vst v61;
	s10 =	spop (v2sf)  }
0x378: {  	[tilespmem:$0x1C00] =	vst v3;
	[smem:$0x0] =	sst s10  }
.LBB2_20:
0x379: {  	p0 =	slt.s32 s9, $0x1  }
.Ltmp12:
0x37a: {  	_ = 	snop;
	(pc) =	sbr.rel @p0 .LBB2_22-.Ltmp12, $3  }
0x37b: {  	_ =	sdelay $0x1  }
0x37c: {  	s7 =	sshll.u32 s4, $0x6  }
0x37d: {  	v0 =	vmov s6;
	s5 =	sadd.s32 s7, s2;
	s6 =	sadd.s32 s7, s3  }
0x37e: {  	v1 =	vld [tilespmem:$0x1C00]  }
0x37f: {  	v2 =	vld [tilespmem:$0x1C80]  }
0x380: {  	v3 =	vld [tilespmem:$0x1C10]  }
0x381: {  	v4 =	vld [tilespmem:$0x1C90]  }
0x382: {  	v5 =	vld [tilespmem:$0x1C20]  }
0x383: {  	v8 =	vld [tilespmem:$0x1CA0]  }
0x384: {  	v6 =	vmov s9;
	v7 =	vlaneseq.u32;
	v10 =	vld [tilespmem:$0x1C30]  }
0x385: {  	v23 =	vld [tilespmem:$0x1CB0];
	vm0 =	vgt.s32 v6, v7;
	v9 =	vor.u32 $0x10, v7  }
0x386: {  	v11 =	vor.u32 $0x20, v7;
	vm12 =	vgt.s32 v6, v9;
	v1 =	vnsel vm0, $0x7F800000, v1  }
0x387: {  	vm13 =	vgt.s32 v6, v11;
	v3 =	vnsel vm12, $0x7F800000, v3;
	(xrf1) =	vsort.ascd.msk.f32 $0xffff, v1, v2;
	v1 =	vor.u32 $0x30, v7  }
0x388: {  	v2 =	vnsel vm13, $0x7F800000, v5;
	(xrf1) =	vsort.ascd.msk.f32 $0xffff, v3, v4;
	vm14 =	vgt.s32 v6, v1  }
0x389: {  	v1 =	vnsel vm14, $0x7F800000, v10;
	(xrf1) =	vsort.ascd.msk.f32 $0xffff, v2, v8  }
0x38a: {  	(xrf1) =	vsort.ascd.msk.f32 $0xffff, v1, v23;
	_ =	sdelay $0x9  }
0x38b: {  	v1 =	vmul.u32 $0xFFFFFFFF, v7  }
0x38c: {  	v2, v3, _ =	vpop (xrf1)  }
0x38d: {  	v1 =	vadd.s32 $0xF, v1;
	v4, v24, _ =	vpop (xrf1)  }
0x38e: {  	v4 =	vperm.xlane v4, v1;
	v25, v26, _ =	vpop (xrf1)  }
0x38f: {  	v5 =	vperm.xlane v24, v1;
	v27, v9, _ =	vpop (xrf1)  }
0x390: {  	vm15 =	vle.f32 v2, v4;
	v8 =	vperm.xlane v27, v1;
	v30 =	vperm.xlane v9, v1  }
0x391: {  	v28 =	vsel vm15, v2, v4;
	v29 =	vsel vm15, v3, v5;
	v2 =	vsel vm15, v4, v2  }
0x392: {  	v3 =	vsel vm15, v5, v3;
	(xrf1) =	vsort.ascd.msk.f32 $0xffff, v28, v29;
	vm4 =	vle.f32 v25, v8  }
0x393: {  	(xrf1) =	vsort.ascd.msk.f32 $0xffff, v2, v3;
	v2 =	vsel vm4, v25, v8;
	v3 =	vsel vm4, v26, v30  }
0x394: {  	v31 =	vsel vm4, v8, v25;
	v4 =	vsel vm4, v30, v26;
	(xrf1) =	vsort.ascd.msk.f32 $0xffff, v2, v3  }
0x395: {  	(xrf1) =	vsort.ascd.msk.f32 $0xffff, v31, v4;
	_ =	sdelay $0xa  }
0x396: {  	v2, v3, _ =	vpop (xrf1)  }
0x397: {  	v4, v5, _ =	vpop (xrf1)  }
0x398: {  	v32, v33, _ =	vpop (xrf1)  }
0x399: {  	v35, v34, _ =	vpop (xrf1)  }
0x39a: {  	v6 =	vperm.xlane v32, v1;
	v8 =	vperm.xlane v35, v1  }
0x39b: {  	v7 =	vperm.xlane v33, v1  }
0x39c: {  	v9 =	vperm.xlane v34, v1;
	vm1 =	vle.f32 v4, v6;
	vm5 =	vle.f32 v2, v8  }
0x39d: {  	v38 =	vsel vm1, v4, v6;
	v39 =	vsel vm1, v5, v7;
	v4 =	vsel vm1, v6, v4  }
0x39e: {  	v5 =	vsel vm1, v7, v5;
	v36 =	vsel vm5, v2, v8;
	v37 =	vsel vm5, v3, v9  }
0x39f: {  	v2 =	vsel vm5, v8, v2;
	v3 =	vsel vm5, v9, v3;
	vm6 =	vle.f32 v36, v38  }
0x3a0: {  	vm7 =	vle.f32 v4, v2;
	v40 =	vsel vm6, v36, v38;
	v41 =	vsel vm6, v37, v39  }
0x3a1: {  	v8 =	vsel vm6, v38, v36;
	v9 =	vsel vm6, v39, v37;
	(xrf1) =	vsort.ascd.msk.f32 $0xffff, v40, v41  }
0x3a2: {  	v42 =	vsel vm7, v4, v2;
	v43 =	vsel vm7, v5, v3;
	(xrf1) =	vsort.ascd.msk.f32 $0xffff, v8, v9  }
0x3a3: {  	v2 =	vsel vm7, v2, v4;
	v3 =	vsel vm7, v3, v5;
	(xrf1) =	vsort.ascd.msk.f32 $0xffff, v42, v43  }
0x3a4: {  	(xrf1) =	vsort.ascd.msk.f32 $0xffff, v2, v3;
	_ =	sdelay $0x7  }
0x3a5: {  	v45 =	vld [tilespmem:$0x1D10]  }
0x3a6: {  	v46 =	vld [tilespmem:$0x1D20]  }
0x3a7: {  	v49 =	vld [tilespmem:$0x1D30]  }
0x3a8: {  	v15 =	vld [tilespmem:$0x1D90];
	v3, v44, _ =	vpop (xrf1)  }
0x3a9: {  	v16 =	vld [tilespmem:$0x1DA0];
	v6, v7, _ =	vpop (xrf1)  }
0x3aa: {  	v2 =	vld [tilespmem:$0x1D00];
	v3 =	vperm.xlane v3, v1;
	v48, v47, _ =	vpop (xrf1);
	v6 =	vperm.xlane v6, v1  }
0x3ab: {  	v17 =	vld [tilespmem:$0x1DB0];
	v7 =	vperm.xlane v7, v1;
	v12, v13, _ =	vpop (xrf1);
	v9 =	vperm.xlane v48, v1  }
0x3ac: {  	v14 =	vld [tilespmem:$0x1D80];
	v10 =	vperm.xlane v47, v1;
	vm11 =	vle.f32 v49, v3;
	v12 =	vperm.xlane v12, v1  }
0x3ad: {  	v13 =	vperm.xlane v13, v1;
	v1 =	vperm.xlane v44, v1;
	vm10 =	vle.f32 v46, v6  }
0x3ae: {  	v3 =	vsel vm11, v49, v3;
	vm9 =	vle.f32 v45, v9;
	v6 =	vsel vm10, v46, v6  }
0x3af: {  	v7 =	vsel vm10, v16, v7;
	vm8 =	vle.f32 v2, v12;
	v5 =	vsel vm9, v45, v9  }
0x3b0: {  	v51 =	vsel vm9, v15, v10;
	v1 =	vsel vm11, v17, v1;
	v2 =	vsel vm8, v2, v12  }
0x3b1: {  	v50 =	vsel vm8, v14, v13;
	vm13 =	vle.f32 v5, v3;
	vm12 =	vle.f32 v2, v6  }
0x3b2: {  	v53 =	vsel vm13, v5, v3;
	v54 =	vsel vm13, v51, v1;
	v3 =	vsel vm13, v3, v5  }
0x3b3: {  	v1 =	vsel vm13, v1, v51;
	v8 =	vsel vm12, v2, v6;
	v52 =	vsel vm12, v50, v7  }
0x3b4: {  	v2 =	vsel vm12, v6, v2;
	v4 =	vsel vm12, v7, v50;
	vm14 =	vle.f32 v8, v53  }
0x3b5: {  	vm15 =	vle.f32 v2, v3;
	v55 =	vsel vm14, v8, v53;
	v56 =	vsel vm14, v52, v54  }
0x3b6: {  	v6 =	vsel vm14, v53, v8;
	v7 =	vsel vm14, v54, v52;
	(xrf1) =	vsort.ascd.msk.f32 $0xffff, v55, v56  }
0x3b7: {  	v57 =	vsel vm15, v2, v3;
	v58 =	vsel vm15, v4, v1;
	(xrf1) =	vsort.ascd.msk.f32 $0xffff, v6, v7  }
0x3b8: {  	v2 =	vsel vm15, v3, v2;
	v1 =	vsel vm15, v1, v4;
	(xrf1) =	vsort.ascd.msk.f32 $0xffff, v57, v58  }
0x3b9: {  	(xrf1) =	vsort.ascd.msk.f32 $0xffff, v2, v1;
	_ =	sdelay $0xa  }
0x3ba: {  	v1, v2, _ =	vpop (xrf1)  }
0x3bb: {  	v3, v59, _ =	vpop (xrf1)  }
0x3bc: {  	v5, v60, _ =	vpop (xrf1)  }
0x3bd: {  	v61, v62, _ =	vpop (xrf1)  }
0x3be: {  	(xrf0) =	vmax.scan.msk.f32 $0xffff, v61;
	_ =	sdelay $0x5  }
0x3bf: {  	v63, _, _ =	vpop (xrf0)  }
0x3c0: {  	(v2sf) =	vpush v63, $0xF;
	_ =	sdelay $0x8  }
0x3c1: {  	[tilespmem:$0x1D00] =	vst v1  }
0x3c2: {  	[tilespmem:$0x1D80] =	vst v2  }
0x3c3: {  	[tilespmem:$0x1D10] =	vst v3  }
0x3c4: {  	[tilespmem:$0x1D90] =	vst v59  }
0x3c5: {  	[tilespmem:$0x1D20] =	vst v5  }
0x3c6: {  	[tilespmem:$0x1DA0] =	vst v60  }
0x3c7: {  	[tilespmem:$0x1D30] =	vst v61;
	s7 =	spop (v2sf)  }
0x3c8: {  	[tilespmem:$0x1DB0] =	vst v62;
	[smem:$0x0] =	sst s7  }
.LBB2_22:
0x3c9: {  	s7 =	simm.s32 $0x1  }
0x3ca: {  	_ =	swait.ge [sflag:s7], $0x1C00  }
0x3cb: {  	[sflag:s7] =	ssyncset.done $0x0  }
0x3cc: {  	[sflag:s7] =	ssyncadd.s32 $0xFFFFE400  }
0x3cd: {  	v1 =	vld [tilespmem:$0x1D80];
	_ =	sdelay $0x4  }
0x3ce: {  	v2 =	vsub.s32 v1, v0;
	_ =	sdelay $0x1  }
0x3cf: {  	v3 =	vld [tilespmem:$0x1D90];
	_ =	sdelay $0x1  }
0x3d0: {  	s29 =	simm.s32 $0x1F80  }
0x3d1: {  	v2 =	vld.idx.msk [tilespmem:v2+s29+$0x0], $0xffff;
	_ =	sdelay $0x1  }
0x3d2: {  	v4 =	vsub.s32 v3, v0;
	_ =	sdelay $0x1  }
0x3d3: {  	v5 =	vld [tilespmem:$0x1DA0];
	v1 =	vshll.u32 v1, $0xA  }
0x3d4: {  	v1 =	vadd.s32 v1, v2  }
0x3d5: {  	[tilespmem:$0x1D80] =	vst v1  }
0x3d6: {  	v1 =	vld.idx.msk [tilespmem:v4+s29+$0x0], $0xffff;
	_ =	sdelay $0x1  }
0x3d7: {  	v59 =	vsub.s32 v5, v0;
	_ =	sdelay $0x1  }
0x3d8: {  	v60 =	vld [tilespmem:$0x1DB0];
	v3 =	vshll.u32 v3, $0xA  }
0x3d9: {  	v1 =	vadd.s32 v3, v1  }
0x3da: {  	[tilespmem:$0x1D90] =	vst v1  }
0x3db: {  	v1 =	vld.idx.msk [tilespmem:v59+s29+$0x0], $0xffff;
	_ =	sdelay $0x1  }
0x3dc: {  	v61 =	vsub.s32 v60, v0;
	_ =	sdelay $0x1  }
0x3dd: {  	v62 =	vshll.u32 v5, $0xA  }
0x3de: {  	v1 =	vadd.s32 v62, v1  }
0x3df: {  	[tilespmem:$0x1DA0] =	vst v1  }
0x3e0: {  	v0 =	vld.idx.msk [tilespmem:v61+s29+$0x0], $0xffff;
	_ =	sdelay $0x3  }
0x3e1: {  	v63 =	vshll.u32 v60, $0xA  }
0x3e2: {  	v0 =	vadd.s32 v63, v0  }
0x3e3: {  	s30 =	simm.s32 $0x1D00;
	[tilespmem:$0x1DB0] =	vst v0  }
0x3e4: {  	[spmem:s5] =	stream.linear.scatter [tilespmem:s30], [sflag:$0x2], $0x40, $0x38;
	[tilespmem:$0x3C80] =	vst v63  }
0x3e5: {  	s5 =	simm.s32 $0x2  }
0x3e6: {  	_ =	swait.ge [sflag:s5], $0x40  }
0x3e7: {  	[sflag:s5] =	ssyncset.done $0x0  }
0x3e8: {  	s31 =	simm.s32 $0x1D80;
	[sflag:s5] =	ssyncadd.s32 $0xFFFFFFC0  }
0x3e9: {  	[spmem:s6] =	stream.linear.scatter [tilespmem:s31], [sflag:$0x2], $0x40, $0x38;
	[tilespmem:$0x3C80] =	vst v63  }
0x3ea: {  	_ =	swait.ge [sflag:s5], $0x40  }
0x3eb: {  	[sflag:s5] =	ssyncset.done $0x0  }
0x3ec: {  	[sflag:s5] =	ssyncadd.s32 $0xFFFFFFC0  }
0x3ed: {  	p0 =	sne.s32 s4, $0x0;
	[bflag:$0x0] =	sbarrier.arrive $0xFFFF  }
0x3ee: {  	_ =	sfence.sel @p0 $0x180000  }
0x3ef: {  	[bflag:$0x0] =	sbarrier.arrive @p0 $0xFFFF  }
0x3f0: {  	_ =	strace @p0 $0x90000047  }
0x3f1: {  	[bflag:$0x2] =	sbarrier.arrive @p0 $0xFFFF  }
0x3f2: {  	_ =	shalt @p0  }
.LBB2_23:
0x3f3: {  	s4 =	simm.s32 $0x1E00;
	s6 =	sadd.s32 $0x40, s2  }
0x3f4: {  	[tilespmem:s4], [sflag:$0x2] =	stream.linear.gather [spmem:s6], $0x40, $0x38;
	[tilespmem:$0x3C80] =	vst v63  }
0x3f5: {  	_ =	swait.ge [sflag:s5], $0x40  }
0x3f6: {  	[sflag:s5] =	ssyncset.done $0x0  }
0x3f7: {  	s7 =	sadd.s32 $0x40, s3;
	s6 =	simm.s32 $0x1E80;
	[sflag:s5] =	ssyncadd.s32 $0xFFFFFFC0  }
0x3f8: {  	[tilespmem:s6], [sflag:$0x2] =	stream.linear.gather [spmem:s7], $0x40, $0x38;
	[tilespmem:$0x3C80] =	vst v63  }
0x3f9: {  	_ =	swait.ge [sflag:s5], $0x40  }
0x3fa: {  	[sflag:s5] =	ssyncset.done $0x0  }
0x3fb: {  	[sflag:s5] =	ssyncadd.s32 $0xFFFFFFC0  }
0x3fc: {  	v1 =	vld [tilespmem:$0x1E80]  }
0x3fd: {  	v2 =	vld [tilespmem:$0x1D20]  }
0x3fe: {  	v3 =	vld [tilespmem:$0x1EB0]  }
0x3ff: {  	v4 =	vld [tilespmem:$0x1D00]  }
0x400: {  	v5 =	vld [tilespmem:$0x1E30]  }
0x401: {  	v6 =	vld [tilespmem:$0x1E20]  }
0x402: {  	v7 =	vld [tilespmem:$0x1E10]  }
0x403: {  	v0 =	vlaneseq.u32;
	v8 =	vld [tilespmem:$0x1E00]  }
0x404: {  	v0 =	vmul.u32 $0xFFFFFFFF, v0;
	v9 =	vld [tilespmem:$0x1D10]  }
0x405: {  	v11 =	vld [tilespmem:$0x1E90]  }
0x406: {  	v0 =	vadd.s32 $0xF, v0;
	v10 =	vld [tilespmem:$0x1D30]  }
0x407: {  	v5 =	vperm.xlane v5, v0;
	v3 =	vperm.xlane v3, v0  }
0x408: {  	v12 =	vld [tilespmem:$0x1EA0];
	v6 =	vperm.xlane v6, v0;
	v7 =	vperm.xlane v7, v0  }
0x409: {  	v13 =	vld [tilespmem:$0x1DB0];
	v8 =	vperm.xlane v8, v0;
	v1 =	vperm.xlane v1, v0  }
0x40a: {  	v14 =	vld [tilespmem:$0x1DA0];
	v59 =	vperm.xlane v11, v0;
	vm0 =	vle.f32 v4, v5;
	vm1 =	vle.f32 v9, v6  }
0x40b: {  	vm2 =	vle.f32 v2, v7;
	vm3 =	vle.f32 v10, v8;
	v4 =	vsel vm0, v4, v5;
	v5 =	vld [tilespmem:$0x1D80]  }
0x40c: {  	v6 =	vsel vm1, v9, v6;
	v2 =	vsel vm2, v2, v7;
	v7 =	vld [tilespmem:$0x1D90];
	v8 =	vsel vm3, v10, v8  }
0x40d: {  	v60 =	vperm.xlane v12, v0;
	vm4 =	vle.f32 v4, v2;
	vm5 =	vle.f32 v6, v8  }
0x40e: {  	v61 =	vsel vm4, v2, v4;
	v2 =	vsel vm4, v4, v2;
	v4 =	vsel vm5, v6, v8  }
0x40f: {  	v1 =	vsel vm3, v13, v1;
	v6 =	vsel vm5, v8, v6;
	vm15 =	vle.f32 v2, v4  }
0x410: {  	vm6 =	vle.f32 v61, v6;
	v3 =	vsel vm0, v5, v3;
	v5 =	vsel vm2, v14, v59  }
0x411: {  	v62 =	vsel vm15, v2, v4;
	v7 =	vsel vm1, v7, v60;
	v9 =	vsel vm4, v3, v5  }
0x412: {  	v3 =	vsel vm4, v5, v3;
	v5 =	vsel vm5, v7, v1;
	v7 =	vsel vm5, v1, v7  }
0x413: {  	v1 =	vsel vm15, v4, v2;
	v4 =	vsel vm15, v9, v5;
	v2 =	vsel vm15, v5, v9  }
0x414: {  	v5 =	vsel vm6, v6, v61;
	v63 =	vsel vm6, v7, v3;
	(xrf1) =	vsort.ascd.msk.f32 $0xffff, v62, v4  }
0x415: {  	s7 =	simm.s32 $0x200;
	v3 =	vsel vm6, v3, v7;
	v4 =	vsel vm6, v61, v6;
	(xrf1) =	vsort.ascd.msk.f32 $0xffff, v5, v63  }
.LBB2_24:
0x416: {  	p0 =	sne.s32 s7, $0xF00;
	(xrf1) =	vsort.ascd.msk.f32 $0xffff, v1, v2;
	s8 =	smov.u32 s7;
	s7 =	sadd.s32 $0x100, s7  }
0x417: {  	(xrf1) =	vsort.ascd.msk.f32 $0xffff, v4, v3;
	_ =	sdelay $0xa  }
0x418: {  	v4, v2, _ =	vpop (xrf1)  }
0x419: {  	[tilespmem:$0x1D00] =	vst v4;
	v3, v1, _ =	vpop (xrf1)  }
0x41a: {  	[tilespmem:$0x1D80] =	vst v2;
	v2, v4, _ =	vpop (xrf1)  }
0x41b: {  	[tilespmem:$0x1D10] =	vst v2;
	v2, v5, _ =	vpop (xrf1)  }
0x41c: {  	s8 =	sshra.s32 s8, $0x2;
	[tilespmem:$0x1D90] =	vst v4  }
0x41d: {  	s9 =	sadd.s32 s8, s2;
	[tilespmem:$0x1D30] =	vst v3  }
0x41e: {  	[tilespmem:$0x1DB0] =	vst v1  }
0x41f: {  	[tilespmem:$0x1D20] =	vst v2  }
0x420: {  	[tilespmem:$0x1DA0] =	vst v5  }
0x421: {  	[tilespmem:s4], [sflag:$0x2] =	stream.linear.gather [spmem:s9], $0x40, $0x38;
	[tilespmem:$0x3C80] =	vst v63  }
0x422: {  	_ =	swait.ge [sflag:s5], $0x40  }
0x423: {  	[sflag:s5] =	ssyncset.done $0x0  }
0x424: {  	s8 =	sadd.s32 s8, s3;
	[sflag:s5] =	ssyncadd.s32 $0xFFFFFFC0  }
0x425: {  	[tilespmem:s6], [sflag:$0x2] =	stream.linear.gather [spmem:s8], $0x40, $0x38;
	[tilespmem:$0x3C80] =	vst v63  }
0x426: {  	_ =	swait.ge [sflag:s5], $0x40  }
0x427: {  	[sflag:s5] =	ssyncset.done $0x0  }
0x428: {  	[sflag:s5] =	ssyncadd.s32 $0xFFFFFFC0  }
0x429: {  	v1 =	vld [tilespmem:$0x1E80]  }
0x42a: {  	v2 =	vld [tilespmem:$0x1D20]  }
0x42b: {  	v3 =	vld [tilespmem:$0x1EB0]  }
0x42c: {  	v4 =	vld [tilespmem:$0x1D00]  }
0x42d: {  	v5 =	vld [tilespmem:$0x1E30]  }
0x42e: {  	v6 =	vld [tilespmem:$0x1E20]  }
0x42f: {  	v7 =	vld [tilespmem:$0x1E10]  }
0x430: {  	v8 =	vld [tilespmem:$0x1E00]  }
0x431: {  	v9 =	vld [tilespmem:$0x1D10]  }
0x432: {  	v3 =	vperm.xlane v3, v0;
	v10 =	vld [tilespmem:$0x1D30];
	v5 =	vperm.xlane v5, v0  }
0x433: {  	v11 =	vld [tilespmem:$0x1E90];
	v6 =	vperm.xlane v6, v0  }
0x434: {  	v1 =	vperm.xlane v1, v0;
	v12 =	vld [tilespmem:$0x1EA0];
	v7 =	vperm.xlane v7, v0;
	vm0 =	vle.f32 v4, v5  }
0x435: {  	v13 =	vld [tilespmem:$0x1DB0];
	v8 =	vperm.xlane v8, v0;
	v4 =	vsel vm0, v4, v5  }
0x436: {  	v5 =	vld [tilespmem:$0x1D80];
	vm1 =	vle.f32 v9, v6;
	vm2 =	vle.f32 v2, v7  }
0x437: {  	v14 =	vld [tilespmem:$0x1DA0];
	v6 =	vsel vm1, v9, v6;
	v2 =	vsel vm2, v2, v7;
	vm3 =	vle.f32 v10, v8  }
0x438: {  	v7 =	vld [tilespmem:$0x1D90];
	v9 =	vperm.xlane v11, v0;
	v8 =	vsel vm3, v10, v8;
	vm4 =	vle.f32 v4, v2  }
0x439: {  	v10 =	vperm.xlane v12, v0;
	v11 =	vsel vm4, v2, v4;
	vm5 =	vle.f32 v6, v8  }
0x43a: {  	v2 =	vsel vm4, v4, v2;
	v4 =	vsel vm5, v6, v8;
	v6 =	vsel vm5, v8, v6  }
0x43b: {  	v1 =	vsel vm3, v13, v1;
	vm3 =	vle.f32 v2, v4;
	vm6 =	vle.f32 v11, v6  }
0x43c: {  	v3 =	vsel vm0, v5, v3;
	v5 =	vsel vm2, v14, v9;
	v8 =	vsel vm3, v2, v4  }
.Ltmp13:
0x43d: {  	v7 =	vsel vm1, v7, v10;
	v9 =	vsel vm4, v3, v5;
	v5 =	vsel vm4, v5, v3;
	(pc) =	sbr.rel @p0 .LBB2_24-.Ltmp13, $4  }
0x43e: {  	v3 =	vsel vm5, v7, v1;
	v7 =	vsel vm5, v1, v7;
	v1 =	vsel vm3, v4, v2  }
0x43f: {  	v4 =	vsel vm3, v9, v3;
	v2 =	vsel vm3, v3, v9;
	v3 =	vsel vm6, v5, v7  }
0x440: {  	v9 =	vsel vm6, v6, v11;
	v5 =	vsel vm6, v7, v5;
	(xrf1) =	vsort.ascd.msk.f32 $0xffff, v8, v4  }
0x441: {  	v4 =	vsel vm6, v11, v6;
	(xrf1) =	vsort.ascd.msk.f32 $0xffff, v9, v5  }
0x442: {  	_ = 	snop  }
0x443: {  	(xrf1) =	vsort.ascd.msk.f32 $0xffff, v1, v2  }
0x444: {  	(xrf1) =	vsort.ascd.msk.f32 $0xffff, v4, v3;
	_ =	sdelay $0x9  }
0x445: {  	v0, v1, _ =	vpop (xrf1)  }
0x446: {  	[tilespmem:$0x1D80] =	vst v1  }
0x447: {  	v1, v2, _ =	vpop (xrf1);
	v3 =	vld [tilespmem:$0x1D80]  }
0x448: {  	v61, v5, _ =	vpop (xrf1)  }
0x449: {  	v6, v7, _ =	vpop (xrf1);
	[tilespmem:$0x1D90] =	vst v5  }
0x44a: {  	[tilespmem:$0x1DA0] =	vst v7;
	v5 =	vld [tilespmem:$0x1D90]  }
0x44b: {  	v7 =	vld [tilespmem:$0x1DA0]  }
0x44c: {  	v8 =	vshra.s32 v3, $0x1F  }
0x44d: {  	v8 =	vshrl.u32 v8, $0x16  }
0x44e: {  	[tilespmem:$0x1D00] =	vst v0;
	v0 =	vadd.s32 v8, v3  }
0x44f: {  	[tilespmem:$0x1D30] =	vst v1;
	v62 =	vshra.s32 v5, $0x1F;
	v0 =	vand.u32 $0xFFFFFC00, v0  }
0x450: {  	[tilespmem:$0x1DB0] =	vst v2;
	v1 =	vshrl.u32 v62, $0x16;
	v0 =	vsub.s32 v3, v0;
	v3 =	vshra.s32 v7, $0x1F  }
0x451: {  	v63 =	vshra.s32 v2, $0x1F;
	[tilespmem:$0x1D10] =	vst v61;
	v1 =	vadd.s32 v1, v5;
	v3 =	vshrl.u32 v3, $0x16  }
0x452: {  	[tilespmem:$0x1F00] =	vst v0;
	v0 =	vand.u32 $0xFFFFFC00, v1;
	v1 =	vadd.s32 v3, v7;
	v3 =	vshrl.u32 v63, $0x16  }
0x453: {  	[tilespmem:$0x1D20] =	vst v6;
	v0 =	vsub.s32 v5, v0;
	v1 =	vand.u32 $0xFFFFFC00, v1;
	v3 =	vadd.s32 v3, v2  }
0x454: {  	[tilespmem:$0x1F10] =	vst v0;
	v0 =	vsub.s32 v7, v1;
	v1 =	vand.u32 $0xFFFFFC00, v3  }
0x455: {  	[tilespmem:$0x1F20] =	vst v0;
	v0 =	vsub.s32 v2, v1  }
0x456: {  	s5 =	simm.s32 $0x0;
	[tilespmem:$0x1F30] =	vst v0  }
0x457: {  	s4 =	simm.s32 $0x1;
	v0 =	vld [tilespmem:s5+$0x1F00]  }
0x458: {  	v1 =	vld [tilespmem:s4+$0x1F00];
	_ =	sdelay $0x3  }
0x459: {  	(v2sf) =	vpush v0, $0x0  }
0x45a: {  	(v2sf) =	vpush v1, $0x0;
	_ =	sdelay $0x4  }
0x45b: {  	s3 =	simm.s32 $0x2  }
0x45c: {  	v0 =	vld [tilespmem:s3+$0x1F00];
	_ =	sdelay $0x2  }
0x45d: {  	s2 =	simm.s32 $0x0;
	s6 =	simm.s32 $0xC  }
.LBB2_26:
0x45e: {  	p0 =	sne.s32 s6, $0xFC  }
.Ltmp14:
0x45f: {  	s7 =	sshra.s32 s6, $0x2;
	s6 =	sadd.s32 $0x4, s6;
	(v2sf) =	vpush v0, $0x0;
	(pc) =	sbr.rel @p0 .LBB2_26-.Ltmp14, $3  }
0x460: {  	v0 =	vld [tilespmem:s7+$0x1F00];
	_ =	sdelay $0x1  }
0x461: {  	s7 =	spop (v2sf)  }
0x462: {  	[smem:s7+$0x80] =	sst s2  }
0x463: {  	v1 =	vld [tilespmem:s5+$0x1F00];
	_ =	sdelay $0x3  }
0x464: {  	(v2sf) =	vpush v0, $0x0  }
0x465: {  	(v2sf) =	vpush v1, $0x0  }
0x466: {  	v0 =	vld [tilespmem:s4+$0x1F00];
	_ =	sdelay $0x4  }
0x467: {  	(v2sf) =	vpush v0, $0x0  }
0x468: {  	s31 =	simm.s32 $0x3;
	v0 =	vld [tilespmem:s3+$0x1F00]  }
0x469: {  	v1 =	vld [tilespmem:s31+$0x1F00];
	_ =	sdelay $0x2  }
0x46a: {  	s28 =	spop (v2sf)  }
0x46b: {  	s29 =	spop (v2sf);
	(v2sf) =	vpush v0, $0x0  }
0x46c: {  	[smem:s28+$0x80] =	sst s2;
	(v2sf) =	vpush v1, $0x0  }
0x46d: {  	[smem:s29+$0x80] =	sst s2;
	s30 =	spop (v2sf)  }
0x46e: {  	[smem:s30+$0x80] =	sst s2;
	s4 =	spop (v2sf)  }
0x46f: {  	s5 =	sld [smem:s4+$0x80];
	_ =	sdelay $0x1  }
0x470: {  	s8 =	simm.s32 $0x4  }
0x471: {  	s7 =	simm.s32 $0x14;
	v0 =	vld [tilespmem:s8+$0x1F00];
	s5 =	sadd.s32 $0x1, s5  }
0x472: {  	s3 =	simm.s32 $0x3E8;
	p1 =	slt.s32 s4, $0x3E8;
	p0 =	seq.s32 s5, $0x0  }
0x473: {  	s6 =	spop (v2sf);
	[smem:s4+$0x80] =	sst s5;
	p0 =	por !p1, !p0  }
0x474: {  	s8 =	sld [smem:s6+$0x80];
	p1 =	sgt.s32 s5, $0x0;
	p2 =	por !p0, !p0  }
.LBB2_28:
0x475: {  	s9 =	sshra.s32 s7, $0x2;
	p1 =	por p1, p2;
	p0 =	sne.s32 s7, $0xFC  }
.Ltmp15:
0x476: {  	s7 =	sadd.s32 $0x4, s7;
	(v2sf) =	vpush v0, $0x0;
	s3 =	smov.u32 @p1 s4;
	(pc) =	sbr.rel @p0 .LBB2_28-.Ltmp15, $4  }
0x477: {  	s2 =	smov.u32 @p1 s5;
	s4 =	smov.u32 s6;
	v0 =	vld [tilespmem:s9+$0x1F00];
	s5 =	sadd.s32 $0x1, s8  }
0x478: {  	p2 =	slt.s32 s4, s3;
	[smem:s4+$0x80] =	sst s5;
	p1 =	seq.s32 s5, s2  }
0x479: {  	s6 =	spop (v2sf);
	p2 =	por !p2, !p1  }
0x47a: {  	p1 =	sgt.s32 s5, s2;
	s8 =	sld [smem:s6+$0x80];
	p2 =	por !p2, !p2  }
0x47b: {  	_ = 	snop  }
0x47c: {  	(v2sf) =	vpush v0, $0x0  }
0x47d: {  	p0 =	por p1, p2  }
0x47e: {  	s3 =	smov.u32 @p0 s4  }
0x47f: {  	s2 =	smov.u32 @p0 s5;
	s5 =	spop (v2sf);
	s4 =	sadd.s32 $0x1, s8  }
0x480: {  	p4 =	slt.s32 s6, s3;
	[smem:s6+$0x80] =	sst s4;
	p0 =	seq.s32 s4, s2  }
0x481: {  	p0 =	por !p4, !p0;
	s7 =	sld [smem:s5+$0x80]  }
0x482: {  	p5 =	sgt.s32 s4, s2;
	p0 =	por !p0, !p0  }
0x483: {  	p0 =	por p5, p0  }
0x484: {  	s3 =	smov.u32 @p0 s6;
	s6 =	sadd.s32 $0x1, s7;
	s2 =	smov.u32 @p0 s4  }
0x485: {  	p0 =	seq.s32 s6, s2;
	p6 =	slt.s32 s5, s3  }
0x486: {  	[smem:s5+$0x80] =	sst s6;
	p0 =	por !p6, !p0;
	s4 =	spop (v2sf)  }
0x487: {  	p2 =	sgt.s32 s6, s2;
	p0 =	por !p0, !p0;
	s25 =	sld [smem:s4+$0x80]  }
0x488: {  	p0 =	por p2, p0  }
0x489: {  	s3 =	smov.u32 @p0 s5  }
0x48a: {  	s2 =	smov.u32 @p0 s6;
	p3 =	slt.s32 s4, s3;
	s5 =	sadd.s32 $0x1, s25  }
0x48b: {  	[smem:s4+$0x80] =	sst s5;
	p0 =	seq.s32 s5, s2;
	s6 =	spop (v2sf)  }
0x48c: {  	p0 =	por !p3, !p0;
	s26 =	sld [smem:s6+$0x80]  }
0x48d: {  	p4 =	sgt.s32 s5, s2;
	p0 =	por !p0, !p0  }
0x48e: {  	p0 =	por p4, p0  }
0x48f: {  	s3 =	smov.u32 @p0 s4;
	s2 =	smov.u32 @p0 s5;
	s28 =	sadd.s32 $0x1, s26  }
0x490: {  	p5 =	slt.s32 s6, s3;
	p0 =	seq.s32 s28, s2  }
0x491: {  	p0 =	por !p5, !p0  }
0x492: {  	p6 =	sgt.s32 s28, s2;
	p0 =	por !p0, !p0  }
0x493: {  	p0 =	por p6, p0  }
0x494: {  	s3 =	smov.u32 @p0 s6  }
0x495: {  	s29 =	simm.s32 $0x0;
	v63 =	vmov s3  }
0x496: {  	s30 =	simm.s32 $0x3B80;
	s31 =	simm.s32 $0x2;
	[smem:s6+$0x80] =	sst s28;
	[tilespmem:$0x3B80] =	vst v63  }
0x497: {  	[hbm4b:s1+s29] =	stream.linear.scatter [tilespmem:s30], [sflag:$0x2], $0x80, $0x38;
	[tilespmem:$0x3C80] =	vst v63  }
0x498: {  	_ =	swait.ge [sflag:s31], $0x80  }
0x499: {  	[sflag:s31] =	ssyncset.done $0x0  }
0x49a: {  	[sflag:s31] =	ssyncadd.s32 $0xFFFFFF80  }
0x49b: {  	_ =	sfence.sel $0x180000  }
0x49c: {  	[bflag:$0x0] =	sbarrier.arrive $0xFFFF  }
0x49d: {  	_ =	strace $0x90000047  }
0x49e: {  	s0 =	sadd.s32 $0x100000, s0;
	[bflag:$0x2] =	sbarrier.arrive $0xFFFF  }
0x49f: {  	[sflag:s0] =	ssyncadd.tile.s32 $0x1;
	_ =	shalt  }
.Lfunc_end2:
_tile_overlayer_lowered:
.L_overlay_start_2:
0x4a0: {  	(tag) =	ssettag $0x2  }
0x4a1: {  	s0 =	rddreg [dreg:$0x0];
	s2 =	stileid.u32  }
0x4a2: {  	s1 =	rddreg [dreg:$0x1];
	p0 =	sne.s32 s2, $0x0  }
0x4a3: {  	s3 =	rddreg [dreg:$0x2];
	[bflag:$0x3] =	sbarrier.arrive $0xFFFF;
	s2 =	simm.s32 @!p0 $0x1C02  }
0x4a4: {  	[timem:s3], [sflag:s2] =	dma.local @!p0 [hbm:s0], s1  }
0x4a5: {  	s0 =	simm.s32 @!p0 $0x2  }
0x4a6: {  	_ =	swait.ge @!p0 [sflag:s0], s1  }
0x4a7: {  	s1 =	ssub.s32 @!p0 $0x0, s1;
	[sflag:s0] =	ssyncset.done @!p0 $0x0  }
0x4a8: {  	[sflag:s0] =	ssyncadd.s32 @!p0 s1  }
0x4a9: {  	[bflag:$0x3] =	sbarrier.arrive $0xFFFF  }
0x4aa: {  	_ =	shalt  }

</sc_bundles>
